<compile_context>
chip_gen: v7x
topology: tpu7x:2x2x1
jax: 0.10.2.dev20260603
libtpu: 0.0.44.dev20260713+nightly
codegen_flags: <defaults>
</compile_context>

<pallas_src>
import functools

import jax
import jax.numpy as jnp
from jax import lax
from jax.experimental import pallas as pl
from jax.experimental.pallas import tpu as pltpu
from jax.experimental.pallas import tpu_sc as plsc

NC = 2
NS = 16
L = 16

N = 10000
E = 320000
D = 128
G = 16
EPS = E // NS
WB = 80
NBUF = 3
PAD = 416
CAP = EPS + 480
NHALF = N // NC
ACC_ROWS = 5120
DEG_WIN = EPS // WB // NC


def _stage_window(stage2d, b, src1d, off):
    for k in range(WB // L):
        stage2d[b, pl.ds(k * L, L)] = src1d[pl.ds(off + k * L, L)]


def _sc_route_kernel(src_h, dst_h, ones_h, zeros1, routed_src, routed_dst,
                     counts, deg_out,
                     src_v, dst_v, osrc_v, odst_v, ones_v, cnt_v, stage,
                     bounce1, deg_acc, sem):
    del sem
    c = lax.axis_index("c")
    s = lax.axis_index("s")
    lo = c * NHALF

    @pl.when(s < 10)
    def _():
        pltpu.sync_copy(zeros1.at[pl.ds(s * 1000, 1000)], bounce1)
        pltpu.sync_copy(bounce1, deg_acc.at[pl.ds(s * 1000, 1000)])

    pltpu.sync_copy(ones_h, ones_v)
    pltpu.sync_copy(src_h.at[pl.ds(s * EPS, EPS)], src_v)
    pltpu.sync_copy(dst_h.at[pl.ds(s * EPS, EPS)], dst_v)
    plsc.subcore_barrier()

    @pl.loop(0, DEG_WIN)
    def _(j):
        w = c * DEG_WIN + j
        _stage_window(stage, 0, dst_v, w * WB)
        pltpu.sync_copy(ones_v.at[pl.ds(0, WB)],
                        deg_acc.at[stage.at[0]], add=True)

    def body(i, cnt):
        sl = pl.ds(i * L, L)
        d = dst_v[sl]
        keep = (d >= lo) & (d < lo + NHALF)
        incl = plsc.cumsum(keep.astype(jnp.int32))
        pos = cnt + incl - 1
        plsc.store_scatter(odst_v, [pos], d - lo, mask=keep)
        plsc.store_scatter(osrc_v, [pos], src_v[sl], mask=keep)
        return cnt + incl[L - 1]

    cnt = pl.loop(0, EPS // L, init_carry=jnp.int32(0))(body)

    iota = lax.iota(jnp.int32, L)
    trash = NHALF + iota * 2
    zero16 = jnp.zeros((L,), jnp.int32)
    full = iota >= 0
    for k in range(PAD // L):
        pos = cnt + k * L + iota
        plsc.store_scatter(odst_v, [pos], trash, mask=full)
        plsc.store_scatter(osrc_v, [pos], zero16, mask=full)

    w32 = c * NS + s
    pltpu.sync_copy(osrc_v, routed_src.at[pl.ds(w32 * CAP, CAP)])
    pltpu.sync_copy(odst_v, routed_dst.at[pl.ds(w32 * CAP, CAP)])
    cnt_v[...] = jnp.broadcast_to(cnt, (L,))
    pltpu.sync_copy(cnt_v, counts.at[pl.ds(w32 * L, L)])

    plsc.subcore_barrier()

    @pl.when(s < 10)
    def _():
        pltpu.sync_copy(deg_acc.at[pl.ds(s * 1000, 1000)], bounce1)
        pltpu.sync_copy(bounce1, deg_out.at[pl.ds(c * N + s * 1000, 1000)])


def _sc_aggregate_kernel(p_hbm, routed_src, routed_dst, counts, zeros2, out,
                         src_v, dst_v, buf0, buf1, buf2, cnt_v, stage,
                         acc, sg0, sg1, sg2, ss0, ss1, ss2):
    bufs = (buf0, buf1, buf2)
    sems_g = (sg0, sg1, sg2)
    sems_s = (ss0, ss1, ss2)
    c = lax.axis_index("c")
    s = lax.axis_index("s")
    w32 = c * NS + s

    @pl.loop(0, 4)
    def _(j):
        off = s * 320 + j * WB
        pltpu.sync_copy(zeros2.at[pl.ds(off, WB)], buf0)
        pltpu.sync_copy(buf0, acc.at[pl.ds(off, WB)])

    pltpu.sync_copy(routed_src.at[pl.ds(w32 * CAP, CAP)], src_v)
    pltpu.sync_copy(routed_dst.at[pl.ds(w32 * CAP, CAP)], dst_v)
    pltpu.sync_copy(counts.at[pl.ds(w32 * L, L)], cnt_v)
    plsc.subcore_barrier()

    cnt = cnt_v[...][0]
    nwin = NBUF * jnp.maximum((cnt + NBUF * WB - 1) // (NBUF * WB), 1)

    def gather(w, k):
        pltpu.async_copy(p_hbm.at[src_v.at[pl.ds(w * WB, WB)]],
                         bufs[k], sems_g[k])

    def wait_gather(w, k):
        pltpu.make_async_copy(p_hbm.at[src_v.at[pl.ds(w * WB, WB)]],
                              bufs[k], sems_g[k]).wait()

    def wait_scatter(k):
        pltpu.make_async_copy(bufs[k], acc.at[stage.at[k]], sems_s[k]).wait()

    gather(0, 0)
    gather(1, 1)

    @pl.loop(0, nwin, step=NBUF)
    def _(j):
        for k in range(NBUF):
            wv = j + k
            k2 = (k + 2) % NBUF

            wait_gather(wv, k)
            _stage_window(stage, k, dst_v, wv * WB)

            @pl.when(wv >= 1)
            def _():
                wait_scatter(k2)

            pltpu.async_copy(bufs[k], acc.at[stage.at[k]], sems_s[k],
                             add=True)

            @pl.when(wv + 2 < nwin)
            def _():
                gather(wv + 2, k2)

    wait_scatter(NBUF - 1)
    plsc.subcore_barrier()

    nchunk = jnp.where(s < NS - 1, 4, 2)

    @pl.loop(0, nchunk)
    def _(j):
        off = s * 320 + j * WB
        pltpu.sync_copy(acc.at[pl.ds(off, WB)], buf0)
        pltpu.sync_copy(buf0, out.at[pl.ds(c * NHALF + off, WB)])

    @pl.when(s == NS - 1)
    def _():
        pltpu.sync_copy(acc.at[pl.ds(4960, 40)], buf0.at[pl.ds(0, 40)])
        pltpu.sync_copy(buf0.at[pl.ds(0, 40)],
                        out.at[pl.ds(c * NHALF + 4960, 40)])


_SC_MESH = plsc.VectorSubcoreMesh(core_axis_name="c", subcore_axis_name="s")
_SC_PARAMS = pltpu.CompilerParams(needs_layout_passes=False)

_sc_route = functools.partial(
    pl.kernel,
    out_type=(
        jax.ShapeDtypeStruct((NC * NS * CAP,), jnp.int32),
        jax.ShapeDtypeStruct((NC * NS * CAP,), jnp.int32),
        jax.ShapeDtypeStruct((NC * NS * L,), jnp.int32),
        jax.ShapeDtypeStruct((NC * N,), jnp.float32),
    ),
    mesh=_SC_MESH,
    compiler_params=_SC_PARAMS,
    scratch_types=[
        pltpu.VMEM((EPS,), jnp.int32),
        pltpu.VMEM((EPS,), jnp.int32),
        pltpu.VMEM((CAP,), jnp.int32),
        pltpu.VMEM((CAP,), jnp.int32),
        pltpu.VMEM((D,), jnp.float32),
        pltpu.VMEM((L,), jnp.int32),
        pltpu.VMEM((2, WB), jnp.int32),
        pltpu.VMEM((1000,), jnp.float32),
        pltpu.VMEM_SHARED((N,), jnp.float32),
        pltpu.SemaphoreType.DMA,
    ],
)(_sc_route_kernel)

_sc_aggregate = functools.partial(
    pl.kernel,
    out_type=jax.ShapeDtypeStruct((N, D), jnp.float32),
    mesh=_SC_MESH,
    compiler_params=_SC_PARAMS,
    scratch_types=(
        [
            pltpu.VMEM((CAP,), jnp.int32),
            pltpu.VMEM((CAP,), jnp.int32),
        ]
        + [pltpu.VMEM((WB, D), jnp.float32)] * NBUF
        + [
            pltpu.VMEM((L,), jnp.int32),
            pltpu.VMEM((NBUF, WB), jnp.int32),
            pltpu.VMEM_SHARED((ACC_ROWS, D), jnp.float32),
        ]
        + [pltpu.SemaphoreType.DMA] * (2 * NBUF)
    ),
)(_sc_aggregate_kernel)


BN = 1000


def _tc_scale_matmul_kernel(x_ref, w_ref, dinv_ref, o_ref):
    h = lax.dot_general(x_ref[...], w_ref[...], (((1,), (1,)), ((), ())),
                        preferred_element_type=jnp.float32)
    o_ref[...] = h * dinv_ref[...]


def _tc_layer_kernel(s_ref, p_ref, dinv_ref, b_ref, w_ref, o_ref):
    agg = (s_ref[...] + p_ref[...]) * dinv_ref[...] + b_ref[...]
    h = jnp.maximum(agg, 0.0)
    o_ref[...] = lax.dot_general(h, w_ref[...], (((1,), (1,)), ((), ())),
                                 preferred_element_type=jnp.float32) * dinv_ref[...]


def _tc_pool_kernel(s_ref, p_ref, dinv_ref, b_ref, oneh_ref, wfc_ref,
                    bfc_ref, o_ref, pool_acc, cnt_acc):
    k = pl.program_id(0)

    @pl.when(k == 0)
    def _():
        pool_acc[...] = jnp.zeros_like(pool_acc)
        cnt_acc[...] = jnp.zeros_like(cnt_acc)

    agg = (s_ref[...] + p_ref[...]) * dinv_ref[...] + b_ref[...]
    h = jnp.maximum(agg, 0.0)
    oneh = oneh_ref[...]
    pool_acc[...] += lax.dot_general(oneh, h, (((0,), (0,)), ((), ())),
                                     preferred_element_type=jnp.float32, precision=lax.Precision.HIGHEST)
    cnt_acc[...] += lax.dot_general(oneh, jnp.ones_like(h),
                                    (((0,), (0,)), ((), ())),
                                    preferred_element_type=jnp.float32, precision=lax.Precision.HIGHEST)

    @pl.when(k == pl.num_programs(0) - 1)
    def _():
        pooled = pool_acc[...] / jnp.maximum(cnt_acc[...], 1.0)
        o_ref[...] = jnp.sum(pooled * wfc_ref[...], axis=1,
                             keepdims=True) + bfc_ref[0, 0]


def _tc_scale_matmul(x, w, dinv_col):
    row = pl.BlockSpec((BN, D), lambda i: (i, 0))
    return pl.pallas_call(
        _tc_scale_matmul_kernel,
        grid=(N // BN,),
        in_specs=[
            row,
            pl.BlockSpec((D, D), lambda i: (0, 0)),
            pl.BlockSpec((BN, 1), lambda i: (i, 0)),
        ],
        out_specs=row,
        out_shape=jax.ShapeDtypeStruct((N, D), jnp.float32),
    )(x, w, dinv_col)


def _tc_layer(s, p, dinv_col, b_row, w):
    row = pl.BlockSpec((BN, D), lambda i: (i, 0))
    return pl.pallas_call(
        _tc_layer_kernel,
        grid=(N // BN,),
        in_specs=[
            row, row,
            pl.BlockSpec((BN, 1), lambda i: (i, 0)),
            pl.BlockSpec((1, D), lambda i: (0, 0)),
            pl.BlockSpec((D, D), lambda i: (0, 0)),
        ],
        out_specs=row,
        out_shape=jax.ShapeDtypeStruct((N, D), jnp.float32),
    )(s, p, dinv_col, b_row, w)


def _tc_pool(s, p, dinv_col, b_row, oneh, wfc, bfc_2d):
    row = pl.BlockSpec((BN, D), lambda i: (i, 0))
    return pl.pallas_call(
        _tc_pool_kernel,
        grid=(N // BN,),
        in_specs=[
            row, row,
            pl.BlockSpec((BN, 1), lambda i: (i, 0)),
            pl.BlockSpec((1, D), lambda i: (0, 0)),
            pl.BlockSpec((BN, G), lambda i: (i, 0)),
            pl.BlockSpec((1, D), lambda i: (0, 0)),
            pl.BlockSpec((1, 1), lambda i: (0, 0)),
        ],
        out_specs=pl.BlockSpec((G, 1), lambda i: (0, 0)),
        out_shape=jax.ShapeDtypeStruct((G, 1), jnp.float32),
        scratch_shapes=[
            pltpu.VMEM((G, D), jnp.float32),
            pltpu.VMEM((G, D), jnp.float32),
        ],
    )(s, p, dinv_col, b_row, oneh, wfc, bfc_2d)


@jax.jit
def kernel(x, edge_index, batch, W1, b1, W2, b2, Wfc, bfc):
    src_h = edge_index[0]
    dst_h = edge_index[1]
    zeros1 = jnp.zeros((N,), jnp.float32)
    zeros2 = jnp.zeros((ACC_ROWS, D), jnp.float32)
    ones_h = jnp.ones((D,), jnp.float32)

    rsrc, rdst, counts, deg_parts = _sc_route(src_h, dst_h, ones_h, zeros1)
    deg = deg_parts[:N] + deg_parts[N:] + 1.0
    dinv_col = (1.0 / jnp.sqrt(deg))[:, None]

    b1_row = b1.reshape(1, D)
    b2_row = b2.reshape(1, D)
    oneh = (batch[:, None] == jnp.arange(G, dtype=batch.dtype)[None, :])
    oneh = oneh.astype(jnp.float32)

    p1 = _tc_scale_matmul(x, W1, dinv_col)
    s1 = _sc_aggregate(p1, rsrc, rdst, counts, zeros2)
    p2 = _tc_layer(s1, p1, dinv_col, b1_row, W2)
    s2 = _sc_aggregate(p2, rsrc, rdst, counts, zeros2)
    return _tc_pool(s2, p2, dinv_col, b2_row, oneh, Wfc, bfc.reshape(1, 1))

# --- scband reference (transcript-rebuilt; emitter-appended) ---
"""Pipeline reference for scband-milpgnn-75539884802667 (READ-ONLY COPY).

The authoritative reference and input builder live on the scoring server;
editing this copy changes nothing except your own understanding.
"""

import jax, jax.numpy as jnp
import numpy as np

N = 10000
E = 320000
D_IN = 128
D_H = 128
D_OUT = 1
G = 16


def setup_inputs(seed: int = 0) -> dict:
    key = jax.random.key(seed)
    ks = jax.random.split(key, 10)
    x = jax.random.normal(ks[0], (N, D_IN), dtype=jnp.float32)
    edge_index = jax.random.randint(ks[1], (2, E), 0, N, dtype=jnp.int32)
    batch = jnp.sort(jax.random.randint(ks[2], (N,), 0, G, dtype=jnp.int32))
    W1 = jax.random.normal(ks[3], (D_H, D_IN), dtype=jnp.float32) * (1.0 / np.sqrt(D_IN))
    b1 = jnp.zeros((D_H,), dtype=jnp.float32)
    W2 = jax.random.normal(ks[4], (D_H, D_H), dtype=jnp.float32) * (1.0 / np.sqrt(D_H))
    b2 = jnp.zeros((D_H,), dtype=jnp.float32)
    Wfc = jax.random.normal(ks[5], (D_OUT, D_H), dtype=jnp.float32) * (1.0 / np.sqrt(D_H))
    bfc = jnp.zeros((D_OUT,), dtype=jnp.float32)
    return {"x": x, "edge_index": edge_index, "batch": batch, "W1": W1, "b1": b1, "W2": W2, "b2": b2, "Wfc": Wfc, "bfc": bfc}


def _gcn_conv(x, edge_index, W, b):
    # PyG GCNConv: add self-loops, symmetric normalization D^-1/2 (A+I) D^-1/2 (x W^T) + b
    src = edge_index[0]
    dst = edge_index[1]
    loop = jnp.arange(N, dtype=edge_index.dtype)
    src = jnp.concatenate([src, loop])
    dst = jnp.concatenate([dst, loop])
    deg = jnp.zeros((N,), dtype=x.dtype).at[dst].add(1.0)
    dinv = jnp.where(deg > 0, 1.0 / jnp.sqrt(deg), 0.0)
    norm = dinv[src] * dinv[dst]
    h = x @ W.T
    msg = h[src] * norm[:, None]
    out = jnp.zeros((N, W.shape[0]), dtype=x.dtype).at[dst].add(msg)
    return out + b


def reference(x, edge_index, batch, W1, b1, W2, b2, Wfc, bfc):
    h = jax.nn.relu(_gcn_conv(x, edge_index, W1, b1))
    h = jax.nn.relu(_gcn_conv(h, edge_index, W2, b2))
    # global_mean_pool over batch segment ids
    sums = jax.ops.segment_sum(h, batch, num_segments=G)
    counts = jax.ops.segment_sum(jnp.ones((N,), dtype=h.dtype), batch, num_segments=G)
    pooled = sums / jnp.clip(counts, 1.0)[:, None]
    return pooled @ Wfc.T + bfc

if __name__ == "__main__":
    import jax
    _d = setup_inputs()
    print(jax.jit(kernel)(*tuple(_d.values())))

</pallas_src>

<mosaic_0001>
#map = affine_map<(d0, d1) -> (0, 0)>
#map1 = affine_map<(d0, d1) -> (0)>
module attributes {stable_mosaic.version = 14 : i64} {
  func.func @_sc_aggregate_kernel(%arg0: i32, %arg1: i32, %arg2: memref<10000x128xf32, #tpu.memory_space<hbm>>, %arg3: memref<655360xi32, #tpu.memory_space<hbm>>, %arg4: memref<655360xi32, #tpu.memory_space<hbm>>, %arg5: memref<512xi32, #tpu.memory_space<hbm>>, %arg6: memref<5120x128xf32, #tpu.memory_space<hbm>>, %arg7: memref<10000x128xf32, #tpu.memory_space<hbm>>, %arg8: memref<20480xi32, #tpu.memory_space<vmem>>, %arg9: memref<20480xi32, #tpu.memory_space<vmem>>, %arg10: memref<80x128xf32, #tpu.memory_space<vmem>>, %arg11: memref<80x128xf32, #tpu.memory_space<vmem>>, %arg12: memref<80x128xf32, #tpu.memory_space<vmem>>, %arg13: memref<16xi32, #tpu.memory_space<vmem>>, %arg14: memref<3x80xi32, #tpu.memory_space<vmem>>, %arg15: memref<5120x128xf32, #tpu.memory_space<vmem_shared>>, %arg16: memref<!tpu.dma_semaphore, #tpu.memory_space<semaphore_mem>>, %arg17: memref<!tpu.dma_semaphore, #tpu.memory_space<semaphore_mem>>, %arg18: memref<!tpu.dma_semaphore, #tpu.memory_space<semaphore_mem>>, %arg19: memref<!tpu.dma_semaphore, #tpu.memory_space<semaphore_mem>>, %arg20: memref<!tpu.dma_semaphore, #tpu.memory_space<semaphore_mem>>, %arg21: memref<!tpu.dma_semaphore, #tpu.memory_space<semaphore_mem>>) attributes {dimension_semantics = [#tpu.dimension_semantics<core_parallel>, #tpu.dimension_semantics<subcore_parallel>], iteration_bounds = array<i64: 2, 16>, scalar_prefetch = 0 : i64, scratch_operands = 14 : i64, tpu.core_type = #tpu.core_type<sc_vector_subcore>, window_params = [{transform_indices = #map}, {transform_indices = #map1}, {transform_indices = #map1}, {transform_indices = #map1}, {transform_indices = #map}, {transform_indices = #map}]} {
    %mul3A = arith.constant 16 : i32
    %mul3A_0 = arith.muli %arg0, %mul3A : i32
    %add3A = arith.addi %mul3A_0, %arg1 : i32
    %scan3A = arith.constant 0 : i32
    %scan3A_1 = arith.constant 4 : i32
    %scan3A_2 = arith.addi %scan3A, %scan3A_1 : i32
    %scan3A_3 = arith.constant 1 : i32
    scf.for %scan3A_94 = %scan3A to %scan3A_2 step %scan3A_3  : i32 {
      %mul3A_95 = arith.constant 1 : i32
      %mul3A_96 = arith.muli %scan3A_94, %mul3A_95 : i32
      %add3A_97 = arith.constant 0 : i32
      %add3A_98 = arith.addi %add3A_97, %mul3A_96 : i32
      %mul3A_99 = arith.constant 320 : i32
      %mul3A_100 = arith.muli %arg1, %mul3A_99 : i32
      %mul3A_101 = arith.constant 80 : i32
      %mul3A_102 = arith.muli %add3A_98, %mul3A_101 : i32
      %add3A_103 = arith.addi %mul3A_100, %mul3A_102 : i32
      "tpu.region"() ({
        %run_scoped3A = tpu.sem_alloc : memref<!tpu.dma_semaphore, #tpu.memory_space<semaphore_mem>>
        %dma_start3A_104 = arith.constant 0 : i32
        %dma_start3A_105 = tpu.memref_slice %arg6[%add3A_103, %dma_start3A_104] : memref<5120x128xf32, #tpu.memory_space<hbm>> -> memref<80x128xf32, #tpu.memory_space<hbm>>
        %dma_start3A_106 = arith.constant 0 : i32
        %dma_start3A_107 = tpu.memref_slice %arg6[%add3A_103, %dma_start3A_106] : memref<5120x128xf32, #tpu.memory_space<hbm>> -> memref<80x128xf32, #tpu.memory_space<hbm>>
        tpu.enqueue_dma source(%dma_start3A_107 : memref<80x128xf32, #tpu.memory_space<hbm>>) target(%arg10 : memref<80x128xf32, #tpu.memory_space<vmem>>) target_semaphore(%run_scoped3A : memref<!tpu.dma_semaphore, #tpu.memory_space<semaphore_mem>>)
        %dma_wait3A_108 = arith.constant 0 : i32
        %dma_wait3A_109 = tpu.memref_slice %arg6[%add3A_103, %dma_wait3A_108] : memref<5120x128xf32, #tpu.memory_space<hbm>> -> memref<80x128xf32, #tpu.memory_space<hbm>>
        %dma_wait3A_110 = arith.constant 0 : i32
        %dma_wait3A_111 = tpu.memref_slice %arg6[%add3A_103, %dma_wait3A_110] : memref<5120x128xf32, #tpu.memory_space<hbm>> -> memref<80x128xf32, #tpu.memory_space<hbm>>
        tpu.wait_dma2 semaphore(%run_scoped3A : memref<!tpu.dma_semaphore, #tpu.memory_space<semaphore_mem>>) src(%dma_wait3A_111 : memref<80x128xf32, #tpu.memory_space<hbm>>) dst(%arg10 : memref<80x128xf32, #tpu.memory_space<vmem>>)
        tpu.yield
      }) : () -> ()
      "tpu.region"() ({
        %run_scoped3A = tpu.sem_alloc : memref<!tpu.dma_semaphore, #tpu.memory_space<semaphore_mem>>
        %dma_start3A_104 = arith.constant 0 : i32
        %dma_start3A_105 = tpu.memref_slice %arg15[%add3A_103, %dma_start3A_104] : memref<5120x128xf32, #tpu.memory_space<vmem_shared>> -> memref<80x128xf32, #tpu.memory_space<vmem_shared>>
        %dma_start3A_106 = arith.constant 0 : i32
        %dma_start3A_107 = tpu.memref_slice %arg15[%add3A_103, %dma_start3A_106] : memref<5120x128xf32, #tpu.memory_space<vmem_shared>> -> memref<80x128xf32, #tpu.memory_space<vmem_shared>>
        tpu.enqueue_dma source(%arg10 : memref<80x128xf32, #tpu.memory_space<vmem>>) target(%dma_start3A_107 : memref<80x128xf32, #tpu.memory_space<vmem_shared>>) target_semaphore(%run_scoped3A : memref<!tpu.dma_semaphore, #tpu.memory_space<semaphore_mem>>)
        %dma_wait3A_108 = arith.constant 0 : i32
        %dma_wait3A_109 = tpu.memref_slice %arg15[%add3A_103, %dma_wait3A_108] : memref<5120x128xf32, #tpu.memory_space<vmem_shared>> -> memref<80x128xf32, #tpu.memory_space<vmem_shared>>
        %dma_wait3A_110 = arith.constant 0 : i32
        %dma_wait3A_111 = tpu.memref_slice %arg15[%add3A_103, %dma_wait3A_110] : memref<5120x128xf32, #tpu.memory_space<vmem_shared>> -> memref<80x128xf32, #tpu.memory_space<vmem_shared>>
        tpu.wait_dma2 semaphore(%run_scoped3A : memref<!tpu.dma_semaphore, #tpu.memory_space<semaphore_mem>>) src(%arg10 : memref<80x128xf32, #tpu.memory_space<vmem>>) dst(%dma_wait3A_111 : memref<80x128xf32, #tpu.memory_space<vmem_shared>>)
        tpu.yield
      }) : () -> ()
    }
    %scan3A_4 = arith.constant 4 : i32
    %mul3A_5 = arith.constant 20480 : i32
    %mul3A_6 = arith.muli %add3A, %mul3A_5 : i32
    "tpu.region"() ({
      %run_scoped3A = tpu.sem_alloc : memref<!tpu.dma_semaphore, #tpu.memory_space<semaphore_mem>>
      %dma_start3A_94 = tpu.memref_slice %arg3[%mul3A_6] : memref<655360xi32, #tpu.memory_space<hbm>> -> memref<20480xi32, #tpu.memory_space<hbm>>
      %dma_start3A_95 = tpu.memref_slice %arg3[%mul3A_6] : memref<655360xi32, #tpu.memory_space<hbm>> -> memref<20480xi32, #tpu.memory_space<hbm>>
      tpu.enqueue_dma source(%dma_start3A_95 : memref<20480xi32, #tpu.memory_space<hbm>>) target(%arg8 : memref<20480xi32, #tpu.memory_space<vmem>>) target_semaphore(%run_scoped3A : memref<!tpu.dma_semaphore, #tpu.memory_space<semaphore_mem>>)
      %dma_wait3A_96 = tpu.memref_slice %arg3[%mul3A_6] : memref<655360xi32, #tpu.memory_space<hbm>> -> memref<20480xi32, #tpu.memory_space<hbm>>
      %dma_wait3A_97 = tpu.memref_slice %arg3[%mul3A_6] : memref<655360xi32, #tpu.memory_space<hbm>> -> memref<20480xi32, #tpu.memory_space<hbm>>
      tpu.wait_dma2 semaphore(%run_scoped3A : memref<!tpu.dma_semaphore, #tpu.memory_space<semaphore_mem>>) src(%dma_wait3A_97 : memref<20480xi32, #tpu.memory_space<hbm>>) dst(%arg8 : memref<20480xi32, #tpu.memory_space<vmem>>)
      tpu.yield
    }) : () -> ()
    %mul3A_7 = arith.constant 20480 : i32
    %mul3A_8 = arith.muli %add3A, %mul3A_7 : i32
    "tpu.region"() ({
      %run_scoped3A = tpu.sem_alloc : memref<!tpu.dma_semaphore, #tpu.memory_space<semaphore_mem>>
      %dma_start3A_94 = tpu.memref_slice %arg4[%mul3A_8] : memref<655360xi32, #tpu.memory_space<hbm>> -> memref<20480xi32, #tpu.memory_space<hbm>>
      %dma_start3A_95 = tpu.memref_slice %arg4[%mul3A_8] : memref<655360xi32, #tpu.memory_space<hbm>> -> memref<20480xi32, #tpu.memory_space<hbm>>
      tpu.enqueue_dma source(%dma_start3A_95 : memref<20480xi32, #tpu.memory_space<hbm>>) target(%arg9 : memref<20480xi32, #tpu.memory_space<vmem>>) target_semaphore(%run_scoped3A : memref<!tpu.dma_semaphore, #tpu.memory_space<semaphore_mem>>)
      %dma_wait3A_96 = tpu.memref_slice %arg4[%mul3A_8] : memref<655360xi32, #tpu.memory_space<hbm>> -> memref<20480xi32, #tpu.memory_space<hbm>>
      %dma_wait3A_97 = tpu.memref_slice %arg4[%mul3A_8] : memref<655360xi32, #tpu.memory_space<hbm>> -> memref<20480xi32, #tpu.memory_space<hbm>>
      tpu.wait_dma2 semaphore(%run_scoped3A : memref<!tpu.dma_semaphore, #tpu.memory_space<semaphore_mem>>) src(%dma_wait3A_97 : memref<20480xi32, #tpu.memory_space<hbm>>) dst(%arg9 : memref<20480xi32, #tpu.memory_space<vmem>>)
      tpu.yield
    }) : () -> ()
    %mul3A_9 = arith.constant 16 : i32
    %mul3A_10 = arith.muli %add3A, %mul3A_9 : i32
    "tpu.region"() ({
      %run_scoped3A = tpu.sem_alloc : memref<!tpu.dma_semaphore, #tpu.memory_space<semaphore_mem>>
      %dma_start3A_94 = tpu.memref_slice %arg5[%mul3A_10] : memref<512xi32, #tpu.memory_space<hbm>> -> memref<16xi32, #tpu.memory_space<hbm>>
      %dma_start3A_95 = tpu.memref_slice %arg5[%mul3A_10] : memref<512xi32, #tpu.memory_space<hbm>> -> memref<16xi32, #tpu.memory_space<hbm>>
      tpu.enqueue_dma source(%dma_start3A_95 : memref<16xi32, #tpu.memory_space<hbm>>) target(%arg13 : memref<16xi32, #tpu.memory_space<vmem>>) target_semaphore(%run_scoped3A : memref<!tpu.dma_semaphore, #tpu.memory_space<semaphore_mem>>)
      %dma_wait3A_96 = tpu.memref_slice %arg5[%mul3A_10] : memref<512xi32, #tpu.memory_space<hbm>> -> memref<16xi32, #tpu.memory_space<hbm>>
      %dma_wait3A_97 = tpu.memref_slice %arg5[%mul3A_10] : memref<512xi32, #tpu.memory_space<hbm>> -> memref<16xi32, #tpu.memory_space<hbm>>
      tpu.wait_dma2 semaphore(%run_scoped3A : memref<!tpu.dma_semaphore, #tpu.memory_space<semaphore_mem>>) src(%dma_wait3A_97 : memref<16xi32, #tpu.memory_space<hbm>>) dst(%arg13 : memref<16xi32, #tpu.memory_space<vmem>>)
      tpu.yield
    }) : () -> ()
    %barrier3A = arith.constant 0 : index
    tpu.barrier barrier_id(%barrier3A)
    %get3A = arith.constant 0 : index
    %get3A_11 = tpu.vector_load %arg13[%get3A] {strides = array<i32>} : memref<16xi32, #tpu.memory_space<vmem>>, vector<16xi32>,
    %slice3A = vector.extract_strided_slice %get3A_11 {offsets = [0], sizes = [1], strides = [1]} : vector<16xi32> to vector<1xi32>
    %squeeze3A = vector.extract %slice3A[0] : i32 from vector<1xi32>
    %add3A_12 = arith.constant 240 : i32
    %add3A_13 = arith.addi %squeeze3A, %add3A_12 : i32
    %sub3A = arith.constant 1 : i32
    %sub3A_14 = arith.subi %add3A_13, %sub3A : i32
    %jit3A = arith.constant 240 : i32
    %div3A = arith.divsi %sub3A_14, %jit3A : i32
    %sign3A = arith.constant 0 : i32
    %sign3A_15 = arith.cmpi sgt, %sub3A_14, %sign3A : i32
    %sign3A_16 = arith.extui %sign3A_15 : i1 to i32
    %sign3A_17 = arith.constant 0 : i32
    %sign3A_18 = arith.cmpi slt, %sub3A_14, %sign3A_17 : i32
    %sign3A_19 = arith.extui %sign3A_18 : i1 to i32
    %sign3A_20 = arith.subi %sign3A_16, %sign3A_19 : i32
    %sign3A_21 = arith.constant 0 : i32
    %sign3A_22 = arith.cmpi sgt, %jit3A, %sign3A_21 : i32
    %sign3A_23 = arith.extui %sign3A_22 : i1 to i32
    %sign3A_24 = arith.constant 0 : i32
    %sign3A_25 = arith.cmpi slt, %jit3A, %sign3A_24 : i32
    %sign3A_26 = arith.extui %sign3A_25 : i1 to i32
    %sign3A_27 = arith.subi %sign3A_23, %sign3A_26 : i32
    %ne3A = arith.cmpi ne, %sign3A_20, %sign3A_27 : i32
    %rem3A = arith.remsi %sub3A_14, %jit3A : i32
    %ne3A_28 = arith.constant 0 : i32
    %ne3A_29 = arith.cmpi ne, %rem3A, %ne3A_28 : i32
    %and3A = arith.andi %ne3A, %ne3A_29 : i1
    %sub3A_30 = arith.constant 1 : i32
    %sub3A_31 = arith.subi %div3A, %sub3A_30 : i32
    %select_n3A = arith.select %and3A, %sub3A_31, %div3A : i32
    %max3A = arith.constant 1 : i32
    %max3A_32 = arith.maxsi %select_n3A, %max3A : i32
    %mul3A_33 = arith.constant 3 : i32
    %mul3A_34 = arith.muli %mul3A_33, %max3A_32 : i32
    %dma_start3A = arith.constant 0 : i32
    %dma_start3A_35 = tpu.memref_slice %arg8[%dma_start3A] : memref<20480xi32, #tpu.memory_space<vmem>> -> memref<80xi32, #tpu.memory_space<vmem>>
    %dma_start3A_36 = arith.constant 0 : i32
    %dma_start3A_37 = arith.constant 0 : i32
    %dma_start3A_38 = tpu.memref_slice %arg2[%dma_start3A_36, %dma_start3A_37] : memref<10000x128xf32, #tpu.memory_space<hbm>> -> memref<10000x128xf32, #tpu.memory_space<hbm>>
    tpu.enqueue_indirect_dma source(%dma_start3A_38 : memref<10000x128xf32, #tpu.memory_space<hbm>>) target(%arg10 : memref<80x128xf32, #tpu.memory_space<vmem>>) offsets(%dma_start3A_35 : memref<80xi32, #tpu.memory_space<vmem>>) semaphore(%arg16 : memref<!tpu.dma_semaphore, #tpu.memory_space<semaphore_mem>>)
    %dma_start3A_39 = arith.constant 80 : i32
    %dma_start3A_40 = tpu.memref_slice %arg8[%dma_start3A_39] : memref<20480xi32, #tpu.memory_space<vmem>> -> memref<80xi32, #tpu.memory_space<vmem>>
    %dma_start3A_41 = arith.constant 0 : i32
    %dma_start3A_42 = arith.constant 0 : i32
    %dma_start3A_43 = tpu.memref_slice %arg2[%dma_start3A_41, %dma_start3A_42] : memref<10000x128xf32, #tpu.memory_space<hbm>> -> memref<10000x128xf32, #tpu.memory_space<hbm>>
    tpu.enqueue_indirect_dma source(%dma_start3A_43 : memref<10000x128xf32, #tpu.memory_space<hbm>>) target(%arg11 : memref<80x128xf32, #tpu.memory_space<vmem>>) offsets(%dma_start3A_40 : memref<80xi32, #tpu.memory_space<vmem>>) semaphore(%arg17 : memref<!tpu.dma_semaphore, #tpu.memory_space<semaphore_mem>>)
    %sub3A_44 = arith.constant 0 : i32
    %sub3A_45 = arith.subi %mul3A_34, %sub3A_44 : i32
    %sub3A_46 = arith.constant 3 : i32
    %sub3A_47 = arith.constant 1 : i32
    %sub3A_48 = arith.subi %sub3A_46, %sub3A_47 : i32
    %add3A_49 = arith.addi %sub3A_45, %sub3A_48 : i32
    %div3A_50 = arith.constant 3 : i32
    %div3A_51 = arith.divsi %add3A_49, %div3A_50 : i32
    %while3A = arith.constant 3 : i32
    %while3A_52 = arith.constant 0 : i32
    %while3A_53 = arith.constant 0 : i32
    %while3A_54 = arith.subi %div3A_51, %while3A_53 : i32
    %while3A_55 = arith.addi %while3A_53, %while3A_54 : i32
    %while3A_56 = arith.constant 1 : i32
    %while3A_57 = arith.divsi %while3A_54, %while3A_56 : i32
    %while3A_58 = arith.muli %while3A_57, %while3A_56 : i32
    %while3A_59 = arith.addi %while3A_53, %while3A_58 : i32
    %while3A_60 = arith.constant 1 : i32
    scf.for %while3A_94 = %while3A_53 to %while3A_59 step %while3A_60  : i32 {
      %mul3A_95 = arith.muli %while3A_94, %while3A : i32
      %add3A_96 = arith.addi %while3A_52, %mul3A_95 : i32
      %add3A_97 = arith.constant 0 : i32
      %add3A_98 = arith.addi %add3A_96, %add3A_97 : i32
      %mul3A_99 = arith.constant 80 : i32
      %mul3A_100 = arith.muli %add3A_98, %mul3A_99 : i32
      %dma_wait3A_101 = tpu.memref_slice %arg8[%mul3A_100] : memref<20480xi32, #tpu.memory_space<vmem>> -> memref<80xi32, #tpu.memory_space<vmem>>
      %dma_wait3A_102 = arith.constant 0 : i32
      %dma_wait3A_103 = arith.constant 0 : i32
      %dma_wait3A_104 = tpu.memref_slice %arg2[%dma_wait3A_102, %dma_wait3A_103] : memref<10000x128xf32, #tpu.memory_space<hbm>> -> memref<10000x128xf32, #tpu.memory_space<hbm>>
      tpu.wait_indirect_dma semaphore(%arg16 : memref<!tpu.dma_semaphore, #tpu.memory_space<semaphore_mem>>) src(%dma_wait3A_104 : memref<10000x128xf32, #tpu.memory_space<hbm>>) dst(%arg10 : memref<80x128xf32, #tpu.memory_space<vmem>>)
      %mul3A_105 = arith.constant 80 : i32
      %mul3A_106 = arith.muli %add3A_98, %mul3A_105 : i32
      %add3A_107 = arith.constant 0 : i32
      %add3A_108 = arith.addi %mul3A_106, %add3A_107 : i32
      %get3A_109 = arith.index_cast %add3A_108 : i32 to index
      %get3A_110 = tpu.vector_load %arg9[%get3A_109] {strides = array<i32>} : memref<20480xi32, #tpu.memory_space<vmem>>, vector<16xi32>,
      %swap3A = arith.constant 0 : i32
      %swap3A_111 = arith.index_cast %swap3A : i32 to index
      %swap3A_112 = arith.constant 0 : index
      %swap3A_113 = tpu.vector_load %arg14[%swap3A_111, %swap3A_112] {strides = array<i32>} : memref<3x80xi32, #tpu.memory_space<vmem>>, vector<16xi32>,
      tpu.vector_store %arg14[%swap3A_111, %swap3A_112], %get3A_110 {strides = array<i32>} : memref<3x80xi32, #tpu.memory_space<vmem>>, vector<16xi32>,
      %add3A_114 = arith.constant 16 : i32
      %add3A_115 = arith.addi %mul3A_106, %add3A_114 : i32
      %get3A_116 = arith.index_cast %add3A_115 : i32 to index
      %get3A_117 = tpu.vector_load %arg9[%get3A_116] {strides = array<i32>} : memref<20480xi32, #tpu.memory_space<vmem>>, vector<16xi32>,
      %swap3A_118 = arith.constant 0 : i32
      %swap3A_119 = arith.index_cast %swap3A_118 : i32 to index
      %swap3A_120 = arith.constant 16 : index
      %swap3A_121 = tpu.vector_load %arg14[%swap3A_119, %swap3A_120] {strides = array<i32>} : memref<3x80xi32, #tpu.memory_space<vmem>>, vector<16xi32>,
      tpu.vector_store %arg14[%swap3A_119, %swap3A_120], %get3A_117 {strides = array<i32>} : memref<3x80xi32, #tpu.memory_space<vmem>>, vector<16xi32>,
      %add3A_122 = arith.constant 32 : i32
      %add3A_123 = arith.addi %mul3A_106, %add3A_122 : i32
      %get3A_124 = arith.index_cast %add3A_123 : i32 to index
      %get3A_125 = tpu.vector_load %arg9[%get3A_124] {strides = array<i32>} : memref<20480xi32, #tpu.memory_space<vmem>>, vector<16xi32>,
      %swap3A_126 = arith.constant 0 : i32
      %swap3A_127 = arith.index_cast %swap3A_126 : i32 to index
      %swap3A_128 = arith.constant 32 : index
      %swap3A_129 = tpu.vector_load %arg14[%swap3A_127, %swap3A_128] {strides = array<i32>} : memref<3x80xi32, #tpu.memory_space<vmem>>, vector<16xi32>,
      tpu.vector_store %arg14[%swap3A_127, %swap3A_128], %get3A_125 {strides = array<i32>} : memref<3x80xi32, #tpu.memory_space<vmem>>, vector<16xi32>,
      %add3A_130 = arith.constant 48 : i32
      %add3A_131 = arith.addi %mul3A_106, %add3A_130 : i32
      %get3A_132 = arith.index_cast %add3A_131 : i32 to index
      %get3A_133 = tpu.vector_load %arg9[%get3A_132] {strides = array<i32>} : memref<20480xi32, #tpu.memory_space<vmem>>, vector<16xi32>,
      %swap3A_134 = arith.constant 0 : i32
      %swap3A_135 = arith.index_cast %swap3A_134 : i32 to index
      %swap3A_136 = arith.constant 48 : index
      %swap3A_137 = tpu.vector_load %arg14[%swap3A_135, %swap3A_136] {strides = array<i32>} : memref<3x80xi32, #tpu.memory_space<vmem>>, vector<16xi32>,
      tpu.vector_store %arg14[%swap3A_135, %swap3A_136], %get3A_133 {strides = array<i32>} : memref<3x80xi32, #tpu.memory_space<vmem>>, vector<16xi32>,
      %add3A_138 = arith.constant 64 : i32
      %add3A_139 = arith.addi %mul3A_106, %add3A_138 : i32
      %get3A_140 = arith.index_cast %add3A_139 : i32 to index
      %get3A_141 = tpu.vector_load %arg9[%get3A_140] {strides = array<i32>} : memref<20480xi32, #tpu.memory_space<vmem>>, vector<16xi32>,
      %swap3A_142 = arith.constant 0 : i32
      %swap3A_143 = arith.index_cast %swap3A_142 : i32 to index
      %swap3A_144 = arith.constant 64 : index
      %swap3A_145 = tpu.vector_load %arg14[%swap3A_143, %swap3A_144] {strides = array<i32>} : memref<3x80xi32, #tpu.memory_space<vmem>>, vector<16xi32>,
      tpu.vector_store %arg14[%swap3A_143, %swap3A_144], %get3A_141 {strides = array<i32>} : memref<3x80xi32, #tpu.memory_space<vmem>>, vector<16xi32>,
      %ge3A = arith.constant 1 : i32
      %ge3A_146 = arith.cmpi sge, %add3A_98, %ge3A : i32
      %convert_element_type3A_147 = arith.extui %ge3A_146 : i1 to i32
      %cond3A_148 = arith.constant 0 : i32
      %cond3A_149 = arith.cmpi ne, %convert_element_type3A_147, %cond3A_148 : i32
      scf.if %cond3A_149 {
        %dma_wait3A_299 = arith.constant 2 : i32
        %dma_wait3A_300 = arith.constant 0 : i32
        %dma_wait3A_301 = tpu.memref_slice %arg14[%dma_wait3A_299, %dma_wait3A_300] : memref<3x80xi32, #tpu.memory_space<vmem>> -> memref<1x80xi32, #tpu.memory_space<vmem>>
        %dma_wait3A_302 = tpu.memref_squeeze %dma_wait3A_301 : memref<1x80xi32, #tpu.memory_space<vmem>> -> memref<80xi32, #tpu.memory_space<vmem>>
        %dma_wait3A_303 = arith.constant 0 : i32
        %dma_wait3A_304 = arith.constant 0 : i32
        %dma_wait3A_305 = tpu.memref_slice %arg15[%dma_wait3A_303, %dma_wait3A_304] : memref<5120x128xf32, #tpu.memory_space<vmem_shared>> -> memref<5120x128xf32, #tpu.memory_space<vmem_shared>>
        tpu.wait_indirect_dma semaphore(%arg21 : memref<!tpu.dma_semaphore, #tpu.memory_space<semaphore_mem>>) src(%arg12 : memref<80x128xf32, #tpu.memory_space<vmem>>) dst(%dma_wait3A_305 : memref<5120x128xf32, #tpu.memory_space<vmem_shared>>)
      } else {
      }
      %dma_start3A_150 = arith.constant 0 : i32
      %dma_start3A_151 = arith.constant 0 : i32
      %dma_start3A_152 = tpu.memref_slice %arg14[%dma_start3A_150, %dma_start3A_151] : memref<3x80xi32, #tpu.memory_space<vmem>> -> memref<1x80xi32, #tpu.memory_space<vmem>>
      %dma_start3A_153 = tpu.memref_squeeze %dma_start3A_152 : memref<1x80xi32, #tpu.memory_space<vmem>> -> memref<80xi32, #tpu.memory_space<vmem>>
      %dma_start3A_154 = arith.constant 0 : i32
      %dma_start3A_155 = arith.constant 0 : i32
      %dma_start3A_156 = tpu.memref_slice %arg15[%dma_start3A_154, %dma_start3A_155] : memref<5120x128xf32, #tpu.memory_space<vmem_shared>> -> memref<5120x128xf32, #tpu.memory_space<vmem_shared>>
      tpu.enqueue_indirect_dma source(%arg10 : memref<80x128xf32, #tpu.memory_space<vmem>>) target(%dma_start3A_156 : memref<5120x128xf32, #tpu.memory_space<vmem_shared>>) offsets(%dma_start3A_153 : memref<80xi32, #tpu.memory_space<vmem>>) semaphore(%arg19 : memref<!tpu.dma_semaphore, #tpu.memory_space<semaphore_mem>>) {add = true}
      %add3A_157 = arith.constant 2 : i32
      %add3A_158 = arith.addi %add3A_98, %add3A_157 : i32
      %lt3A_159 = arith.cmpi slt, %add3A_158, %mul3A_34 : i32
      %convert_element_type3A_160 = arith.extui %lt3A_159 : i1 to i32
      %cond3A_161 = arith.constant 0 : i32
      %cond3A_162 = arith.cmpi ne, %convert_element_type3A_160, %cond3A_161 : i32
      scf.if %cond3A_162 {
        %add3A_299 = arith.constant 2 : i32
        %add3A_300 = arith.addi %add3A_98, %add3A_299 : i32
        %mul3A_301 = arith.constant 80 : i32
        %mul3A_302 = arith.muli %add3A_300, %mul3A_301 : i32
        %dma_start3A_303 = tpu.memref_slice %arg8[%mul3A_302] : memref<20480xi32, #tpu.memory_space<vmem>> -> memref<80xi32, #tpu.memory_space<vmem>>
        %dma_start3A_304 = arith.constant 0 : i32
        %dma_start3A_305 = arith.constant 0 : i32
        %dma_start3A_306 = tpu.memref_slice %arg2[%dma_start3A_304, %dma_start3A_305] : memref<10000x128xf32, #tpu.memory_space<hbm>> -> memref<10000x128xf32, #tpu.memory_space<hbm>>
        tpu.enqueue_indirect_dma source(%dma_start3A_306 : memref<10000x128xf32, #tpu.memory_space<hbm>>) target(%arg12 : memref<80x128xf32, #tpu.memory_space<vmem>>) offsets(%dma_start3A_303 : memref<80xi32, #tpu.memory_space<vmem>>) semaphore(%arg18 : memref<!tpu.dma_semaphore, #tpu.memory_space<semaphore_mem>>)
      } else {
      }
      %add3A_163 = arith.constant 1 : i32
      %add3A_164 = arith.addi %add3A_96, %add3A_163 : i32
      %mul3A_165 = arith.constant 80 : i32
      %mul3A_166 = arith.muli %add3A_164, %mul3A_165 : i32
      %dma_wait3A_167 = tpu.memref_slice %arg8[%mul3A_166] : memref<20480xi32, #tpu.memory_space<vmem>> -> memref<80xi32, #tpu.memory_space<vmem>>
      %dma_wait3A_168 = arith.constant 0 : i32
      %dma_wait3A_169 = arith.constant 0 : i32
      %dma_wait3A_170 = tpu.memref_slice %arg2[%dma_wait3A_168, %dma_wait3A_169] : memref<10000x128xf32, #tpu.memory_space<hbm>> -> memref<10000x128xf32, #tpu.memory_space<hbm>>
      tpu.wait_indirect_dma semaphore(%arg17 : memref<!tpu.dma_semaphore, #tpu.memory_space<semaphore_mem>>) src(%dma_wait3A_170 : memref<10000x128xf32, #tpu.memory_space<hbm>>) dst(%arg11 : memref<80x128xf32, #tpu.memory_space<vmem>>)
      %mul3A_171 = arith.constant 80 : i32
      %mul3A_172 = arith.muli %add3A_164, %mul3A_171 : i32
      %add3A_173 = arith.constant 0 : i32
      %add3A_174 = arith.addi %mul3A_172, %add3A_173 : i32
      %get3A_175 = arith.index_cast %add3A_174 : i32 to index
      %get3A_176 = tpu.vector_load %arg9[%get3A_175] {strides = array<i32>} : memref<20480xi32, #tpu.memory_space<vmem>>, vector<16xi32>,
      %swap3A_177 = arith.constant 1 : i32
      %swap3A_178 = arith.index_cast %swap3A_177 : i32 to index
      %swap3A_179 = arith.constant 0 : index
      %swap3A_180 = tpu.vector_load %arg14[%swap3A_178, %swap3A_179] {strides = array<i32>} : memref<3x80xi32, #tpu.memory_space<vmem>>, vector<16xi32>,
      tpu.vector_store %arg14[%swap3A_178, %swap3A_179], %get3A_176 {strides = array<i32>} : memref<3x80xi32, #tpu.memory_space<vmem>>, vector<16xi32>,
      %add3A_181 = arith.constant 16 : i32
      %add3A_182 = arith.addi %mul3A_172, %add3A_181 : i32
      %get3A_183 = arith.index_cast %add3A_182 : i32 to index
      %get3A_184 = tpu.vector_load %arg9[%get3A_183] {strides = array<i32>} : memref<20480xi32, #tpu.memory_space<vmem>>, vector<16xi32>,
      %swap3A_185 = arith.constant 1 : i32
      %swap3A_186 = arith.index_cast %swap3A_185 : i32 to index
      %swap3A_187 = arith.constant 16 : index
      %swap3A_188 = tpu.vector_load %arg14[%swap3A_186, %swap3A_187] {strides = array<i32>} : memref<3x80xi32, #tpu.memory_space<vmem>>, vector<16xi32>,
      tpu.vector_store %arg14[%swap3A_186, %swap3A_187], %get3A_184 {strides = array<i32>} : memref<3x80xi32, #tpu.memory_space<vmem>>, vector<16xi32>,
      %add3A_189 = arith.constant 32 : i32
      %add3A_190 = arith.addi %mul3A_172, %add3A_189 : i32
      %get3A_191 = arith.index_cast %add3A_190 : i32 to index
      %get3A_192 = tpu.vector_load %arg9[%get3A_191] {strides = array<i32>} : memref<20480xi32, #tpu.memory_space<vmem>>, vector<16xi32>,
      %swap3A_193 = arith.constant 1 : i32
      %swap3A_194 = arith.index_cast %swap3A_193 : i32 to index
      %swap3A_195 = arith.constant 32 : index
      %swap3A_196 = tpu.vector_load %arg14[%swap3A_194, %swap3A_195] {strides = array<i32>} : memref<3x80xi32, #tpu.memory_space<vmem>>, vector<16xi32>,
      tpu.vector_store %arg14[%swap3A_194, %swap3A_195], %get3A_192 {strides = array<i32>} : memref<3x80xi32, #tpu.memory_space<vmem>>, vector<16xi32>,
      %add3A_197 = arith.constant 48 : i32
      %add3A_198 = arith.addi %mul3A_172, %add3A_197 : i32
      %get3A_199 = arith.index_cast %add3A_198 : i32 to index
      %get3A_200 = tpu.vector_load %arg9[%get3A_199] {strides = array<i32>} : memref<20480xi32, #tpu.memory_space<vmem>>, vector<16xi32>,
      %swap3A_201 = arith.constant 1 : i32
      %swap3A_202 = arith.index_cast %swap3A_201 : i32 to index
      %swap3A_203 = arith.constant 48 : index
      %swap3A_204 = tpu.vector_load %arg14[%swap3A_202, %swap3A_203] {strides = array<i32>} : memref<3x80xi32, #tpu.memory_space<vmem>>, vector<16xi32>,
      tpu.vector_store %arg14[%swap3A_202, %swap3A_203], %get3A_200 {strides = array<i32>} : memref<3x80xi32, #tpu.memory_space<vmem>>, vector<16xi32>,
      %add3A_205 = arith.constant 64 : i32
      %add3A_206 = arith.addi %mul3A_172, %add3A_205 : i32
      %get3A_207 = arith.index_cast %add3A_206 : i32 to index
      %get3A_208 = tpu.vector_load %arg9[%get3A_207] {strides = array<i32>} : memref<20480xi32, #tpu.memory_space<vmem>>, vector<16xi32>,
      %swap3A_209 = arith.constant 1 : i32
      %swap3A_210 = arith.index_cast %swap3A_209 : i32 to index
      %swap3A_211 = arith.constant 64 : index
      %swap3A_212 = tpu.vector_load %arg14[%swap3A_210, %swap3A_211] {strides = array<i32>} : memref<3x80xi32, #tpu.memory_space<vmem>>, vector<16xi32>,
      tpu.vector_store %arg14[%swap3A_210, %swap3A_211], %get3A_208 {strides = array<i32>} : memref<3x80xi32, #tpu.memory_space<vmem>>, vector<16xi32>,
      %ge3A_213 = arith.constant 1 : i32
      %ge3A_214 = arith.cmpi sge, %add3A_164, %ge3A_213 : i32
      %convert_element_type3A_215 = arith.extui %ge3A_214 : i1 to i32
      %cond3A_216 = arith.constant 0 : i32
      %cond3A_217 = arith.cmpi ne, %convert_element_type3A_215, %cond3A_216 : i32
      scf.if %cond3A_217 {
        %dma_wait3A_299 = arith.constant 0 : i32
        %dma_wait3A_300 = arith.constant 0 : i32
        %dma_wait3A_301 = tpu.memref_slice %arg14[%dma_wait3A_299, %dma_wait3A_300] : memref<3x80xi32, #tpu.memory_space<vmem>> -> memref<1x80xi32, #tpu.memory_space<vmem>>
        %dma_wait3A_302 = tpu.memref_squeeze %dma_wait3A_301 : memref<1x80xi32, #tpu.memory_space<vmem>> -> memref<80xi32, #tpu.memory_space<vmem>>
        %dma_wait3A_303 = arith.constant 0 : i32
        %dma_wait3A_304 = arith.constant 0 : i32
        %dma_wait3A_305 = tpu.memref_slice %arg15[%dma_wait3A_303, %dma_wait3A_304] : memref<5120x128xf32, #tpu.memory_space<vmem_shared>> -> memref<5120x128xf32, #tpu.memory_space<vmem_shared>>
        tpu.wait_indirect_dma semaphore(%arg19 : memref<!tpu.dma_semaphore, #tpu.memory_space<semaphore_mem>>) src(%arg10 : memref<80x128xf32, #tpu.memory_space<vmem>>) dst(%dma_wait3A_305 : memref<5120x128xf32, #tpu.memory_space<vmem_shared>>)
      } else {
      }
      %dma_start3A_218 = arith.constant 1 : i32
      %dma_start3A_219 = arith.constant 0 : i32
      %dma_start3A_220 = tpu.memref_slice %arg14[%dma_start3A_218, %dma_start3A_219] : memref<3x80xi32, #tpu.memory_space<vmem>> -> memref<1x80xi32, #tpu.memory_space<vmem>>
      %dma_start3A_221 = tpu.memref_squeeze %dma_start3A_220 : memref<1x80xi32, #tpu.memory_space<vmem>> -> memref<80xi32, #tpu.memory_space<vmem>>
      %dma_start3A_222 = arith.constant 0 : i32
      %dma_start3A_223 = arith.constant 0 : i32
      %dma_start3A_224 = tpu.memref_slice %arg15[%dma_start3A_222, %dma_start3A_223] : memref<5120x128xf32, #tpu.memory_space<vmem_shared>> -> memref<5120x128xf32, #tpu.memory_space<vmem_shared>>
      tpu.enqueue_indirect_dma source(%arg11 : memref<80x128xf32, #tpu.memory_space<vmem>>) target(%dma_start3A_224 : memref<5120x128xf32, #tpu.memory_space<vmem_shared>>) offsets(%dma_start3A_221 : memref<80xi32, #tpu.memory_space<vmem>>) semaphore(%arg20 : memref<!tpu.dma_semaphore, #tpu.memory_space<semaphore_mem>>) {add = true}
      %add3A_225 = arith.constant 2 : i32
      %add3A_226 = arith.addi %add3A_164, %add3A_225 : i32
      %lt3A_227 = arith.cmpi slt, %add3A_226, %mul3A_34 : i32
      %convert_element_type3A_228 = arith.extui %lt3A_227 : i1 to i32
      %cond3A_229 = arith.constant 0 : i32
      %cond3A_230 = arith.cmpi ne, %convert_element_type3A_228, %cond3A_229 : i32
      scf.if %cond3A_230 {
        %add3A_299 = arith.constant 2 : i32
        %add3A_300 = arith.addi %add3A_164, %add3A_299 : i32
        %mul3A_301 = arith.constant 80 : i32
        %mul3A_302 = arith.muli %add3A_300, %mul3A_301 : i32
        %dma_start3A_303 = tpu.memref_slice %arg8[%mul3A_302] : memref<20480xi32, #tpu.memory_space<vmem>> -> memref<80xi32, #tpu.memory_space<vmem>>
        %dma_start3A_304 = arith.constant 0 : i32
        %dma_start3A_305 = arith.constant 0 : i32
        %dma_start3A_306 = tpu.memref_slice %arg2[%dma_start3A_304, %dma_start3A_305] : memref<10000x128xf32, #tpu.memory_space<hbm>> -> memref<10000x128xf32, #tpu.memory_space<hbm>>
        tpu.enqueue_indirect_dma source(%dma_start3A_306 : memref<10000x128xf32, #tpu.memory_space<hbm>>) target(%arg10 : memref<80x128xf32, #tpu.memory_space<vmem>>) offsets(%dma_start3A_303 : memref<80xi32, #tpu.memory_space<vmem>>) semaphore(%arg16 : memref<!tpu.dma_semaphore, #tpu.memory_space<semaphore_mem>>)
      } else {
      }
      %add3A_231 = arith.constant 2 : i32
      %add3A_232 = arith.addi %add3A_96, %add3A_231 : i32
      %mul3A_233 = arith.constant 80 : i32
      %mul3A_234 = arith.muli %add3A_232, %mul3A_233 : i32
      %dma_wait3A_235 = tpu.memref_slice %arg8[%mul3A_234] : memref<20480xi32, #tpu.memory_space<vmem>> -> memref<80xi32, #tpu.memory_space<vmem>>
      %dma_wait3A_236 = arith.constant 0 : i32
      %dma_wait3A_237 = arith.constant 0 : i32
      %dma_wait3A_238 = tpu.memref_slice %arg2[%dma_wait3A_236, %dma_wait3A_237] : memref<10000x128xf32, #tpu.memory_space<hbm>> -> memref<10000x128xf32, #tpu.memory_space<hbm>>
      tpu.wait_indirect_dma semaphore(%arg18 : memref<!tpu.dma_semaphore, #tpu.memory_space<semaphore_mem>>) src(%dma_wait3A_238 : memref<10000x128xf32, #tpu.memory_space<hbm>>) dst(%arg12 : memref<80x128xf32, #tpu.memory_space<vmem>>)
      %mul3A_239 = arith.constant 80 : i32
      %mul3A_240 = arith.muli %add3A_232, %mul3A_239 : i32
      %add3A_241 = arith.constant 0 : i32
      %add3A_242 = arith.addi %mul3A_240, %add3A_241 : i32
      %get3A_243 = arith.index_cast %add3A_242 : i32 to index
      %get3A_244 = tpu.vector_load %arg9[%get3A_243] {strides = array<i32>} : memref<20480xi32, #tpu.memory_space<vmem>>, vector<16xi32>,
      %swap3A_245 = arith.constant 2 : i32
      %swap3A_246 = arith.index_cast %swap3A_245 : i32 to index
      %swap3A_247 = arith.constant 0 : index
      %swap3A_248 = tpu.vector_load %arg14[%swap3A_246, %swap3A_247] {strides = array<i32>} : memref<3x80xi32, #tpu.memory_space<vmem>>, vector<16xi32>,
      tpu.vector_store %arg14[%swap3A_246, %swap3A_247], %get3A_244 {strides = array<i32>} : memref<3x80xi32, #tpu.memory_space<vmem>>, vector<16xi32>,
      %add3A_249 = arith.constant 16 : i32
      %add3A_250 = arith.addi %mul3A_240, %add3A_249 : i32
      %get3A_251 = arith.index_cast %add3A_250 : i32 to index
      %get3A_252 = tpu.vector_load %arg9[%get3A_251] {strides = array<i32>} : memref<20480xi32, #tpu.memory_space<vmem>>, vector<16xi32>,
      %swap3A_253 = arith.constant 2 : i32
      %swap3A_254 = arith.index_cast %swap3A_253 : i32 to index
      %swap3A_255 = arith.constant 16 : index
      %swap3A_256 = tpu.vector_load %arg14[%swap3A_254, %swap3A_255] {strides = array<i32>} : memref<3x80xi32, #tpu.memory_space<vmem>>, vector<16xi32>,
      tpu.vector_store %arg14[%swap3A_254, %swap3A_255], %get3A_252 {strides = array<i32>} : memref<3x80xi32, #tpu.memory_space<vmem>>, vector<16xi32>,
      %add3A_257 = arith.constant 32 : i32
      %add3A_258 = arith.addi %mul3A_240, %add3A_257 : i32
      %get3A_259 = arith.index_cast %add3A_258 : i32 to index
      %get3A_260 = tpu.vector_load %arg9[%get3A_259] {strides = array<i32>} : memref<20480xi32, #tpu.memory_space<vmem>>, vector<16xi32>,
      %swap3A_261 = arith.constant 2 : i32
      %swap3A_262 = arith.index_cast %swap3A_261 : i32 to index
      %swap3A_263 = arith.constant 32 : index
      %swap3A_264 = tpu.vector_load %arg14[%swap3A_262, %swap3A_263] {strides = array<i32>} : memref<3x80xi32, #tpu.memory_space<vmem>>, vector<16xi32>,
      tpu.vector_store %arg14[%swap3A_262, %swap3A_263], %get3A_260 {strides = array<i32>} : memref<3x80xi32, #tpu.memory_space<vmem>>, vector<16xi32>,
      %add3A_265 = arith.constant 48 : i32
      %add3A_266 = arith.addi %mul3A_240, %add3A_265 : i32
      %get3A_267 = arith.index_cast %add3A_266 : i32 to index
      %get3A_268 = tpu.vector_load %arg9[%get3A_267] {strides = array<i32>} : memref<20480xi32, #tpu.memory_space<vmem>>, vector<16xi32>,
      %swap3A_269 = arith.constant 2 : i32
      %swap3A_270 = arith.index_cast %swap3A_269 : i32 to index
      %swap3A_271 = arith.constant 48 : index
      %swap3A_272 = tpu.vector_load %arg14[%swap3A_270, %swap3A_271] {strides = array<i32>} : memref<3x80xi32, #tpu.memory_space<vmem>>, vector<16xi32>,
      tpu.vector_store %arg14[%swap3A_270, %swap3A_271], %get3A_268 {strides = array<i32>} : memref<3x80xi32, #tpu.memory_space<vmem>>, vector<16xi32>,
      %add3A_273 = arith.constant 64 : i32
      %add3A_274 = arith.addi %mul3A_240, %add3A_273 : i32
      %get3A_275 = arith.index_cast %add3A_274 : i32 to index
      %get3A_276 = tpu.vector_load %arg9[%get3A_275] {strides = array<i32>} : memref<20480xi32, #tpu.memory_space<vmem>>, vector<16xi32>,
      %swap3A_277 = arith.constant 2 : i32
      %swap3A_278 = arith.index_cast %swap3A_277 : i32 to index
      %swap3A_279 = arith.constant 64 : index
      %swap3A_280 = tpu.vector_load %arg14[%swap3A_278, %swap3A_279] {strides = array<i32>} : memref<3x80xi32, #tpu.memory_space<vmem>>, vector<16xi32>,
      tpu.vector_store %arg14[%swap3A_278, %swap3A_279], %get3A_276 {strides = array<i32>} : memref<3x80xi32, #tpu.memory_space<vmem>>, vector<16xi32>,
      %ge3A_281 = arith.constant 1 : i32
      %ge3A_282 = arith.cmpi sge, %add3A_232, %ge3A_281 : i32
      %convert_element_type3A_283 = arith.extui %ge3A_282 : i1 to i32
      %cond3A_284 = arith.constant 0 : i32
      %cond3A_285 = arith.cmpi ne, %convert_element_type3A_283, %cond3A_284 : i32
      scf.if %cond3A_285 {
        %dma_wait3A_299 = arith.constant 1 : i32
        %dma_wait3A_300 = arith.constant 0 : i32
        %dma_wait3A_301 = tpu.memref_slice %arg14[%dma_wait3A_299, %dma_wait3A_300] : memref<3x80xi32, #tpu.memory_space<vmem>> -> memref<1x80xi32, #tpu.memory_space<vmem>>
        %dma_wait3A_302 = tpu.memref_squeeze %dma_wait3A_301 : memref<1x80xi32, #tpu.memory_space<vmem>> -> memref<80xi32, #tpu.memory_space<vmem>>
        %dma_wait3A_303 = arith.constant 0 : i32
        %dma_wait3A_304 = arith.constant 0 : i32
        %dma_wait3A_305 = tpu.memref_slice %arg15[%dma_wait3A_303, %dma_wait3A_304] : memref<5120x128xf32, #tpu.memory_space<vmem_shared>> -> memref<5120x128xf32, #tpu.memory_space<vmem_shared>>
        tpu.wait_indirect_dma semaphore(%arg20 : memref<!tpu.dma_semaphore, #tpu.memory_space<semaphore_mem>>) src(%arg11 : memref<80x128xf32, #tpu.memory_space<vmem>>) dst(%dma_wait3A_305 : memref<5120x128xf32, #tpu.memory_space<vmem_shared>>)
      } else {
      }
      %dma_start3A_286 = arith.constant 2 : i32
      %dma_start3A_287 = arith.constant 0 : i32
      %dma_start3A_288 = tpu.memref_slice %arg14[%dma_start3A_286, %dma_start3A_287] : memref<3x80xi32, #tpu.memory_space<vmem>> -> memref<1x80xi32, #tpu.memory_space<vmem>>
      %dma_start3A_289 = tpu.memref_squeeze %dma_start3A_288 : memref<1x80xi32, #tpu.memory_space<vmem>> -> memref<80xi32, #tpu.memory_space<vmem>>
      %dma_start3A_290 = arith.constant 0 : i32
      %dma_start3A_291 = arith.constant 0 : i32
      %dma_start3A_292 = tpu.memref_slice %arg15[%dma_start3A_290, %dma_start3A_291] : memref<5120x128xf32, #tpu.memory_space<vmem_shared>> -> memref<5120x128xf32, #tpu.memory_space<vmem_shared>>
      tpu.enqueue_indirect_dma source(%arg12 : memref<80x128xf32, #tpu.memory_space<vmem>>) target(%dma_start3A_292 : memref<5120x128xf32, #tpu.memory_space<vmem_shared>>) offsets(%dma_start3A_289 : memref<80xi32, #tpu.memory_space<vmem>>) semaphore(%arg21 : memref<!tpu.dma_semaphore, #tpu.memory_space<semaphore_mem>>) {add = true}
      %add3A_293 = arith.constant 2 : i32
      %add3A_294 = arith.addi %add3A_232, %add3A_293 : i32
      %lt3A_295 = arith.cmpi slt, %add3A_294, %mul3A_34 : i32
      %convert_element_type3A_296 = arith.extui %lt3A_295 : i1 to i32
      %cond3A_297 = arith.constant 0 : i32
      %cond3A_298 = arith.cmpi ne, %convert_element_type3A_296, %cond3A_297 : i32
      scf.if %cond3A_298 {
        %add3A_299 = arith.constant 2 : i32
        %add3A_300 = arith.addi %add3A_232, %add3A_299 : i32
        %mul3A_301 = arith.constant 80 : i32
        %mul3A_302 = arith.muli %add3A_300, %mul3A_301 : i32
        %dma_start3A_303 = tpu.memref_slice %arg8[%mul3A_302] : memref<20480xi32, #tpu.memory_space<vmem>> -> memref<80xi32, #tpu.memory_space<vmem>>
        %dma_start3A_304 = arith.constant 0 : i32
        %dma_start3A_305 = arith.constant 0 : i32
        %dma_start3A_306 = tpu.memref_slice %arg2[%dma_start3A_304, %dma_start3A_305] : memref<10000x128xf32, #tpu.memory_space<hbm>> -> memref<10000x128xf32, #tpu.memory_space<hbm>>
        tpu.enqueue_indirect_dma source(%dma_start3A_306 : memref<10000x128xf32, #tpu.memory_space<hbm>>) target(%arg11 : memref<80x128xf32, #tpu.memory_space<vmem>>) offsets(%dma_start3A_303 : memref<80xi32, #tpu.memory_space<vmem>>) semaphore(%arg17 : memref<!tpu.dma_semaphore, #tpu.memory_space<semaphore_mem>>)
      } else {
      }
    }
    %while3A_61 = arith.constant 1 : i32
    scf.for %while3A_94 = %while3A_59 to %while3A_55 step %while3A_61  : i32 {
      %mul3A_95 = arith.muli %while3A_94, %while3A : i32
      %add3A_96 = arith.addi %while3A_52, %mul3A_95 : i32
      %add3A_97 = arith.constant 0 : i32
      %add3A_98 = arith.addi %add3A_96, %add3A_97 : i32
      %mul3A_99 = arith.constant 80 : i32
      %mul3A_100 = arith.muli %add3A_98, %mul3A_99 : i32
      %dma_wait3A_101 = tpu.memref_slice %arg8[%mul3A_100] : memref<20480xi32, #tpu.memory_space<vmem>> -> memref<80xi32, #tpu.memory_space<vmem>>
      %dma_wait3A_102 = arith.constant 0 : i32
      %dma_wait3A_103 = arith.constant 0 : i32
      %dma_wait3A_104 = tpu.memref_slice %arg2[%dma_wait3A_102, %dma_wait3A_103] : memref<10000x128xf32, #tpu.memory_space<hbm>> -> memref<10000x128xf32, #tpu.memory_space<hbm>>
      tpu.wait_indirect_dma semaphore(%arg16 : memref<!tpu.dma_semaphore, #tpu.memory_space<semaphore_mem>>) src(%dma_wait3A_104 : memref<10000x128xf32, #tpu.memory_space<hbm>>) dst(%arg10 : memref<80x128xf32, #tpu.memory_space<vmem>>)
      %mul3A_105 = arith.constant 80 : i32
      %mul3A_106 = arith.muli %add3A_98, %mul3A_105 : i32
      %add3A_107 = arith.constant 0 : i32
      %add3A_108 = arith.addi %mul3A_106, %add3A_107 : i32
      %get3A_109 = arith.index_cast %add3A_108 : i32 to index
      %get3A_110 = tpu.vector_load %arg9[%get3A_109] {strides = array<i32>} : memref<20480xi32, #tpu.memory_space<vmem>>, vector<16xi32>,
      %swap3A = arith.constant 0 : i32
      %swap3A_111 = arith.index_cast %swap3A : i32 to index
      %swap3A_112 = arith.constant 0 : index
      %swap3A_113 = tpu.vector_load %arg14[%swap3A_111, %swap3A_112] {strides = array<i32>} : memref<3x80xi32, #tpu.memory_space<vmem>>, vector<16xi32>,
      tpu.vector_store %arg14[%swap3A_111, %swap3A_112], %get3A_110 {strides = array<i32>} : memref<3x80xi32, #tpu.memory_space<vmem>>, vector<16xi32>,
      %add3A_114 = arith.constant 16 : i32
      %add3A_115 = arith.addi %mul3A_106, %add3A_114 : i32
      %get3A_116 = arith.index_cast %add3A_115 : i32 to index
      %get3A_117 = tpu.vector_load %arg9[%get3A_116] {strides = array<i32>} : memref<20480xi32, #tpu.memory_space<vmem>>, vector<16xi32>,
      %swap3A_118 = arith.constant 0 : i32
      %swap3A_119 = arith.index_cast %swap3A_118 : i32 to index
      %swap3A_120 = arith.constant 16 : index
      %swap3A_121 = tpu.vector_load %arg14[%swap3A_119, %swap3A_120] {strides = array<i32>} : memref<3x80xi32, #tpu.memory_space<vmem>>, vector<16xi32>,
      tpu.vector_store %arg14[%swap3A_119, %swap3A_120], %get3A_117 {strides = array<i32>} : memref<3x80xi32, #tpu.memory_space<vmem>>, vector<16xi32>,
      %add3A_122 = arith.constant 32 : i32
      %add3A_123 = arith.addi %mul3A_106, %add3A_122 : i32
      %get3A_124 = arith.index_cast %add3A_123 : i32 to index
      %get3A_125 = tpu.vector_load %arg9[%get3A_124] {strides = array<i32>} : memref<20480xi32, #tpu.memory_space<vmem>>, vector<16xi32>,
      %swap3A_126 = arith.constant 0 : i32
      %swap3A_127 = arith.index_cast %swap3A_126 : i32 to index
      %swap3A_128 = arith.constant 32 : index
      %swap3A_129 = tpu.vector_load %arg14[%swap3A_127, %swap3A_128] {strides = array<i32>} : memref<3x80xi32, #tpu.memory_space<vmem>>, vector<16xi32>,
      tpu.vector_store %arg14[%swap3A_127, %swap3A_128], %get3A_125 {strides = array<i32>} : memref<3x80xi32, #tpu.memory_space<vmem>>, vector<16xi32>,
      %add3A_130 = arith.constant 48 : i32
      %add3A_131 = arith.addi %mul3A_106, %add3A_130 : i32
      %get3A_132 = arith.index_cast %add3A_131 : i32 to index
      %get3A_133 = tpu.vector_load %arg9[%get3A_132] {strides = array<i32>} : memref<20480xi32, #tpu.memory_space<vmem>>, vector<16xi32>,
      %swap3A_134 = arith.constant 0 : i32
      %swap3A_135 = arith.index_cast %swap3A_134 : i32 to index
      %swap3A_136 = arith.constant 48 : index
      %swap3A_137 = tpu.vector_load %arg14[%swap3A_135, %swap3A_136] {strides = array<i32>} : memref<3x80xi32, #tpu.memory_space<vmem>>, vector<16xi32>,
      tpu.vector_store %arg14[%swap3A_135, %swap3A_136], %get3A_133 {strides = array<i32>} : memref<3x80xi32, #tpu.memory_space<vmem>>, vector<16xi32>,
      %add3A_138 = arith.constant 64 : i32
      %add3A_139 = arith.addi %mul3A_106, %add3A_138 : i32
      %get3A_140 = arith.index_cast %add3A_139 : i32 to index
      %get3A_141 = tpu.vector_load %arg9[%get3A_140] {strides = array<i32>} : memref<20480xi32, #tpu.memory_space<vmem>>, vector<16xi32>,
      %swap3A_142 = arith.constant 0 : i32
      %swap3A_143 = arith.index_cast %swap3A_142 : i32 to index
      %swap3A_144 = arith.constant 64 : index
      %swap3A_145 = tpu.vector_load %arg14[%swap3A_143, %swap3A_144] {strides = array<i32>} : memref<3x80xi32, #tpu.memory_space<vmem>>, vector<16xi32>,
      tpu.vector_store %arg14[%swap3A_143, %swap3A_144], %get3A_141 {strides = array<i32>} : memref<3x80xi32, #tpu.memory_space<vmem>>, vector<16xi32>,
      %ge3A = arith.constant 1 : i32
      %ge3A_146 = arith.cmpi sge, %add3A_98, %ge3A : i32
      %convert_element_type3A_147 = arith.extui %ge3A_146 : i1 to i32
      %cond3A_148 = arith.constant 0 : i32
      %cond3A_149 = arith.cmpi ne, %convert_element_type3A_147, %cond3A_148 : i32
      scf.if %cond3A_149 {
        %dma_wait3A_299 = arith.constant 2 : i32
        %dma_wait3A_300 = arith.constant 0 : i32
        %dma_wait3A_301 = tpu.memref_slice %arg14[%dma_wait3A_299, %dma_wait3A_300] : memref<3x80xi32, #tpu.memory_space<vmem>> -> memref<1x80xi32, #tpu.memory_space<vmem>>
        %dma_wait3A_302 = tpu.memref_squeeze %dma_wait3A_301 : memref<1x80xi32, #tpu.memory_space<vmem>> -> memref<80xi32, #tpu.memory_space<vmem>>
        %dma_wait3A_303 = arith.constant 0 : i32
        %dma_wait3A_304 = arith.constant 0 : i32
        %dma_wait3A_305 = tpu.memref_slice %arg15[%dma_wait3A_303, %dma_wait3A_304] : memref<5120x128xf32, #tpu.memory_space<vmem_shared>> -> memref<5120x128xf32, #tpu.memory_space<vmem_shared>>
        tpu.wait_indirect_dma semaphore(%arg21 : memref<!tpu.dma_semaphore, #tpu.memory_space<semaphore_mem>>) src(%arg12 : memref<80x128xf32, #tpu.memory_space<vmem>>) dst(%dma_wait3A_305 : memref<5120x128xf32, #tpu.memory_space<vmem_shared>>)
      } else {
      }
      %dma_start3A_150 = arith.constant 0 : i32
      %dma_start3A_151 = arith.constant 0 : i32
      %dma_start3A_152 = tpu.memref_slice %arg14[%dma_start3A_150, %dma_start3A_151] : memref<3x80xi32, #tpu.memory_space<vmem>> -> memref<1x80xi32, #tpu.memory_space<vmem>>
      %dma_start3A_153 = tpu.memref_squeeze %dma_start3A_152 : memref<1x80xi32, #tpu.memory_space<vmem>> -> memref<80xi32, #tpu.memory_space<vmem>>
      %dma_start3A_154 = arith.constant 0 : i32
      %dma_start3A_155 = arith.constant 0 : i32
      %dma_start3A_156 = tpu.memref_slice %arg15[%dma_start3A_154, %dma_start3A_155] : memref<5120x128xf32, #tpu.memory_space<vmem_shared>> -> memref<5120x128xf32, #tpu.memory_space<vmem_shared>>
      tpu.enqueue_indirect_dma source(%arg10 : memref<80x128xf32, #tpu.memory_space<vmem>>) target(%dma_start3A_156 : memref<5120x128xf32, #tpu.memory_space<vmem_shared>>) offsets(%dma_start3A_153 : memref<80xi32, #tpu.memory_space<vmem>>) semaphore(%arg19 : memref<!tpu.dma_semaphore, #tpu.memory_space<semaphore_mem>>) {add = true}
      %add3A_157 = arith.constant 2 : i32
      %add3A_158 = arith.addi %add3A_98, %add3A_157 : i32
      %lt3A_159 = arith.cmpi slt, %add3A_158, %mul3A_34 : i32
      %convert_element_type3A_160 = arith.extui %lt3A_159 : i1 to i32
      %cond3A_161 = arith.constant 0 : i32
      %cond3A_162 = arith.cmpi ne, %convert_element_type3A_160, %cond3A_161 : i32
      scf.if %cond3A_162 {
        %add3A_299 = arith.constant 2 : i32
        %add3A_300 = arith.addi %add3A_98, %add3A_299 : i32
        %mul3A_301 = arith.constant 80 : i32
        %mul3A_302 = arith.muli %add3A_300, %mul3A_301 : i32
        %dma_start3A_303 = tpu.memref_slice %arg8[%mul3A_302] : memref<20480xi32, #tpu.memory_space<vmem>> -> memref<80xi32, #tpu.memory_space<vmem>>
        %dma_start3A_304 = arith.constant 0 : i32
        %dma_start3A_305 = arith.constant 0 : i32
        %dma_start3A_306 = tpu.memref_slice %arg2[%dma_start3A_304, %dma_start3A_305] : memref<10000x128xf32, #tpu.memory_space<hbm>> -> memref<10000x128xf32, #tpu.memory_space<hbm>>
        tpu.enqueue_indirect_dma source(%dma_start3A_306 : memref<10000x128xf32, #tpu.memory_space<hbm>>) target(%arg12 : memref<80x128xf32, #tpu.memory_space<vmem>>) offsets(%dma_start3A_303 : memref<80xi32, #tpu.memory_space<vmem>>) semaphore(%arg18 : memref<!tpu.dma_semaphore, #tpu.memory_space<semaphore_mem>>)
      } else {
      }
      %add3A_163 = arith.constant 1 : i32
      %add3A_164 = arith.addi %add3A_96, %add3A_163 : i32
      %mul3A_165 = arith.constant 80 : i32
      %mul3A_166 = arith.muli %add3A_164, %mul3A_165 : i32
      %dma_wait3A_167 = tpu.memref_slice %arg8[%mul3A_166] : memref<20480xi32, #tpu.memory_space<vmem>> -> memref<80xi32, #tpu.memory_space<vmem>>
      %dma_wait3A_168 = arith.constant 0 : i32
      %dma_wait3A_169 = arith.constant 0 : i32
      %dma_wait3A_170 = tpu.memref_slice %arg2[%dma_wait3A_168, %dma_wait3A_169] : memref<10000x128xf32, #tpu.memory_space<hbm>> -> memref<10000x128xf32, #tpu.memory_space<hbm>>
      tpu.wait_indirect_dma semaphore(%arg17 : memref<!tpu.dma_semaphore, #tpu.memory_space<semaphore_mem>>) src(%dma_wait3A_170 : memref<10000x128xf32, #tpu.memory_space<hbm>>) dst(%arg11 : memref<80x128xf32, #tpu.memory_space<vmem>>)
      %mul3A_171 = arith.constant 80 : i32
      %mul3A_172 = arith.muli %add3A_164, %mul3A_171 : i32
      %add3A_173 = arith.constant 0 : i32
      %add3A_174 = arith.addi %mul3A_172, %add3A_173 : i32
      %get3A_175 = arith.index_cast %add3A_174 : i32 to index
      %get3A_176 = tpu.vector_load %arg9[%get3A_175] {strides = array<i32>} : memref<20480xi32, #tpu.memory_space<vmem>>, vector<16xi32>,
      %swap3A_177 = arith.constant 1 : i32
      %swap3A_178 = arith.index_cast %swap3A_177 : i32 to index
      %swap3A_179 = arith.constant 0 : index
      %swap3A_180 = tpu.vector_load %arg14[%swap3A_178, %swap3A_179] {strides = array<i32>} : memref<3x80xi32, #tpu.memory_space<vmem>>, vector<16xi32>,
      tpu.vector_store %arg14[%swap3A_178, %swap3A_179], %get3A_176 {strides = array<i32>} : memref<3x80xi32, #tpu.memory_space<vmem>>, vector<16xi32>,
      %add3A_181 = arith.constant 16 : i32
      %add3A_182 = arith.addi %mul3A_172, %add3A_181 : i32
      %get3A_183 = arith.index_cast %add3A_182 : i32 to index
      %get3A_184 = tpu.vector_load %arg9[%get3A_183] {strides = array<i32>} : memref<20480xi32, #tpu.memory_space<vmem>>, vector<16xi32>,
      %swap3A_185 = arith.constant 1 : i32
      %swap3A_186 = arith.index_cast %swap3A_185 : i32 to index
      %swap3A_187 = arith.constant 16 : index
      %swap3A_188 = tpu.vector_load %arg14[%swap3A_186, %swap3A_187] {strides = array<i32>} : memref<3x80xi32, #tpu.memory_space<vmem>>, vector<16xi32>,
      tpu.vector_store %arg14[%swap3A_186, %swap3A_187], %get3A_184 {strides = array<i32>} : memref<3x80xi32, #tpu.memory_space<vmem>>, vector<16xi32>,
      %add3A_189 = arith.constant 32 : i32
      %add3A_190 = arith.addi %mul3A_172, %add3A_189 : i32
      %get3A_191 = arith.index_cast %add3A_190 : i32 to index
      %get3A_192 = tpu.vector_load %arg9[%get3A_191] {strides = array<i32>} : memref<20480xi32, #tpu.memory_space<vmem>>, vector<16xi32>,
      %swap3A_193 = arith.constant 1 : i32
      %swap3A_194 = arith.index_cast %swap3A_193 : i32 to index
      %swap3A_195 = arith.constant 32 : index
      %swap3A_196 = tpu.vector_load %arg14[%swap3A_194, %swap3A_195] {strides = array<i32>} : memref<3x80xi32, #tpu.memory_space<vmem>>, vector<16xi32>,
      tpu.vector_store %arg14[%swap3A_194, %swap3A_195], %get3A_192 {strides = array<i32>} : memref<3x80xi32, #tpu.memory_space<vmem>>, vector<16xi32>,
      %add3A_197 = arith.constant 48 : i32
      %add3A_198 = arith.addi %mul3A_172, %add3A_197 : i32
      %get3A_199 = arith.index_cast %add3A_198 : i32 to index
      %get3A_200 = tpu.vector_load %arg9[%get3A_199] {strides = array<i32>} : memref<20480xi32, #tpu.memory_space<vmem>>, vector<16xi32>,
      %swap3A_201 = arith.constant 1 : i32
      %swap3A_202 = arith.index_cast %swap3A_201 : i32 to index
      %swap3A_203 = arith.constant 48 : index
      %swap3A_204 = tpu.vector_load %arg14[%swap3A_202, %swap3A_203] {strides = array<i32>} : memref<3x80xi32, #tpu.memory_space<vmem>>, vector<16xi32>,
      tpu.vector_store %arg14[%swap3A_202, %swap3A_203], %get3A_200 {strides = array<i32>} : memref<3x80xi32, #tpu.memory_space<vmem>>, vector<16xi32>,
      %add3A_205 = arith.constant 64 : i32
      %add3A_206 = arith.addi %mul3A_172, %add3A_205 : i32
      %get3A_207 = arith.index_cast %add3A_206 : i32 to index
      %get3A_208 = tpu.vector_load %arg9[%get3A_207] {strides = array<i32>} : memref<20480xi32, #tpu.memory_space<vmem>>, vector<16xi32>,
      %swap3A_209 = arith.constant 1 : i32
      %swap3A_210 = arith.index_cast %swap3A_209 : i32 to index
      %swap3A_211 = arith.constant 64 : index
      %swap3A_212 = tpu.vector_load %arg14[%swap3A_210, %swap3A_211] {strides = array<i32>} : memref<3x80xi32, #tpu.memory_space<vmem>>, vector<16xi32>,
      tpu.vector_store %arg14[%swap3A_210, %swap3A_211], %get3A_208 {strides = array<i32>} : memref<3x80xi32, #tpu.memory_space<vmem>>, vector<16xi32>,
      %ge3A_213 = arith.constant 1 : i32
      %ge3A_214 = arith.cmpi sge, %add3A_164, %ge3A_213 : i32
      %convert_element_type3A_215 = arith.extui %ge3A_214 : i1 to i32
      %cond3A_216 = arith.constant 0 : i32
      %cond3A_217 = arith.cmpi ne, %convert_element_type3A_215, %cond3A_216 : i32
      scf.if %cond3A_217 {
        %dma_wait3A_299 = arith.constant 0 : i32
        %dma_wait3A_300 = arith.constant 0 : i32
        %dma_wait3A_301 = tpu.memref_slice %arg14[%dma_wait3A_299, %dma_wait3A_300] : memref<3x80xi32, #tpu.memory_space<vmem>> -> memref<1x80xi32, #tpu.memory_space<vmem>>
        %dma_wait3A_302 = tpu.memref_squeeze %dma_wait3A_301 : memref<1x80xi32, #tpu.memory_space<vmem>> -> memref<80xi32, #tpu.memory_space<vmem>>
        %dma_wait3A_303 = arith.constant 0 : i32
        %dma_wait3A_304 = arith.constant 0 : i32
        %dma_wait3A_305 = tpu.memref_slice %arg15[%dma_wait3A_303, %dma_wait3A_304] : memref<5120x128xf32, #tpu.memory_space<vmem_shared>> -> memref<5120x128xf32, #tpu.memory_space<vmem_shared>>
        tpu.wait_indirect_dma semaphore(%arg19 : memref<!tpu.dma_semaphore, #tpu.memory_space<semaphore_mem>>) src(%arg10 : memref<80x128xf32, #tpu.memory_space<vmem>>) dst(%dma_wait3A_305 : memref<5120x128xf32, #tpu.memory_space<vmem_shared>>)
      } else {
      }
      %dma_start3A_218 = arith.constant 1 : i32
      %dma_start3A_219 = arith.constant 0 : i32
      %dma_start3A_220 = tpu.memref_slice %arg14[%dma_start3A_218, %dma_start3A_219] : memref<3x80xi32, #tpu.memory_space<vmem>> -> memref<1x80xi32, #tpu.memory_space<vmem>>
      %dma_start3A_221 = tpu.memref_squeeze %dma_start3A_220 : memref<1x80xi32, #tpu.memory_space<vmem>> -> memref<80xi32, #tpu.memory_space<vmem>>
      %dma_start3A_222 = arith.constant 0 : i32
      %dma_start3A_223 = arith.constant 0 : i32
      %dma_start3A_224 = tpu.memref_slice %arg15[%dma_start3A_222, %dma_start3A_223] : memref<5120x128xf32, #tpu.memory_space<vmem_shared>> -> memref<5120x128xf32, #tpu.memory_space<vmem_shared>>
      tpu.enqueue_indirect_dma source(%arg11 : memref<80x128xf32, #tpu.memory_space<vmem>>) target(%dma_start3A_224 : memref<5120x128xf32, #tpu.memory_space<vmem_shared>>) offsets(%dma_start3A_221 : memref<80xi32, #tpu.memory_space<vmem>>) semaphore(%arg20 : memref<!tpu.dma_semaphore, #tpu.memory_space<semaphore_mem>>) {add = true}
      %add3A_225 = arith.constant 2 : i32
      %add3A_226 = arith.addi %add3A_164, %add3A_225 : i32
      %lt3A_227 = arith.cmpi slt, %add3A_226, %mul3A_34 : i32
      %convert_element_type3A_228 = arith.extui %lt3A_227 : i1 to i32
      %cond3A_229 = arith.constant 0 : i32
      %cond3A_230 = arith.cmpi ne, %convert_element_type3A_228, %cond3A_229 : i32
      scf.if %cond3A_230 {
        %add3A_299 = arith.constant 2 : i32
        %add3A_300 = arith.addi %add3A_164, %add3A_299 : i32
        %mul3A_301 = arith.constant 80 : i32
        %mul3A_302 = arith.muli %add3A_300, %mul3A_301 : i32
        %dma_start3A_303 = tpu.memref_slice %arg8[%mul3A_302] : memref<20480xi32, #tpu.memory_space<vmem>> -> memref<80xi32, #tpu.memory_space<vmem>>
        %dma_start3A_304 = arith.constant 0 : i32
        %dma_start3A_305 = arith.constant 0 : i32
        %dma_start3A_306 = tpu.memref_slice %arg2[%dma_start3A_304, %dma_start3A_305] : memref<10000x128xf32, #tpu.memory_space<hbm>> -> memref<10000x128xf32, #tpu.memory_space<hbm>>
        tpu.enqueue_indirect_dma source(%dma_start3A_306 : memref<10000x128xf32, #tpu.memory_space<hbm>>) target(%arg10 : memref<80x128xf32, #tpu.memory_space<vmem>>) offsets(%dma_start3A_303 : memref<80xi32, #tpu.memory_space<vmem>>) semaphore(%arg16 : memref<!tpu.dma_semaphore, #tpu.memory_space<semaphore_mem>>)
      } else {
      }
      %add3A_231 = arith.constant 2 : i32
      %add3A_232 = arith.addi %add3A_96, %add3A_231 : i32
      %mul3A_233 = arith.constant 80 : i32
      %mul3A_234 = arith.muli %add3A_232, %mul3A_233 : i32
      %dma_wait3A_235 = tpu.memref_slice %arg8[%mul3A_234] : memref<20480xi32, #tpu.memory_space<vmem>> -> memref<80xi32, #tpu.memory_space<vmem>>
      %dma_wait3A_236 = arith.constant 0 : i32
      %dma_wait3A_237 = arith.constant 0 : i32
      %dma_wait3A_238 = tpu.memref_slice %arg2[%dma_wait3A_236, %dma_wait3A_237] : memref<10000x128xf32, #tpu.memory_space<hbm>> -> memref<10000x128xf32, #tpu.memory_space<hbm>>
      tpu.wait_indirect_dma semaphore(%arg18 : memref<!tpu.dma_semaphore, #tpu.memory_space<semaphore_mem>>) src(%dma_wait3A_238 : memref<10000x128xf32, #tpu.memory_space<hbm>>) dst(%arg12 : memref<80x128xf32, #tpu.memory_space<vmem>>)
      %mul3A_239 = arith.constant 80 : i32
      %mul3A_240 = arith.muli %add3A_232, %mul3A_239 : i32
      %add3A_241 = arith.constant 0 : i32
      %add3A_242 = arith.addi %mul3A_240, %add3A_241 : i32
      %get3A_243 = arith.index_cast %add3A_242 : i32 to index
      %get3A_244 = tpu.vector_load %arg9[%get3A_243] {strides = array<i32>} : memref<20480xi32, #tpu.memory_space<vmem>>, vector<16xi32>,
      %swap3A_245 = arith.constant 2 : i32
      %swap3A_246 = arith.index_cast %swap3A_245 : i32 to index
      %swap3A_247 = arith.constant 0 : index
      %swap3A_248 = tpu.vector_load %arg14[%swap3A_246, %swap3A_247] {strides = array<i32>} : memref<3x80xi32, #tpu.memory_space<vmem>>, vector<16xi32>,
      tpu.vector_store %arg14[%swap3A_246, %swap3A_247], %get3A_244 {strides = array<i32>} : memref<3x80xi32, #tpu.memory_space<vmem>>, vector<16xi32>,
      %add3A_249 = arith.constant 16 : i32
      %add3A_250 = arith.addi %mul3A_240, %add3A_249 : i32
      %get3A_251 = arith.index_cast %add3A_250 : i32 to index
      %get3A_252 = tpu.vector_load %arg9[%get3A_251] {strides = array<i32>} : memref<20480xi32, #tpu.memory_space<vmem>>, vector<16xi32>,
      %swap3A_253 = arith.constant 2 : i32
      %swap3A_254 = arith.index_cast %swap3A_253 : i32 to index
      %swap3A_255 = arith.constant 16 : index
      %swap3A_256 = tpu.vector_load %arg14[%swap3A_254, %swap3A_255] {strides = array<i32>} : memref<3x80xi32, #tpu.memory_space<vmem>>, vector<16xi32>,
      tpu.vector_store %arg14[%swap3A_254, %swap3A_255], %get3A_252 {strides = array<i32>} : memref<3x80xi32, #tpu.memory_space<vmem>>, vector<16xi32>,
      %add3A_257 = arith.constant 32 : i32
      %add3A_258 = arith.addi %mul3A_240, %add3A_257 : i32
      %get3A_259 = arith.index_cast %add3A_258 : i32 to index
      %get3A_260 = tpu.vector_load %arg9[%get3A_259] {strides = array<i32>} : memref<20480xi32, #tpu.memory_space<vmem>>, vector<16xi32>,
      %swap3A_261 = arith.constant 2 : i32
      %swap3A_262 = arith.index_cast %swap3A_261 : i32 to index
      %swap3A_263 = arith.constant 32 : index
      %swap3A_264 = tpu.vector_load %arg14[%swap3A_262, %swap3A_263] {strides = array<i32>} : memref<3x80xi32, #tpu.memory_space<vmem>>, vector<16xi32>,
      tpu.vector_store %arg14[%swap3A_262, %swap3A_263], %get3A_260 {strides = array<i32>} : memref<3x80xi32, #tpu.memory_space<vmem>>, vector<16xi32>,
      %add3A_265 = arith.constant 48 : i32
      %add3A_266 = arith.addi %mul3A_240, %add3A_265 : i32
      %get3A_267 = arith.index_cast %add3A_266 : i32 to index
      %get3A_268 = tpu.vector_load %arg9[%get3A_267] {strides = array<i32>} : memref<20480xi32, #tpu.memory_space<vmem>>, vector<16xi32>,
      %swap3A_269 = arith.constant 2 : i32
      %swap3A_270 = arith.index_cast %swap3A_269 : i32 to index
      %swap3A_271 = arith.constant 48 : index
      %swap3A_272 = tpu.vector_load %arg14[%swap3A_270, %swap3A_271] {strides = array<i32>} : memref<3x80xi32, #tpu.memory_space<vmem>>, vector<16xi32>,
      tpu.vector_store %arg14[%swap3A_270, %swap3A_271], %get3A_268 {strides = array<i32>} : memref<3x80xi32, #tpu.memory_space<vmem>>, vector<16xi32>,
      %add3A_273 = arith.constant 64 : i32
      %add3A_274 = arith.addi %mul3A_240, %add3A_273 : i32
      %get3A_275 = arith.index_cast %add3A_274 : i32 to index
      %get3A_276 = tpu.vector_load %arg9[%get3A_275] {strides = array<i32>} : memref<20480xi32, #tpu.memory_space<vmem>>, vector<16xi32>,
      %swap3A_277 = arith.constant 2 : i32
      %swap3A_278 = arith.index_cast %swap3A_277 : i32 to index
      %swap3A_279 = arith.constant 64 : index
      %swap3A_280 = tpu.vector_load %arg14[%swap3A_278, %swap3A_279] {strides = array<i32>} : memref<3x80xi32, #tpu.memory_space<vmem>>, vector<16xi32>,
      tpu.vector_store %arg14[%swap3A_278, %swap3A_279], %get3A_276 {strides = array<i32>} : memref<3x80xi32, #tpu.memory_space<vmem>>, vector<16xi32>,
      %ge3A_281 = arith.constant 1 : i32
      %ge3A_282 = arith.cmpi sge, %add3A_232, %ge3A_281 : i32
      %convert_element_type3A_283 = arith.extui %ge3A_282 : i1 to i32
      %cond3A_284 = arith.constant 0 : i32
      %cond3A_285 = arith.cmpi ne, %convert_element_type3A_283, %cond3A_284 : i32
      scf.if %cond3A_285 {
        %dma_wait3A_299 = arith.constant 1 : i32
        %dma_wait3A_300 = arith.constant 0 : i32
        %dma_wait3A_301 = tpu.memref_slice %arg14[%dma_wait3A_299, %dma_wait3A_300] : memref<3x80xi32, #tpu.memory_space<vmem>> -> memref<1x80xi32, #tpu.memory_space<vmem>>
        %dma_wait3A_302 = tpu.memref_squeeze %dma_wait3A_301 : memref<1x80xi32, #tpu.memory_space<vmem>> -> memref<80xi32, #tpu.memory_space<vmem>>
        %dma_wait3A_303 = arith.constant 0 : i32
        %dma_wait3A_304 = arith.constant 0 : i32
        %dma_wait3A_305 = tpu.memref_slice %arg15[%dma_wait3A_303, %dma_wait3A_304] : memref<5120x128xf32, #tpu.memory_space<vmem_shared>> -> memref<5120x128xf32, #tpu.memory_space<vmem_shared>>
        tpu.wait_indirect_dma semaphore(%arg20 : memref<!tpu.dma_semaphore, #tpu.memory_space<semaphore_mem>>) src(%arg11 : memref<80x128xf32, #tpu.memory_space<vmem>>) dst(%dma_wait3A_305 : memref<5120x128xf32, #tpu.memory_space<vmem_shared>>)
      } else {
      }
      %dma_start3A_286 = arith.constant 2 : i32
      %dma_start3A_287 = arith.constant 0 : i32
      %dma_start3A_288 = tpu.memref_slice %arg14[%dma_start3A_286, %dma_start3A_287] : memref<3x80xi32, #tpu.memory_space<vmem>> -> memref<1x80xi32, #tpu.memory_space<vmem>>
      %dma_start3A_289 = tpu.memref_squeeze %dma_start3A_288 : memref<1x80xi32, #tpu.memory_space<vmem>> -> memref<80xi32, #tpu.memory_space<vmem>>
      %dma_start3A_290 = arith.constant 0 : i32
      %dma_start3A_291 = arith.constant 0 : i32
      %dma_start3A_292 = tpu.memref_slice %arg15[%dma_start3A_290, %dma_start3A_291] : memref<5120x128xf32, #tpu.memory_space<vmem_shared>> -> memref<5120x128xf32, #tpu.memory_space<vmem_shared>>
      tpu.enqueue_indirect_dma source(%arg12 : memref<80x128xf32, #tpu.memory_space<vmem>>) target(%dma_start3A_292 : memref<5120x128xf32, #tpu.memory_space<vmem_shared>>) offsets(%dma_start3A_289 : memref<80xi32, #tpu.memory_space<vmem>>) semaphore(%arg21 : memref<!tpu.dma_semaphore, #tpu.memory_space<semaphore_mem>>) {add = true}
      %add3A_293 = arith.constant 2 : i32
      %add3A_294 = arith.addi %add3A_232, %add3A_293 : i32
      %lt3A_295 = arith.cmpi slt, %add3A_294, %mul3A_34 : i32
      %convert_element_type3A_296 = arith.extui %lt3A_295 : i1 to i32
      %cond3A_297 = arith.constant 0 : i32
      %cond3A_298 = arith.cmpi ne, %convert_element_type3A_296, %cond3A_297 : i32
      scf.if %cond3A_298 {
        %add3A_299 = arith.constant 2 : i32
        %add3A_300 = arith.addi %add3A_232, %add3A_299 : i32
        %mul3A_301 = arith.constant 80 : i32
        %mul3A_302 = arith.muli %add3A_300, %mul3A_301 : i32
        %dma_start3A_303 = tpu.memref_slice %arg8[%mul3A_302] : memref<20480xi32, #tpu.memory_space<vmem>> -> memref<80xi32, #tpu.memory_space<vmem>>
        %dma_start3A_304 = arith.constant 0 : i32
        %dma_start3A_305 = arith.constant 0 : i32
        %dma_start3A_306 = tpu.memref_slice %arg2[%dma_start3A_304, %dma_start3A_305] : memref<10000x128xf32, #tpu.memory_space<hbm>> -> memref<10000x128xf32, #tpu.memory_space<hbm>>
        tpu.enqueue_indirect_dma source(%dma_start3A_306 : memref<10000x128xf32, #tpu.memory_space<hbm>>) target(%arg11 : memref<80x128xf32, #tpu.memory_space<vmem>>) offsets(%dma_start3A_303 : memref<80xi32, #tpu.memory_space<vmem>>) semaphore(%arg17 : memref<!tpu.dma_semaphore, #tpu.memory_space<semaphore_mem>>)
      } else {
      }
    }
    %dma_wait3A = arith.constant 2 : i32
    %dma_wait3A_62 = arith.constant 0 : i32
    %dma_wait3A_63 = tpu.memref_slice %arg14[%dma_wait3A, %dma_wait3A_62] : memref<3x80xi32, #tpu.memory_space<vmem>> -> memref<1x80xi32, #tpu.memory_space<vmem>>
    %dma_wait3A_64 = tpu.memref_squeeze %dma_wait3A_63 : memref<1x80xi32, #tpu.memory_space<vmem>> -> memref<80xi32, #tpu.memory_space<vmem>>
    %dma_wait3A_65 = arith.constant 0 : i32
    %dma_wait3A_66 = arith.constant 0 : i32
    %dma_wait3A_67 = tpu.memref_slice %arg15[%dma_wait3A_65, %dma_wait3A_66] : memref<5120x128xf32, #tpu.memory_space<vmem_shared>> -> memref<5120x128xf32, #tpu.memory_space<vmem_shared>>
    tpu.wait_indirect_dma semaphore(%arg21 : memref<!tpu.dma_semaphore, #tpu.memory_space<semaphore_mem>>) src(%arg12 : memref<80x128xf32, #tpu.memory_space<vmem>>) dst(%dma_wait3A_67 : memref<5120x128xf32, #tpu.memory_space<vmem_shared>>)
    %barrier3A_68 = arith.constant 0 : index
    tpu.barrier barrier_id(%barrier3A_68)
    %lt3A = arith.constant 15 : i32
    %lt3A_69 = arith.cmpi slt, %arg1, %lt3A : i32
    %jit3A_70 = arith.constant 4 : i32
    %jit3A_71 = arith.constant 2 : i32
    %select_n3A_72 = arith.select %lt3A_69, %jit3A_70, %jit3A_71 : i32
    %sub3A_73 = arith.constant 0 : i32
    %sub3A_74 = arith.subi %select_n3A_72, %sub3A_73 : i32
    %sub3A_75 = arith.constant 1 : i32
    %sub3A_76 = arith.constant 1 : i32
    %sub3A_77 = arith.subi %sub3A_75, %sub3A_76 : i32
    %add3A_78 = arith.addi %sub3A_74, %sub3A_77 : i32
    %div3A_79 = arith.constant 1 : i32
    %div3A_80 = arith.divsi %add3A_78, %div3A_79 : i32
    %while3A_81 = arith.constant 1 : i32
    %while3A_82 = arith.constant 0 : i32
    %while3A_83 = arith.constant 0 : i32
    %while3A_84 = arith.subi %div3A_80, %while3A_83 : i32
    %while3A_85 = arith.addi %while3A_83, %while3A_84 : i32
    %while3A_86 = arith.constant 1 : i32
    %while3A_87 = arith.divsi %while3A_84, %while3A_86 : i32
    %while3A_88 = arith.muli %while3A_87, %while3A_86 : i32
    %while3A_89 = arith.addi %while3A_83, %while3A_88 : i32
    %while3A_90 = arith.constant 1 : i32
    scf.for %while3A_94 = %while3A_83 to %while3A_89 step %while3A_90  : i32 {
      %mul3A_95 = arith.muli %while3A_94, %while3A_81 : i32
      %add3A_96 = arith.addi %while3A_82, %mul3A_95 : i32
      %mul3A_97 = arith.constant 320 : i32
      %mul3A_98 = arith.muli %arg1, %mul3A_97 : i32
      %mul3A_99 = arith.constant 80 : i32
      %mul3A_100 = arith.muli %add3A_96, %mul3A_99 : i32
      %add3A_101 = arith.addi %mul3A_98, %mul3A_100 : i32
      "tpu.region"() ({
        %run_scoped3A = tpu.sem_alloc : memref<!tpu.dma_semaphore, #tpu.memory_space<semaphore_mem>>
        %dma_start3A_105 = arith.constant 0 : i32
        %dma_start3A_106 = tpu.memref_slice %arg15[%add3A_101, %dma_start3A_105] : memref<5120x128xf32, #tpu.memory_space<vmem_shared>> -> memref<80x128xf32, #tpu.memory_space<vmem_shared>>
        %dma_start3A_107 = arith.constant 0 : i32
        %dma_start3A_108 = tpu.memref_slice %arg15[%add3A_101, %dma_start3A_107] : memref<5120x128xf32, #tpu.memory_space<vmem_shared>> -> memref<80x128xf32, #tpu.memory_space<vmem_shared>>
        tpu.enqueue_dma source(%dma_start3A_108 : memref<80x128xf32, #tpu.memory_space<vmem_shared>>) target(%arg10 : memref<80x128xf32, #tpu.memory_space<vmem>>) target_semaphore(%run_scoped3A : memref<!tpu.dma_semaphore, #tpu.memory_space<semaphore_mem>>)
        %dma_wait3A_109 = arith.constant 0 : i32
        %dma_wait3A_110 = tpu.memref_slice %arg15[%add3A_101, %dma_wait3A_109] : memref<5120x128xf32, #tpu.memory_space<vmem_shared>> -> memref<80x128xf32, #tpu.memory_space<vmem_shared>>
        %dma_wait3A_111 = arith.constant 0 : i32
        %dma_wait3A_112 = tpu.memref_slice %arg15[%add3A_101, %dma_wait3A_111] : memref<5120x128xf32, #tpu.memory_space<vmem_shared>> -> memref<80x128xf32, #tpu.memory_space<vmem_shared>>
        tpu.wait_dma2 semaphore(%run_scoped3A : memref<!tpu.dma_semaphore, #tpu.memory_space<semaphore_mem>>) src(%dma_wait3A_112 : memref<80x128xf32, #tpu.memory_space<vmem_shared>>) dst(%arg10 : memref<80x128xf32, #tpu.memory_space<vmem>>)
        tpu.yield
      }) : () -> ()
      %mul3A_102 = arith.constant 5000 : i32
      %mul3A_103 = arith.muli %arg0, %mul3A_102 : i32
      %add3A_104 = arith.addi %mul3A_103, %add3A_101 : i32
      "tpu.region"() ({
        %run_scoped3A = tpu.sem_alloc : memref<!tpu.dma_semaphore, #tpu.memory_space<semaphore_mem>>
        %dma_start3A_105 = arith.constant 0 : i32
        %dma_start3A_106 = tpu.memref_slice %arg7[%add3A_104, %dma_start3A_105] : memref<10000x128xf32, #tpu.memory_space<hbm>> -> memref<80x128xf32, #tpu.memory_space<hbm>>
        %dma_start3A_107 = arith.constant 0 : i32
        %dma_start3A_108 = tpu.memref_slice %arg7[%add3A_104, %dma_start3A_107] : memref<10000x128xf32, #tpu.memory_space<hbm>> -> memref<80x128xf32, #tpu.memory_space<hbm>>
        tpu.enqueue_dma source(%arg10 : memref<80x128xf32, #tpu.memory_space<vmem>>) target(%dma_start3A_108 : memref<80x128xf32, #tpu.memory_space<hbm>>) target_semaphore(%run_scoped3A : memref<!tpu.dma_semaphore, #tpu.memory_space<semaphore_mem>>)
        %dma_wait3A_109 = arith.constant 0 : i32
        %dma_wait3A_110 = tpu.memref_slice %arg7[%add3A_104, %dma_wait3A_109] : memref<10000x128xf32, #tpu.memory_space<hbm>> -> memref<80x128xf32, #tpu.memory_space<hbm>>
        %dma_wait3A_111 = arith.constant 0 : i32
        %dma_wait3A_112 = tpu.memref_slice %arg7[%add3A_104, %dma_wait3A_111] : memref<10000x128xf32, #tpu.memory_space<hbm>> -> memref<80x128xf32, #tpu.memory_space<hbm>>
        tpu.wait_dma2 semaphore(%run_scoped3A : memref<!tpu.dma_semaphore, #tpu.memory_space<semaphore_mem>>) src(%arg10 : memref<80x128xf32, #tpu.memory_space<vmem>>) dst(%dma_wait3A_112 : memref<80x128xf32, #tpu.memory_space<hbm>>)
        tpu.yield
      }) : () -> ()
    }
    %while3A_91 = arith.constant 1 : i32
    scf.for %while3A_94 = %while3A_89 to %while3A_85 step %while3A_91  : i32 {
      %mul3A_95 = arith.muli %while3A_94, %while3A_81 : i32
      %add3A_96 = arith.addi %while3A_82, %mul3A_95 : i32
      %mul3A_97 = arith.constant 320 : i32
      %mul3A_98 = arith.muli %arg1, %mul3A_97 : i32
      %mul3A_99 = arith.constant 80 : i32
      %mul3A_100 = arith.muli %add3A_96, %mul3A_99 : i32
      %add3A_101 = arith.addi %mul3A_98, %mul3A_100 : i32
      "tpu.region"() ({
        %run_scoped3A = tpu.sem_alloc : memref<!tpu.dma_semaphore, #tpu.memory_space<semaphore_mem>>
        %dma_start3A_105 = arith.constant 0 : i32
        %dma_start3A_106 = tpu.memref_slice %arg15[%add3A_101, %dma_start3A_105] : memref<5120x128xf32, #tpu.memory_space<vmem_shared>> -> memref<80x128xf32, #tpu.memory_space<vmem_shared>>
        %dma_start3A_107 = arith.constant 0 : i32
        %dma_start3A_108 = tpu.memref_slice %arg15[%add3A_101, %dma_start3A_107] : memref<5120x128xf32, #tpu.memory_space<vmem_shared>> -> memref<80x128xf32, #tpu.memory_space<vmem_shared>>
        tpu.enqueue_dma source(%dma_start3A_108 : memref<80x128xf32, #tpu.memory_space<vmem_shared>>) target(%arg10 : memref<80x128xf32, #tpu.memory_space<vmem>>) target_semaphore(%run_scoped3A : memref<!tpu.dma_semaphore, #tpu.memory_space<semaphore_mem>>)
        %dma_wait3A_109 = arith.constant 0 : i32
        %dma_wait3A_110 = tpu.memref_slice %arg15[%add3A_101, %dma_wait3A_109] : memref<5120x128xf32, #tpu.memory_space<vmem_shared>> -> memref<80x128xf32, #tpu.memory_space<vmem_shared>>
        %dma_wait3A_111 = arith.constant 0 : i32
        %dma_wait3A_112 = tpu.memref_slice %arg15[%add3A_101, %dma_wait3A_111] : memref<5120x128xf32, #tpu.memory_space<vmem_shared>> -> memref<80x128xf32, #tpu.memory_space<vmem_shared>>
        tpu.wait_dma2 semaphore(%run_scoped3A : memref<!tpu.dma_semaphore, #tpu.memory_space<semaphore_mem>>) src(%dma_wait3A_112 : memref<80x128xf32, #tpu.memory_space<vmem_shared>>) dst(%arg10 : memref<80x128xf32, #tpu.memory_space<vmem>>)
        tpu.yield
      }) : () -> ()
      %mul3A_102 = arith.constant 5000 : i32
      %mul3A_103 = arith.muli %arg0, %mul3A_102 : i32
      %add3A_104 = arith.addi %mul3A_103, %add3A_101 : i32
      "tpu.region"() ({
        %run_scoped3A = tpu.sem_alloc : memref<!tpu.dma_semaphore, #tpu.memory_space<semaphore_mem>>
        %dma_start3A_105 = arith.constant 0 : i32
        %dma_start3A_106 = tpu.memref_slice %arg7[%add3A_104, %dma_start3A_105] : memref<10000x128xf32, #tpu.memory_space<hbm>> -> memref<80x128xf32, #tpu.memory_space<hbm>>
        %dma_start3A_107 = arith.constant 0 : i32
        %dma_start3A_108 = tpu.memref_slice %arg7[%add3A_104, %dma_start3A_107] : memref<10000x128xf32, #tpu.memory_space<hbm>> -> memref<80x128xf32, #tpu.memory_space<hbm>>
        tpu.enqueue_dma source(%arg10 : memref<80x128xf32, #tpu.memory_space<vmem>>) target(%dma_start3A_108 : memref<80x128xf32, #tpu.memory_space<hbm>>) target_semaphore(%run_scoped3A : memref<!tpu.dma_semaphore, #tpu.memory_space<semaphore_mem>>)
        %dma_wait3A_109 = arith.constant 0 : i32
        %dma_wait3A_110 = tpu.memref_slice %arg7[%add3A_104, %dma_wait3A_109] : memref<10000x128xf32, #tpu.memory_space<hbm>> -> memref<80x128xf32, #tpu.memory_space<hbm>>
        %dma_wait3A_111 = arith.constant 0 : i32
        %dma_wait3A_112 = tpu.memref_slice %arg7[%add3A_104, %dma_wait3A_111] : memref<10000x128xf32, #tpu.memory_space<hbm>> -> memref<80x128xf32, #tpu.memory_space<hbm>>
        tpu.wait_dma2 semaphore(%run_scoped3A : memref<!tpu.dma_semaphore, #tpu.memory_space<semaphore_mem>>) src(%arg10 : memref<80x128xf32, #tpu.memory_space<vmem>>) dst(%dma_wait3A_112 : memref<80x128xf32, #tpu.memory_space<hbm>>)
        tpu.yield
      }) : () -> ()
    }
    %eq3A = arith.constant 15 : i32
    %eq3A_92 = arith.cmpi eq, %arg1, %eq3A : i32
    %convert_element_type3A = arith.extui %eq3A_92 : i1 to i32
    %cond3A = arith.constant 0 : i32
    %cond3A_93 = arith.cmpi ne, %convert_element_type3A, %cond3A : i32
    scf.if %cond3A_93 {
      "tpu.region"() ({
        %run_scoped3A = tpu.sem_alloc : memref<!tpu.dma_semaphore, #tpu.memory_space<semaphore_mem>>
        %dma_start3A_98 = arith.constant 0 : i32
        %dma_start3A_99 = arith.constant 0 : i32
        %dma_start3A_100 = tpu.memref_slice %arg10[%dma_start3A_98, %dma_start3A_99] : memref<80x128xf32, #tpu.memory_space<vmem>> -> memref<40x128xf32, #tpu.memory_space<vmem>>
        %dma_start3A_101 = arith.constant 4960 : i32
        %dma_start3A_102 = arith.constant 0 : i32
        %dma_start3A_103 = tpu.memref_slice %arg15[%dma_start3A_101, %dma_start3A_102] : memref<5120x128xf32, #tpu.memory_space<vmem_shared>> -> memref<40x128xf32, #tpu.memory_space<vmem_shared>>
        %dma_start3A_104 = arith.constant 0 : i32
        %dma_start3A_105 = arith.constant 0 : i32
        %dma_start3A_106 = tpu.memref_slice %arg10[%dma_start3A_104, %dma_start3A_105] : memref<80x128xf32, #tpu.memory_space<vmem>> -> memref<40x128xf32, #tpu.memory_space<vmem>>
        %dma_start3A_107 = arith.constant 4960 : i32
        %dma_start3A_108 = arith.constant 0 : i32
        %dma_start3A_109 = tpu.memref_slice %arg15[%dma_start3A_107, %dma_start3A_108] : memref<5120x128xf32, #tpu.memory_space<vmem_shared>> -> memref<40x128xf32, #tpu.memory_space<vmem_shared>>
        tpu.enqueue_dma source(%dma_start3A_109 : memref<40x128xf32, #tpu.memory_space<vmem_shared>>) target(%dma_start3A_106 : memref<40x128xf32, #tpu.memory_space<vmem>>) target_semaphore(%run_scoped3A : memref<!tpu.dma_semaphore, #tpu.memory_space<semaphore_mem>>)
        %dma_wait3A_110 = arith.constant 0 : i32
        %dma_wait3A_111 = arith.constant 0 : i32
        %dma_wait3A_112 = tpu.memref_slice %arg10[%dma_wait3A_110, %dma_wait3A_111] : memref<80x128xf32, #tpu.memory_space<vmem>> -> memref<40x128xf32, #tpu.memory_space<vmem>>
        %dma_wait3A_113 = arith.constant 4960 : i32
        %dma_wait3A_114 = arith.constant 0 : i32
        %dma_wait3A_115 = tpu.memref_slice %arg15[%dma_wait3A_113, %dma_wait3A_114] : memref<5120x128xf32, #tpu.memory_space<vmem_shared>> -> memref<40x128xf32, #tpu.memory_space<vmem_shared>>
        %dma_wait3A_116 = arith.constant 0 : i32
        %dma_wait3A_117 = arith.constant 0 : i32
        %dma_wait3A_118 = tpu.memref_slice %arg10[%dma_wait3A_116, %dma_wait3A_117] : memref<80x128xf32, #tpu.memory_space<vmem>> -> memref<40x128xf32, #tpu.memory_space<vmem>>
        %dma_wait3A_119 = arith.constant 4960 : i32
        %dma_wait3A_120 = arith.constant 0 : i32
        %dma_wait3A_121 = tpu.memref_slice %arg15[%dma_wait3A_119, %dma_wait3A_120] : memref<5120x128xf32, #tpu.memory_space<vmem_shared>> -> memref<40x128xf32, #tpu.memory_space<vmem_shared>>
        tpu.wait_dma2 semaphore(%run_scoped3A : memref<!tpu.dma_semaphore, #tpu.memory_space<semaphore_mem>>) src(%dma_wait3A_121 : memref<40x128xf32, #tpu.memory_space<vmem_shared>>) dst(%dma_wait3A_118 : memref<40x128xf32, #tpu.memory_space<vmem>>)
        tpu.yield
      }) : () -> ()
      %mul3A_94 = arith.constant 5000 : i32
      %mul3A_95 = arith.muli %arg0, %mul3A_94 : i32
      %add3A_96 = arith.constant 4960 : i32
      %add3A_97 = arith.addi %mul3A_95, %add3A_96 : i32
      "tpu.region"() ({
        %run_scoped3A = tpu.sem_alloc : memref<!tpu.dma_semaphore, #tpu.memory_space<semaphore_mem>>
        %dma_start3A_98 = arith.constant 0 : i32
        %dma_start3A_99 = arith.constant 0 : i32
        %dma_start3A_100 = tpu.memref_slice %arg10[%dma_start3A_98, %dma_start3A_99] : memref<80x128xf32, #tpu.memory_space<vmem>> -> memref<40x128xf32, #tpu.memory_space<vmem>>
        %dma_start3A_101 = arith.constant 0 : i32
        %dma_start3A_102 = tpu.memref_slice %arg7[%add3A_97, %dma_start3A_101] : memref<10000x128xf32, #tpu.memory_space<hbm>> -> memref<40x128xf32, #tpu.memory_space<hbm>>
        %dma_start3A_103 = arith.constant 0 : i32
        %dma_start3A_104 = tpu.memref_slice %arg7[%add3A_97, %dma_start3A_103] : memref<10000x128xf32, #tpu.memory_space<hbm>> -> memref<40x128xf32, #tpu.memory_space<hbm>>
        %dma_start3A_105 = arith.constant 0 : i32
        %dma_start3A_106 = arith.constant 0 : i32
        %dma_start3A_107 = tpu.memref_slice %arg10[%dma_start3A_105, %dma_start3A_106] : memref<80x128xf32, #tpu.memory_space<vmem>> -> memref<40x128xf32, #tpu.memory_space<vmem>>
        tpu.enqueue_dma source(%dma_start3A_107 : memref<40x128xf32, #tpu.memory_space<vmem>>) target(%dma_start3A_104 : memref<40x128xf32, #tpu.memory_space<hbm>>) target_semaphore(%run_scoped3A : memref<!tpu.dma_semaphore, #tpu.memory_space<semaphore_mem>>)
        %dma_wait3A_108 = arith.constant 0 : i32
        %dma_wait3A_109 = arith.constant 0 : i32
        %dma_wait3A_110 = tpu.memref_slice %arg10[%dma_wait3A_108, %dma_wait3A_109] : memref<80x128xf32, #tpu.memory_space<vmem>> -> memref<40x128xf32, #tpu.memory_space<vmem>>
        %dma_wait3A_111 = arith.constant 0 : i32
        %dma_wait3A_112 = tpu.memref_slice %arg7[%add3A_97, %dma_wait3A_111] : memref<10000x128xf32, #tpu.memory_space<hbm>> -> memref<40x128xf32, #tpu.memory_space<hbm>>
        %dma_wait3A_113 = arith.constant 0 : i32
        %dma_wait3A_114 = tpu.memref_slice %arg7[%add3A_97, %dma_wait3A_113] : memref<10000x128xf32, #tpu.memory_space<hbm>> -> memref<40x128xf32, #tpu.memory_space<hbm>>
        %dma_wait3A_115 = arith.constant 0 : i32
        %dma_wait3A_116 = arith.constant 0 : i32
        %dma_wait3A_117 = tpu.memref_slice %arg10[%dma_wait3A_115, %dma_wait3A_116] : memref<80x128xf32, #tpu.memory_space<vmem>> -> memref<40x128xf32, #tpu.memory_space<vmem>>
        tpu.wait_dma2 semaphore(%run_scoped3A : memref<!tpu.dma_semaphore, #tpu.memory_space<semaphore_mem>>) src(%dma_wait3A_117 : memref<40x128xf32, #tpu.memory_space<vmem>>) dst(%dma_wait3A_114 : memref<40x128xf32, #tpu.memory_space<hbm>>)
        tpu.yield
      }) : () -> ()
    } else {
    }
    return
  }
}

#map = affine_map<(d0, d1) -> (0)>
module attributes {stable_mosaic.version = 14 : i64} {
  func.func @_sc_route_kernel(%arg0: i32, %arg1: i32, %arg2: memref<320000xi32, #tpu.memory_space<hbm>>, %arg3: memref<320000xi32, #tpu.memory_space<hbm>>, %arg4: memref<128xf32, #tpu.memory_space<hbm>>, %arg5: memref<10000xf32, #tpu.memory_space<hbm>>, %arg6: memref<655360xi32, #tpu.memory_space<hbm>>, %arg7: memref<655360xi32, #tpu.memory_space<hbm>>, %arg8: memref<512xi32, #tpu.memory_space<hbm>>, %arg9: memref<20000xf32, #tpu.memory_space<hbm>>, %arg10: memref<20000xi32, #tpu.memory_space<vmem>>, %arg11: memref<20000xi32, #tpu.memory_space<vmem>>, %arg12: memref<20480xi32, #tpu.memory_space<vmem>>, %arg13: memref<20480xi32, #tpu.memory_space<vmem>>, %arg14: memref<128xf32, #tpu.memory_space<vmem>>, %arg15: memref<16xi32, #tpu.memory_space<vmem>>, %arg16: memref<2x80xi32, #tpu.memory_space<vmem>>, %arg17: memref<1000xf32, #tpu.memory_space<vmem>>, %arg18: memref<10000xf32, #tpu.memory_space<vmem_shared>>, %arg19: memref<!tpu.dma_semaphore, #tpu.memory_space<semaphore_mem>>) attributes {dimension_semantics = [#tpu.dimension_semantics<core_parallel>, #tpu.dimension_semantics<subcore_parallel>], iteration_bounds = array<i64: 2, 16>, scalar_prefetch = 0 : i64, scratch_operands = 10 : i64, tpu.core_type = #tpu.core_type<sc_vector_subcore>, window_params = [{transform_indices = #map}, {transform_indices = #map}, {transform_indices = #map}, {transform_indices = #map}, {transform_indices = #map}, {transform_indices = #map}, {transform_indices = #map}, {transform_indices = #map}]} {
    %mul3A = arith.constant 5000 : i32
    %mul3A_0 = arith.muli %arg0, %mul3A : i32
    %lt3A = arith.constant 10 : i32
    %lt3A_1 = arith.cmpi slt, %arg1, %lt3A : i32
    %convert_element_type3A = arith.extui %lt3A_1 : i1 to i32
    %cond3A = arith.constant 0 : i32
    %cond3A_2 = arith.cmpi ne, %convert_element_type3A, %cond3A : i32
    scf.if %cond3A_2 {
      %mul3A_147 = arith.constant 1000 : i32
      %mul3A_148 = arith.muli %arg1, %mul3A_147 : i32
      "tpu.region"() ({
        %run_scoped3A = tpu.sem_alloc : memref<!tpu.dma_semaphore, #tpu.memory_space<semaphore_mem>>
        %dma_start3A = tpu.memref_slice %arg5[%mul3A_148] : memref<10000xf32, #tpu.memory_space<hbm>> -> memref<1000xf32, #tpu.memory_space<hbm>>
        %dma_start3A_151 = tpu.memref_slice %arg5[%mul3A_148] : memref<10000xf32, #tpu.memory_space<hbm>> -> memref<1000xf32, #tpu.memory_space<hbm>>
        tpu.enqueue_dma source(%dma_start3A_151 : memref<1000xf32, #tpu.memory_space<hbm>>) target(%arg17 : memref<1000xf32, #tpu.memory_space<vmem>>) target_semaphore(%run_scoped3A : memref<!tpu.dma_semaphore, #tpu.memory_space<semaphore_mem>>)
        %dma_wait3A = tpu.memref_slice %arg5[%mul3A_148] : memref<10000xf32, #tpu.memory_space<hbm>> -> memref<1000xf32, #tpu.memory_space<hbm>>
        %dma_wait3A_152 = tpu.memref_slice %arg5[%mul3A_148] : memref<10000xf32, #tpu.memory_space<hbm>> -> memref<1000xf32, #tpu.memory_space<hbm>>
        tpu.wait_dma2 semaphore(%run_scoped3A : memref<!tpu.dma_semaphore, #tpu.memory_space<semaphore_mem>>) src(%dma_wait3A_152 : memref<1000xf32, #tpu.memory_space<hbm>>) dst(%arg17 : memref<1000xf32, #tpu.memory_space<vmem>>)
        tpu.yield
      }) : () -> ()
      %mul3A_149 = arith.constant 1000 : i32
      %mul3A_150 = arith.muli %arg1, %mul3A_149 : i32
      "tpu.region"() ({
        %run_scoped3A = tpu.sem_alloc : memref<!tpu.dma_semaphore, #tpu.memory_space<semaphore_mem>>
        %dma_start3A = tpu.memref_slice %arg18[%mul3A_150] : memref<10000xf32, #tpu.memory_space<vmem_shared>> -> memref<1000xf32, #tpu.memory_space<vmem_shared>>
        %dma_start3A_151 = tpu.memref_slice %arg18[%mul3A_150] : memref<10000xf32, #tpu.memory_space<vmem_shared>> -> memref<1000xf32, #tpu.memory_space<vmem_shared>>
        tpu.enqueue_dma source(%arg17 : memref<1000xf32, #tpu.memory_space<vmem>>) target(%dma_start3A_151 : memref<1000xf32, #tpu.memory_space<vmem_shared>>) target_semaphore(%run_scoped3A : memref<!tpu.dma_semaphore, #tpu.memory_space<semaphore_mem>>)
        %dma_wait3A = tpu.memref_slice %arg18[%mul3A_150] : memref<10000xf32, #tpu.memory_space<vmem_shared>> -> memref<1000xf32, #tpu.memory_space<vmem_shared>>
        %dma_wait3A_152 = tpu.memref_slice %arg18[%mul3A_150] : memref<10000xf32, #tpu.memory_space<vmem_shared>> -> memref<1000xf32, #tpu.memory_space<vmem_shared>>
        tpu.wait_dma2 semaphore(%run_scoped3A : memref<!tpu.dma_semaphore, #tpu.memory_space<semaphore_mem>>) src(%arg17 : memref<1000xf32, #tpu.memory_space<vmem>>) dst(%dma_wait3A_152 : memref<1000xf32, #tpu.memory_space<vmem_shared>>)
        tpu.yield
      }) : () -> ()
    } else {
    }
    "tpu.region"() ({
      %run_scoped3A = tpu.sem_alloc : memref<!tpu.dma_semaphore, #tpu.memory_space<semaphore_mem>>
      tpu.enqueue_dma source(%arg4 : memref<128xf32, #tpu.memory_space<hbm>>) target(%arg14 : memref<128xf32, #tpu.memory_space<vmem>>) target_semaphore(%run_scoped3A : memref<!tpu.dma_semaphore, #tpu.memory_space<semaphore_mem>>)
      tpu.wait_dma2 semaphore(%run_scoped3A : memref<!tpu.dma_semaphore, #tpu.memory_space<semaphore_mem>>) src(%arg4 : memref<128xf32, #tpu.memory_space<hbm>>) dst(%arg14 : memref<128xf32, #tpu.memory_space<vmem>>)
      tpu.yield
    }) : () -> ()
    %mul3A_3 = arith.constant 20000 : i32
    %mul3A_4 = arith.muli %arg1, %mul3A_3 : i32
    "tpu.region"() ({
      %run_scoped3A = tpu.sem_alloc : memref<!tpu.dma_semaphore, #tpu.memory_space<semaphore_mem>>
      %dma_start3A = tpu.memref_slice %arg2[%mul3A_4] : memref<320000xi32, #tpu.memory_space<hbm>> -> memref<20000xi32, #tpu.memory_space<hbm>>
      %dma_start3A_147 = tpu.memref_slice %arg2[%mul3A_4] : memref<320000xi32, #tpu.memory_space<hbm>> -> memref<20000xi32, #tpu.memory_space<hbm>>
      tpu.enqueue_dma source(%dma_start3A_147 : memref<20000xi32, #tpu.memory_space<hbm>>) target(%arg10 : memref<20000xi32, #tpu.memory_space<vmem>>) target_semaphore(%run_scoped3A : memref<!tpu.dma_semaphore, #tpu.memory_space<semaphore_mem>>)
      %dma_wait3A = tpu.memref_slice %arg2[%mul3A_4] : memref<320000xi32, #tpu.memory_space<hbm>> -> memref<20000xi32, #tpu.memory_space<hbm>>
      %dma_wait3A_148 = tpu.memref_slice %arg2[%mul3A_4] : memref<320000xi32, #tpu.memory_space<hbm>> -> memref<20000xi32, #tpu.memory_space<hbm>>
      tpu.wait_dma2 semaphore(%run_scoped3A : memref<!tpu.dma_semaphore, #tpu.memory_space<semaphore_mem>>) src(%dma_wait3A_148 : memref<20000xi32, #tpu.memory_space<hbm>>) dst(%arg10 : memref<20000xi32, #tpu.memory_space<vmem>>)
      tpu.yield
    }) : () -> ()
    %mul3A_5 = arith.constant 20000 : i32
    %mul3A_6 = arith.muli %arg1, %mul3A_5 : i32
    "tpu.region"() ({
      %run_scoped3A = tpu.sem_alloc : memref<!tpu.dma_semaphore, #tpu.memory_space<semaphore_mem>>
      %dma_start3A = tpu.memref_slice %arg3[%mul3A_6] : memref<320000xi32, #tpu.memory_space<hbm>> -> memref<20000xi32, #tpu.memory_space<hbm>>
      %dma_start3A_147 = tpu.memref_slice %arg3[%mul3A_6] : memref<320000xi32, #tpu.memory_space<hbm>> -> memref<20000xi32, #tpu.memory_space<hbm>>
      tpu.enqueue_dma source(%dma_start3A_147 : memref<20000xi32, #tpu.memory_space<hbm>>) target(%arg11 : memref<20000xi32, #tpu.memory_space<vmem>>) target_semaphore(%run_scoped3A : memref<!tpu.dma_semaphore, #tpu.memory_space<semaphore_mem>>)
      %dma_wait3A = tpu.memref_slice %arg3[%mul3A_6] : memref<320000xi32, #tpu.memory_space<hbm>> -> memref<20000xi32, #tpu.memory_space<hbm>>
      %dma_wait3A_148 = tpu.memref_slice %arg3[%mul3A_6] : memref<320000xi32, #tpu.memory_space<hbm>> -> memref<20000xi32, #tpu.memory_space<hbm>>
      tpu.wait_dma2 semaphore(%run_scoped3A : memref<!tpu.dma_semaphore, #tpu.memory_space<semaphore_mem>>) src(%dma_wait3A_148 : memref<20000xi32, #tpu.memory_space<hbm>>) dst(%arg11 : memref<20000xi32, #tpu.memory_space<vmem>>)
      tpu.yield
    }) : () -> ()
    %barrier3A = arith.constant 0 : index
    tpu.barrier barrier_id(%barrier3A)
    %scan3A = arith.constant 0 : i32
    %scan3A_7 = arith.constant 125 : i32
    %scan3A_8 = arith.addi %scan3A, %scan3A_7 : i32
    %scan3A_9 = arith.constant 1 : i32
    scf.for %scan3A_147 = %scan3A to %scan3A_8 step %scan3A_9  : i32 {
      %mul3A_148 = arith.constant 1 : i32
      %mul3A_149 = arith.muli %scan3A_147, %mul3A_148 : i32
      %add3A_150 = arith.constant 0 : i32
      %add3A_151 = arith.addi %add3A_150, %mul3A_149 : i32
      %mul3A_152 = arith.constant 125 : i32
      %mul3A_153 = arith.muli %arg0, %mul3A_152 : i32
      %add3A_154 = arith.addi %mul3A_153, %add3A_151 : i32
      %mul3A_155 = arith.constant 80 : i32
      %mul3A_156 = arith.muli %add3A_154, %mul3A_155 : i32
      %add3A_157 = arith.constant 0 : i32
      %add3A_158 = arith.addi %mul3A_156, %add3A_157 : i32
      %get3A = arith.index_cast %add3A_158 : i32 to index
      %get3A_159 = tpu.vector_load %arg11[%get3A] {strides = array<i32>} : memref<20000xi32, #tpu.memory_space<vmem>>, vector<16xi32>,
      %swap3A_160 = arith.constant 0 : i32
      %swap3A_161 = arith.index_cast %swap3A_160 : i32 to index
      %swap3A_162 = arith.constant 0 : index
      %swap3A_163 = tpu.vector_load %arg16[%swap3A_161, %swap3A_162] {strides = array<i32>} : memref<2x80xi32, #tpu.memory_space<vmem>>, vector<16xi32>,
      tpu.vector_store %arg16[%swap3A_161, %swap3A_162], %get3A_159 {strides = array<i32>} : memref<2x80xi32, #tpu.memory_space<vmem>>, vector<16xi32>,
      %add3A_164 = arith.constant 16 : i32
      %add3A_165 = arith.addi %mul3A_156, %add3A_164 : i32
      %get3A_166 = arith.index_cast %add3A_165 : i32 to index
      %get3A_167 = tpu.vector_load %arg11[%get3A_166] {strides = array<i32>} : memref<20000xi32, #tpu.memory_space<vmem>>, vector<16xi32>,
      %swap3A_168 = arith.constant 0 : i32
      %swap3A_169 = arith.index_cast %swap3A_168 : i32 to index
      %swap3A_170 = arith.constant 16 : index
      %swap3A_171 = tpu.vector_load %arg16[%swap3A_169, %swap3A_170] {strides = array<i32>} : memref<2x80xi32, #tpu.memory_space<vmem>>, vector<16xi32>,
      tpu.vector_store %arg16[%swap3A_169, %swap3A_170], %get3A_167 {strides = array<i32>} : memref<2x80xi32, #tpu.memory_space<vmem>>, vector<16xi32>,
      %add3A_172 = arith.constant 32 : i32
      %add3A_173 = arith.addi %mul3A_156, %add3A_172 : i32
      %get3A_174 = arith.index_cast %add3A_173 : i32 to index
      %get3A_175 = tpu.vector_load %arg11[%get3A_174] {strides = array<i32>} : memref<20000xi32, #tpu.memory_space<vmem>>, vector<16xi32>,
      %swap3A_176 = arith.constant 0 : i32
      %swap3A_177 = arith.index_cast %swap3A_176 : i32 to index
      %swap3A_178 = arith.constant 32 : index
      %swap3A_179 = tpu.vector_load %arg16[%swap3A_177, %swap3A_178] {strides = array<i32>} : memref<2x80xi32, #tpu.memory_space<vmem>>, vector<16xi32>,
      tpu.vector_store %arg16[%swap3A_177, %swap3A_178], %get3A_175 {strides = array<i32>} : memref<2x80xi32, #tpu.memory_space<vmem>>, vector<16xi32>,
      %add3A_180 = arith.constant 48 : i32
      %add3A_181 = arith.addi %mul3A_156, %add3A_180 : i32
      %get3A_182 = arith.index_cast %add3A_181 : i32 to index
      %get3A_183 = tpu.vector_load %arg11[%get3A_182] {strides = array<i32>} : memref<20000xi32, #tpu.memory_space<vmem>>, vector<16xi32>,
      %swap3A_184 = arith.constant 0 : i32
      %swap3A_185 = arith.index_cast %swap3A_184 : i32 to index
      %swap3A_186 = arith.constant 48 : index
      %swap3A_187 = tpu.vector_load %arg16[%swap3A_185, %swap3A_186] {strides = array<i32>} : memref<2x80xi32, #tpu.memory_space<vmem>>, vector<16xi32>,
      tpu.vector_store %arg16[%swap3A_185, %swap3A_186], %get3A_183 {strides = array<i32>} : memref<2x80xi32, #tpu.memory_space<vmem>>, vector<16xi32>,
      %add3A_188 = arith.constant 64 : i32
      %add3A_189 = arith.addi %mul3A_156, %add3A_188 : i32
      %get3A_190 = arith.index_cast %add3A_189 : i32 to index
      %get3A_191 = tpu.vector_load %arg11[%get3A_190] {strides = array<i32>} : memref<20000xi32, #tpu.memory_space<vmem>>, vector<16xi32>,
      %swap3A_192 = arith.constant 0 : i32
      %swap3A_193 = arith.index_cast %swap3A_192 : i32 to index
      %swap3A_194 = arith.constant 64 : index
      %swap3A_195 = tpu.vector_load %arg16[%swap3A_193, %swap3A_194] {strides = array<i32>} : memref<2x80xi32, #tpu.memory_space<vmem>>, vector<16xi32>,
      tpu.vector_store %arg16[%swap3A_193, %swap3A_194], %get3A_191 {strides = array<i32>} : memref<2x80xi32, #tpu.memory_space<vmem>>, vector<16xi32>,
      %run_scoped3A = arith.constant 0 : i32
      "tpu.region"() ({
        %run_scoped3A_196 = tpu.sem_alloc : memref<!tpu.dma_semaphore, #tpu.memory_space<semaphore_mem>>
        %dma_start3A = arith.constant 0 : i32
        %dma_start3A_197 = tpu.memref_slice %arg14[%dma_start3A] : memref<128xf32, #tpu.memory_space<vmem>> -> memref<80xf32, #tpu.memory_space<vmem>>
        %dma_start3A_198 = arith.constant 0 : i32
        %dma_start3A_199 = tpu.memref_slice %arg16[%run_scoped3A, %dma_start3A_198] : memref<2x80xi32, #tpu.memory_space<vmem>> -> memref<1x80xi32, #tpu.memory_space<vmem>>
        %dma_start3A_200 = tpu.memref_squeeze %dma_start3A_199 : memref<1x80xi32, #tpu.memory_space<vmem>> -> memref<80xi32, #tpu.memory_space<vmem>>
        %dma_start3A_201 = arith.constant 0 : i32
        %dma_start3A_202 = tpu.memref_slice %arg18[%dma_start3A_201] : memref<10000xf32, #tpu.memory_space<vmem_shared>> -> memref<10000xf32, #tpu.memory_space<vmem_shared>>
        tpu.enqueue_indirect_dma source(%dma_start3A_197 : memref<80xf32, #tpu.memory_space<vmem>>) target(%dma_start3A_202 : memref<10000xf32, #tpu.memory_space<vmem_shared>>) offsets(%dma_start3A_200 : memref<80xi32, #tpu.memory_space<vmem>>) semaphore(%run_scoped3A_196 : memref<!tpu.dma_semaphore, #tpu.memory_space<semaphore_mem>>) {add = true}
        %dma_wait3A = arith.constant 0 : i32
        %dma_wait3A_203 = tpu.memref_slice %arg14[%dma_wait3A] : memref<128xf32, #tpu.memory_space<vmem>> -> memref<80xf32, #tpu.memory_space<vmem>>
        %dma_wait3A_204 = arith.constant 0 : i32
        %dma_wait3A_205 = tpu.memref_slice %arg16[%run_scoped3A, %dma_wait3A_204] : memref<2x80xi32, #tpu.memory_space<vmem>> -> memref<1x80xi32, #tpu.memory_space<vmem>>
        %dma_wait3A_206 = tpu.memref_squeeze %dma_wait3A_205 : memref<1x80xi32, #tpu.memory_space<vmem>> -> memref<80xi32, #tpu.memory_space<vmem>>
        %dma_wait3A_207 = arith.constant 0 : i32
        %dma_wait3A_208 = tpu.memref_slice %arg18[%dma_wait3A_207] : memref<10000xf32, #tpu.memory_space<vmem_shared>> -> memref<10000xf32, #tpu.memory_space<vmem_shared>>
        tpu.wait_indirect_dma semaphore(%run_scoped3A_196 : memref<!tpu.dma_semaphore, #tpu.memory_space<semaphore_mem>>) src(%dma_wait3A_203 : memref<80xf32, #tpu.memory_space<vmem>>) dst(%dma_wait3A_208 : memref<10000xf32, #tpu.memory_space<vmem_shared>>)
        tpu.yield
      }) : () -> ()
    }
    %scan3A_10 = arith.constant 125 : i32
    %scan3A_11 = arith.constant 0 : i32
    %scan3A_12 = arith.constant 0 : i32
    %scan3A_13 = arith.constant 1250 : i32
    %scan3A_14 = arith.addi %scan3A_12, %scan3A_13 : i32
    %scan3A_15 = arith.constant 1 : i32
    %scan3A_16 = scf.for %scan3A_147 = %scan3A_12 to %scan3A_14 step %scan3A_15 iter_args(%scan3A_148 = %scan3A_11) -> (i32)  : i32 {
      %mul3A_149 = arith.constant 1 : i32
      %mul3A_150 = arith.muli %scan3A_147, %mul3A_149 : i32
      %add3A_151 = arith.constant 0 : i32
      %add3A_152 = arith.addi %add3A_151, %mul3A_150 : i32
      %mul3A_153 = arith.constant 16 : i32
      %mul3A_154 = arith.muli %add3A_152, %mul3A_153 : i32
      %get3A = arith.index_cast %mul3A_154 : i32 to index
      %get3A_155 = tpu.vector_load %arg11[%get3A] {strides = array<i32>} : memref<20000xi32, #tpu.memory_space<vmem>>, vector<16xi32>,
      %ge3A_156 = vector.broadcast %mul3A_0 : i32 to vector<16xi32>
      %ge3A_157 = arith.cmpi sge, %get3A_155, %ge3A_156 : vector<16xi32>
      %add3A_158 = arith.constant 5000 : i32
      %add3A_159 = arith.addi %mul3A_0, %add3A_158 : i32
      %lt3A_160 = vector.broadcast %add3A_159 : i32 to vector<16xi32>
      %lt3A_161 = arith.cmpi slt, %get3A_155, %lt3A_160 : vector<16xi32>
      %and3A = arith.andi %ge3A_157, %lt3A_161 : vector<16xi1>
      %convert_element_type3A_162 = arith.extui %and3A : vector<16xi1> to vector<16xi32>
      %broadcast_in_dim3A_163 = arith.constant true
      %broadcast_in_dim3A_164 = vector.broadcast %broadcast_in_dim3A_163 : i1 to vector<16xi1>
      %masked_cumsum3A = tpu.scan <sum>, %convert_element_type3A_162 masked %broadcast_in_dim3A_164 : vector<16xi32>, vector<16xi1> -> vector<16xi32>
      %add3A_165 = vector.broadcast %scan3A_148 : i32 to vector<16xi32>
      %add3A_166 = arith.addi %add3A_165, %masked_cumsum3A : vector<16xi32>
      %sub3A = arith.constant 1 : i32
      %sub3A_167 = vector.broadcast %sub3A : i32 to vector<16xi32>
      %sub3A_168 = arith.subi %add3A_166, %sub3A_167 : vector<16xi32>
      %sub3A_169 = vector.broadcast %mul3A_0 : i32 to vector<16xi32>
      %sub3A_170 = arith.subi %get3A_155, %sub3A_169 : vector<16xi32>
      tpu.vector_store_idx %arg13[%sub3A_168], %sub3A_170 masked %and3A : memref<20480xi32, #tpu.memory_space<vmem>>[vector<16xi32>], vector<16xi32>, vector<16xi1>
      %get3A_171 = arith.index_cast %mul3A_154 : i32 to index
      %get3A_172 = tpu.vector_load %arg10[%get3A_171] {strides = array<i32>} : memref<20000xi32, #tpu.memory_space<vmem>>, vector<16xi32>,
      tpu.vector_store_idx %arg12[%sub3A_168], %get3A_172 masked %and3A : memref<20480xi32, #tpu.memory_space<vmem>>[vector<16xi32>], vector<16xi32>, vector<16xi1>
      %slice3A = vector.extract_strided_slice %masked_cumsum3A {offsets = [15], sizes = [1], strides = [1]} : vector<16xi32> to vector<1xi32>
      %squeeze3A = vector.extract %slice3A[0] : i32 from vector<1xi32>
      %add3A_173 = arith.addi %scan3A_148, %squeeze3A : i32
      scf.yield %add3A_173 : i32
    }
    %scan3A_17 = arith.constant 1250 : i32
    %iota3A = tpu.iota {dimensions = array<i32: 0>} : vector<16xi32>
    %mul3A_18 = arith.constant 2 : i32
    %mul3A_19 = vector.broadcast %mul3A_18 : i32 to vector<16xi32>
    %mul3A_20 = arith.muli %iota3A, %mul3A_19 : vector<16xi32>
    %add3A = arith.constant 5000 : i32
    %add3A_21 = vector.broadcast %add3A : i32 to vector<16xi32>
    %add3A_22 = arith.addi %add3A_21, %mul3A_20 : vector<16xi32>
    %broadcast_in_dim3A = arith.constant 0 : i32
    %broadcast_in_dim3A_23 = vector.broadcast %broadcast_in_dim3A : i32 to vector<16xi32>
    %ge3A = arith.constant 0 : i32
    %ge3A_24 = vector.broadcast %ge3A : i32 to vector<16xi32>
    %ge3A_25 = arith.cmpi sge, %iota3A, %ge3A_24 : vector<16xi32>
    %add3A_26 = arith.constant 0 : i32
    %add3A_27 = arith.addi %scan3A_16, %add3A_26 : i32
    %add3A_28 = vector.broadcast %add3A_27 : i32 to vector<16xi32>
    %add3A_29 = arith.addi %add3A_28, %iota3A : vector<16xi32>
    tpu.vector_store_idx %arg13[%add3A_29], %add3A_22 masked %ge3A_25 : memref<20480xi32, #tpu.memory_space<vmem>>[vector<16xi32>], vector<16xi32>, vector<16xi1>
    tpu.vector_store_idx %arg12[%add3A_29], %broadcast_in_dim3A_23 masked %ge3A_25 : memref<20480xi32, #tpu.memory_space<vmem>>[vector<16xi32>], vector<16xi32>, vector<16xi1>
    %add3A_30 = arith.constant 16 : i32
    %add3A_31 = arith.addi %scan3A_16, %add3A_30 : i32
    %add3A_32 = vector.broadcast %add3A_31 : i32 to vector<16xi32>
    %add3A_33 = arith.addi %add3A_32, %iota3A : vector<16xi32>
    tpu.vector_store_idx %arg13[%add3A_33], %add3A_22 masked %ge3A_25 : memref<20480xi32, #tpu.memory_space<vmem>>[vector<16xi32>], vector<16xi32>, vector<16xi1>
    tpu.vector_store_idx %arg12[%add3A_33], %broadcast_in_dim3A_23 masked %ge3A_25 : memref<20480xi32, #tpu.memory_space<vmem>>[vector<16xi32>], vector<16xi32>, vector<16xi1>
    %add3A_34 = arith.constant 32 : i32
    %add3A_35 = arith.addi %scan3A_16, %add3A_34 : i32
    %add3A_36 = vector.broadcast %add3A_35 : i32 to vector<16xi32>
    %add3A_37 = arith.addi %add3A_36, %iota3A : vector<16xi32>
    tpu.vector_store_idx %arg13[%add3A_37], %add3A_22 masked %ge3A_25 : memref<20480xi32, #tpu.memory_space<vmem>>[vector<16xi32>], vector<16xi32>, vector<16xi1>
    tpu.vector_store_idx %arg12[%add3A_37], %broadcast_in_dim3A_23 masked %ge3A_25 : memref<20480xi32, #tpu.memory_space<vmem>>[vector<16xi32>], vector<16xi32>, vector<16xi1>
    %add3A_38 = arith.constant 48 : i32
    %add3A_39 = arith.addi %scan3A_16, %add3A_38 : i32
    %add3A_40 = vector.broadcast %add3A_39 : i32 to vector<16xi32>
    %add3A_41 = arith.addi %add3A_40, %iota3A : vector<16xi32>
    tpu.vector_store_idx %arg13[%add3A_41], %add3A_22 masked %ge3A_25 : memref<20480xi32, #tpu.memory_space<vmem>>[vector<16xi32>], vector<16xi32>, vector<16xi1>
    tpu.vector_store_idx %arg12[%add3A_41], %broadcast_in_dim3A_23 masked %ge3A_25 : memref<20480xi32, #tpu.memory_space<vmem>>[vector<16xi32>], vector<16xi32>, vector<16xi1>
    %add3A_42 = arith.constant 64 : i32
    %add3A_43 = arith.addi %scan3A_16, %add3A_42 : i32
    %add3A_44 = vector.broadcast %add3A_43 : i32 to vector<16xi32>
    %add3A_45 = arith.addi %add3A_44, %iota3A : vector<16xi32>
    tpu.vector_store_idx %arg13[%add3A_45], %add3A_22 masked %ge3A_25 : memref<20480xi32, #tpu.memory_space<vmem>>[vector<16xi32>], vector<16xi32>, vector<16xi1>
    tpu.vector_store_idx %arg12[%add3A_45], %broadcast_in_dim3A_23 masked %ge3A_25 : memref<20480xi32, #tpu.memory_space<vmem>>[vector<16xi32>], vector<16xi32>, vector<16xi1>
    %add3A_46 = arith.constant 80 : i32
    %add3A_47 = arith.addi %scan3A_16, %add3A_46 : i32
    %add3A_48 = vector.broadcast %add3A_47 : i32 to vector<16xi32>
    %add3A_49 = arith.addi %add3A_48, %iota3A : vector<16xi32>
    tpu.vector_store_idx %arg13[%add3A_49], %add3A_22 masked %ge3A_25 : memref<20480xi32, #tpu.memory_space<vmem>>[vector<16xi32>], vector<16xi32>, vector<16xi1>
    tpu.vector_store_idx %arg12[%add3A_49], %broadcast_in_dim3A_23 masked %ge3A_25 : memref<20480xi32, #tpu.memory_space<vmem>>[vector<16xi32>], vector<16xi32>, vector<16xi1>
    %add3A_50 = arith.constant 96 : i32
    %add3A_51 = arith.addi %scan3A_16, %add3A_50 : i32
    %add3A_52 = vector.broadcast %add3A_51 : i32 to vector<16xi32>
    %add3A_53 = arith.addi %add3A_52, %iota3A : vector<16xi32>
    tpu.vector_store_idx %arg13[%add3A_53], %add3A_22 masked %ge3A_25 : memref<20480xi32, #tpu.memory_space<vmem>>[vector<16xi32>], vector<16xi32>, vector<16xi1>
    tpu.vector_store_idx %arg12[%add3A_53], %broadcast_in_dim3A_23 masked %ge3A_25 : memref<20480xi32, #tpu.memory_space<vmem>>[vector<16xi32>], vector<16xi32>, vector<16xi1>
    %add3A_54 = arith.constant 112 : i32
    %add3A_55 = arith.addi %scan3A_16, %add3A_54 : i32
    %add3A_56 = vector.broadcast %add3A_55 : i32 to vector<16xi32>
    %add3A_57 = arith.addi %add3A_56, %iota3A : vector<16xi32>
    tpu.vector_store_idx %arg13[%add3A_57], %add3A_22 masked %ge3A_25 : memref<20480xi32, #tpu.memory_space<vmem>>[vector<16xi32>], vector<16xi32>, vector<16xi1>
    tpu.vector_store_idx %arg12[%add3A_57], %broadcast_in_dim3A_23 masked %ge3A_25 : memref<20480xi32, #tpu.memory_space<vmem>>[vector<16xi32>], vector<16xi32>, vector<16xi1>
    %add3A_58 = arith.constant 128 : i32
    %add3A_59 = arith.addi %scan3A_16, %add3A_58 : i32
    %add3A_60 = vector.broadcast %add3A_59 : i32 to vector<16xi32>
    %add3A_61 = arith.addi %add3A_60, %iota3A : vector<16xi32>
    tpu.vector_store_idx %arg13[%add3A_61], %add3A_22 masked %ge3A_25 : memref<20480xi32, #tpu.memory_space<vmem>>[vector<16xi32>], vector<16xi32>, vector<16xi1>
    tpu.vector_store_idx %arg12[%add3A_61], %broadcast_in_dim3A_23 masked %ge3A_25 : memref<20480xi32, #tpu.memory_space<vmem>>[vector<16xi32>], vector<16xi32>, vector<16xi1>
    %add3A_62 = arith.constant 144 : i32
    %add3A_63 = arith.addi %scan3A_16, %add3A_62 : i32
    %add3A_64 = vector.broadcast %add3A_63 : i32 to vector<16xi32>
    %add3A_65 = arith.addi %add3A_64, %iota3A : vector<16xi32>
    tpu.vector_store_idx %arg13[%add3A_65], %add3A_22 masked %ge3A_25 : memref<20480xi32, #tpu.memory_space<vmem>>[vector<16xi32>], vector<16xi32>, vector<16xi1>
    tpu.vector_store_idx %arg12[%add3A_65], %broadcast_in_dim3A_23 masked %ge3A_25 : memref<20480xi32, #tpu.memory_space<vmem>>[vector<16xi32>], vector<16xi32>, vector<16xi1>
    %add3A_66 = arith.constant 160 : i32
    %add3A_67 = arith.addi %scan3A_16, %add3A_66 : i32
    %add3A_68 = vector.broadcast %add3A_67 : i32 to vector<16xi32>
    %add3A_69 = arith.addi %add3A_68, %iota3A : vector<16xi32>
    tpu.vector_store_idx %arg13[%add3A_69], %add3A_22 masked %ge3A_25 : memref<20480xi32, #tpu.memory_space<vmem>>[vector<16xi32>], vector<16xi32>, vector<16xi1>
    tpu.vector_store_idx %arg12[%add3A_69], %broadcast_in_dim3A_23 masked %ge3A_25 : memref<20480xi32, #tpu.memory_space<vmem>>[vector<16xi32>], vector<16xi32>, vector<16xi1>
    %add3A_70 = arith.constant 176 : i32
    %add3A_71 = arith.addi %scan3A_16, %add3A_70 : i32
    %add3A_72 = vector.broadcast %add3A_71 : i32 to vector<16xi32>
    %add3A_73 = arith.addi %add3A_72, %iota3A : vector<16xi32>
    tpu.vector_store_idx %arg13[%add3A_73], %add3A_22 masked %ge3A_25 : memref<20480xi32, #tpu.memory_space<vmem>>[vector<16xi32>], vector<16xi32>, vector<16xi1>
    tpu.vector_store_idx %arg12[%add3A_73], %broadcast_in_dim3A_23 masked %ge3A_25 : memref<20480xi32, #tpu.memory_space<vmem>>[vector<16xi32>], vector<16xi32>, vector<16xi1>
    %add3A_74 = arith.constant 192 : i32
    %add3A_75 = arith.addi %scan3A_16, %add3A_74 : i32
    %add3A_76 = vector.broadcast %add3A_75 : i32 to vector<16xi32>
    %add3A_77 = arith.addi %add3A_76, %iota3A : vector<16xi32>
    tpu.vector_store_idx %arg13[%add3A_77], %add3A_22 masked %ge3A_25 : memref<20480xi32, #tpu.memory_space<vmem>>[vector<16xi32>], vector<16xi32>, vector<16xi1>
    tpu.vector_store_idx %arg12[%add3A_77], %broadcast_in_dim3A_23 masked %ge3A_25 : memref<20480xi32, #tpu.memory_space<vmem>>[vector<16xi32>], vector<16xi32>, vector<16xi1>
    %add3A_78 = arith.constant 208 : i32
    %add3A_79 = arith.addi %scan3A_16, %add3A_78 : i32
    %add3A_80 = vector.broadcast %add3A_79 : i32 to vector<16xi32>
    %add3A_81 = arith.addi %add3A_80, %iota3A : vector<16xi32>
    tpu.vector_store_idx %arg13[%add3A_81], %add3A_22 masked %ge3A_25 : memref<20480xi32, #tpu.memory_space<vmem>>[vector<16xi32>], vector<16xi32>, vector<16xi1>
    tpu.vector_store_idx %arg12[%add3A_81], %broadcast_in_dim3A_23 masked %ge3A_25 : memref<20480xi32, #tpu.memory_space<vmem>>[vector<16xi32>], vector<16xi32>, vector<16xi1>
    %add3A_82 = arith.constant 224 : i32
    %add3A_83 = arith.addi %scan3A_16, %add3A_82 : i32
    %add3A_84 = vector.broadcast %add3A_83 : i32 to vector<16xi32>
    %add3A_85 = arith.addi %add3A_84, %iota3A : vector<16xi32>
    tpu.vector_store_idx %arg13[%add3A_85], %add3A_22 masked %ge3A_25 : memref<20480xi32, #tpu.memory_space<vmem>>[vector<16xi32>], vector<16xi32>, vector<16xi1>
    tpu.vector_store_idx %arg12[%add3A_85], %broadcast_in_dim3A_23 masked %ge3A_25 : memref<20480xi32, #tpu.memory_space<vmem>>[vector<16xi32>], vector<16xi32>, vector<16xi1>
    %add3A_86 = arith.constant 240 : i32
    %add3A_87 = arith.addi %scan3A_16, %add3A_86 : i32
    %add3A_88 = vector.broadcast %add3A_87 : i32 to vector<16xi32>
    %add3A_89 = arith.addi %add3A_88, %iota3A : vector<16xi32>
    tpu.vector_store_idx %arg13[%add3A_89], %add3A_22 masked %ge3A_25 : memref<20480xi32, #tpu.memory_space<vmem>>[vector<16xi32>], vector<16xi32>, vector<16xi1>
    tpu.vector_store_idx %arg12[%add3A_89], %broadcast_in_dim3A_23 masked %ge3A_25 : memref<20480xi32, #tpu.memory_space<vmem>>[vector<16xi32>], vector<16xi32>, vector<16xi1>
    %add3A_90 = arith.constant 256 : i32
    %add3A_91 = arith.addi %scan3A_16, %add3A_90 : i32
    %add3A_92 = vector.broadcast %add3A_91 : i32 to vector<16xi32>
    %add3A_93 = arith.addi %add3A_92, %iota3A : vector<16xi32>
    tpu.vector_store_idx %arg13[%add3A_93], %add3A_22 masked %ge3A_25 : memref<20480xi32, #tpu.memory_space<vmem>>[vector<16xi32>], vector<16xi32>, vector<16xi1>
    tpu.vector_store_idx %arg12[%add3A_93], %broadcast_in_dim3A_23 masked %ge3A_25 : memref<20480xi32, #tpu.memory_space<vmem>>[vector<16xi32>], vector<16xi32>, vector<16xi1>
    %add3A_94 = arith.constant 272 : i32
    %add3A_95 = arith.addi %scan3A_16, %add3A_94 : i32
    %add3A_96 = vector.broadcast %add3A_95 : i32 to vector<16xi32>
    %add3A_97 = arith.addi %add3A_96, %iota3A : vector<16xi32>
    tpu.vector_store_idx %arg13[%add3A_97], %add3A_22 masked %ge3A_25 : memref<20480xi32, #tpu.memory_space<vmem>>[vector<16xi32>], vector<16xi32>, vector<16xi1>
    tpu.vector_store_idx %arg12[%add3A_97], %broadcast_in_dim3A_23 masked %ge3A_25 : memref<20480xi32, #tpu.memory_space<vmem>>[vector<16xi32>], vector<16xi32>, vector<16xi1>
    %add3A_98 = arith.constant 288 : i32
    %add3A_99 = arith.addi %scan3A_16, %add3A_98 : i32
    %add3A_100 = vector.broadcast %add3A_99 : i32 to vector<16xi32>
    %add3A_101 = arith.addi %add3A_100, %iota3A : vector<16xi32>
    tpu.vector_store_idx %arg13[%add3A_101], %add3A_22 masked %ge3A_25 : memref<20480xi32, #tpu.memory_space<vmem>>[vector<16xi32>], vector<16xi32>, vector<16xi1>
    tpu.vector_store_idx %arg12[%add3A_101], %broadcast_in_dim3A_23 masked %ge3A_25 : memref<20480xi32, #tpu.memory_space<vmem>>[vector<16xi32>], vector<16xi32>, vector<16xi1>
    %add3A_102 = arith.constant 304 : i32
    %add3A_103 = arith.addi %scan3A_16, %add3A_102 : i32
    %add3A_104 = vector.broadcast %add3A_103 : i32 to vector<16xi32>
    %add3A_105 = arith.addi %add3A_104, %iota3A : vector<16xi32>
    tpu.vector_store_idx %arg13[%add3A_105], %add3A_22 masked %ge3A_25 : memref<20480xi32, #tpu.memory_space<vmem>>[vector<16xi32>], vector<16xi32>, vector<16xi1>
    tpu.vector_store_idx %arg12[%add3A_105], %broadcast_in_dim3A_23 masked %ge3A_25 : memref<20480xi32, #tpu.memory_space<vmem>>[vector<16xi32>], vector<16xi32>, vector<16xi1>
    %add3A_106 = arith.constant 320 : i32
    %add3A_107 = arith.addi %scan3A_16, %add3A_106 : i32
    %add3A_108 = vector.broadcast %add3A_107 : i32 to vector<16xi32>
    %add3A_109 = arith.addi %add3A_108, %iota3A : vector<16xi32>
    tpu.vector_store_idx %arg13[%add3A_109], %add3A_22 masked %ge3A_25 : memref<20480xi32, #tpu.memory_space<vmem>>[vector<16xi32>], vector<16xi32>, vector<16xi1>
    tpu.vector_store_idx %arg12[%add3A_109], %broadcast_in_dim3A_23 masked %ge3A_25 : memref<20480xi32, #tpu.memory_space<vmem>>[vector<16xi32>], vector<16xi32>, vector<16xi1>
    %add3A_110 = arith.constant 336 : i32
    %add3A_111 = arith.addi %scan3A_16, %add3A_110 : i32
    %add3A_112 = vector.broadcast %add3A_111 : i32 to vector<16xi32>
    %add3A_113 = arith.addi %add3A_112, %iota3A : vector<16xi32>
    tpu.vector_store_idx %arg13[%add3A_113], %add3A_22 masked %ge3A_25 : memref<20480xi32, #tpu.memory_space<vmem>>[vector<16xi32>], vector<16xi32>, vector<16xi1>
    tpu.vector_store_idx %arg12[%add3A_113], %broadcast_in_dim3A_23 masked %ge3A_25 : memref<20480xi32, #tpu.memory_space<vmem>>[vector<16xi32>], vector<16xi32>, vector<16xi1>
    %add3A_114 = arith.constant 352 : i32
    %add3A_115 = arith.addi %scan3A_16, %add3A_114 : i32
    %add3A_116 = vector.broadcast %add3A_115 : i32 to vector<16xi32>
    %add3A_117 = arith.addi %add3A_116, %iota3A : vector<16xi32>
    tpu.vector_store_idx %arg13[%add3A_117], %add3A_22 masked %ge3A_25 : memref<20480xi32, #tpu.memory_space<vmem>>[vector<16xi32>], vector<16xi32>, vector<16xi1>
    tpu.vector_store_idx %arg12[%add3A_117], %broadcast_in_dim3A_23 masked %ge3A_25 : memref<20480xi32, #tpu.memory_space<vmem>>[vector<16xi32>], vector<16xi32>, vector<16xi1>
    %add3A_118 = arith.constant 368 : i32
    %add3A_119 = arith.addi %scan3A_16, %add3A_118 : i32
    %add3A_120 = vector.broadcast %add3A_119 : i32 to vector<16xi32>
    %add3A_121 = arith.addi %add3A_120, %iota3A : vector<16xi32>
    tpu.vector_store_idx %arg13[%add3A_121], %add3A_22 masked %ge3A_25 : memref<20480xi32, #tpu.memory_space<vmem>>[vector<16xi32>], vector<16xi32>, vector<16xi1>
    tpu.vector_store_idx %arg12[%add3A_121], %broadcast_in_dim3A_23 masked %ge3A_25 : memref<20480xi32, #tpu.memory_space<vmem>>[vector<16xi32>], vector<16xi32>, vector<16xi1>
    %add3A_122 = arith.constant 384 : i32
    %add3A_123 = arith.addi %scan3A_16, %add3A_122 : i32
    %add3A_124 = vector.broadcast %add3A_123 : i32 to vector<16xi32>
    %add3A_125 = arith.addi %add3A_124, %iota3A : vector<16xi32>
    tpu.vector_store_idx %arg13[%add3A_125], %add3A_22 masked %ge3A_25 : memref<20480xi32, #tpu.memory_space<vmem>>[vector<16xi32>], vector<16xi32>, vector<16xi1>
    tpu.vector_store_idx %arg12[%add3A_125], %broadcast_in_dim3A_23 masked %ge3A_25 : memref<20480xi32, #tpu.memory_space<vmem>>[vector<16xi32>], vector<16xi32>, vector<16xi1>
    %add3A_126 = arith.constant 400 : i32
    %add3A_127 = arith.addi %scan3A_16, %add3A_126 : i32
    %add3A_128 = vector.broadcast %add3A_127 : i32 to vector<16xi32>
    %add3A_129 = arith.addi %add3A_128, %iota3A : vector<16xi32>
    tpu.vector_store_idx %arg13[%add3A_129], %add3A_22 masked %ge3A_25 : memref<20480xi32, #tpu.memory_space<vmem>>[vector<16xi32>], vector<16xi32>, vector<16xi1>
    tpu.vector_store_idx %arg12[%add3A_129], %broadcast_in_dim3A_23 masked %ge3A_25 : memref<20480xi32, #tpu.memory_space<vmem>>[vector<16xi32>], vector<16xi32>, vector<16xi1>
    %mul3A_130 = arith.constant 16 : i32
    %mul3A_131 = arith.muli %arg0, %mul3A_130 : i32
    %add3A_132 = arith.addi %mul3A_131, %arg1 : i32
    %mul3A_133 = arith.constant 20480 : i32
    %mul3A_134 = arith.muli %add3A_132, %mul3A_133 : i32
    "tpu.region"() ({
      %run_scoped3A = tpu.sem_alloc : memref<!tpu.dma_semaphore, #tpu.memory_space<semaphore_mem>>
      %dma_start3A = tpu.memref_slice %arg6[%mul3A_134] : memref<655360xi32, #tpu.memory_space<hbm>> -> memref<20480xi32, #tpu.memory_space<hbm>>
      %dma_start3A_147 = tpu.memref_slice %arg6[%mul3A_134] : memref<655360xi32, #tpu.memory_space<hbm>> -> memref<20480xi32, #tpu.memory_space<hbm>>
      tpu.enqueue_dma source(%arg12 : memref<20480xi32, #tpu.memory_space<vmem>>) target(%dma_start3A_147 : memref<20480xi32, #tpu.memory_space<hbm>>) target_semaphore(%run_scoped3A : memref<!tpu.dma_semaphore, #tpu.memory_space<semaphore_mem>>)
      %dma_wait3A = tpu.memref_slice %arg6[%mul3A_134] : memref<655360xi32, #tpu.memory_space<hbm>> -> memref<20480xi32, #tpu.memory_space<hbm>>
      %dma_wait3A_148 = tpu.memref_slice %arg6[%mul3A_134] : memref<655360xi32, #tpu.memory_space<hbm>> -> memref<20480xi32, #tpu.memory_space<hbm>>
      tpu.wait_dma2 semaphore(%run_scoped3A : memref<!tpu.dma_semaphore, #tpu.memory_space<semaphore_mem>>) src(%arg12 : memref<20480xi32, #tpu.memory_space<vmem>>) dst(%dma_wait3A_148 : memref<20480xi32, #tpu.memory_space<hbm>>)
      tpu.yield
    }) : () -> ()
    %mul3A_135 = arith.constant 20480 : i32
    %mul3A_136 = arith.muli %add3A_132, %mul3A_135 : i32
    "tpu.region"() ({
      %run_scoped3A = tpu.sem_alloc : memref<!tpu.dma_semaphore, #tpu.memory_space<semaphore_mem>>
      %dma_start3A = tpu.memref_slice %arg7[%mul3A_136] : memref<655360xi32, #tpu.memory_space<hbm>> -> memref<20480xi32, #tpu.memory_space<hbm>>
      %dma_start3A_147 = tpu.memref_slice %arg7[%mul3A_136] : memref<655360xi32, #tpu.memory_space<hbm>> -> memref<20480xi32, #tpu.memory_space<hbm>>
      tpu.enqueue_dma source(%arg13 : memref<20480xi32, #tpu.memory_space<vmem>>) target(%dma_start3A_147 : memref<20480xi32, #tpu.memory_space<hbm>>) target_semaphore(%run_scoped3A : memref<!tpu.dma_semaphore, #tpu.memory_space<semaphore_mem>>)
      %dma_wait3A = tpu.memref_slice %arg7[%mul3A_136] : memref<655360xi32, #tpu.memory_space<hbm>> -> memref<20480xi32, #tpu.memory_space<hbm>>
      %dma_wait3A_148 = tpu.memref_slice %arg7[%mul3A_136] : memref<655360xi32, #tpu.memory_space<hbm>> -> memref<20480xi32, #tpu.memory_space<hbm>>
      tpu.wait_dma2 semaphore(%run_scoped3A : memref<!tpu.dma_semaphore, #tpu.memory_space<semaphore_mem>>) src(%arg13 : memref<20480xi32, #tpu.memory_space<vmem>>) dst(%dma_wait3A_148 : memref<20480xi32, #tpu.memory_space<hbm>>)
      tpu.yield
    }) : () -> ()
    %broadcast_in_dim3A_137 = vector.broadcast %scan3A_16 : i32 to vector<16xi32>
    %swap3A = arith.constant 0 : index
    %swap3A_138 = tpu.vector_load %arg15[%swap3A] {strides = array<i32>} : memref<16xi32, #tpu.memory_space<vmem>>, vector<16xi32>,
    tpu.vector_store %arg15[%swap3A], %broadcast_in_dim3A_137 {strides = array<i32>} : memref<16xi32, #tpu.memory_space<vmem>>, vector<16xi32>,
    %mul3A_139 = arith.constant 16 : i32
    %mul3A_140 = arith.muli %add3A_132, %mul3A_139 : i32
    "tpu.region"() ({
      %run_scoped3A = tpu.sem_alloc : memref<!tpu.dma_semaphore, #tpu.memory_space<semaphore_mem>>
      %dma_start3A = tpu.memref_slice %arg8[%mul3A_140] : memref<512xi32, #tpu.memory_space<hbm>> -> memref<16xi32, #tpu.memory_space<hbm>>
      %dma_start3A_147 = tpu.memref_slice %arg8[%mul3A_140] : memref<512xi32, #tpu.memory_space<hbm>> -> memref<16xi32, #tpu.memory_space<hbm>>
      tpu.enqueue_dma source(%arg15 : memref<16xi32, #tpu.memory_space<vmem>>) target(%dma_start3A_147 : memref<16xi32, #tpu.memory_space<hbm>>) target_semaphore(%run_scoped3A : memref<!tpu.dma_semaphore, #tpu.memory_space<semaphore_mem>>)
      %dma_wait3A = tpu.memref_slice %arg8[%mul3A_140] : memref<512xi32, #tpu.memory_space<hbm>> -> memref<16xi32, #tpu.memory_space<hbm>>
      %dma_wait3A_148 = tpu.memref_slice %arg8[%mul3A_140] : memref<512xi32, #tpu.memory_space<hbm>> -> memref<16xi32, #tpu.memory_space<hbm>>
      tpu.wait_dma2 semaphore(%run_scoped3A : memref<!tpu.dma_semaphore, #tpu.memory_space<semaphore_mem>>) src(%arg15 : memref<16xi32, #tpu.memory_space<vmem>>) dst(%dma_wait3A_148 : memref<16xi32, #tpu.memory_space<hbm>>)
      tpu.yield
    }) : () -> ()
    %barrier3A_141 = arith.constant 0 : index
    tpu.barrier barrier_id(%barrier3A_141)
    %lt3A_142 = arith.constant 10 : i32
    %lt3A_143 = arith.cmpi slt, %arg1, %lt3A_142 : i32
    %convert_element_type3A_144 = arith.extui %lt3A_143 : i1 to i32
    %cond3A_145 = arith.constant 0 : i32
    %cond3A_146 = arith.cmpi ne, %convert_element_type3A_144, %cond3A_145 : i32
    scf.if %cond3A_146 {
      %mul3A_147 = arith.constant 1000 : i32
      %mul3A_148 = arith.muli %arg1, %mul3A_147 : i32
      "tpu.region"() ({
        %run_scoped3A = tpu.sem_alloc : memref<!tpu.dma_semaphore, #tpu.memory_space<semaphore_mem>>
        %dma_start3A = tpu.memref_slice %arg18[%mul3A_148] : memref<10000xf32, #tpu.memory_space<vmem_shared>> -> memref<1000xf32, #tpu.memory_space<vmem_shared>>
        %dma_start3A_154 = tpu.memref_slice %arg18[%mul3A_148] : memref<10000xf32, #tpu.memory_space<vmem_shared>> -> memref<1000xf32, #tpu.memory_space<vmem_shared>>
        tpu.enqueue_dma source(%dma_start3A_154 : memref<1000xf32, #tpu.memory_space<vmem_shared>>) target(%arg17 : memref<1000xf32, #tpu.memory_space<vmem>>) target_semaphore(%run_scoped3A : memref<!tpu.dma_semaphore, #tpu.memory_space<semaphore_mem>>)
        %dma_wait3A = tpu.memref_slice %arg18[%mul3A_148] : memref<10000xf32, #tpu.memory_space<vmem_shared>> -> memref<1000xf32, #tpu.memory_space<vmem_shared>>
        %dma_wait3A_155 = tpu.memref_slice %arg18[%mul3A_148] : memref<10000xf32, #tpu.memory_space<vmem_shared>> -> memref<1000xf32, #tpu.memory_space<vmem_shared>>
        tpu.wait_dma2 semaphore(%run_scoped3A : memref<!tpu.dma_semaphore, #tpu.memory_space<semaphore_mem>>) src(%dma_wait3A_155 : memref<1000xf32, #tpu.memory_space<vmem_shared>>) dst(%arg17 : memref<1000xf32, #tpu.memory_space<vmem>>)
        tpu.yield
      }) : () -> ()
      %mul3A_149 = arith.constant 10000 : i32
      %mul3A_150 = arith.muli %arg0, %mul3A_149 : i32
      %mul3A_151 = arith.constant 1000 : i32
      %mul3A_152 = arith.muli %arg1, %mul3A_151 : i32
      %add3A_153 = arith.addi %mul3A_150, %mul3A_152 : i32
      "tpu.region"() ({
        %run_scoped3A = tpu.sem_alloc : memref<!tpu.dma_semaphore, #tpu.memory_space<semaphore_mem>>
        %dma_start3A = tpu.memref_slice %arg9[%add3A_153] : memref<20000xf32, #tpu.memory_space<hbm>> -> memref<1000xf32, #tpu.memory_space<hbm>>
        %dma_start3A_154 = tpu.memref_slice %arg9[%add3A_153] : memref<20000xf32, #tpu.memory_space<hbm>> -> memref<1000xf32, #tpu.memory_space<hbm>>
        tpu.enqueue_dma source(%arg17 : memref<1000xf32, #tpu.memory_space<vmem>>) target(%dma_start3A_154 : memref<1000xf32, #tpu.memory_space<hbm>>) target_semaphore(%run_scoped3A : memref<!tpu.dma_semaphore, #tpu.memory_space<semaphore_mem>>)
        %dma_wait3A = tpu.memref_slice %arg9[%add3A_153] : memref<20000xf32, #tpu.memory_space<hbm>> -> memref<1000xf32, #tpu.memory_space<hbm>>
        %dma_wait3A_155 = tpu.memref_slice %arg9[%add3A_153] : memref<20000xf32, #tpu.memory_space<hbm>> -> memref<1000xf32, #tpu.memory_space<hbm>>
        tpu.wait_dma2 semaphore(%run_scoped3A : memref<!tpu.dma_semaphore, #tpu.memory_space<semaphore_mem>>) src(%arg17 : memref<1000xf32, #tpu.memory_space<vmem>>) dst(%dma_wait3A_155 : memref<1000xf32, #tpu.memory_space<hbm>>)
        tpu.yield
      }) : () -> ()
    } else {
    }
    return
  }
}

#map = affine_map<(d0, d1) -> (0, 0)>
#map1 = affine_map<(d0, d1) -> (0)>
module attributes {stable_mosaic.version = 14 : i64} {
  func.func @_sc_aggregate_kernel(%arg0: i32, %arg1: i32, %arg2: memref<10000x128xf32, #tpu.memory_space<hbm>>, %arg3: memref<655360xi32, #tpu.memory_space<hbm>>, %arg4: memref<655360xi32, #tpu.memory_space<hbm>>, %arg5: memref<512xi32, #tpu.memory_space<hbm>>, %arg6: memref<5120x128xf32, #tpu.memory_space<hbm>>, %arg7: memref<10000x128xf32, #tpu.memory_space<hbm>>, %arg8: memref<20480xi32, #tpu.memory_space<vmem>>, %arg9: memref<20480xi32, #tpu.memory_space<vmem>>, %arg10: memref<80x128xf32, #tpu.memory_space<vmem>>, %arg11: memref<80x128xf32, #tpu.memory_space<vmem>>, %arg12: memref<80x128xf32, #tpu.memory_space<vmem>>, %arg13: memref<16xi32, #tpu.memory_space<vmem>>, %arg14: memref<3x80xi32, #tpu.memory_space<vmem>>, %arg15: memref<5120x128xf32, #tpu.memory_space<vmem_shared>>, %arg16: memref<!tpu.dma_semaphore, #tpu.memory_space<semaphore_mem>>, %arg17: memref<!tpu.dma_semaphore, #tpu.memory_space<semaphore_mem>>, %arg18: memref<!tpu.dma_semaphore, #tpu.memory_space<semaphore_mem>>, %arg19: memref<!tpu.dma_semaphore, #tpu.memory_space<semaphore_mem>>, %arg20: memref<!tpu.dma_semaphore, #tpu.memory_space<semaphore_mem>>, %arg21: memref<!tpu.dma_semaphore, #tpu.memory_space<semaphore_mem>>) attributes {dimension_semantics = [#tpu.dimension_semantics<core_parallel>, #tpu.dimension_semantics<subcore_parallel>], iteration_bounds = array<i64: 2, 16>, scalar_prefetch = 0 : i64, scratch_operands = 14 : i64, tpu.core_type = #tpu.core_type<sc_vector_subcore>, window_params = [{transform_indices = #map}, {transform_indices = #map1}, {transform_indices = #map1}, {transform_indices = #map1}, {transform_indices = #map}, {transform_indices = #map}]} {
    %mul3A = arith.constant 16 : i32
    %mul3A_0 = arith.muli %arg0, %mul3A : i32
    %add3A = arith.addi %mul3A_0, %arg1 : i32
    %scan3A = arith.constant 0 : i32
    %scan3A_1 = arith.constant 4 : i32
    %scan3A_2 = arith.addi %scan3A, %scan3A_1 : i32
    %scan3A_3 = arith.constant 1 : i32
    scf.for %scan3A_94 = %scan3A to %scan3A_2 step %scan3A_3  : i32 {
      %mul3A_95 = arith.constant 1 : i32
      %mul3A_96 = arith.muli %scan3A_94, %mul3A_95 : i32
      %add3A_97 = arith.constant 0 : i32
      %add3A_98 = arith.addi %add3A_97, %mul3A_96 : i32
      %mul3A_99 = arith.constant 320 : i32
      %mul3A_100 = arith.muli %arg1, %mul3A_99 : i32
      %mul3A_101 = arith.constant 80 : i32
      %mul3A_102 = arith.muli %add3A_98, %mul3A_101 : i32
      %add3A_103 = arith.addi %mul3A_100, %mul3A_102 : i32
      "tpu.region"() ({
        %run_scoped3A = tpu.sem_alloc : memref<!tpu.dma_semaphore, #tpu.memory_space<semaphore_mem>>
        %dma_start3A_104 = arith.constant 0 : i32
        %dma_start3A_105 = tpu.memref_slice %arg6[%add3A_103, %dma_start3A_104] : memref<5120x128xf32, #tpu.memory_space<hbm>> -> memref<80x128xf32, #tpu.memory_space<hbm>>
        %dma_start3A_106 = arith.constant 0 : i32
        %dma_start3A_107 = tpu.memref_slice %arg6[%add3A_103, %dma_start3A_106] : memref<5120x128xf32, #tpu.memory_space<hbm>> -> memref<80x128xf32, #tpu.memory_space<hbm>>
        tpu.enqueue_dma source(%dma_start3A_107 : memref<80x128xf32, #tpu.memory_space<hbm>>) target(%arg10 : memref<80x128xf32, #tpu.memory_space<vmem>>) target_semaphore(%run_scoped3A : memref<!tpu.dma_semaphore, #tpu.memory_space<semaphore_mem>>)
        %dma_wait3A_108 = arith.constant 0 : i32
        %dma_wait3A_109 = tpu.memref_slice %arg6[%add3A_103, %dma_wait3A_108] : memref<5120x128xf32, #tpu.memory_space<hbm>> -> memref<80x128xf32, #tpu.memory_space<hbm>>
        %dma_wait3A_110 = arith.constant 0 : i32
        %dma_wait3A_111 = tpu.memref_slice %arg6[%add3A_103, %dma_wait3A_110] : memref<5120x128xf32, #tpu.memory_space<hbm>> -> memref<80x128xf32, #tpu.memory_space<hbm>>
        tpu.wait_dma2 semaphore(%run_scoped3A : memref<!tpu.dma_semaphore, #tpu.memory_space<semaphore_mem>>) src(%dma_wait3A_111 : memref<80x128xf32, #tpu.memory_space<hbm>>) dst(%arg10 : memref<80x128xf32, #tpu.memory_space<vmem>>)
        tpu.yield
      }) : () -> ()
      "tpu.region"() ({
        %run_scoped3A = tpu.sem_alloc : memref<!tpu.dma_semaphore, #tpu.memory_space<semaphore_mem>>
        %dma_start3A_104 = arith.constant 0 : i32
        %dma_start3A_105 = tpu.memref_slice %arg15[%add3A_103, %dma_start3A_104] : memref<5120x128xf32, #tpu.memory_space<vmem_shared>> -> memref<80x128xf32, #tpu.memory_space<vmem_shared>>
        %dma_start3A_106 = arith.constant 0 : i32
        %dma_start3A_107 = tpu.memref_slice %arg15[%add3A_103, %dma_start3A_106] : memref<5120x128xf32, #tpu.memory_space<vmem_shared>> -> memref<80x128xf32, #tpu.memory_space<vmem_shared>>
        tpu.enqueue_dma source(%arg10 : memref<80x128xf32, #tpu.memory_space<vmem>>) target(%dma_start3A_107 : memref<80x128xf32, #tpu.memory_space<vmem_shared>>) target_semaphore(%run_scoped3A : memref<!tpu.dma_semaphore, #tpu.memory_space<semaphore_mem>>)
        %dma_wait3A_108 = arith.constant 0 : i32
        %dma_wait3A_109 = tpu.memref_slice %arg15[%add3A_103, %dma_wait3A_108] : memref<5120x128xf32, #tpu.memory_space<vmem_shared>> -> memref<80x128xf32, #tpu.memory_space<vmem_shared>>
        %dma_wait3A_110 = arith.constant 0 : i32
        %dma_wait3A_111 = tpu.memref_slice %arg15[%add3A_103, %dma_wait3A_110] : memref<5120x128xf32, #tpu.memory_space<vmem_shared>> -> memref<80x128xf32, #tpu.memory_space<vmem_shared>>
        tpu.wait_dma2 semaphore(%run_scoped3A : memref<!tpu.dma_semaphore, #tpu.memory_space<semaphore_mem>>) src(%arg10 : memref<80x128xf32, #tpu.memory_space<vmem>>) dst(%dma_wait3A_111 : memref<80x128xf32, #tpu.memory_space<vmem_shared>>)
        tpu.yield
      }) : () -> ()
    }
    %scan3A_4 = arith.constant 4 : i32
    %mul3A_5 = arith.constant 20480 : i32
    %mul3A_6 = arith.muli %add3A, %mul3A_5 : i32
    "tpu.region"() ({
      %run_scoped3A = tpu.sem_alloc : memref<!tpu.dma_semaphore, #tpu.memory_space<semaphore_mem>>
      %dma_start3A_94 = tpu.memref_slice %arg3[%mul3A_6] : memref<655360xi32, #tpu.memory_space<hbm>> -> memref<20480xi32, #tpu.memory_space<hbm>>
      %dma_start3A_95 = tpu.memref_slice %arg3[%mul3A_6] : memref<655360xi32, #tpu.memory_space<hbm>> -> memref<20480xi32, #tpu.memory_space<hbm>>
      tpu.enqueue_dma source(%dma_start3A_95 : memref<20480xi32, #tpu.memory_space<hbm>>) target(%arg8 : memref<20480xi32, #tpu.memory_space<vmem>>) target_semaphore(%run_scoped3A : memref<!tpu.dma_semaphore, #tpu.memory_space<semaphore_mem>>)
      %dma_wait3A_96 = tpu.memref_slice %arg3[%mul3A_6] : memref<655360xi32, #tpu.memory_space<hbm>> -> memref<20480xi32, #tpu.memory_space<hbm>>
      %dma_wait3A_97 = tpu.memref_slice %arg3[%mul3A_6] : memref<655360xi32, #tpu.memory_space<hbm>> -> memref<20480xi32, #tpu.memory_space<hbm>>
      tpu.wait_dma2 semaphore(%run_scoped3A : memref<!tpu.dma_semaphore, #tpu.memory_space<semaphore_mem>>) src(%dma_wait3A_97 : memref<20480xi32, #tpu.memory_space<hbm>>) dst(%arg8 : memref<20480xi32, #tpu.memory_space<vmem>>)
      tpu.yield
    }) : () -> ()
    %mul3A_7 = arith.constant 20480 : i32
    %mul3A_8 = arith.muli %add3A, %mul3A_7 : i32
    "tpu.region"() ({
      %run_scoped3A = tpu.sem_alloc : memref<!tpu.dma_semaphore, #tpu.memory_space<semaphore_mem>>
      %dma_start3A_94 = tpu.memref_slice %arg4[%mul3A_8] : memref<655360xi32, #tpu.memory_space<hbm>> -> memref<20480xi32, #tpu.memory_space<hbm>>
      %dma_start3A_95 = tpu.memref_slice %arg4[%mul3A_8] : memref<655360xi32, #tpu.memory_space<hbm>> -> memref<20480xi32, #tpu.memory_space<hbm>>
      tpu.enqueue_dma source(%dma_start3A_95 : memref<20480xi32, #tpu.memory_space<hbm>>) target(%arg9 : memref<20480xi32, #tpu.memory_space<vmem>>) target_semaphore(%run_scoped3A : memref<!tpu.dma_semaphore, #tpu.memory_space<semaphore_mem>>)
      %dma_wait3A_96 = tpu.memref_slice %arg4[%mul3A_8] : memref<655360xi32, #tpu.memory_space<hbm>> -> memref<20480xi32, #tpu.memory_space<hbm>>
      %dma_wait3A_97 = tpu.memref_slice %arg4[%mul3A_8] : memref<655360xi32, #tpu.memory_space<hbm>> -> memref<20480xi32, #tpu.memory_space<hbm>>
      tpu.wait_dma2 semaphore(%run_scoped3A : memref<!tpu.dma_semaphore, #tpu.memory_space<semaphore_mem>>) src(%dma_wait3A_97 : memref<20480xi32, #tpu.memory_space<hbm>>) dst(%arg9 : memref<20480xi32, #tpu.memory_space<vmem>>)
      tpu.yield
    }) : () -> ()
    %mul3A_9 = arith.constant 16 : i32
    %mul3A_10 = arith.muli %add3A, %mul3A_9 : i32
    "tpu.region"() ({
      %run_scoped3A = tpu.sem_alloc : memref<!tpu.dma_semaphore, #tpu.memory_space<semaphore_mem>>
      %dma_start3A_94 = tpu.memref_slice %arg5[%mul3A_10] : memref<512xi32, #tpu.memory_space<hbm>> -> memref<16xi32, #tpu.memory_space<hbm>>
      %dma_start3A_95 = tpu.memref_slice %arg5[%mul3A_10] : memref<512xi32, #tpu.memory_space<hbm>> -> memref<16xi32, #tpu.memory_space<hbm>>
      tpu.enqueue_dma source(%dma_start3A_95 : memref<16xi32, #tpu.memory_space<hbm>>) target(%arg13 : memref<16xi32, #tpu.memory_space<vmem>>) target_semaphore(%run_scoped3A : memref<!tpu.dma_semaphore, #tpu.memory_space<semaphore_mem>>)
      %dma_wait3A_96 = tpu.memref_slice %arg5[%mul3A_10] : memref<512xi32, #tpu.memory_space<hbm>> -> memref<16xi32, #tpu.memory_space<hbm>>
      %dma_wait3A_97 = tpu.memref_slice %arg5[%mul3A_10] : memref<512xi32, #tpu.memory_space<hbm>> -> memref<16xi32, #tpu.memory_space<hbm>>
      tpu.wait_dma2 semaphore(%run_scoped3A : memref<!tpu.dma_semaphore, #tpu.memory_space<semaphore_mem>>) src(%dma_wait3A_97 : memref<16xi32, #tpu.memory_space<hbm>>) dst(%arg13 : memref<16xi32, #tpu.memory_space<vmem>>)
      tpu.yield
    }) : () -> ()
    %barrier3A = arith.constant 0 : index
    tpu.barrier barrier_id(%barrier3A)
    %get3A = arith.constant 0 : index
    %get3A_11 = tpu.vector_load %arg13[%get3A] {strides = array<i32>} : memref<16xi32, #tpu.memory_space<vmem>>, vector<16xi32>,
    %slice3A = vector.extract_strided_slice %get3A_11 {offsets = [0], sizes = [1], strides = [1]} : vector<16xi32> to vector<1xi32>
    %squeeze3A = vector.extract %slice3A[0] : i32 from vector<1xi32>
    %add3A_12 = arith.constant 240 : i32
    %add3A_13 = arith.addi %squeeze3A, %add3A_12 : i32
    %sub3A = arith.constant 1 : i32
    %sub3A_14 = arith.subi %add3A_13, %sub3A : i32
    %jit3A = arith.constant 240 : i32
    %div3A = arith.divsi %sub3A_14, %jit3A : i32
    %sign3A = arith.constant 0 : i32
    %sign3A_15 = arith.cmpi sgt, %sub3A_14, %sign3A : i32
    %sign3A_16 = arith.extui %sign3A_15 : i1 to i32
    %sign3A_17 = arith.constant 0 : i32
    %sign3A_18 = arith.cmpi slt, %sub3A_14, %sign3A_17 : i32
    %sign3A_19 = arith.extui %sign3A_18 : i1 to i32
    %sign3A_20 = arith.subi %sign3A_16, %sign3A_19 : i32
    %sign3A_21 = arith.constant 0 : i32
    %sign3A_22 = arith.cmpi sgt, %jit3A, %sign3A_21 : i32
    %sign3A_23 = arith.extui %sign3A_22 : i1 to i32
    %sign3A_24 = arith.constant 0 : i32
    %sign3A_25 = arith.cmpi slt, %jit3A, %sign3A_24 : i32
    %sign3A_26 = arith.extui %sign3A_25 : i1 to i32
    %sign3A_27 = arith.subi %sign3A_23, %sign3A_26 : i32
    %ne3A = arith.cmpi ne, %sign3A_20, %sign3A_27 : i32
    %rem3A = arith.remsi %sub3A_14, %jit3A : i32
    %ne3A_28 = arith.constant 0 : i32
    %ne3A_29 = arith.cmpi ne, %rem3A, %ne3A_28 : i32
    %and3A = arith.andi %ne3A, %ne3A_29 : i1
    %sub3A_30 = arith.constant 1 : i32
    %sub3A_31 = arith.subi %div3A, %sub3A_30 : i32
    %select_n3A = arith.select %and3A, %sub3A_31, %div3A : i32
    %max3A = arith.constant 1 : i32
    %max3A_32 = arith.maxsi %select_n3A, %max3A : i32
    %mul3A_33 = arith.constant 3 : i32
    %mul3A_34 = arith.muli %mul3A_33, %max3A_32 : i32
    %dma_start3A = arith.constant 0 : i32
    %dma_start3A_35 = tpu.memref_slice %arg8[%dma_start3A] : memref<20480xi32, #tpu.memory_space<vmem>> -> memref<80xi32, #tpu.memory_space<vmem>>
    %dma_start3A_36 = arith.constant 0 : i32
    %dma_start3A_37 = arith.constant 0 : i32
    %dma_start3A_38 = tpu.memref_slice %arg2[%dma_start3A_36, %dma_start3A_37] : memref<10000x128xf32, #tpu.memory_space<hbm>> -> memref<10000x128xf32, #tpu.memory_space<hbm>>
    tpu.enqueue_indirect_dma source(%dma_start3A_38 : memref<10000x128xf32, #tpu.memory_space<hbm>>) target(%arg10 : memref<80x128xf32, #tpu.memory_space<vmem>>) offsets(%dma_start3A_35 : memref<80xi32, #tpu.memory_space<vmem>>) semaphore(%arg16 : memref<!tpu.dma_semaphore, #tpu.memory_space<semaphore_mem>>)
    %dma_start3A_39 = arith.constant 80 : i32
    %dma_start3A_40 = tpu.memref_slice %arg8[%dma_start3A_39] : memref<20480xi32, #tpu.memory_space<vmem>> -> memref<80xi32, #tpu.memory_space<vmem>>
    %dma_start3A_41 = arith.constant 0 : i32
    %dma_start3A_42 = arith.constant 0 : i32
    %dma_start3A_43 = tpu.memref_slice %arg2[%dma_start3A_41, %dma_start3A_42] : memref<10000x128xf32, #tpu.memory_space<hbm>> -> memref<10000x128xf32, #tpu.memory_space<hbm>>
    tpu.enqueue_indirect_dma source(%dma_start3A_43 : memref<10000x128xf32, #tpu.memory_space<hbm>>) target(%arg11 : memref<80x128xf32, #tpu.memory_space<vmem>>) offsets(%dma_start3A_40 : memref<80xi32, #tpu.memory_space<vmem>>) semaphore(%arg17 : memref<!tpu.dma_semaphore, #tpu.memory_space<semaphore_mem>>)
    %sub3A_44 = arith.constant 0 : i32
    %sub3A_45 = arith.subi %mul3A_34, %sub3A_44 : i32
    %sub3A_46 = arith.constant 3 : i32
    %sub3A_47 = arith.constant 1 : i32
    %sub3A_48 = arith.subi %sub3A_46, %sub3A_47 : i32
    %add3A_49 = arith.addi %sub3A_45, %sub3A_48 : i32
    %div3A_50 = arith.constant 3 : i32
    %div3A_51 = arith.divsi %add3A_49, %div3A_50 : i32
    %while3A = arith.constant 3 : i32
    %while3A_52 = arith.constant 0 : i32
    %while3A_53 = arith.constant 0 : i32
    %while3A_54 = arith.subi %div3A_51, %while3A_53 : i32
    %while3A_55 = arith.addi %while3A_53, %while3A_54 : i32
    %while3A_56 = arith.constant 1 : i32
    %while3A_57 = arith.divsi %while3A_54, %while3A_56 : i32
    %while3A_58 = arith.muli %while3A_57, %while3A_56 : i32
    %while3A_59 = arith.addi %while3A_53, %while3A_58 : i32
    %while3A_60 = arith.constant 1 : i32
    scf.for %while3A_94 = %while3A_53 to %while3A_59 step %while3A_60  : i32 {
      %mul3A_95 = arith.muli %while3A_94, %while3A : i32
      %add3A_96 = arith.addi %while3A_52, %mul3A_95 : i32
      %add3A_97 = arith.constant 0 : i32
      %add3A_98 = arith.addi %add3A_96, %add3A_97 : i32
      %mul3A_99 = arith.constant 80 : i32
      %mul3A_100 = arith.muli %add3A_98, %mul3A_99 : i32
      %dma_wait3A_101 = tpu.memref_slice %arg8[%mul3A_100] : memref<20480xi32, #tpu.memory_space<vmem>> -> memref<80xi32, #tpu.memory_space<vmem>>
      %dma_wait3A_102 = arith.constant 0 : i32
      %dma_wait3A_103 = arith.constant 0 : i32
      %dma_wait3A_104 = tpu.memref_slice %arg2[%dma_wait3A_102, %dma_wait3A_103] : memref<10000x128xf32, #tpu.memory_space<hbm>> -> memref<10000x128xf32, #tpu.memory_space<hbm>>
      tpu.wait_indirect_dma semaphore(%arg16 : memref<!tpu.dma_semaphore, #tpu.memory_space<semaphore_mem>>) src(%dma_wait3A_104 : memref<10000x128xf32, #tpu.memory_space<hbm>>) dst(%arg10 : memref<80x128xf32, #tpu.memory_space<vmem>>)
      %mul3A_105 = arith.constant 80 : i32
      %mul3A_106 = arith.muli %add3A_98, %mul3A_105 : i32
      %add3A_107 = arith.constant 0 : i32
      %add3A_108 = arith.addi %mul3A_106, %add3A_107 : i32
      %get3A_109 = arith.index_cast %add3A_108 : i32 to index
      %get3A_110 = tpu.vector_load %arg9[%get3A_109] {strides = array<i32>} : memref<20480xi32, #tpu.memory_space<vmem>>, vector<16xi32>,
      %swap3A = arith.constant 0 : i32
      %swap3A_111 = arith.index_cast %swap3A : i32 to index
      %swap3A_112 = arith.constant 0 : index
      %swap3A_113 = tpu.vector_load %arg14[%swap3A_111, %swap3A_112] {strides = array<i32>} : memref<3x80xi32, #tpu.memory_space<vmem>>, vector<16xi32>,
      tpu.vector_store %arg14[%swap3A_111, %swap3A_112], %get3A_110 {strides = array<i32>} : memref<3x80xi32, #tpu.memory_space<vmem>>, vector<16xi32>,
      %add3A_114 = arith.constant 16 : i32
      %add3A_115 = arith.addi %mul3A_106, %add3A_114 : i32
      %get3A_116 = arith.index_cast %add3A_115 : i32 to index
      %get3A_117 = tpu.vector_load %arg9[%get3A_116] {strides = array<i32>} : memref<20480xi32, #tpu.memory_space<vmem>>, vector<16xi32>,
      %swap3A_118 = arith.constant 0 : i32
      %swap3A_119 = arith.index_cast %swap3A_118 : i32 to index
      %swap3A_120 = arith.constant 16 : index
      %swap3A_121 = tpu.vector_load %arg14[%swap3A_119, %swap3A_120] {strides = array<i32>} : memref<3x80xi32, #tpu.memory_space<vmem>>, vector<16xi32>,
      tpu.vector_store %arg14[%swap3A_119, %swap3A_120], %get3A_117 {strides = array<i32>} : memref<3x80xi32, #tpu.memory_space<vmem>>, vector<16xi32>,
      %add3A_122 = arith.constant 32 : i32
      %add3A_123 = arith.addi %mul3A_106, %add3A_122 : i32
      %get3A_124 = arith.index_cast %add3A_123 : i32 to index
      %get3A_125 = tpu.vector_load %arg9[%get3A_124] {strides = array<i32>} : memref<20480xi32, #tpu.memory_space<vmem>>, vector<16xi32>,
      %swap3A_126 = arith.constant 0 : i32
      %swap3A_127 = arith.index_cast %swap3A_126 : i32 to index
      %swap3A_128 = arith.constant 32 : index
      %swap3A_129 = tpu.vector_load %arg14[%swap3A_127, %swap3A_128] {strides = array<i32>} : memref<3x80xi32, #tpu.memory_space<vmem>>, vector<16xi32>,
      tpu.vector_store %arg14[%swap3A_127, %swap3A_128], %get3A_125 {strides = array<i32>} : memref<3x80xi32, #tpu.memory_space<vmem>>, vector<16xi32>,
      %add3A_130 = arith.constant 48 : i32
      %add3A_131 = arith.addi %mul3A_106, %add3A_130 : i32
      %get3A_132 = arith.index_cast %add3A_131 : i32 to index
      %get3A_133 = tpu.vector_load %arg9[%get3A_132] {strides = array<i32>} : memref<20480xi32, #tpu.memory_space<vmem>>, vector<16xi32>,
      %swap3A_134 = arith.constant 0 : i32
      %swap3A_135 = arith.index_cast %swap3A_134 : i32 to index
      %swap3A_136 = arith.constant 48 : index
      %swap3A_137 = tpu.vector_load %arg14[%swap3A_135, %swap3A_136] {strides = array<i32>} : memref<3x80xi32, #tpu.memory_space<vmem>>, vector<16xi32>,
      tpu.vector_store %arg14[%swap3A_135, %swap3A_136], %get3A_133 {strides = array<i32>} : memref<3x80xi32, #tpu.memory_space<vmem>>, vector<16xi32>,
      %add3A_138 = arith.constant 64 : i32
      %add3A_139 = arith.addi %mul3A_106, %add3A_138 : i32
      %get3A_140 = arith.index_cast %add3A_139 : i32 to index
      %get3A_141 = tpu.vector_load %arg9[%get3A_140] {strides = array<i32>} : memref<20480xi32, #tpu.memory_space<vmem>>, vector<16xi32>,
      %swap3A_142 = arith.constant 0 : i32
      %swap3A_143 = arith.index_cast %swap3A_142 : i32 to index
      %swap3A_144 = arith.constant 64 : index
      %swap3A_145 = tpu.vector_load %arg14[%swap3A_143, %swap3A_144] {strides = array<i32>} : memref<3x80xi32, #tpu.memory_space<vmem>>, vector<16xi32>,
      tpu.vector_store %arg14[%swap3A_143, %swap3A_144], %get3A_141 {strides = array<i32>} : memref<3x80xi32, #tpu.memory_space<vmem>>, vector<16xi32>,
      %ge3A = arith.constant 1 : i32
      %ge3A_146 = arith.cmpi sge, %add3A_98, %ge3A : i32
      %convert_element_type3A_147 = arith.extui %ge3A_146 : i1 to i32
      %cond3A_148 = arith.constant 0 : i32
      %cond3A_149 = arith.cmpi ne, %convert_element_type3A_147, %cond3A_148 : i32
      scf.if %cond3A_149 {
        %dma_wait3A_299 = arith.constant 2 : i32
        %dma_wait3A_300 = arith.constant 0 : i32
        %dma_wait3A_301 = tpu.memref_slice %arg14[%dma_wait3A_299, %dma_wait3A_300] : memref<3x80xi32, #tpu.memory_space<vmem>> -> memref<1x80xi32, #tpu.memory_space<vmem>>
        %dma_wait3A_302 = tpu.memref_squeeze %dma_wait3A_301 : memref<1x80xi32, #tpu.memory_space<vmem>> -> memref<80xi32, #tpu.memory_space<vmem>>
        %dma_wait3A_303 = arith.constant 0 : i32
        %dma_wait3A_304 = arith.constant 0 : i32
        %dma_wait3A_305 = tpu.memref_slice %arg15[%dma_wait3A_303, %dma_wait3A_304] : memref<5120x128xf32, #tpu.memory_space<vmem_shared>> -> memref<5120x128xf32, #tpu.memory_space<vmem_shared>>
        tpu.wait_indirect_dma semaphore(%arg21 : memref<!tpu.dma_semaphore, #tpu.memory_space<semaphore_mem>>) src(%arg12 : memref<80x128xf32, #tpu.memory_space<vmem>>) dst(%dma_wait3A_305 : memref<5120x128xf32, #tpu.memory_space<vmem_shared>>)
      } else {
      }
      %dma_start3A_150 = arith.constant 0 : i32
      %dma_start3A_151 = arith.constant 0 : i32
      %dma_start3A_152 = tpu.memref_slice %arg14[%dma_start3A_150, %dma_start3A_151] : memref<3x80xi32, #tpu.memory_space<vmem>> -> memref<1x80xi32, #tpu.memory_space<vmem>>
      %dma_start3A_153 = tpu.memref_squeeze %dma_start3A_152 : memref<1x80xi32, #tpu.memory_space<vmem>> -> memref<80xi32, #tpu.memory_space<vmem>>
      %dma_start3A_154 = arith.constant 0 : i32
      %dma_start3A_155 = arith.constant 0 : i32
      %dma_start3A_156 = tpu.memref_slice %arg15[%dma_start3A_154, %dma_start3A_155] : memref<5120x128xf32, #tpu.memory_space<vmem_shared>> -> memref<5120x128xf32, #tpu.memory_space<vmem_shared>>
      tpu.enqueue_indirect_dma source(%arg10 : memref<80x128xf32, #tpu.memory_space<vmem>>) target(%dma_start3A_156 : memref<5120x128xf32, #tpu.memory_space<vmem_shared>>) offsets(%dma_start3A_153 : memref<80xi32, #tpu.memory_space<vmem>>) semaphore(%arg19 : memref<!tpu.dma_semaphore, #tpu.memory_space<semaphore_mem>>) {add = true}
      %add3A_157 = arith.constant 2 : i32
      %add3A_158 = arith.addi %add3A_98, %add3A_157 : i32
      %lt3A_159 = arith.cmpi slt, %add3A_158, %mul3A_34 : i32
      %convert_element_type3A_160 = arith.extui %lt3A_159 : i1 to i32
      %cond3A_161 = arith.constant 0 : i32
      %cond3A_162 = arith.cmpi ne, %convert_element_type3A_160, %cond3A_161 : i32
      scf.if %cond3A_162 {
        %add3A_299 = arith.constant 2 : i32
        %add3A_300 = arith.addi %add3A_98, %add3A_299 : i32
        %mul3A_301 = arith.constant 80 : i32
        %mul3A_302 = arith.muli %add3A_300, %mul3A_301 : i32
        %dma_start3A_303 = tpu.memref_slice %arg8[%mul3A_302] : memref<20480xi32, #tpu.memory_space<vmem>> -> memref<80xi32, #tpu.memory_space<vmem>>
        %dma_start3A_304 = arith.constant 0 : i32
        %dma_start3A_305 = arith.constant 0 : i32
        %dma_start3A_306 = tpu.memref_slice %arg2[%dma_start3A_304, %dma_start3A_305] : memref<10000x128xf32, #tpu.memory_space<hbm>> -> memref<10000x128xf32, #tpu.memory_space<hbm>>
        tpu.enqueue_indirect_dma source(%dma_start3A_306 : memref<10000x128xf32, #tpu.memory_space<hbm>>) target(%arg12 : memref<80x128xf32, #tpu.memory_space<vmem>>) offsets(%dma_start3A_303 : memref<80xi32, #tpu.memory_space<vmem>>) semaphore(%arg18 : memref<!tpu.dma_semaphore, #tpu.memory_space<semaphore_mem>>)
      } else {
      }
      %add3A_163 = arith.constant 1 : i32
      %add3A_164 = arith.addi %add3A_96, %add3A_163 : i32
      %mul3A_165 = arith.constant 80 : i32
      %mul3A_166 = arith.muli %add3A_164, %mul3A_165 : i32
      %dma_wait3A_167 = tpu.memref_slice %arg8[%mul3A_166] : memref<20480xi32, #tpu.memory_space<vmem>> -> memref<80xi32, #tpu.memory_space<vmem>>
      %dma_wait3A_168 = arith.constant 0 : i32
      %dma_wait3A_169 = arith.constant 0 : i32
      %dma_wait3A_170 = tpu.memref_slice %arg2[%dma_wait3A_168, %dma_wait3A_169] : memref<10000x128xf32, #tpu.memory_space<hbm>> -> memref<10000x128xf32, #tpu.memory_space<hbm>>
      tpu.wait_indirect_dma semaphore(%arg17 : memref<!tpu.dma_semaphore, #tpu.memory_space<semaphore_mem>>) src(%dma_wait3A_170 : memref<10000x128xf32, #tpu.memory_space<hbm>>) dst(%arg11 : memref<80x128xf32, #tpu.memory_space<vmem>>)
      %mul3A_171 = arith.constant 80 : i32
      %mul3A_172 = arith.muli %add3A_164, %mul3A_171 : i32
      %add3A_173 = arith.constant 0 : i32
      %add3A_174 = arith.addi %mul3A_172, %add3A_173 : i32
      %get3A_175 = arith.index_cast %add3A_174 : i32 to index
      %get3A_176 = tpu.vector_load %arg9[%get3A_175] {strides = array<i32>} : memref<20480xi32, #tpu.memory_space<vmem>>, vector<16xi32>,
      %swap3A_177 = arith.constant 1 : i32
      %swap3A_178 = arith.index_cast %swap3A_177 : i32 to index
      %swap3A_179 = arith.constant 0 : index
      %swap3A_180 = tpu.vector_load %arg14[%swap3A_178, %swap3A_179] {strides = array<i32>} : memref<3x80xi32, #tpu.memory_space<vmem>>, vector<16xi32>,
      tpu.vector_store %arg14[%swap3A_178, %swap3A_179], %get3A_176 {strides = array<i32>} : memref<3x80xi32, #tpu.memory_space<vmem>>, vector<16xi32>,
      %add3A_181 = arith.constant 16 : i32
      %add3A_182 = arith.addi %mul3A_172, %add3A_181 : i32
      %get3A_183 = arith.index_cast %add3A_182 : i32 to index
      %get3A_184 = tpu.vector_load %arg9[%get3A_183] {strides = array<i32>} : memref<20480xi32, #tpu.memory_space<vmem>>, vector<16xi32>,
      %swap3A_185 = arith.constant 1 : i32
      %swap3A_186 = arith.index_cast %swap3A_185 : i32 to index
      %swap3A_187 = arith.constant 16 : index
      %swap3A_188 = tpu.vector_load %arg14[%swap3A_186, %swap3A_187] {strides = array<i32>} : memref<3x80xi32, #tpu.memory_space<vmem>>, vector<16xi32>,
      tpu.vector_store %arg14[%swap3A_186, %swap3A_187], %get3A_184 {strides = array<i32>} : memref<3x80xi32, #tpu.memory_space<vmem>>, vector<16xi32>,
      %add3A_189 = arith.constant 32 : i32
      %add3A_190 = arith.addi %mul3A_172, %add3A_189 : i32
      %get3A_191 = arith.index_cast %add3A_190 : i32 to index
      %get3A_192 = tpu.vector_load %arg9[%get3A_191] {strides = array<i32>} : memref<20480xi32, #tpu.memory_space<vmem>>, vector<16xi32>,
      %swap3A_193 = arith.constant 1 : i32
      %swap3A_194 = arith.index_cast %swap3A_193 : i32 to index
      %swap3A_195 = arith.constant 32 : index
      %swap3A_196 = tpu.vector_load %arg14[%swap3A_194, %swap3A_195] {strides = array<i32>} : memref<3x80xi32, #tpu.memory_space<vmem>>, vector<16xi32>,
      tpu.vector_store %arg14[%swap3A_194, %swap3A_195], %get3A_192 {strides = array<i32>} : memref<3x80xi32, #tpu.memory_space<vmem>>, vector<16xi32>,
      %add3A_197 = arith.constant 48 : i32
      %add3A_198 = arith.addi %mul3A_172, %add3A_197 : i32
      %get3A_199 = arith.index_cast %add3A_198 : i32 to index
      %get3A_200 = tpu.vector_load %arg9[%get3A_199] {strides = array<i32>} : memref<20480xi32, #tpu.memory_space<vmem>>, vector<16xi32>,
      %swap3A_201 = arith.constant 1 : i32
      %swap3A_202 = arith.index_cast %swap3A_201 : i32 to index
      %swap3A_203 = arith.constant 48 : index
      %swap3A_204 = tpu.vector_load %arg14[%swap3A_202, %swap3A_203] {strides = array<i32>} : memref<3x80xi32, #tpu.memory_space<vmem>>, vector<16xi32>,
      tpu.vector_store %arg14[%swap3A_202, %swap3A_203], %get3A_200 {strides = array<i32>} : memref<3x80xi32, #tpu.memory_space<vmem>>, vector<16xi32>,
      %add3A_205 = arith.constant 64 : i32
      %add3A_206 = arith.addi %mul3A_172, %add3A_205 : i32
      %get3A_207 = arith.index_cast %add3A_206 : i32 to index
      %get3A_208 = tpu.vector_load %arg9[%get3A_207] {strides = array<i32>} : memref<20480xi32, #tpu.memory_space<vmem>>, vector<16xi32>,
      %swap3A_209 = arith.constant 1 : i32
      %swap3A_210 = arith.index_cast %swap3A_209 : i32 to index
      %swap3A_211 = arith.constant 64 : index
      %swap3A_212 = tpu.vector_load %arg14[%swap3A_210, %swap3A_211] {strides = array<i32>} : memref<3x80xi32, #tpu.memory_space<vmem>>, vector<16xi32>,
      tpu.vector_store %arg14[%swap3A_210, %swap3A_211], %get3A_208 {strides = array<i32>} : memref<3x80xi32, #tpu.memory_space<vmem>>, vector<16xi32>,
      %ge3A_213 = arith.constant 1 : i32
      %ge3A_214 = arith.cmpi sge, %add3A_164, %ge3A_213 : i32
      %convert_element_type3A_215 = arith.extui %ge3A_214 : i1 to i32
      %cond3A_216 = arith.constant 0 : i32
      %cond3A_217 = arith.cmpi ne, %convert_element_type3A_215, %cond3A_216 : i32
      scf.if %cond3A_217 {
        %dma_wait3A_299 = arith.constant 0 : i32
        %dma_wait3A_300 = arith.constant 0 : i32
        %dma_wait3A_301 = tpu.memref_slice %arg14[%dma_wait3A_299, %dma_wait3A_300] : memref<3x80xi32, #tpu.memory_space<vmem>> -> memref<1x80xi32, #tpu.memory_space<vmem>>
        %dma_wait3A_302 = tpu.memref_squeeze %dma_wait3A_301 : memref<1x80xi32, #tpu.memory_space<vmem>> -> memref<80xi32, #tpu.memory_space<vmem>>
        %dma_wait3A_303 = arith.constant 0 : i32
        %dma_wait3A_304 = arith.constant 0 : i32
        %dma_wait3A_305 = tpu.memref_slice %arg15[%dma_wait3A_303, %dma_wait3A_304] : memref<5120x128xf32, #tpu.memory_space<vmem_shared>> -> memref<5120x128xf32, #tpu.memory_space<vmem_shared>>
        tpu.wait_indirect_dma semaphore(%arg19 : memref<!tpu.dma_semaphore, #tpu.memory_space<semaphore_mem>>) src(%arg10 : memref<80x128xf32, #tpu.memory_space<vmem>>) dst(%dma_wait3A_305 : memref<5120x128xf32, #tpu.memory_space<vmem_shared>>)
      } else {
      }
      %dma_start3A_218 = arith.constant 1 : i32
      %dma_start3A_219 = arith.constant 0 : i32
      %dma_start3A_220 = tpu.memref_slice %arg14[%dma_start3A_218, %dma_start3A_219] : memref<3x80xi32, #tpu.memory_space<vmem>> -> memref<1x80xi32, #tpu.memory_space<vmem>>
      %dma_start3A_221 = tpu.memref_squeeze %dma_start3A_220 : memref<1x80xi32, #tpu.memory_space<vmem>> -> memref<80xi32, #tpu.memory_space<vmem>>
      %dma_start3A_222 = arith.constant 0 : i32
      %dma_start3A_223 = arith.constant 0 : i32
      %dma_start3A_224 = tpu.memref_slice %arg15[%dma_start3A_222, %dma_start3A_223] : memref<5120x128xf32, #tpu.memory_space<vmem_shared>> -> memref<5120x128xf32, #tpu.memory_space<vmem_shared>>
      tpu.enqueue_indirect_dma source(%arg11 : memref<80x128xf32, #tpu.memory_space<vmem>>) target(%dma_start3A_224 : memref<5120x128xf32, #tpu.memory_space<vmem_shared>>) offsets(%dma_start3A_221 : memref<80xi32, #tpu.memory_space<vmem>>) semaphore(%arg20 : memref<!tpu.dma_semaphore, #tpu.memory_space<semaphore_mem>>) {add = true}
      %add3A_225 = arith.constant 2 : i32
      %add3A_226 = arith.addi %add3A_164, %add3A_225 : i32
      %lt3A_227 = arith.cmpi slt, %add3A_226, %mul3A_34 : i32
      %convert_element_type3A_228 = arith.extui %lt3A_227 : i1 to i32
      %cond3A_229 = arith.constant 0 : i32
      %cond3A_230 = arith.cmpi ne, %convert_element_type3A_228, %cond3A_229 : i32
      scf.if %cond3A_230 {
        %add3A_299 = arith.constant 2 : i32
        %add3A_300 = arith.addi %add3A_164, %add3A_299 : i32
        %mul3A_301 = arith.constant 80 : i32
        %mul3A_302 = arith.muli %add3A_300, %mul3A_301 : i32
        %dma_start3A_303 = tpu.memref_slice %arg8[%mul3A_302] : memref<20480xi32, #tpu.memory_space<vmem>> -> memref<80xi32, #tpu.memory_space<vmem>>
        %dma_start3A_304 = arith.constant 0 : i32
        %dma_start3A_305 = arith.constant 0 : i32
        %dma_start3A_306 = tpu.memref_slice %arg2[%dma_start3A_304, %dma_start3A_305] : memref<10000x128xf32, #tpu.memory_space<hbm>> -> memref<10000x128xf32, #tpu.memory_space<hbm>>
        tpu.enqueue_indirect_dma source(%dma_start3A_306 : memref<10000x128xf32, #tpu.memory_space<hbm>>) target(%arg10 : memref<80x128xf32, #tpu.memory_space<vmem>>) offsets(%dma_start3A_303 : memref<80xi32, #tpu.memory_space<vmem>>) semaphore(%arg16 : memref<!tpu.dma_semaphore, #tpu.memory_space<semaphore_mem>>)
      } else {
      }
      %add3A_231 = arith.constant 2 : i32
      %add3A_232 = arith.addi %add3A_96, %add3A_231 : i32
      %mul3A_233 = arith.constant 80 : i32
      %mul3A_234 = arith.muli %add3A_232, %mul3A_233 : i32
      %dma_wait3A_235 = tpu.memref_slice %arg8[%mul3A_234] : memref<20480xi32, #tpu.memory_space<vmem>> -> memref<80xi32, #tpu.memory_space<vmem>>
      %dma_wait3A_236 = arith.constant 0 : i32
      %dma_wait3A_237 = arith.constant 0 : i32
      %dma_wait3A_238 = tpu.memref_slice %arg2[%dma_wait3A_236, %dma_wait3A_237] : memref<10000x128xf32, #tpu.memory_space<hbm>> -> memref<10000x128xf32, #tpu.memory_space<hbm>>
      tpu.wait_indirect_dma semaphore(%arg18 : memref<!tpu.dma_semaphore, #tpu.memory_space<semaphore_mem>>) src(%dma_wait3A_238 : memref<10000x128xf32, #tpu.memory_space<hbm>>) dst(%arg12 : memref<80x128xf32, #tpu.memory_space<vmem>>)
      %mul3A_239 = arith.constant 80 : i32
      %mul3A_240 = arith.muli %add3A_232, %mul3A_239 : i32
      %add3A_241 = arith.constant 0 : i32
      %add3A_242 = arith.addi %mul3A_240, %add3A_241 : i32
      %get3A_243 = arith.index_cast %add3A_242 : i32 to index
      %get3A_244 = tpu.vector_load %arg9[%get3A_243] {strides = array<i32>} : memref<20480xi32, #tpu.memory_space<vmem>>, vector<16xi32>,
      %swap3A_245 = arith.constant 2 : i32
      %swap3A_246 = arith.index_cast %swap3A_245 : i32 to index
      %swap3A_247 = arith.constant 0 : index
      %swap3A_248 = tpu.vector_load %arg14[%swap3A_246, %swap3A_247] {strides = array<i32>} : memref<3x80xi32, #tpu.memory_space<vmem>>, vector<16xi32>,
      tpu.vector_store %arg14[%swap3A_246, %swap3A_247], %get3A_244 {strides = array<i32>} : memref<3x80xi32, #tpu.memory_space<vmem>>, vector<16xi32>,
      %add3A_249 = arith.constant 16 : i32
      %add3A_250 = arith.addi %mul3A_240, %add3A_249 : i32
      %get3A_251 = arith.index_cast %add3A_250 : i32 to index
      %get3A_252 = tpu.vector_load %arg9[%get3A_251] {strides = array<i32>} : memref<20480xi32, #tpu.memory_space<vmem>>, vector<16xi32>,
      %swap3A_253 = arith.constant 2 : i32
      %swap3A_254 = arith.index_cast %swap3A_253 : i32 to index
      %swap3A_255 = arith.constant 16 : index
      %swap3A_256 = tpu.vector_load %arg14[%swap3A_254, %swap3A_255] {strides = array<i32>} : memref<3x80xi32, #tpu.memory_space<vmem>>, vector<16xi32>,
      tpu.vector_store %arg14[%swap3A_254, %swap3A_255], %get3A_252 {strides = array<i32>} : memref<3x80xi32, #tpu.memory_space<vmem>>, vector<16xi32>,
      %add3A_257 = arith.constant 32 : i32
      %add3A_258 = arith.addi %mul3A_240, %add3A_257 : i32
      %get3A_259 = arith.index_cast %add3A_258 : i32 to index
      %get3A_260 = tpu.vector_load %arg9[%get3A_259] {strides = array<i32>} : memref<20480xi32, #tpu.memory_space<vmem>>, vector<16xi32>,
      %swap3A_261 = arith.constant 2 : i32
      %swap3A_262 = arith.index_cast %swap3A_261 : i32 to index
      %swap3A_263 = arith.constant 32 : index
      %swap3A_264 = tpu.vector_load %arg14[%swap3A_262, %swap3A_263] {strides = array<i32>} : memref<3x80xi32, #tpu.memory_space<vmem>>, vector<16xi32>,
      tpu.vector_store %arg14[%swap3A_262, %swap3A_263], %get3A_260 {strides = array<i32>} : memref<3x80xi32, #tpu.memory_space<vmem>>, vector<16xi32>,
      %add3A_265 = arith.constant 48 : i32
      %add3A_266 = arith.addi %mul3A_240, %add3A_265 : i32
      %get3A_267 = arith.index_cast %add3A_266 : i32 to index
      %get3A_268 = tpu.vector_load %arg9[%get3A_267] {strides = array<i32>} : memref<20480xi32, #tpu.memory_space<vmem>>, vector<16xi32>,
      %swap3A_269 = arith.constant 2 : i32
      %swap3A_270 = arith.index_cast %swap3A_269 : i32 to index
      %swap3A_271 = arith.constant 48 : index
      %swap3A_272 = tpu.vector_load %arg14[%swap3A_270, %swap3A_271] {strides = array<i32>} : memref<3x80xi32, #tpu.memory_space<vmem>>, vector<16xi32>,
      tpu.vector_store %arg14[%swap3A_270, %swap3A_271], %get3A_268 {strides = array<i32>} : memref<3x80xi32, #tpu.memory_space<vmem>>, vector<16xi32>,
      %add3A_273 = arith.constant 64 : i32
      %add3A_274 = arith.addi %mul3A_240, %add3A_273 : i32
      %get3A_275 = arith.index_cast %add3A_274 : i32 to index
      %get3A_276 = tpu.vector_load %arg9[%get3A_275] {strides = array<i32>} : memref<20480xi32, #tpu.memory_space<vmem>>, vector<16xi32>,
      %swap3A_277 = arith.constant 2 : i32
      %swap3A_278 = arith.index_cast %swap3A_277 : i32 to index
      %swap3A_279 = arith.constant 64 : index
      %swap3A_280 = tpu.vector_load %arg14[%swap3A_278, %swap3A_279] {strides = array<i32>} : memref<3x80xi32, #tpu.memory_space<vmem>>, vector<16xi32>,
      tpu.vector_store %arg14[%swap3A_278, %swap3A_279], %get3A_276 {strides = array<i32>} : memref<3x80xi32, #tpu.memory_space<vmem>>, vector<16xi32>,
      %ge3A_281 = arith.constant 1 : i32
      %ge3A_282 = arith.cmpi sge, %add3A_232, %ge3A_281 : i32
      %convert_element_type3A_283 = arith.extui %ge3A_282 : i1 to i32
      %cond3A_284 = arith.constant 0 : i32
      %cond3A_285 = arith.cmpi ne, %convert_element_type3A_283, %cond3A_284 : i32
      scf.if %cond3A_285 {
        %dma_wait3A_299 = arith.constant 1 : i32
        %dma_wait3A_300 = arith.constant 0 : i32
        %dma_wait3A_301 = tpu.memref_slice %arg14[%dma_wait3A_299, %dma_wait3A_300] : memref<3x80xi32, #tpu.memory_space<vmem>> -> memref<1x80xi32, #tpu.memory_space<vmem>>
        %dma_wait3A_302 = tpu.memref_squeeze %dma_wait3A_301 : memref<1x80xi32, #tpu.memory_space<vmem>> -> memref<80xi32, #tpu.memory_space<vmem>>
        %dma_wait3A_303 = arith.constant 0 : i32
        %dma_wait3A_304 = arith.constant 0 : i32
        %dma_wait3A_305 = tpu.memref_slice %arg15[%dma_wait3A_303, %dma_wait3A_304] : memref<5120x128xf32, #tpu.memory_space<vmem_shared>> -> memref<5120x128xf32, #tpu.memory_space<vmem_shared>>
        tpu.wait_indirect_dma semaphore(%arg20 : memref<!tpu.dma_semaphore, #tpu.memory_space<semaphore_mem>>) src(%arg11 : memref<80x128xf32, #tpu.memory_space<vmem>>) dst(%dma_wait3A_305 : memref<5120x128xf32, #tpu.memory_space<vmem_shared>>)
      } else {
      }
      %dma_start3A_286 = arith.constant 2 : i32
      %dma_start3A_287 = arith.constant 0 : i32
      %dma_start3A_288 = tpu.memref_slice %arg14[%dma_start3A_286, %dma_start3A_287] : memref<3x80xi32, #tpu.memory_space<vmem>> -> memref<1x80xi32, #tpu.memory_space<vmem>>
      %dma_start3A_289 = tpu.memref_squeeze %dma_start3A_288 : memref<1x80xi32, #tpu.memory_space<vmem>> -> memref<80xi32, #tpu.memory_space<vmem>>
      %dma_start3A_290 = arith.constant 0 : i32
      %dma_start3A_291 = arith.constant 0 : i32
      %dma_start3A_292 = tpu.memref_slice %arg15[%dma_start3A_290, %dma_start3A_291] : memref<5120x128xf32, #tpu.memory_space<vmem_shared>> -> memref<5120x128xf32, #tpu.memory_space<vmem_shared>>
      tpu.enqueue_indirect_dma source(%arg12 : memref<80x128xf32, #tpu.memory_space<vmem>>) target(%dma_start3A_292 : memref<5120x128xf32, #tpu.memory_space<vmem_shared>>) offsets(%dma_start3A_289 : memref<80xi32, #tpu.memory_space<vmem>>) semaphore(%arg21 : memref<!tpu.dma_semaphore, #tpu.memory_space<semaphore_mem>>) {add = true}
      %add3A_293 = arith.constant 2 : i32
      %add3A_294 = arith.addi %add3A_232, %add3A_293 : i32
      %lt3A_295 = arith.cmpi slt, %add3A_294, %mul3A_34 : i32
      %convert_element_type3A_296 = arith.extui %lt3A_295 : i1 to i32
      %cond3A_297 = arith.constant 0 : i32
      %cond3A_298 = arith.cmpi ne, %convert_element_type3A_296, %cond3A_297 : i32
      scf.if %cond3A_298 {
        %add3A_299 = arith.constant 2 : i32
        %add3A_300 = arith.addi %add3A_232, %add3A_299 : i32
        %mul3A_301 = arith.constant 80 : i32
        %mul3A_302 = arith.muli %add3A_300, %mul3A_301 : i32
        %dma_start3A_303 = tpu.memref_slice %arg8[%mul3A_302] : memref<20480xi32, #tpu.memory_space<vmem>> -> memref<80xi32, #tpu.memory_space<vmem>>
        %dma_start3A_304 = arith.constant 0 : i32
        %dma_start3A_305 = arith.constant 0 : i32
        %dma_start3A_306 = tpu.memref_slice %arg2[%dma_start3A_304, %dma_start3A_305] : memref<10000x128xf32, #tpu.memory_space<hbm>> -> memref<10000x128xf32, #tpu.memory_space<hbm>>
        tpu.enqueue_indirect_dma source(%dma_start3A_306 : memref<10000x128xf32, #tpu.memory_space<hbm>>) target(%arg11 : memref<80x128xf32, #tpu.memory_space<vmem>>) offsets(%dma_start3A_303 : memref<80xi32, #tpu.memory_space<vmem>>) semaphore(%arg17 : memref<!tpu.dma_semaphore, #tpu.memory_space<semaphore_mem>>)
      } else {
      }
    }
    %while3A_61 = arith.constant 1 : i32
    scf.for %while3A_94 = %while3A_59 to %while3A_55 step %while3A_61  : i32 {
      %mul3A_95 = arith.muli %while3A_94, %while3A : i32
      %add3A_96 = arith.addi %while3A_52, %mul3A_95 : i32
      %add3A_97 = arith.constant 0 : i32
      %add3A_98 = arith.addi %add3A_96, %add3A_97 : i32
      %mul3A_99 = arith.constant 80 : i32
      %mul3A_100 = arith.muli %add3A_98, %mul3A_99 : i32
      %dma_wait3A_101 = tpu.memref_slice %arg8[%mul3A_100] : memref<20480xi32, #tpu.memory_space<vmem>> -> memref<80xi32, #tpu.memory_space<vmem>>
      %dma_wait3A_102 = arith.constant 0 : i32
      %dma_wait3A_103 = arith.constant 0 : i32
      %dma_wait3A_104 = tpu.memref_slice %arg2[%dma_wait3A_102, %dma_wait3A_103] : memref<10000x128xf32, #tpu.memory_space<hbm>> -> memref<10000x128xf32, #tpu.memory_space<hbm>>
      tpu.wait_indirect_dma semaphore(%arg16 : memref<!tpu.dma_semaphore, #tpu.memory_space<semaphore_mem>>) src(%dma_wait3A_104 : memref<10000x128xf32, #tpu.memory_space<hbm>>) dst(%arg10 : memref<80x128xf32, #tpu.memory_space<vmem>>)
      %mul3A_105 = arith.constant 80 : i32
      %mul3A_106 = arith.muli %add3A_98, %mul3A_105 : i32
      %add3A_107 = arith.constant 0 : i32
      %add3A_108 = arith.addi %mul3A_106, %add3A_107 : i32
      %get3A_109 = arith.index_cast %add3A_108 : i32 to index
      %get3A_110 = tpu.vector_load %arg9[%get3A_109] {strides = array<i32>} : memref<20480xi32, #tpu.memory_space<vmem>>, vector<16xi32>,
      %swap3A = arith.constant 0 : i32
      %swap3A_111 = arith.index_cast %swap3A : i32 to index
      %swap3A_112 = arith.constant 0 : index
      %swap3A_113 = tpu.vector_load %arg14[%swap3A_111, %swap3A_112] {strides = array<i32>} : memref<3x80xi32, #tpu.memory_space<vmem>>, vector<16xi32>,
      tpu.vector_store %arg14[%swap3A_111, %swap3A_112], %get3A_110 {strides = array<i32>} : memref<3x80xi32, #tpu.memory_space<vmem>>, vector<16xi32>,
      %add3A_114 = arith.constant 16 : i32
      %add3A_115 = arith.addi %mul3A_106, %add3A_114 : i32
      %get3A_116 = arith.index_cast %add3A_115 : i32 to index
      %get3A_117 = tpu.vector_load %arg9[%get3A_116] {strides = array<i32>} : memref<20480xi32, #tpu.memory_space<vmem>>, vector<16xi32>,
      %swap3A_118 = arith.constant 0 : i32
      %swap3A_119 = arith.index_cast %swap3A_118 : i32 to index
      %swap3A_120 = arith.constant 16 : index
      %swap3A_121 = tpu.vector_load %arg14[%swap3A_119, %swap3A_120] {strides = array<i32>} : memref<3x80xi32, #tpu.memory_space<vmem>>, vector<16xi32>,
      tpu.vector_store %arg14[%swap3A_119, %swap3A_120], %get3A_117 {strides = array<i32>} : memref<3x80xi32, #tpu.memory_space<vmem>>, vector<16xi32>,
      %add3A_122 = arith.constant 32 : i32
      %add3A_123 = arith.addi %mul3A_106, %add3A_122 : i32
      %get3A_124 = arith.index_cast %add3A_123 : i32 to index
      %get3A_125 = tpu.vector_load %arg9[%get3A_124] {strides = array<i32>} : memref<20480xi32, #tpu.memory_space<vmem>>, vector<16xi32>,
      %swap3A_126 = arith.constant 0 : i32
      %swap3A_127 = arith.index_cast %swap3A_126 : i32 to index
      %swap3A_128 = arith.constant 32 : index
      %swap3A_129 = tpu.vector_load %arg14[%swap3A_127, %swap3A_128] {strides = array<i32>} : memref<3x80xi32, #tpu.memory_space<vmem>>, vector<16xi32>,
      tpu.vector_store %arg14[%swap3A_127, %swap3A_128], %get3A_125 {strides = array<i32>} : memref<3x80xi32, #tpu.memory_space<vmem>>, vector<16xi32>,
      %add3A_130 = arith.constant 48 : i32
      %add3A_131 = arith.addi %mul3A_106, %add3A_130 : i32
      %get3A_132 = arith.index_cast %add3A_131 : i32 to index
      %get3A_133 = tpu.vector_load %arg9[%get3A_132] {strides = array<i32>} : memref<20480xi32, #tpu.memory_space<vmem>>, vector<16xi32>,
      %swap3A_134 = arith.constant 0 : i32
      %swap3A_135 = arith.index_cast %swap3A_134 : i32 to index
      %swap3A_136 = arith.constant 48 : index
      %swap3A_137 = tpu.vector_load %arg14[%swap3A_135, %swap3A_136] {strides = array<i32>} : memref<3x80xi32, #tpu.memory_space<vmem>>, vector<16xi32>,
      tpu.vector_store %arg14[%swap3A_135, %swap3A_136], %get3A_133 {strides = array<i32>} : memref<3x80xi32, #tpu.memory_space<vmem>>, vector<16xi32>,
      %add3A_138 = arith.constant 64 : i32
      %add3A_139 = arith.addi %mul3A_106, %add3A_138 : i32
      %get3A_140 = arith.index_cast %add3A_139 : i32 to index
      %get3A_141 = tpu.vector_load %arg9[%get3A_140] {strides = array<i32>} : memref<20480xi32, #tpu.memory_space<vmem>>, vector<16xi32>,
      %swap3A_142 = arith.constant 0 : i32
      %swap3A_143 = arith.index_cast %swap3A_142 : i32 to index
      %swap3A_144 = arith.constant 64 : index
      %swap3A_145 = tpu.vector_load %arg14[%swap3A_143, %swap3A_144] {strides = array<i32>} : memref<3x80xi32, #tpu.memory_space<vmem>>, vector<16xi32>,
      tpu.vector_store %arg14[%swap3A_143, %swap3A_144], %get3A_141 {strides = array<i32>} : memref<3x80xi32, #tpu.memory_space<vmem>>, vector<16xi32>,
      %ge3A = arith.constant 1 : i32
      %ge3A_146 = arith.cmpi sge, %add3A_98, %ge3A : i32
      %convert_element_type3A_147 = arith.extui %ge3A_146 : i1 to i32
      %cond3A_148 = arith.constant 0 : i32
      %cond3A_149 = arith.cmpi ne, %convert_element_type3A_147, %cond3A_148 : i32
      scf.if %cond3A_149 {
        %dma_wait3A_299 = arith.constant 2 : i32
        %dma_wait3A_300 = arith.constant 0 : i32
        %dma_wait3A_301 = tpu.memref_slice %arg14[%dma_wait3A_299, %dma_wait3A_300] : memref<3x80xi32, #tpu.memory_space<vmem>> -> memref<1x80xi32, #tpu.memory_space<vmem>>
        %dma_wait3A_302 = tpu.memref_squeeze %dma_wait3A_301 : memref<1x80xi32, #tpu.memory_space<vmem>> -> memref<80xi32, #tpu.memory_space<vmem>>
        %dma_wait3A_303 = arith.constant 0 : i32
        %dma_wait3A_304 = arith.constant 0 : i32
        %dma_wait3A_305 = tpu.memref_slice %arg15[%dma_wait3A_303, %dma_wait3A_304] : memref<5120x128xf32, #tpu.memory_space<vmem_shared>> -> memref<5120x128xf32, #tpu.memory_space<vmem_shared>>
        tpu.wait_indirect_dma semaphore(%arg21 : memref<!tpu.dma_semaphore, #tpu.memory_space<semaphore_mem>>) src(%arg12 : memref<80x128xf32, #tpu.memory_space<vmem>>) dst(%dma_wait3A_305 : memref<5120x128xf32, #tpu.memory_space<vmem_shared>>)
      } else {
      }
      %dma_start3A_150 = arith.constant 0 : i32
      %dma_start3A_151 = arith.constant 0 : i32
      %dma_start3A_152 = tpu.memref_slice %arg14[%dma_start3A_150, %dma_start3A_151] : memref<3x80xi32, #tpu.memory_space<vmem>> -> memref<1x80xi32, #tpu.memory_space<vmem>>
      %dma_start3A_153 = tpu.memref_squeeze %dma_start3A_152 : memref<1x80xi32, #tpu.memory_space<vmem>> -> memref<80xi32, #tpu.memory_space<vmem>>
      %dma_start3A_154 = arith.constant 0 : i32
      %dma_start3A_155 = arith.constant 0 : i32
      %dma_start3A_156 = tpu.memref_slice %arg15[%dma_start3A_154, %dma_start3A_155] : memref<5120x128xf32, #tpu.memory_space<vmem_shared>> -> memref<5120x128xf32, #tpu.memory_space<vmem_shared>>
      tpu.enqueue_indirect_dma source(%arg10 : memref<80x128xf32, #tpu.memory_space<vmem>>) target(%dma_start3A_156 : memref<5120x128xf32, #tpu.memory_space<vmem_shared>>) offsets(%dma_start3A_153 : memref<80xi32, #tpu.memory_space<vmem>>) semaphore(%arg19 : memref<!tpu.dma_semaphore, #tpu.memory_space<semaphore_mem>>) {add = true}
      %add3A_157 = arith.constant 2 : i32
      %add3A_158 = arith.addi %add3A_98, %add3A_157 : i32
      %lt3A_159 = arith.cmpi slt, %add3A_158, %mul3A_34 : i32
      %convert_element_type3A_160 = arith.extui %lt3A_159 : i1 to i32
      %cond3A_161 = arith.constant 0 : i32
      %cond3A_162 = arith.cmpi ne, %convert_element_type3A_160, %cond3A_161 : i32
      scf.if %cond3A_162 {
        %add3A_299 = arith.constant 2 : i32
        %add3A_300 = arith.addi %add3A_98, %add3A_299 : i32
        %mul3A_301 = arith.constant 80 : i32
        %mul3A_302 = arith.muli %add3A_300, %mul3A_301 : i32
        %dma_start3A_303 = tpu.memref_slice %arg8[%mul3A_302] : memref<20480xi32, #tpu.memory_space<vmem>> -> memref<80xi32, #tpu.memory_space<vmem>>
        %dma_start3A_304 = arith.constant 0 : i32
        %dma_start3A_305 = arith.constant 0 : i32
        %dma_start3A_306 = tpu.memref_slice %arg2[%dma_start3A_304, %dma_start3A_305] : memref<10000x128xf32, #tpu.memory_space<hbm>> -> memref<10000x128xf32, #tpu.memory_space<hbm>>
        tpu.enqueue_indirect_dma source(%dma_start3A_306 : memref<10000x128xf32, #tpu.memory_space<hbm>>) target(%arg12 : memref<80x128xf32, #tpu.memory_space<vmem>>) offsets(%dma_start3A_303 : memref<80xi32, #tpu.memory_space<vmem>>) semaphore(%arg18 : memref<!tpu.dma_semaphore, #tpu.memory_space<semaphore_mem>>)
      } else {
      }
      %add3A_163 = arith.constant 1 : i32
      %add3A_164 = arith.addi %add3A_96, %add3A_163 : i32
      %mul3A_165 = arith.constant 80 : i32
      %mul3A_166 = arith.muli %add3A_164, %mul3A_165 : i32
      %dma_wait3A_167 = tpu.memref_slice %arg8[%mul3A_166] : memref<20480xi32, #tpu.memory_space<vmem>> -> memref<80xi32, #tpu.memory_space<vmem>>
      %dma_wait3A_168 = arith.constant 0 : i32
      %dma_wait3A_169 = arith.constant 0 : i32
      %dma_wait3A_170 = tpu.memref_slice %arg2[%dma_wait3A_168, %dma_wait3A_169] : memref<10000x128xf32, #tpu.memory_space<hbm>> -> memref<10000x128xf32, #tpu.memory_space<hbm>>
      tpu.wait_indirect_dma semaphore(%arg17 : memref<!tpu.dma_semaphore, #tpu.memory_space<semaphore_mem>>) src(%dma_wait3A_170 : memref<10000x128xf32, #tpu.memory_space<hbm>>) dst(%arg11 : memref<80x128xf32, #tpu.memory_space<vmem>>)
      %mul3A_171 = arith.constant 80 : i32
      %mul3A_172 = arith.muli %add3A_164, %mul3A_171 : i32
      %add3A_173 = arith.constant 0 : i32
      %add3A_174 = arith.addi %mul3A_172, %add3A_173 : i32
      %get3A_175 = arith.index_cast %add3A_174 : i32 to index
      %get3A_176 = tpu.vector_load %arg9[%get3A_175] {strides = array<i32>} : memref<20480xi32, #tpu.memory_space<vmem>>, vector<16xi32>,
      %swap3A_177 = arith.constant 1 : i32
      %swap3A_178 = arith.index_cast %swap3A_177 : i32 to index
      %swap3A_179 = arith.constant 0 : index
      %swap3A_180 = tpu.vector_load %arg14[%swap3A_178, %swap3A_179] {strides = array<i32>} : memref<3x80xi32, #tpu.memory_space<vmem>>, vector<16xi32>,
      tpu.vector_store %arg14[%swap3A_178, %swap3A_179], %get3A_176 {strides = array<i32>} : memref<3x80xi32, #tpu.memory_space<vmem>>, vector<16xi32>,
      %add3A_181 = arith.constant 16 : i32
      %add3A_182 = arith.addi %mul3A_172, %add3A_181 : i32
      %get3A_183 = arith.index_cast %add3A_182 : i32 to index
      %get3A_184 = tpu.vector_load %arg9[%get3A_183] {strides = array<i32>} : memref<20480xi32, #tpu.memory_space<vmem>>, vector<16xi32>,
      %swap3A_185 = arith.constant 1 : i32
      %swap3A_186 = arith.index_cast %swap3A_185 : i32 to index
      %swap3A_187 = arith.constant 16 : index
      %swap3A_188 = tpu.vector_load %arg14[%swap3A_186, %swap3A_187] {strides = array<i32>} : memref<3x80xi32, #tpu.memory_space<vmem>>, vector<16xi32>,
      tpu.vector_store %arg14[%swap3A_186, %swap3A_187], %get3A_184 {strides = array<i32>} : memref<3x80xi32, #tpu.memory_space<vmem>>, vector<16xi32>,
      %add3A_189 = arith.constant 32 : i32
      %add3A_190 = arith.addi %mul3A_172, %add3A_189 : i32
      %get3A_191 = arith.index_cast %add3A_190 : i32 to index
      %get3A_192 = tpu.vector_load %arg9[%get3A_191] {strides = array<i32>} : memref<20480xi32, #tpu.memory_space<vmem>>, vector<16xi32>,
      %swap3A_193 = arith.constant 1 : i32
      %swap3A_194 = arith.index_cast %swap3A_193 : i32 to index
      %swap3A_195 = arith.constant 32 : index
      %swap3A_196 = tpu.vector_load %arg14[%swap3A_194, %swap3A_195] {strides = array<i32>} : memref<3x80xi32, #tpu.memory_space<vmem>>, vector<16xi32>,
      tpu.vector_store %arg14[%swap3A_194, %swap3A_195], %get3A_192 {strides = array<i32>} : memref<3x80xi32, #tpu.memory_space<vmem>>, vector<16xi32>,
      %add3A_197 = arith.constant 48 : i32
      %add3A_198 = arith.addi %mul3A_172, %add3A_197 : i32
      %get3A_199 = arith.index_cast %add3A_198 : i32 to index
      %get3A_200 = tpu.vector_load %arg9[%get3A_199] {strides = array<i32>} : memref<20480xi32, #tpu.memory_space<vmem>>, vector<16xi32>,
      %swap3A_201 = arith.constant 1 : i32
      %swap3A_202 = arith.index_cast %swap3A_201 : i32 to index
      %swap3A_203 = arith.constant 48 : index
      %swap3A_204 = tpu.vector_load %arg14[%swap3A_202, %swap3A_203] {strides = array<i32>} : memref<3x80xi32, #tpu.memory_space<vmem>>, vector<16xi32>,
      tpu.vector_store %arg14[%swap3A_202, %swap3A_203], %get3A_200 {strides = array<i32>} : memref<3x80xi32, #tpu.memory_space<vmem>>, vector<16xi32>,
      %add3A_205 = arith.constant 64 : i32
      %add3A_206 = arith.addi %mul3A_172, %add3A_205 : i32
      %get3A_207 = arith.index_cast %add3A_206 : i32 to index
      %get3A_208 = tpu.vector_load %arg9[%get3A_207] {strides = array<i32>} : memref<20480xi32, #tpu.memory_space<vmem>>, vector<16xi32>,
      %swap3A_209 = arith.constant 1 : i32
      %swap3A_210 = arith.index_cast %swap3A_209 : i32 to index
      %swap3A_211 = arith.constant 64 : index
      %swap3A_212 = tpu.vector_load %arg14[%swap3A_210, %swap3A_211] {strides = array<i32>} : memref<3x80xi32, #tpu.memory_space<vmem>>, vector<16xi32>,
      tpu.vector_store %arg14[%swap3A_210, %swap3A_211], %get3A_208 {strides = array<i32>} : memref<3x80xi32, #tpu.memory_space<vmem>>, vector<16xi32>,
      %ge3A_213 = arith.constant 1 : i32
      %ge3A_214 = arith.cmpi sge, %add3A_164, %ge3A_213 : i32
      %convert_element_type3A_215 = arith.extui %ge3A_214 : i1 to i32
      %cond3A_216 = arith.constant 0 : i32
      %cond3A_217 = arith.cmpi ne, %convert_element_type3A_215, %cond3A_216 : i32
      scf.if %cond3A_217 {
        %dma_wait3A_299 = arith.constant 0 : i32
        %dma_wait3A_300 = arith.constant 0 : i32
        %dma_wait3A_301 = tpu.memref_slice %arg14[%dma_wait3A_299, %dma_wait3A_300] : memref<3x80xi32, #tpu.memory_space<vmem>> -> memref<1x80xi32, #tpu.memory_space<vmem>>
        %dma_wait3A_302 = tpu.memref_squeeze %dma_wait3A_301 : memref<1x80xi32, #tpu.memory_space<vmem>> -> memref<80xi32, #tpu.memory_space<vmem>>
        %dma_wait3A_303 = arith.constant 0 : i32
        %dma_wait3A_304 = arith.constant 0 : i32
        %dma_wait3A_305 = tpu.memref_slice %arg15[%dma_wait3A_303, %dma_wait3A_304] : memref<5120x128xf32, #tpu.memory_space<vmem_shared>> -> memref<5120x128xf32, #tpu.memory_space<vmem_shared>>
        tpu.wait_indirect_dma semaphore(%arg19 : memref<!tpu.dma_semaphore, #tpu.memory_space<semaphore_mem>>) src(%arg10 : memref<80x128xf32, #tpu.memory_space<vmem>>) dst(%dma_wait3A_305 : memref<5120x128xf32, #tpu.memory_space<vmem_shared>>)
      } else {
      }
      %dma_start3A_218 = arith.constant 1 : i32
      %dma_start3A_219 = arith.constant 0 : i32
      %dma_start3A_220 = tpu.memref_slice %arg14[%dma_start3A_218, %dma_start3A_219] : memref<3x80xi32, #tpu.memory_space<vmem>> -> memref<1x80xi32, #tpu.memory_space<vmem>>
      %dma_start3A_221 = tpu.memref_squeeze %dma_start3A_220 : memref<1x80xi32, #tpu.memory_space<vmem>> -> memref<80xi32, #tpu.memory_space<vmem>>
      %dma_start3A_222 = arith.constant 0 : i32
      %dma_start3A_223 = arith.constant 0 : i32
      %dma_start3A_224 = tpu.memref_slice %arg15[%dma_start3A_222, %dma_start3A_223] : memref<5120x128xf32, #tpu.memory_space<vmem_shared>> -> memref<5120x128xf32, #tpu.memory_space<vmem_shared>>
      tpu.enqueue_indirect_dma source(%arg11 : memref<80x128xf32, #tpu.memory_space<vmem>>) target(%dma_start3A_224 : memref<5120x128xf32, #tpu.memory_space<vmem_shared>>) offsets(%dma_start3A_221 : memref<80xi32, #tpu.memory_space<vmem>>) semaphore(%arg20 : memref<!tpu.dma_semaphore, #tpu.memory_space<semaphore_mem>>) {add = true}
      %add3A_225 = arith.constant 2 : i32
      %add3A_226 = arith.addi %add3A_164, %add3A_225 : i32
      %lt3A_227 = arith.cmpi slt, %add3A_226, %mul3A_34 : i32
      %convert_element_type3A_228 = arith.extui %lt3A_227 : i1 to i32
      %cond3A_229 = arith.constant 0 : i32
      %cond3A_230 = arith.cmpi ne, %convert_element_type3A_228, %cond3A_229 : i32
      scf.if %cond3A_230 {
        %add3A_299 = arith.constant 2 : i32
        %add3A_300 = arith.addi %add3A_164, %add3A_299 : i32
        %mul3A_301 = arith.constant 80 : i32
        %mul3A_302 = arith.muli %add3A_300, %mul3A_301 : i32
        %dma_start3A_303 = tpu.memref_slice %arg8[%mul3A_302] : memref<20480xi32, #tpu.memory_space<vmem>> -> memref<80xi32, #tpu.memory_space<vmem>>
        %dma_start3A_304 = arith.constant 0 : i32
        %dma_start3A_305 = arith.constant 0 : i32
        %dma_start3A_306 = tpu.memref_slice %arg2[%dma_start3A_304, %dma_start3A_305] : memref<10000x128xf32, #tpu.memory_space<hbm>> -> memref<10000x128xf32, #tpu.memory_space<hbm>>
        tpu.enqueue_indirect_dma source(%dma_start3A_306 : memref<10000x128xf32, #tpu.memory_space<hbm>>) target(%arg10 : memref<80x128xf32, #tpu.memory_space<vmem>>) offsets(%dma_start3A_303 : memref<80xi32, #tpu.memory_space<vmem>>) semaphore(%arg16 : memref<!tpu.dma_semaphore, #tpu.memory_space<semaphore_mem>>)
      } else {
      }
      %add3A_231 = arith.constant 2 : i32
      %add3A_232 = arith.addi %add3A_96, %add3A_231 : i32
      %mul3A_233 = arith.constant 80 : i32
      %mul3A_234 = arith.muli %add3A_232, %mul3A_233 : i32
      %dma_wait3A_235 = tpu.memref_slice %arg8[%mul3A_234] : memref<20480xi32, #tpu.memory_space<vmem>> -> memref<80xi32, #tpu.memory_space<vmem>>
      %dma_wait3A_236 = arith.constant 0 : i32
      %dma_wait3A_237 = arith.constant 0 : i32
      %dma_wait3A_238 = tpu.memref_slice %arg2[%dma_wait3A_236, %dma_wait3A_237] : memref<10000x128xf32, #tpu.memory_space<hbm>> -> memref<10000x128xf32, #tpu.memory_space<hbm>>
      tpu.wait_indirect_dma semaphore(%arg18 : memref<!tpu.dma_semaphore, #tpu.memory_space<semaphore_mem>>) src(%dma_wait3A_238 : memref<10000x128xf32, #tpu.memory_space<hbm>>) dst(%arg12 : memref<80x128xf32, #tpu.memory_space<vmem>>)
      %mul3A_239 = arith.constant 80 : i32
      %mul3A_240 = arith.muli %add3A_232, %mul3A_239 : i32
      %add3A_241 = arith.constant 0 : i32
      %add3A_242 = arith.addi %mul3A_240, %add3A_241 : i32
      %get3A_243 = arith.index_cast %add3A_242 : i32 to index
      %get3A_244 = tpu.vector_load %arg9[%get3A_243] {strides = array<i32>} : memref<20480xi32, #tpu.memory_space<vmem>>, vector<16xi32>,
      %swap3A_245 = arith.constant 2 : i32
      %swap3A_246 = arith.index_cast %swap3A_245 : i32 to index
      %swap3A_247 = arith.constant 0 : index
      %swap3A_248 = tpu.vector_load %arg14[%swap3A_246, %swap3A_247] {strides = array<i32>} : memref<3x80xi32, #tpu.memory_space<vmem>>, vector<16xi32>,
      tpu.vector_store %arg14[%swap3A_246, %swap3A_247], %get3A_244 {strides = array<i32>} : memref<3x80xi32, #tpu.memory_space<vmem>>, vector<16xi32>,
      %add3A_249 = arith.constant 16 : i32
      %add3A_250 = arith.addi %mul3A_240, %add3A_249 : i32
      %get3A_251 = arith.index_cast %add3A_250 : i32 to index
      %get3A_252 = tpu.vector_load %arg9[%get3A_251] {strides = array<i32>} : memref<20480xi32, #tpu.memory_space<vmem>>, vector<16xi32>,
      %swap3A_253 = arith.constant 2 : i32
      %swap3A_254 = arith.index_cast %swap3A_253 : i32 to index
      %swap3A_255 = arith.constant 16 : index
      %swap3A_256 = tpu.vector_load %arg14[%swap3A_254, %swap3A_255] {strides = array<i32>} : memref<3x80xi32, #tpu.memory_space<vmem>>, vector<16xi32>,
      tpu.vector_store %arg14[%swap3A_254, %swap3A_255], %get3A_252 {strides = array<i32>} : memref<3x80xi32, #tpu.memory_space<vmem>>, vector<16xi32>,
      %add3A_257 = arith.constant 32 : i32
      %add3A_258 = arith.addi %mul3A_240, %add3A_257 : i32
      %get3A_259 = arith.index_cast %add3A_258 : i32 to index
      %get3A_260 = tpu.vector_load %arg9[%get3A_259] {strides = array<i32>} : memref<20480xi32, #tpu.memory_space<vmem>>, vector<16xi32>,
      %swap3A_261 = arith.constant 2 : i32
      %swap3A_262 = arith.index_cast %swap3A_261 : i32 to index
      %swap3A_263 = arith.constant 32 : index
      %swap3A_264 = tpu.vector_load %arg14[%swap3A_262, %swap3A_263] {strides = array<i32>} : memref<3x80xi32, #tpu.memory_space<vmem>>, vector<16xi32>,
      tpu.vector_store %arg14[%swap3A_262, %swap3A_263], %get3A_260 {strides = array<i32>} : memref<3x80xi32, #tpu.memory_space<vmem>>, vector<16xi32>,
      %add3A_265 = arith.constant 48 : i32
      %add3A_266 = arith.addi %mul3A_240, %add3A_265 : i32
      %get3A_267 = arith.index_cast %add3A_266 : i32 to index
      %get3A_268 = tpu.vector_load %arg9[%get3A_267] {strides = array<i32>} : memref<20480xi32, #tpu.memory_space<vmem>>, vector<16xi32>,
      %swap3A_269 = arith.constant 2 : i32
      %swap3A_270 = arith.index_cast %swap3A_269 : i32 to index
      %swap3A_271 = arith.constant 48 : index
      %swap3A_272 = tpu.vector_load %arg14[%swap3A_270, %swap3A_271] {strides = array<i32>} : memref<3x80xi32, #tpu.memory_space<vmem>>, vector<16xi32>,
      tpu.vector_store %arg14[%swap3A_270, %swap3A_271], %get3A_268 {strides = array<i32>} : memref<3x80xi32, #tpu.memory_space<vmem>>, vector<16xi32>,
      %add3A_273 = arith.constant 64 : i32
      %add3A_274 = arith.addi %mul3A_240, %add3A_273 : i32
      %get3A_275 = arith.index_cast %add3A_274 : i32 to index
      %get3A_276 = tpu.vector_load %arg9[%get3A_275] {strides = array<i32>} : memref<20480xi32, #tpu.memory_space<vmem>>, vector<16xi32>,
      %swap3A_277 = arith.constant 2 : i32
      %swap3A_278 = arith.index_cast %swap3A_277 : i32 to index
      %swap3A_279 = arith.constant 64 : index
      %swap3A_280 = tpu.vector_load %arg14[%swap3A_278, %swap3A_279] {strides = array<i32>} : memref<3x80xi32, #tpu.memory_space<vmem>>, vector<16xi32>,
      tpu.vector_store %arg14[%swap3A_278, %swap3A_279], %get3A_276 {strides = array<i32>} : memref<3x80xi32, #tpu.memory_space<vmem>>, vector<16xi32>,
      %ge3A_281 = arith.constant 1 : i32
      %ge3A_282 = arith.cmpi sge, %add3A_232, %ge3A_281 : i32
      %convert_element_type3A_283 = arith.extui %ge3A_282 : i1 to i32
      %cond3A_284 = arith.constant 0 : i32
      %cond3A_285 = arith.cmpi ne, %convert_element_type3A_283, %cond3A_284 : i32
      scf.if %cond3A_285 {
        %dma_wait3A_299 = arith.constant 1 : i32
        %dma_wait3A_300 = arith.constant 0 : i32
        %dma_wait3A_301 = tpu.memref_slice %arg14[%dma_wait3A_299, %dma_wait3A_300] : memref<3x80xi32, #tpu.memory_space<vmem>> -> memref<1x80xi32, #tpu.memory_space<vmem>>
        %dma_wait3A_302 = tpu.memref_squeeze %dma_wait3A_301 : memref<1x80xi32, #tpu.memory_space<vmem>> -> memref<80xi32, #tpu.memory_space<vmem>>
        %dma_wait3A_303 = arith.constant 0 : i32
        %dma_wait3A_304 = arith.constant 0 : i32
        %dma_wait3A_305 = tpu.memref_slice %arg15[%dma_wait3A_303, %dma_wait3A_304] : memref<5120x128xf32, #tpu.memory_space<vmem_shared>> -> memref<5120x128xf32, #tpu.memory_space<vmem_shared>>
        tpu.wait_indirect_dma semaphore(%arg20 : memref<!tpu.dma_semaphore, #tpu.memory_space<semaphore_mem>>) src(%arg11 : memref<80x128xf32, #tpu.memory_space<vmem>>) dst(%dma_wait3A_305 : memref<5120x128xf32, #tpu.memory_space<vmem_shared>>)
      } else {
      }
      %dma_start3A_286 = arith.constant 2 : i32
      %dma_start3A_287 = arith.constant 0 : i32
      %dma_start3A_288 = tpu.memref_slice %arg14[%dma_start3A_286, %dma_start3A_287] : memref<3x80xi32, #tpu.memory_space<vmem>> -> memref<1x80xi32, #tpu.memory_space<vmem>>
      %dma_start3A_289 = tpu.memref_squeeze %dma_start3A_288 : memref<1x80xi32, #tpu.memory_space<vmem>> -> memref<80xi32, #tpu.memory_space<vmem>>
      %dma_start3A_290 = arith.constant 0 : i32
      %dma_start3A_291 = arith.constant 0 : i32
      %dma_start3A_292 = tpu.memref_slice %arg15[%dma_start3A_290, %dma_start3A_291] : memref<5120x128xf32, #tpu.memory_space<vmem_shared>> -> memref<5120x128xf32, #tpu.memory_space<vmem_shared>>
      tpu.enqueue_indirect_dma source(%arg12 : memref<80x128xf32, #tpu.memory_space<vmem>>) target(%dma_start3A_292 : memref<5120x128xf32, #tpu.memory_space<vmem_shared>>) offsets(%dma_start3A_289 : memref<80xi32, #tpu.memory_space<vmem>>) semaphore(%arg21 : memref<!tpu.dma_semaphore, #tpu.memory_space<semaphore_mem>>) {add = true}
      %add3A_293 = arith.constant 2 : i32
      %add3A_294 = arith.addi %add3A_232, %add3A_293 : i32
      %lt3A_295 = arith.cmpi slt, %add3A_294, %mul3A_34 : i32
      %convert_element_type3A_296 = arith.extui %lt3A_295 : i1 to i32
      %cond3A_297 = arith.constant 0 : i32
      %cond3A_298 = arith.cmpi ne, %convert_element_type3A_296, %cond3A_297 : i32
      scf.if %cond3A_298 {
        %add3A_299 = arith.constant 2 : i32
        %add3A_300 = arith.addi %add3A_232, %add3A_299 : i32
        %mul3A_301 = arith.constant 80 : i32
        %mul3A_302 = arith.muli %add3A_300, %mul3A_301 : i32
        %dma_start3A_303 = tpu.memref_slice %arg8[%mul3A_302] : memref<20480xi32, #tpu.memory_space<vmem>> -> memref<80xi32, #tpu.memory_space<vmem>>
        %dma_start3A_304 = arith.constant 0 : i32
        %dma_start3A_305 = arith.constant 0 : i32
        %dma_start3A_306 = tpu.memref_slice %arg2[%dma_start3A_304, %dma_start3A_305] : memref<10000x128xf32, #tpu.memory_space<hbm>> -> memref<10000x128xf32, #tpu.memory_space<hbm>>
        tpu.enqueue_indirect_dma source(%dma_start3A_306 : memref<10000x128xf32, #tpu.memory_space<hbm>>) target(%arg11 : memref<80x128xf32, #tpu.memory_space<vmem>>) offsets(%dma_start3A_303 : memref<80xi32, #tpu.memory_space<vmem>>) semaphore(%arg17 : memref<!tpu.dma_semaphore, #tpu.memory_space<semaphore_mem>>)
      } else {
      }
    }
    %dma_wait3A = arith.constant 2 : i32
    %dma_wait3A_62 = arith.constant 0 : i32
    %dma_wait3A_63 = tpu.memref_slice %arg14[%dma_wait3A, %dma_wait3A_62] : memref<3x80xi32, #tpu.memory_space<vmem>> -> memref<1x80xi32, #tpu.memory_space<vmem>>
    %dma_wait3A_64 = tpu.memref_squeeze %dma_wait3A_63 : memref<1x80xi32, #tpu.memory_space<vmem>> -> memref<80xi32, #tpu.memory_space<vmem>>
    %dma_wait3A_65 = arith.constant 0 : i32
    %dma_wait3A_66 = arith.constant 0 : i32
    %dma_wait3A_67 = tpu.memref_slice %arg15[%dma_wait3A_65, %dma_wait3A_66] : memref<5120x128xf32, #tpu.memory_space<vmem_shared>> -> memref<5120x128xf32, #tpu.memory_space<vmem_shared>>
    tpu.wait_indirect_dma semaphore(%arg21 : memref<!tpu.dma_semaphore, #tpu.memory_space<semaphore_mem>>) src(%arg12 : memref<80x128xf32, #tpu.memory_space<vmem>>) dst(%dma_wait3A_67 : memref<5120x128xf32, #tpu.memory_space<vmem_shared>>)
    %barrier3A_68 = arith.constant 0 : index
    tpu.barrier barrier_id(%barrier3A_68)
    %lt3A = arith.constant 15 : i32
    %lt3A_69 = arith.cmpi slt, %arg1, %lt3A : i32
    %jit3A_70 = arith.constant 4 : i32
    %jit3A_71 = arith.constant 2 : i32
    %select_n3A_72 = arith.select %lt3A_69, %jit3A_70, %jit3A_71 : i32
    %sub3A_73 = arith.constant 0 : i32
    %sub3A_74 = arith.subi %select_n3A_72, %sub3A_73 : i32
    %sub3A_75 = arith.constant 1 : i32
    %sub3A_76 = arith.constant 1 : i32
    %sub3A_77 = arith.subi %sub3A_75, %sub3A_76 : i32
    %add3A_78 = arith.addi %sub3A_74, %sub3A_77 : i32
    %div3A_79 = arith.constant 1 : i32
    %div3A_80 = arith.divsi %add3A_78, %div3A_79 : i32
    %while3A_81 = arith.constant 1 : i32
    %while3A_82 = arith.constant 0 : i32
    %while3A_83 = arith.constant 0 : i32
    %while3A_84 = arith.subi %div3A_80, %while3A_83 : i32
    %while3A_85 = arith.addi %while3A_83, %while3A_84 : i32
    %while3A_86 = arith.constant 1 : i32
    %while3A_87 = arith.divsi %while3A_84, %while3A_86 : i32
    %while3A_88 = arith.muli %while3A_87, %while3A_86 : i32
    %while3A_89 = arith.addi %while3A_83, %while3A_88 : i32
    %while3A_90 = arith.constant 1 : i32
    scf.for %while3A_94 = %while3A_83 to %while3A_89 step %while3A_90  : i32 {
      %mul3A_95 = arith.muli %while3A_94, %while3A_81 : i32
      %add3A_96 = arith.addi %while3A_82, %mul3A_95 : i32
      %mul3A_97 = arith.constant 320 : i32
      %mul3A_98 = arith.muli %arg1, %mul3A_97 : i32
      %mul3A_99 = arith.constant 80 : i32
      %mul3A_100 = arith.muli %add3A_96, %mul3A_99 : i32
      %add3A_101 = arith.addi %mul3A_98, %mul3A_100 : i32
      "tpu.region"() ({
        %run_scoped3A = tpu.sem_alloc : memref<!tpu.dma_semaphore, #tpu.memory_space<semaphore_mem>>
        %dma_start3A_105 = arith.constant 0 : i32
        %dma_start3A_106 = tpu.memref_slice %arg15[%add3A_101, %dma_start3A_105] : memref<5120x128xf32, #tpu.memory_space<vmem_shared>> -> memref<80x128xf32, #tpu.memory_space<vmem_shared>>
        %dma_start3A_107 = arith.constant 0 : i32
        %dma_start3A_108 = tpu.memref_slice %arg15[%add3A_101, %dma_start3A_107] : memref<5120x128xf32, #tpu.memory_space<vmem_shared>> -> memref<80x128xf32, #tpu.memory_space<vmem_shared>>
        tpu.enqueue_dma source(%dma_start3A_108 : memref<80x128xf32, #tpu.memory_space<vmem_shared>>) target(%arg10 : memref<80x128xf32, #tpu.memory_space<vmem>>) target_semaphore(%run_scoped3A : memref<!tpu.dma_semaphore, #tpu.memory_space<semaphore_mem>>)
        %dma_wait3A_109 = arith.constant 0 : i32
        %dma_wait3A_110 = tpu.memref_slice %arg15[%add3A_101, %dma_wait3A_109] : memref<5120x128xf32, #tpu.memory_space<vmem_shared>> -> memref<80x128xf32, #tpu.memory_space<vmem_shared>>
        %dma_wait3A_111 = arith.constant 0 : i32
        %dma_wait3A_112 = tpu.memref_slice %arg15[%add3A_101, %dma_wait3A_111] : memref<5120x128xf32, #tpu.memory_space<vmem_shared>> -> memref<80x128xf32, #tpu.memory_space<vmem_shared>>
        tpu.wait_dma2 semaphore(%run_scoped3A : memref<!tpu.dma_semaphore, #tpu.memory_space<semaphore_mem>>) src(%dma_wait3A_112 : memref<80x128xf32, #tpu.memory_space<vmem_shared>>) dst(%arg10 : memref<80x128xf32, #tpu.memory_space<vmem>>)
        tpu.yield
      }) : () -> ()
      %mul3A_102 = arith.constant 5000 : i32
      %mul3A_103 = arith.muli %arg0, %mul3A_102 : i32
      %add3A_104 = arith.addi %mul3A_103, %add3A_101 : i32
      "tpu.region"() ({
        %run_scoped3A = tpu.sem_alloc : memref<!tpu.dma_semaphore, #tpu.memory_space<semaphore_mem>>
        %dma_start3A_105 = arith.constant 0 : i32
        %dma_start3A_106 = tpu.memref_slice %arg7[%add3A_104, %dma_start3A_105] : memref<10000x128xf32, #tpu.memory_space<hbm>> -> memref<80x128xf32, #tpu.memory_space<hbm>>
        %dma_start3A_107 = arith.constant 0 : i32
        %dma_start3A_108 = tpu.memref_slice %arg7[%add3A_104, %dma_start3A_107] : memref<10000x128xf32, #tpu.memory_space<hbm>> -> memref<80x128xf32, #tpu.memory_space<hbm>>
        tpu.enqueue_dma source(%arg10 : memref<80x128xf32, #tpu.memory_space<vmem>>) target(%dma_start3A_108 : memref<80x128xf32, #tpu.memory_space<hbm>>) target_semaphore(%run_scoped3A : memref<!tpu.dma_semaphore, #tpu.memory_space<semaphore_mem>>)
        %dma_wait3A_109 = arith.constant 0 : i32
        %dma_wait3A_110 = tpu.memref_slice %arg7[%add3A_104, %dma_wait3A_109] : memref<10000x128xf32, #tpu.memory_space<hbm>> -> memref<80x128xf32, #tpu.memory_space<hbm>>
        %dma_wait3A_111 = arith.constant 0 : i32
        %dma_wait3A_112 = tpu.memref_slice %arg7[%add3A_104, %dma_wait3A_111] : memref<10000x128xf32, #tpu.memory_space<hbm>> -> memref<80x128xf32, #tpu.memory_space<hbm>>
        tpu.wait_dma2 semaphore(%run_scoped3A : memref<!tpu.dma_semaphore, #tpu.memory_space<semaphore_mem>>) src(%arg10 : memref<80x128xf32, #tpu.memory_space<vmem>>) dst(%dma_wait3A_112 : memref<80x128xf32, #tpu.memory_space<hbm>>)
        tpu.yield
      }) : () -> ()
    }
    %while3A_91 = arith.constant 1 : i32
    scf.for %while3A_94 = %while3A_89 to %while3A_85 step %while3A_91  : i32 {
      %mul3A_95 = arith.muli %while3A_94, %while3A_81 : i32
      %add3A_96 = arith.addi %while3A_82, %mul3A_95 : i32
      %mul3A_97 = arith.constant 320 : i32
      %mul3A_98 = arith.muli %arg1, %mul3A_97 : i32
      %mul3A_99 = arith.constant 80 : i32
      %mul3A_100 = arith.muli %add3A_96, %mul3A_99 : i32
      %add3A_101 = arith.addi %mul3A_98, %mul3A_100 : i32
      "tpu.region"() ({
        %run_scoped3A = tpu.sem_alloc : memref<!tpu.dma_semaphore, #tpu.memory_space<semaphore_mem>>
        %dma_start3A_105 = arith.constant 0 : i32
        %dma_start3A_106 = tpu.memref_slice %arg15[%add3A_101, %dma_start3A_105] : memref<5120x128xf32, #tpu.memory_space<vmem_shared>> -> memref<80x128xf32, #tpu.memory_space<vmem_shared>>
        %dma_start3A_107 = arith.constant 0 : i32
        %dma_start3A_108 = tpu.memref_slice %arg15[%add3A_101, %dma_start3A_107] : memref<5120x128xf32, #tpu.memory_space<vmem_shared>> -> memref<80x128xf32, #tpu.memory_space<vmem_shared>>
        tpu.enqueue_dma source(%dma_start3A_108 : memref<80x128xf32, #tpu.memory_space<vmem_shared>>) target(%arg10 : memref<80x128xf32, #tpu.memory_space<vmem>>) target_semaphore(%run_scoped3A : memref<!tpu.dma_semaphore, #tpu.memory_space<semaphore_mem>>)
        %dma_wait3A_109 = arith.constant 0 : i32
        %dma_wait3A_110 = tpu.memref_slice %arg15[%add3A_101, %dma_wait3A_109] : memref<5120x128xf32, #tpu.memory_space<vmem_shared>> -> memref<80x128xf32, #tpu.memory_space<vmem_shared>>
        %dma_wait3A_111 = arith.constant 0 : i32
        %dma_wait3A_112 = tpu.memref_slice %arg15[%add3A_101, %dma_wait3A_111] : memref<5120x128xf32, #tpu.memory_space<vmem_shared>> -> memref<80x128xf32, #tpu.memory_space<vmem_shared>>
        tpu.wait_dma2 semaphore(%run_scoped3A : memref<!tpu.dma_semaphore, #tpu.memory_space<semaphore_mem>>) src(%dma_wait3A_112 : memref<80x128xf32, #tpu.memory_space<vmem_shared>>) dst(%arg10 : memref<80x128xf32, #tpu.memory_space<vmem>>)
        tpu.yield
      }) : () -> ()
      %mul3A_102 = arith.constant 5000 : i32
      %mul3A_103 = arith.muli %arg0, %mul3A_102 : i32
      %add3A_104 = arith.addi %mul3A_103, %add3A_101 : i32
      "tpu.region"() ({
        %run_scoped3A = tpu.sem_alloc : memref<!tpu.dma_semaphore, #tpu.memory_space<semaphore_mem>>
        %dma_start3A_105 = arith.constant 0 : i32
        %dma_start3A_106 = tpu.memref_slice %arg7[%add3A_104, %dma_start3A_105] : memref<10000x128xf32, #tpu.memory_space<hbm>> -> memref<80x128xf32, #tpu.memory_space<hbm>>
        %dma_start3A_107 = arith.constant 0 : i32
        %dma_start3A_108 = tpu.memref_slice %arg7[%add3A_104, %dma_start3A_107] : memref<10000x128xf32, #tpu.memory_space<hbm>> -> memref<80x128xf32, #tpu.memory_space<hbm>>
        tpu.enqueue_dma source(%arg10 : memref<80x128xf32, #tpu.memory_space<vmem>>) target(%dma_start3A_108 : memref<80x128xf32, #tpu.memory_space<hbm>>) target_semaphore(%run_scoped3A : memref<!tpu.dma_semaphore, #tpu.memory_space<semaphore_mem>>)
        %dma_wait3A_109 = arith.constant 0 : i32
        %dma_wait3A_110 = tpu.memref_slice %arg7[%add3A_104, %dma_wait3A_109] : memref<10000x128xf32, #tpu.memory_space<hbm>> -> memref<80x128xf32, #tpu.memory_space<hbm>>
        %dma_wait3A_111 = arith.constant 0 : i32
        %dma_wait3A_112 = tpu.memref_slice %arg7[%add3A_104, %dma_wait3A_111] : memref<10000x128xf32, #tpu.memory_space<hbm>> -> memref<80x128xf32, #tpu.memory_space<hbm>>
        tpu.wait_dma2 semaphore(%run_scoped3A : memref<!tpu.dma_semaphore, #tpu.memory_space<semaphore_mem>>) src(%arg10 : memref<80x128xf32, #tpu.memory_space<vmem>>) dst(%dma_wait3A_112 : memref<80x128xf32, #tpu.memory_space<hbm>>)
        tpu.yield
      }) : () -> ()
    }
    %eq3A = arith.constant 15 : i32
    %eq3A_92 = arith.cmpi eq, %arg1, %eq3A : i32
    %convert_element_type3A = arith.extui %eq3A_92 : i1 to i32
    %cond3A = arith.constant 0 : i32
    %cond3A_93 = arith.cmpi ne, %convert_element_type3A, %cond3A : i32
    scf.if %cond3A_93 {
      "tpu.region"() ({
        %run_scoped3A = tpu.sem_alloc : memref<!tpu.dma_semaphore, #tpu.memory_space<semaphore_mem>>
        %dma_start3A_98 = arith.constant 0 : i32
        %dma_start3A_99 = arith.constant 0 : i32
        %dma_start3A_100 = tpu.memref_slice %arg10[%dma_start3A_98, %dma_start3A_99] : memref<80x128xf32, #tpu.memory_space<vmem>> -> memref<40x128xf32, #tpu.memory_space<vmem>>
        %dma_start3A_101 = arith.constant 4960 : i32
        %dma_start3A_102 = arith.constant 0 : i32
        %dma_start3A_103 = tpu.memref_slice %arg15[%dma_start3A_101, %dma_start3A_102] : memref<5120x128xf32, #tpu.memory_space<vmem_shared>> -> memref<40x128xf32, #tpu.memory_space<vmem_shared>>
        %dma_start3A_104 = arith.constant 0 : i32
        %dma_start3A_105 = arith.constant 0 : i32
        %dma_start3A_106 = tpu.memref_slice %arg10[%dma_start3A_104, %dma_start3A_105] : memref<80x128xf32, #tpu.memory_space<vmem>> -> memref<40x128xf32, #tpu.memory_space<vmem>>
        %dma_start3A_107 = arith.constant 4960 : i32
        %dma_start3A_108 = arith.constant 0 : i32
        %dma_start3A_109 = tpu.memref_slice %arg15[%dma_start3A_107, %dma_start3A_108] : memref<5120x128xf32, #tpu.memory_space<vmem_shared>> -> memref<40x128xf32, #tpu.memory_space<vmem_shared>>
        tpu.enqueue_dma source(%dma_start3A_109 : memref<40x128xf32, #tpu.memory_space<vmem_shared>>) target(%dma_start3A_106 : memref<40x128xf32, #tpu.memory_space<vmem>>) target_semaphore(%run_scoped3A : memref<!tpu.dma_semaphore, #tpu.memory_space<semaphore_mem>>)
        %dma_wait3A_110 = arith.constant 0 : i32
        %dma_wait3A_111 = arith.constant 0 : i32
        %dma_wait3A_112 = tpu.memref_slice %arg10[%dma_wait3A_110, %dma_wait3A_111] : memref<80x128xf32, #tpu.memory_space<vmem>> -> memref<40x128xf32, #tpu.memory_space<vmem>>
        %dma_wait3A_113 = arith.constant 4960 : i32
        %dma_wait3A_114 = arith.constant 0 : i32
        %dma_wait3A_115 = tpu.memref_slice %arg15[%dma_wait3A_113, %dma_wait3A_114] : memref<5120x128xf32, #tpu.memory_space<vmem_shared>> -> memref<40x128xf32, #tpu.memory_space<vmem_shared>>
        %dma_wait3A_116 = arith.constant 0 : i32
        %dma_wait3A_117 = arith.constant 0 : i32
        %dma_wait3A_118 = tpu.memref_slice %arg10[%dma_wait3A_116, %dma_wait3A_117] : memref<80x128xf32, #tpu.memory_space<vmem>> -> memref<40x128xf32, #tpu.memory_space<vmem>>
        %dma_wait3A_119 = arith.constant 4960 : i32
        %dma_wait3A_120 = arith.constant 0 : i32
        %dma_wait3A_121 = tpu.memref_slice %arg15[%dma_wait3A_119, %dma_wait3A_120] : memref<5120x128xf32, #tpu.memory_space<vmem_shared>> -> memref<40x128xf32, #tpu.memory_space<vmem_shared>>
        tpu.wait_dma2 semaphore(%run_scoped3A : memref<!tpu.dma_semaphore, #tpu.memory_space<semaphore_mem>>) src(%dma_wait3A_121 : memref<40x128xf32, #tpu.memory_space<vmem_shared>>) dst(%dma_wait3A_118 : memref<40x128xf32, #tpu.memory_space<vmem>>)
        tpu.yield
      }) : () -> ()
      %mul3A_94 = arith.constant 5000 : i32
      %mul3A_95 = arith.muli %arg0, %mul3A_94 : i32
      %add3A_96 = arith.constant 4960 : i32
      %add3A_97 = arith.addi %mul3A_95, %add3A_96 : i32
      "tpu.region"() ({
        %run_scoped3A = tpu.sem_alloc : memref<!tpu.dma_semaphore, #tpu.memory_space<semaphore_mem>>
        %dma_start3A_98 = arith.constant 0 : i32
        %dma_start3A_99 = arith.constant 0 : i32
        %dma_start3A_100 = tpu.memref_slice %arg10[%dma_start3A_98, %dma_start3A_99] : memref<80x128xf32, #tpu.memory_space<vmem>> -> memref<40x128xf32, #tpu.memory_space<vmem>>
        %dma_start3A_101 = arith.constant 0 : i32
        %dma_start3A_102 = tpu.memref_slice %arg7[%add3A_97, %dma_start3A_101] : memref<10000x128xf32, #tpu.memory_space<hbm>> -> memref<40x128xf32, #tpu.memory_space<hbm>>
        %dma_start3A_103 = arith.constant 0 : i32
        %dma_start3A_104 = tpu.memref_slice %arg7[%add3A_97, %dma_start3A_103] : memref<10000x128xf32, #tpu.memory_space<hbm>> -> memref<40x128xf32, #tpu.memory_space<hbm>>
        %dma_start3A_105 = arith.constant 0 : i32
        %dma_start3A_106 = arith.constant 0 : i32
        %dma_start3A_107 = tpu.memref_slice %arg10[%dma_start3A_105, %dma_start3A_106] : memref<80x128xf32, #tpu.memory_space<vmem>> -> memref<40x128xf32, #tpu.memory_space<vmem>>
        tpu.enqueue_dma source(%dma_start3A_107 : memref<40x128xf32, #tpu.memory_space<vmem>>) target(%dma_start3A_104 : memref<40x128xf32, #tpu.memory_space<hbm>>) target_semaphore(%run_scoped3A : memref<!tpu.dma_semaphore, #tpu.memory_space<semaphore_mem>>)
        %dma_wait3A_108 = arith.constant 0 : i32
        %dma_wait3A_109 = arith.constant 0 : i32
        %dma_wait3A_110 = tpu.memref_slice %arg10[%dma_wait3A_108, %dma_wait3A_109] : memref<80x128xf32, #tpu.memory_space<vmem>> -> memref<40x128xf32, #tpu.memory_space<vmem>>
        %dma_wait3A_111 = arith.constant 0 : i32
        %dma_wait3A_112 = tpu.memref_slice %arg7[%add3A_97, %dma_wait3A_111] : memref<10000x128xf32, #tpu.memory_space<hbm>> -> memref<40x128xf32, #tpu.memory_space<hbm>>
        %dma_wait3A_113 = arith.constant 0 : i32
        %dma_wait3A_114 = tpu.memref_slice %arg7[%add3A_97, %dma_wait3A_113] : memref<10000x128xf32, #tpu.memory_space<hbm>> -> memref<40x128xf32, #tpu.memory_space<hbm>>
        %dma_wait3A_115 = arith.constant 0 : i32
        %dma_wait3A_116 = arith.constant 0 : i32
        %dma_wait3A_117 = tpu.memref_slice %arg10[%dma_wait3A_115, %dma_wait3A_116] : memref<80x128xf32, #tpu.memory_space<vmem>> -> memref<40x128xf32, #tpu.memory_space<vmem>>
        tpu.wait_dma2 semaphore(%run_scoped3A : memref<!tpu.dma_semaphore, #tpu.memory_space<semaphore_mem>>) src(%dma_wait3A_117 : memref<40x128xf32, #tpu.memory_space<vmem>>) dst(%dma_wait3A_114 : memref<40x128xf32, #tpu.memory_space<hbm>>)
        tpu.yield
      }) : () -> ()
    } else {
    }
    return
  }
}

module attributes {stable_mosaic.version = 14 : i64} {
  func.func @_tc_scale_matmul_kernel(%arg0: i32, %arg1: memref<1000x128xf32, #tpu.memory_space<vmem>>, %arg2: memref<128x128xf32, #tpu.memory_space<vmem>>, %arg3: memref<1000x1xf32, #tpu.memory_space<vmem>>, %arg4: memref<1000x128xf32, #tpu.memory_space<vmem>>) attributes {dimension_semantics = [#tpu.dimension_semantics<arbitrary>], iteration_bounds = array<i64: 10>, scalar_prefetch = 0 : i64, scratch_operands = 0 : i64, tpu.core_type = #tpu.core_type<tc>, window_params = [{transform_indices = @transform_0, window_bounds = array<i64: 1000, 128>}, {pipeline_mode = #tpu.pipeline_mode<synchronous>, transform_indices = @transform_1, window_bounds = array<i64: 128, 128>}, {transform_indices = @transform_2, window_bounds = array<i64: 1000, 1>}, {transform_indices = @transform_3, window_bounds = array<i64: 1000, 128>}]} {
    %get3A = arith.constant 0 : index
    %get3A_0 = arith.constant 0 : index
    %get3A_1 = vector.load %arg1[%get3A, %get3A_0] : memref<1000x128xf32, #tpu.memory_space<vmem>>, vector<1000x128xf32>
    %get3A_2 = arith.constant 0 : index
    %get3A_3 = arith.constant 0 : index
    %get3A_4 = vector.load %arg2[%get3A_2, %get3A_3] : memref<128x128xf32, #tpu.memory_space<vmem>>, vector<128x128xf32>
    %dot_general3A = arith.constant dense<0.000000e+00> : vector<1000x128xf32>
    %dot_general3A_5 = tpu.matmul %get3A_1, %get3A_4, %dot_general3A {dimension_numbers = #tpu.dot_dimension_numbers<[1], [1], [0], [0], [0, 0, 1, 0], [], []>, transpose_lhs_hint = false} : vector<1000x128xf32>, vector<128x128xf32>, vector<1000x128xf32> -> vector<1000x128xf32>
    %get3A_6 = arith.constant 0 : index
    %get3A_7 = arith.constant 0 : index
    %get3A_8 = vector.load %arg3[%get3A_6, %get3A_7] : memref<1000x1xf32, #tpu.memory_space<vmem>>, vector<1000x1xf32>
    %mul3A = vector.broadcast %get3A_8 : vector<1000x1xf32> to vector<1000x128xf32>
    %mul3A_9 = arith.mulf %dot_general3A_5, %mul3A : vector<1000x128xf32>
    %swap3A = arith.constant 0 : index
    %swap3A_10 = arith.constant 0 : index
    %swap3A_11 = vector.load %arg4[%swap3A, %swap3A_10] : memref<1000x128xf32, #tpu.memory_space<vmem>>, vector<1000x128xf32>
    tpu.vector_store %arg4[%swap3A, %swap3A_10], %mul3A_9 {strides = array<i32>} : memref<1000x128xf32, #tpu.memory_space<vmem>>, vector<1000x128xf32>,
    return
  }
  func.func @transform_0(%arg0: i32) -> (i32, i32) {
    %c0_i32 = arith.constant 0 : i32
    %c0_i32_0 = arith.constant 0 : i32
    return %arg0, %c0_i32 : i32, i32
  }
  func.func @transform_1(%arg0: i32) -> (i32, i32) {
    %c0_i32 = arith.constant 0 : i32
    %c0_i32_0 = arith.constant 0 : i32
    %c0_i32_1 = arith.constant 0 : i32
    return %c0_i32, %c0_i32_0 : i32, i32
  }
  func.func @transform_2(%arg0: i32) -> (i32, i32) {
    %c0_i32 = arith.constant 0 : i32
    %c0_i32_0 = arith.constant 0 : i32
    return %arg0, %c0_i32 : i32, i32
  }
  func.func @transform_3(%arg0: i32) -> (i32, i32) {
    %c0_i32 = arith.constant 0 : i32
    %c0_i32_0 = arith.constant 0 : i32
    return %arg0, %c0_i32 : i32, i32
  }
}

module attributes {stable_mosaic.version = 14 : i64} {
  func.func @_tc_layer_kernel(%arg0: i32, %arg1: memref<1000x128xf32, #tpu.memory_space<vmem>>, %arg2: memref<1000x128xf32, #tpu.memory_space<vmem>>, %arg3: memref<1000x1xf32, #tpu.memory_space<vmem>>, %arg4: memref<1x128xf32, #tpu.memory_space<vmem>>, %arg5: memref<128x128xf32, #tpu.memory_space<vmem>>, %arg6: memref<1000x128xf32, #tpu.memory_space<vmem>>) attributes {dimension_semantics = [#tpu.dimension_semantics<arbitrary>], iteration_bounds = array<i64: 10>, scalar_prefetch = 0 : i64, scratch_operands = 0 : i64, tpu.core_type = #tpu.core_type<tc>, window_params = [{transform_indices = @transform_0, window_bounds = array<i64: 1000, 128>}, {transform_indices = @transform_1, window_bounds = array<i64: 1000, 128>}, {transform_indices = @transform_2, window_bounds = array<i64: 1000, 1>}, {pipeline_mode = #tpu.pipeline_mode<synchronous>, transform_indices = @transform_3, window_bounds = array<i64: 1, 128>}, {pipeline_mode = #tpu.pipeline_mode<synchronous>, transform_indices = @transform_4, window_bounds = array<i64: 128, 128>}, {transform_indices = @transform_5, window_bounds = array<i64: 1000, 128>}]} {
    %get3A = arith.constant 0 : index
    %get3A_0 = arith.constant 0 : index
    %get3A_1 = vector.load %arg1[%get3A, %get3A_0] : memref<1000x128xf32, #tpu.memory_space<vmem>>, vector<1000x128xf32>
    %get3A_2 = arith.constant 0 : index
    %get3A_3 = arith.constant 0 : index
    %get3A_4 = vector.load %arg2[%get3A_2, %get3A_3] : memref<1000x128xf32, #tpu.memory_space<vmem>>, vector<1000x128xf32>
    %add3A = arith.addf %get3A_1, %get3A_4 : vector<1000x128xf32>
    %get3A_5 = arith.constant 0 : index
    %get3A_6 = arith.constant 0 : index
    %get3A_7 = vector.load %arg3[%get3A_5, %get3A_6] : memref<1000x1xf32, #tpu.memory_space<vmem>>, vector<1000x1xf32>
    %mul3A = vector.broadcast %get3A_7 : vector<1000x1xf32> to vector<1000x128xf32>
    %mul3A_8 = arith.mulf %add3A, %mul3A : vector<1000x128xf32>
    %get3A_9 = arith.constant 0 : index
    %get3A_10 = arith.constant 0 : index
    %get3A_11 = vector.load %arg4[%get3A_9, %get3A_10] : memref<1x128xf32, #tpu.memory_space<vmem>>, vector<1x128xf32>
    %add3A_12 = vector.broadcast %get3A_11 : vector<1x128xf32> to vector<1000x128xf32>
    %add3A_13 = arith.addf %mul3A_8, %add3A_12 : vector<1000x128xf32>
    %max3A = arith.constant 0.000000e+00 : f32
    %max3A_14 = vector.broadcast %max3A : f32 to vector<1000x128xf32>
    %max3A_15 = arith.maximumf %add3A_13, %max3A_14 : vector<1000x128xf32>
    %get3A_16 = arith.constant 0 : index
    %get3A_17 = arith.constant 0 : index
    %get3A_18 = vector.load %arg5[%get3A_16, %get3A_17] : memref<128x128xf32, #tpu.memory_space<vmem>>, vector<128x128xf32>
    %dot_general3A = arith.constant dense<0.000000e+00> : vector<1000x128xf32>
    %dot_general3A_19 = tpu.matmul %max3A_15, %get3A_18, %dot_general3A {dimension_numbers = #tpu.dot_dimension_numbers<[1], [1], [0], [0], [0, 0, 1, 0], [], []>, transpose_lhs_hint = false} : vector<1000x128xf32>, vector<128x128xf32>, vector<1000x128xf32> -> vector<1000x128xf32>
    %get3A_20 = arith.constant 0 : index
    %get3A_21 = arith.constant 0 : index
    %get3A_22 = vector.load %arg3[%get3A_20, %get3A_21] : memref<1000x1xf32, #tpu.memory_space<vmem>>, vector<1000x1xf32>
    %mul3A_23 = vector.broadcast %get3A_22 : vector<1000x1xf32> to vector<1000x128xf32>
    %mul3A_24 = arith.mulf %dot_general3A_19, %mul3A_23 : vector<1000x128xf32>
    %swap3A = arith.constant 0 : index
    %swap3A_25 = arith.constant 0 : index
    %swap3A_26 = vector.load %arg6[%swap3A, %swap3A_25] : memref<1000x128xf32, #tpu.memory_space<vmem>>, vector<1000x128xf32>
    tpu.vector_store %arg6[%swap3A, %swap3A_25], %mul3A_24 {strides = array<i32>} : memref<1000x128xf32, #tpu.memory_space<vmem>>, vector<1000x128xf32>,
    return
  }
  func.func @transform_0(%arg0: i32) -> (i32, i32) {
    %c0_i32 = arith.constant 0 : i32
    %c0_i32_0 = arith.constant 0 : i32
    return %arg0, %c0_i32 : i32, i32
  }
  func.func @transform_1(%arg0: i32) -> (i32, i32) {
    %c0_i32 = arith.constant 0 : i32
    %c0_i32_0 = arith.constant 0 : i32
    return %arg0, %c0_i32 : i32, i32
  }
  func.func @transform_2(%arg0: i32) -> (i32, i32) {
    %c0_i32 = arith.constant 0 : i32
    %c0_i32_0 = arith.constant 0 : i32
    return %arg0, %c0_i32 : i32, i32
  }
  func.func @transform_3(%arg0: i32) -> (i32, i32) {
    %c0_i32 = arith.constant 0 : i32
    %c0_i32_0 = arith.constant 0 : i32
    %c0_i32_1 = arith.constant 0 : i32
    return %c0_i32, %c0_i32_0 : i32, i32
  }
  func.func @transform_4(%arg0: i32) -> (i32, i32) {
    %c0_i32 = arith.constant 0 : i32
    %c0_i32_0 = arith.constant 0 : i32
    %c0_i32_1 = arith.constant 0 : i32
    return %c0_i32, %c0_i32_0 : i32, i32
  }
  func.func @transform_5(%arg0: i32) -> (i32, i32) {
    %c0_i32 = arith.constant 0 : i32
    %c0_i32_0 = arith.constant 0 : i32
    return %arg0, %c0_i32 : i32, i32
  }
}

module attributes {stable_mosaic.version = 14 : i64} {
  func.func @_tc_pool_kernel(%arg0: i32, %arg1: memref<1000x128xf32, #tpu.memory_space<vmem>>, %arg2: memref<1000x128xf32, #tpu.memory_space<vmem>>, %arg3: memref<1000x1xf32, #tpu.memory_space<vmem>>, %arg4: memref<1x128xf32, #tpu.memory_space<vmem>>, %arg5: memref<1000x16xf32, #tpu.memory_space<vmem>>, %arg6: memref<1x128xf32, #tpu.memory_space<vmem>>, %arg7: memref<1x1xf32, #tpu.memory_space<vmem>>, %arg8: memref<16x1xf32, #tpu.memory_space<vmem>>, %arg9: memref<16x128xf32, #tpu.memory_space<vmem>>, %arg10: memref<16x128xf32, #tpu.memory_space<vmem>>) attributes {dimension_semantics = [#tpu.dimension_semantics<arbitrary>], iteration_bounds = array<i64: 10>, scalar_prefetch = 0 : i64, scratch_operands = 2 : i64, tpu.core_type = #tpu.core_type<tc>, window_params = [{transform_indices = @transform_0, window_bounds = array<i64: 1000, 128>}, {transform_indices = @transform_1, window_bounds = array<i64: 1000, 128>}, {transform_indices = @transform_2, window_bounds = array<i64: 1000, 1>}, {pipeline_mode = #tpu.pipeline_mode<synchronous>, transform_indices = @transform_3, window_bounds = array<i64: 1, 128>}, {transform_indices = @transform_4, window_bounds = array<i64: 1000, 16>}, {pipeline_mode = #tpu.pipeline_mode<synchronous>, transform_indices = @transform_5, window_bounds = array<i64: 1, 128>}, {pipeline_mode = #tpu.pipeline_mode<synchronous>, transform_indices = @transform_6, window_bounds = array<i64: 1, 1>}, {pipeline_mode = #tpu.pipeline_mode<synchronous>, transform_indices = @transform_7, window_bounds = array<i64: 16, 1>}]} {
    %eq3A = arith.constant 0 : i32
    %eq3A_0 = arith.cmpi eq, %arg0, %eq3A : i32
    %convert_element_type3A = arith.extui %eq3A_0 : i1 to i32
    %cond3A = arith.constant 0 : i32
    %cond3A_1 = arith.cmpi ne, %convert_element_type3A, %cond3A : i32
    scf.if %cond3A_1 {
      %broadcast_in_dim3A_43 = arith.constant 0.000000e+00 : f32
      %broadcast_in_dim3A_44 = vector.broadcast %broadcast_in_dim3A_43 : f32 to vector<16x128xf32>
      %swap3A_45 = arith.constant 0 : index
      %swap3A_46 = arith.constant 0 : index
      %swap3A_47 = vector.load %arg9[%swap3A_45, %swap3A_46] : memref<16x128xf32, #tpu.memory_space<vmem>>, vector<16x128xf32>
      tpu.vector_store %arg9[%swap3A_45, %swap3A_46], %broadcast_in_dim3A_44 {strides = array<i32>} : memref<16x128xf32, #tpu.memory_space<vmem>>, vector<16x128xf32>,
      %broadcast_in_dim3A_48 = arith.constant 0.000000e+00 : f32
      %broadcast_in_dim3A_49 = vector.broadcast %broadcast_in_dim3A_48 : f32 to vector<16x128xf32>
      %swap3A_50 = arith.constant 0 : index
      %swap3A_51 = arith.constant 0 : index
      %swap3A_52 = vector.load %arg10[%swap3A_50, %swap3A_51] : memref<16x128xf32, #tpu.memory_space<vmem>>, vector<16x128xf32>
      tpu.vector_store %arg10[%swap3A_50, %swap3A_51], %broadcast_in_dim3A_49 {strides = array<i32>} : memref<16x128xf32, #tpu.memory_space<vmem>>, vector<16x128xf32>,
    } else {
    }
    %get3A = arith.constant 0 : index
    %get3A_2 = arith.constant 0 : index
    %get3A_3 = vector.load %arg1[%get3A, %get3A_2] : memref<1000x128xf32, #tpu.memory_space<vmem>>, vector<1000x128xf32>
    %get3A_4 = arith.constant 0 : index
    %get3A_5 = arith.constant 0 : index
    %get3A_6 = vector.load %arg2[%get3A_4, %get3A_5] : memref<1000x128xf32, #tpu.memory_space<vmem>>, vector<1000x128xf32>
    %add3A = arith.addf %get3A_3, %get3A_6 : vector<1000x128xf32>
    %get3A_7 = arith.constant 0 : index
    %get3A_8 = arith.constant 0 : index
    %get3A_9 = vector.load %arg3[%get3A_7, %get3A_8] : memref<1000x1xf32, #tpu.memory_space<vmem>>, vector<1000x1xf32>
    %mul3A = vector.broadcast %get3A_9 : vector<1000x1xf32> to vector<1000x128xf32>
    %mul3A_10 = arith.mulf %add3A, %mul3A : vector<1000x128xf32>
    %get3A_11 = arith.constant 0 : index
    %get3A_12 = arith.constant 0 : index
    %get3A_13 = vector.load %arg4[%get3A_11, %get3A_12] : memref<1x128xf32, #tpu.memory_space<vmem>>, vector<1x128xf32>
    %add3A_14 = vector.broadcast %get3A_13 : vector<1x128xf32> to vector<1000x128xf32>
    %add3A_15 = arith.addf %mul3A_10, %add3A_14 : vector<1000x128xf32>
    %max3A = arith.constant 0.000000e+00 : f32
    %max3A_16 = vector.broadcast %max3A : f32 to vector<1000x128xf32>
    %max3A_17 = arith.maximumf %add3A_15, %max3A_16 : vector<1000x128xf32>
    %get3A_18 = arith.constant 0 : index
    %get3A_19 = arith.constant 0 : index
    %get3A_20 = vector.load %arg5[%get3A_18, %get3A_19] : memref<1000x16xf32, #tpu.memory_space<vmem>>, vector<1000x16xf32>
    %get3A_21 = arith.constant 0 : index
    %get3A_22 = arith.constant 0 : index
    %get3A_23 = vector.load %arg9[%get3A_21, %get3A_22] : memref<16x128xf32, #tpu.memory_space<vmem>>, vector<16x128xf32>
    %dot_general3A = arith.constant dense<0.000000e+00> : vector<16x128xf32>
    %dot_general3A_24 = tpu.matmul %get3A_20, %max3A_17, %dot_general3A {dimension_numbers = #tpu.dot_dimension_numbers<[0], [0], [1], [1], [0, 1, 1, 1], [], []>, precision = #tpu.contract_precision<fp32>, transpose_lhs_hint = false} : vector<1000x16xf32>, vector<1000x128xf32>, vector<16x128xf32> -> vector<16x128xf32>
    %add3A_25 = arith.addf %get3A_23, %dot_general3A_24 : vector<16x128xf32>
    %swap3A = arith.constant 0 : index
    %swap3A_26 = arith.constant 0 : index
    %swap3A_27 = vector.load %arg9[%swap3A, %swap3A_26] : memref<16x128xf32, #tpu.memory_space<vmem>>, vector<16x128xf32>
    tpu.vector_store %arg9[%swap3A, %swap3A_26], %add3A_25 {strides = array<i32>} : memref<16x128xf32, #tpu.memory_space<vmem>>, vector<16x128xf32>,
    %get3A_28 = arith.constant 0 : index
    %get3A_29 = arith.constant 0 : index
    %get3A_30 = vector.load %arg10[%get3A_28, %get3A_29] : memref<16x128xf32, #tpu.memory_space<vmem>>, vector<16x128xf32>
    %broadcast_in_dim3A = arith.constant 1.000000e+00 : f32
    %broadcast_in_dim3A_31 = vector.broadcast %broadcast_in_dim3A : f32 to vector<1000x128xf32>
    %dot_general3A_32 = arith.constant dense<0.000000e+00> : vector<16x128xf32>
    %dot_general3A_33 = tpu.matmul %get3A_20, %broadcast_in_dim3A_31, %dot_general3A_32 {dimension_numbers = #tpu.dot_dimension_numbers<[0], [0], [1], [1], [0, 1, 1, 1], [], []>, precision = #tpu.contract_precision<fp32>, transpose_lhs_hint = false} : vector<1000x16xf32>, vector<1000x128xf32>, vector<16x128xf32> -> vector<16x128xf32>
    %add3A_34 = arith.addf %get3A_30, %dot_general3A_33 : vector<16x128xf32>
    %swap3A_35 = arith.constant 0 : index
    %swap3A_36 = arith.constant 0 : index
    %swap3A_37 = vector.load %arg10[%swap3A_35, %swap3A_36] : memref<16x128xf32, #tpu.memory_space<vmem>>, vector<16x128xf32>
    tpu.vector_store %arg10[%swap3A_35, %swap3A_36], %add3A_34 {strides = array<i32>} : memref<16x128xf32, #tpu.memory_space<vmem>>, vector<16x128xf32>,
    %eq3A_38 = arith.constant 9 : i32
    %eq3A_39 = arith.cmpi eq, %arg0, %eq3A_38 : i32
    %convert_element_type3A_40 = arith.extui %eq3A_39 : i1 to i32
    %cond3A_41 = arith.constant 0 : i32
    %cond3A_42 = arith.cmpi ne, %convert_element_type3A_40, %cond3A_41 : i32
    scf.if %cond3A_42 {
      %get3A_43 = arith.constant 0 : index
      %get3A_44 = arith.constant 0 : index
      %get3A_45 = vector.load %arg9[%get3A_43, %get3A_44] : memref<16x128xf32, #tpu.memory_space<vmem>>, vector<16x128xf32>
      %get3A_46 = arith.constant 0 : index
      %get3A_47 = arith.constant 0 : index
      %get3A_48 = vector.load %arg10[%get3A_46, %get3A_47] : memref<16x128xf32, #tpu.memory_space<vmem>>, vector<16x128xf32>
      %max3A_49 = arith.constant 1.000000e+00 : f32
      %max3A_50 = vector.broadcast %max3A_49 : f32 to vector<16x128xf32>
      %max3A_51 = arith.maximumf %get3A_48, %max3A_50 : vector<16x128xf32>
      %div3A = arith.divf %get3A_45, %max3A_51 : vector<16x128xf32>
      %get3A_52 = arith.constant 0 : index
      %get3A_53 = arith.constant 0 : index
      %get3A_54 = vector.load %arg6[%get3A_52, %get3A_53] : memref<1x128xf32, #tpu.memory_space<vmem>>, vector<1x128xf32>
      %mul3A_55 = vector.broadcast %get3A_54 : vector<1x128xf32> to vector<16x128xf32>
      %mul3A_56 = arith.mulf %div3A, %mul3A_55 : vector<16x128xf32>
      %reduce_sum3A = arith.constant dense<0.000000e+00> : vector<16xf32>
      %reduce_sum3A_57 = vector.multi_reduction <add>, %mul3A_56, %reduce_sum3A [1] : vector<16x128xf32> to vector<16xf32>
      %broadcast_in_dim3A_58 = vector.shape_cast %reduce_sum3A_57 : vector<16xf32> to vector<16x1xf32>
      %get3A_59 = arith.constant 0 : index
      %get3A_60 = arith.constant 0 : index
      %get3A_61 = vector.load %arg7[%get3A_59, %get3A_60] : memref<1x1xf32, #tpu.memory_space<vmem>>, vector<1x1xf32>
      %get3A_62 = vector.extract %get3A_61[0, 0] : f32 from vector<1x1xf32>
      %add3A_63 = vector.broadcast %get3A_62 : f32 to vector<16x1xf32>
      %add3A_64 = arith.addf %broadcast_in_dim3A_58, %add3A_63 : vector<16x1xf32>
      %swap3A_65 = arith.constant 0 : index
      %swap3A_66 = arith.constant 0 : index
      %swap3A_67 = vector.load %arg8[%swap3A_65, %swap3A_66] : memref<16x1xf32, #tpu.memory_space<vmem>>, vector<16x1xf32>
      tpu.vector_store %arg8[%swap3A_65, %swap3A_66], %add3A_64 {strides = array<i32>} : memref<16x1xf32, #tpu.memory_space<vmem>>, vector<16x1xf32>,
    } else {
    }
    return
  }
  func.func @transform_0(%arg0: i32) -> (i32, i32) {
    %c0_i32 = arith.constant 0 : i32
    %c0_i32_0 = arith.constant 0 : i32
    return %arg0, %c0_i32 : i32, i32
  }
  func.func @transform_1(%arg0: i32) -> (i32, i32) {
    %c0_i32 = arith.constant 0 : i32
    %c0_i32_0 = arith.constant 0 : i32
    return %arg0, %c0_i32 : i32, i32
  }
  func.func @transform_2(%arg0: i32) -> (i32, i32) {
    %c0_i32 = arith.constant 0 : i32
    %c0_i32_0 = arith.constant 0 : i32
    return %arg0, %c0_i32 : i32, i32
  }
  func.func @transform_3(%arg0: i32) -> (i32, i32) {
    %c0_i32 = arith.constant 0 : i32
    %c0_i32_0 = arith.constant 0 : i32
    %c0_i32_1 = arith.constant 0 : i32
    return %c0_i32, %c0_i32_0 : i32, i32
  }
  func.func @transform_4(%arg0: i32) -> (i32, i32) {
    %c0_i32 = arith.constant 0 : i32
    %c0_i32_0 = arith.constant 0 : i32
    return %arg0, %c0_i32 : i32, i32
  }
  func.func @transform_5(%arg0: i32) -> (i32, i32) {
    %c0_i32 = arith.constant 0 : i32
    %c0_i32_0 = arith.constant 0 : i32
    %c0_i32_1 = arith.constant 0 : i32
    return %c0_i32, %c0_i32_0 : i32, i32
  }
  func.func @transform_6(%arg0: i32) -> (i32, i32) {
    %c0_i32 = arith.constant 0 : i32
    %c0_i32_0 = arith.constant 0 : i32
    %c0_i32_1 = arith.constant 0 : i32
    return %c0_i32, %c0_i32_0 : i32, i32
  }
  func.func @transform_7(%arg0: i32) -> (i32, i32) {
    %c0_i32 = arith.constant 0 : i32
    %c0_i32_0 = arith.constant 0 : i32
    %c0_i32_1 = arith.constant 0 : i32
    return %c0_i32, %c0_i32_0 : i32, i32
  }
}

</mosaic_0001>

<sc_bundles>
// kernel: kernel.11.cloned.1.call-start
scs
__scs_entry_jumppad:
0x0: {  	(pc) =	sbr.rel $0x88, $3  }
0x1: {  	(tag) =	ssettag $0x0;
	lr =	simm.s32 $0x1  }
0x2: {  	[smem:$0x3F98] =	sst lr;
	_ =	strace $0xD0000000  }
0x3: {  	_ = 	snop  }
0x4: {  	_ = 	snop  }
0x5: {  	_ = 	snop  }
0x6: {  	_ = 	snop  }
0x7: {  	_ = 	snop  }
__scs_overlays_trampoline_lowered:
0x8: {  	[smem:$0x3FA7] =	sst s0  }
0x9: {  	[smem:$0x3FA8] =	sst s1  }
0xa: {  	[smem:$0x3FA9] =	sst s2  }
0xb: {  	[smem:$0x3FAA] =	sst s3  }
0xc: {  	[smem:$0x3FAB] =	sst s4  }
0xd: {  	[smem:$0x3FAC] =	sst s5  }
0xe: {  	[smem:$0x3FAD] =	sst s6  }
0xf: {  	[smem:$0x3FAE] =	sst s7  }
0x10: {  	[smem:$0x3FAF] =	sst s8  }
0x11: {  	[smem:$0x3FB0] =	sst s9;
	s0 =	simm.s32 @!p0 $0x0  }
0x12: {  	s1 =	sld [smem:$0x3F96];
	s0 =	simm.s32 @p0 $0x1  }
0x13: {  	[smem:$0x3FB1] =	sst s0;
	s0 =	simm.s32 @!p1 $0x0  }
0x14: {  	s2 =	sld [smem:$0x3F95];
	s0 =	simm.s32 @p1 $0x1  }
0x15: {  	[smem:$0x3FB2] =	sst s0;
	s0 =	simm.s32 @!p2 $0x0  }
0x16: {  	s3 =	sld [smem:$0x3FDB];
	s0 =	simm.s32 @p2 $0x1  }
0x17: {  	s4 =	simm.s32 $0x1BF5;
	[smem:$0x3FB4] =	sst s0  }
0x18: {  	s0 =	sld [smem:$0x3F97];
	_ =	swait.ge [sflag:s4], $0x0  }
0x19: {  	s7 =	sld [smem:$0x3F98]  }
0x1a: {  	s8 =	sadd.s32 $0xFFFFE003, lr  }
0x1b: {  	s9 =	sadd.s32 $0xFFFFFEF7, lr;
	s5 =	simm.s32 $0xFFFFFFFF;
	p2 =	slt.u32 s8, $0xFFFFF086  }
0x1c: {  	p1 =	slt.u32 s9, $0xF7A;
	s5 =	simm.s32 @!p2 $0x0  }
0x1d: {  	s5 =	simm.s32 @p1 $0x1;
	p0 =	seq.s32 s7, s2  }
0x1e: {  	s7 =	smul.u32 @!p0 $0xF7A, s2;
	p2 =	seq.s32 @!p0 s5, $0x0  }
0x1f: {  	s9 =	smul.u32 $0xF7A, s1;
	s8 =	simm.s32 @!p0 $0x1BF5;
	p2 =	por !p2, p0  }
0x20: {  	[sflag:s8] =	ssyncset.s32 @!p0 $0xFFFFF086;
	s6 =	sadd.s32 @!p0 s3, s7;
	s7 =	simm.s32 @!p0 $0x108  }
0x21: {  	s3 =	sadd.s32 s3, s9;
	s6 =	sadd.s32 @!p0 $0x88, s6;
	s7 =	simm.s32 @p2 $0x1082  }
0x22: {  	[simem:s7], [sflag:s8] =	dma.local @!p0 [hbm:s6], $0xF7A  }
0x23: {  	s9 =	sor.u32 $0xD0000000, s2;
	s6 =	simm.s32 $0x108;
	_ =	swait.ge @!p0 [sflag:s8], $0x0  }
0x24: {  	s3 =	sadd.s32 $0x88, s3;
	s6 =	simm.s32 @!p1 $0x1082;
	[sflag:s4] =	ssyncset.s32 $0xFFFFF086  }
0x25: {  	[simem:s6], [sflag:s4] =	dma.local [hbm:s3], $0xF7A  }
0x26: {  	[smem:$0x3F98] =	sst s1;
	(tag) =	ssettag s2;
	_ =	strace s9  }
0x27: {  	s1 =	sld [smem:$0x3FA8]  }
0x28: {  	s2 =	sld [smem:$0x3FA9]  }
0x29: {  	s4 =	sld [smem:$0x3FAB]  }
0x2a: {  	p0 =	seq.s32 s5, $0x0;
	s5 =	sld [smem:$0x3FAC]  }
0x2b: {  	s6 =	sld [smem:$0x3FAD]  }
0x2c: {  	s7 =	sld [smem:$0x3FAE]  }
0x2d: {  	s3 =	simm.s32 $0x108;
	s8 =	sld [smem:$0x3FAF]  }
0x2e: {  	s3 =	simm.s32 @!p0 $0x1082;
	s9 =	sld [smem:$0x3FB0]  }
0x2f: {  	lr =	sadd.s32 s0, s3;
	s0 =	sld [smem:$0x3FA7]  }
0x30: {  	s3 =	sld [smem:$0x3FAA]  }
0x31: {  	[smem:$0x3FB3] =	sst s10  }
0x32: {  	s10 =	sld [smem:$0x3FB1];
	_ =	sdelay $0x3  }
0x33: {  	p0 =	seq.s32 s10, $0x1;
	s10 =	sld [smem:$0x3FB3];
	_ =	sdelay $0x3  }
0x34: {  	[smem:$0x3FB3] =	sst s10  }
0x35: {  	s10 =	sld [smem:$0x3FB2];
	_ =	sdelay $0x3  }
0x36: {  	p1 =	seq.s32 s10, $0x1;
	s10 =	sld [smem:$0x3FB3];
	_ =	sdelay $0x3  }
0x37: {  	[smem:$0x3FB3] =	sst s10  }
0x38: {  	s10 =	sld [smem:$0x3FB4]  }
0x39: {  	_ = 	snop;
	(pc) =	sbr.ind lr, $3  }
0x3a: {  	_ = 	snop  }
0x3b: {  	_ = 	snop  }
0x3c: {  	p2 =	seq.s32 s10, $0x1;
	s10 =	sld [smem:$0x3FB3]  }
0x3d: {  	_ =	shalt  }
0x3e: {  	_ =	shalt  }
0x3f: {  	_ =	shalt  }
0x40: {  	_ =	shalt  }
0x41: {  	_ =	shalt  }
0x42: {  	_ =	shalt  }
0x43: {  	_ =	shalt  }
0x44: {  	_ =	shalt  }
0x45: {  	_ =	shalt  }
0x46: {  	_ =	shalt  }
0x47: {  	_ =	shalt  }
0x48: {  	_ =	shalt  }
0x49: {  	_ =	shalt  }
0x4a: {  	_ =	shalt  }
0x4b: {  	_ =	shalt  }
0x4c: {  	_ =	shalt  }
0x4d: {  	_ =	shalt  }
0x4e: {  	_ =	shalt  }
0x4f: {  	_ =	shalt  }
0x50: {  	_ =	shalt  }
0x51: {  	_ =	shalt  }
0x52: {  	_ =	shalt  }
0x53: {  	_ =	shalt  }
0x54: {  	_ =	shalt  }
0x55: {  	_ =	shalt  }
0x56: {  	_ =	shalt  }
0x57: {  	_ =	shalt  }
0x58: {  	_ =	shalt  }
0x59: {  	_ =	shalt  }
0x5a: {  	_ =	shalt  }
0x5b: {  	_ =	shalt  }
0x5c: {  	_ =	shalt  }
0x5d: {  	_ =	shalt  }
0x5e: {  	_ =	shalt  }
0x5f: {  	_ =	shalt  }
0x60: {  	_ =	shalt  }
0x61: {  	_ =	shalt  }
0x62: {  	_ =	shalt  }
0x63: {  	_ =	shalt  }
0x64: {  	_ =	shalt  }
0x65: {  	_ =	shalt  }
0x66: {  	_ =	shalt  }
0x67: {  	_ =	shalt  }
0x68: {  	_ =	shalt  }
0x69: {  	_ =	shalt  }
0x6a: {  	_ =	shalt  }
0x6b: {  	_ =	shalt  }
0x6c: {  	_ =	shalt  }
0x6d: {  	_ =	shalt  }
0x6e: {  	_ =	shalt  }
0x6f: {  	_ =	shalt  }
0x70: {  	_ =	shalt  }
0x71: {  	_ =	shalt  }
0x72: {  	_ =	shalt  }
0x73: {  	_ =	shalt  }
0x74: {  	_ =	shalt  }
0x75: {  	_ =	shalt  }
0x76: {  	_ =	shalt  }
0x77: {  	_ =	shalt  }
0x78: {  	_ =	shalt  }
0x79: {  	_ =	shalt  }
0x7a: {  	_ =	shalt  }
0x7b: {  	_ =	shalt  }
0x7c: {  	_ =	shalt  }
0x7d: {  	_ =	shalt  }
0x7e: {  	_ =	shalt  }
0x7f: {  	_ =	shalt  }
0x80: {  	_ =	shalt  }
0x81: {  	_ =	shalt  }
0x82: {  	_ =	shalt  }
0x83: {  	_ =	shalt  }
0x84: {  	_ =	shalt  }
0x85: {  	_ =	shalt  }
0x86: {  	_ =	shalt  }
0x87: {  	_ =	shalt  }
.Lfunc_end0:
.L_simem_size_0:
called_computation.1_lowered:
.L_overlay_start_0:
0x88: {  	s2 =	sld [smem:$0x3FD9]  }
0x89: {  	s3 =	sld [smem:$0x3FFE];
	_ =	sdelay $0x1  }
0x8a: {  	s1 =	srdreg.scid  }
0x8b: {  	s0 =	sand.u32 $0x1, s1  }
0x8c: {  	s16 =	sshll.u32 s0, $0xA;
	s2 =	sadd.s32 s3, s2  }
0x8d: {  	s2 =	sadd.s32 s2, s16  }
0x8e: {  	[smem:$0x3FBF] =	sst s2  }
0x8f: {  	_ = 	snop  }
0x90: {  	(tm) =	ssettm $0x1  }
0x91: {  	s17 =	sld [smem:$0x3FFB];
	_ =	sdelay $0x3  }
0x92: {  	_ =	strace s17  }
0x93: {  	s2 =	sld [smem:$0x3FFC];
	_ =	sdelay $0x3  }
0x94: {  	_ =	strace s2  }
0x95: {  	s2 =	sld [smem:$0x3FFD];
	_ =	sdelay $0x3  }
0x96: {  	_ =	strace s2  }
0x97: {  	_ =	strace $0x8FFFFFFF  }
0x98: {  	s18 =	sld [smem:$0x3FDB];
	_ =	sdelay $0x1  }
0x99: {  	s19 =	simm.s32 $_scs_section_size  }
0x9a: {  	s4 =	simm.s32 $_size__tile_overlayer_lowered;
	s5 =	simm.s32 $_tile_overlayer_lowered  }
0x9b: {  	s22 =	simm.s32 $0x1BFF;
	s21 =	sshll.u32 s5, $0x1;
	s2 =	sadd.s32 s19, s18  }
0x9c: {  	s6 =	simm.s32 $0x0;
	s20 =	sshll.u32 s4, $0x1;
	s4 =	sadd.s32 s21, s2  }
0x9d: {  	[timem:s6], [sflag:s22] =	dma.local [hbm:s4], s20  }
0x9e: {  	_ =	swait.ge [sflag:s22], s20  }
0x9f: {  	s3 =	ssub.s32 $0x0, s20;
	[sflag:s22] =	ssyncset.done $0x0  }
0xa0: {  	[sflag:s22] =	ssyncadd.s32 s3;
	_ =	sdelay $0x1  }
0xa1: {  	s23 =	simm.s32 $0x1B8B  }
0xa2: {  	_ =	swait.ge [sflag:s23], $0x1  }
0xa3: {  	[sflag:s23] =	ssyncset.done $0x0  }
0xa4: {  	s25 =	simm.s32 $0x1B8E;
	s24 =	sld [smem:$0x3FFE];
	[sflag:s23] =	ssyncadd.s32 $0xFFFFFFFF  }
0xa5: {  	s26 =	simm.s32 $execute0_lowered;
	[smem:$0x3FD2] =	sst s25  }
0xa6: {  	s4 =	sshll.u32 s26, $0x1;
	_ =	strace $0x80000049;
	[dreg:$0x1] =	wrdreg $0xFFFFFFFF  }
0xa7: {  	s28 =	simm.s32 $_size_execute0_lowered;
	s2 =	sadd.s32 s2, s4;
	[dreg:$0x0] =	wrdreg $0x0  }
0xa8: {  	s4 =	sshll.u32 s28, $0x1;
	[dreg:$0x2] =	wrdreg s2  }
0xa9: {  	[dreg:$0x3] =	wrdreg s4  }
0xaa: {  	[dreg:$0x4] =	wrdreg $0xC0  }
0xab: {  	_ =	task [dreg:s6], $0x5FFFF  }
0xac: {  	[dreg:$0x1] =	wrdreg $0xFFFFFFFF  }
0xad: {  	[dreg:$0x0] =	wrdreg $0x60  }
0xae: {  	[dreg:$0x2] =	wrdreg s24  }
0xaf: {  	[dreg:$0x3] =	wrdreg $0x11A800  }
0xb0: {  	[dreg:$0x4] =	wrdreg $0x9  }
0xb1: {  	_ =	task.clear_ibuf [dreg:s6], $0x5FFFF;
	_ =	strace $0x90000049  }
0xb2: {  	s29 =	simm.s32 $0x9;
	_ =	strace $0x8000004B  }
0xb3: {  	_ =	swait.ge [sflag:s29], $0x1  }
0xb4: {  	[sflag:s29] =	ssyncadd.s32 $0xFFFFFFFF  }
0xb5: {  	_ =	strace $0x9000004B  }
0xb6: {  	_ =	sfence  }
0xb7: {  	s30 =	sld [smem:$0x0];
	_ =	sdelay $0x2  }
0xb8: {  	s31 =	sshll.u32 s1, $0xD;
	s1 =	sshrl.u32 s1, $0x2  }
0xb9: {  	s3 =	sand.u32 $0x4000, s31;
	s1 =	sadd.s32 s1, s30  }
0xba: {  	s0 =	sor.u32 s3, s0;
	s1 =	sshll.u32 s1, $0x11  }
0xbb: {  	s0 =	sor.u32 s1, s0  }
0xbc: {  	s0 =	sadd.s32 $0x8F2B, s0  }
0xbd: {  	[sflag:s0] =	ssyncadd.remote.s32 $0x1  }
0xbe: {  	_ =	sfence.sel $0xFFFF  }
0xbf: {  	[dreg:$0x0] =	wrdreg $0xFFFFFFFF;
	(pc) =	sbr.abs _section_cstart, $3  }
0xc0: {  	[dreg:$0x1] =	wrdreg $0xFFFFFFFF  }
0xc1: {  	_ =	task.clear_ibuf [dreg:s6], $0x2FFFF;
	_ =	strace $0x9FFFFFFF  }
0xc2: {  	(tm) =	ssettm $0x7FFFFFFF  }
0xc3: {  	_ =	shalt  }
tec
execute0_lowered:
.L_overlay_start_1:
0x0: {  	(tag) =	ssettag $0x1  }
0x1: {  	s1 =	rddreg [dreg:$0x0]  }
0x2: {  	s0 =	srdreg.scid;
	s2 =	rddreg [dreg:$0x1]  }
0x3: {  	s15 =	stileid.u32;
	s3 =	simm.s32 $0x0;
	s28 =	simm.s32 $0x50  }
0x4: {  	s29 =	simm.s32 $0xC800;
	s30 =	simm.s32 $0x11880;
	s31 =	simm.s32 $0x4  }
0x5: {  	s0 =	sand.u32 $0x1, s0;
	[smem:$0x7FF] =	sst s3;
	s10 =	smul.u32 $0x140, s15  }
0x6: {  	s7 =	sadd.s32 $0x2E00, s1;
	p0 =	seq.s32 s15, $0xF;
	s16 =	smul.u32 $0x1400, s15  }
0x7: {  	s4 =	sshll.u32 s0, $0x4;
	_ =	strace $0x8000004A;
	s13 =	smul.u32 $0x9C400, s0  }
0x8: {  	s8 =	ssub.s32 $0x2, s0;
	s0 =	smul.u32 $0x13880, s0;
	s5 =	sor.u32 s15, s4  }
0x9: {  	s4 =	sadd.s32 $0x3FC00, s1;
	s9 =	sshrl.u32 s8, $0x1;
	s18 =	sadd.s32 s7, s16  }
0xa: {  	s20 =	sadd.s32 $0x50, s10;
	s21 =	sadd.s32 $0xA0, s10;
	s10 =	sadd.s32 $0xF0, s10  }
0xb: {  	s6 =	smul.u32 $0xA00, s5;
	s5 =	sshll.u32 s5, $0x1;
	s11 =	ssub.s32 s8, s9  }
0xc: {  	s8 =	simm.s32 $0x2;
	s14 =	sshrl.u32 s13, $0x3;
	s9 =	simm.s32 $0x2  }
0xd: {  	s13 =	sadd.s32 $0x9B000, s2;
	[dreg:$0x9] =	wrdreg s18;
	s22 =	sshll.u32 s20, $0x4  }
0xe: {  	s23 =	sshll.u32 s21, $0x4;
	s25 =	sshll.u32 s21, $0x7;
	s26 =	sshll.u32 s10, $0x4  }
0xf: {  	s10 =	sshll.u32 s10, $0x7;
	s5 =	sadd.s32 s5, s1;
	s9 =	simm.s32 @!p0 $0x4  }
0x10: {  	[dreg:$0x6] =	wrdreg s13;
	s17 =	smax.u32 s11, $0x1;
	s24 =	sadd.s32 s7, s23  }
0x11: {  	s23 =	simm.s32 $0x7;
	p0 =	sne.s32 s15, $0xF;
	s6 =	sadd.s32 s6, s1  }
0x12: {  	s1 =	sadd.s32 $0x66E00, s1;
	s5 =	sadd.s32 $0x3FA00, s5;
	[dreg:$0x8] =	wrdreg s17  }
0x13: {  	[dreg:$0xc] =	wrdreg s24;
	s24 =	simm.s32 $0x5;
	s12 =	sadd.s32 $0x17A00, s6  }
0x14: {  	s6 =	sadd.s32 $0x2BA00, s6;
	[dreg:$0x5] =	wrdreg s5;
	s5 =	sadd.s32 s1, s14  }
0x15: {  	s0 =	sadd.s32 s0, s1;
	s1 =	simm.s32 $0x3;
	[dreg:$0x3] =	wrdreg s12  }
0x16: {  	[dreg:$0x4] =	wrdreg s6;
	s12 =	smul.u32 $0x28000, s15;
	s5 =	sadd.s32 $0x13600, s5  }
0x17: {  	s21 =	sadd.s32 s16, s0;
	s0 =	simm.s32 $0x11900;
	s6 =	simm.s32 $0x6  }
0x18: {  	[dreg:$0x7] =	wrdreg s5;
	s5 =	sshll.u32 s20, $0x7;
	s20 =	sadd.s32 s10, s2  }
0x19: {  	s19 =	sshrl.u32 s12, $0x2;
	s12 =	sadd.s32 s7, s22;
	s5 =	sadd.s32 s5, s2  }
0x1a: {  	s22 =	simm.s32 $0xA000;
	s14 =	sadd.s32 s19, s2;
	[dreg:$0xa] =	wrdreg s12  }
0x1b: {  	[dreg:$0xb] =	wrdreg s5;
	s5 =	sadd.s32 s25, s2;
	s25 =	simm.s32 $0x11980  }
0x1c: {  	[dreg:$0xd] =	wrdreg s5;
	s5 =	sadd.s32 s7, s26;
	s26 =	simm.s32 $0x1  }
0x1d: {  	s7 =	simm.s32 $0x0;
	[dreg:$0xe] =	wrdreg s5;
	s5 =	simm.s32 $0xF000  }
.LBB2_1:
0x1e: {  	s10 =	rddreg [dreg:$0x9]  }
0x1f: {  	[tilespmem:s22], [sflag:$0x7] =	stream.linear.gather [hbm4b:s10+s3], $0x2800, $0x38;
	[tilespmem:$0x1BA80] =	vst v63  }
0x20: {  	_ =	swait.ge [sflag:s23], $0x2800  }
0x21: {  	[sflag:s23] =	ssyncset.done $0x0  }
0x22: {  	[sflag:s23] =	ssyncadd.s32 $0xFFFFD800  }
0x23: {  	[spmem:s14] =	stream.linear.scatter [tilespmem:s22], [sflag:$0x7], $0x2800, $0x38;
	[tilespmem:$0x1BA80] =	vst v63  }
0x24: {  	_ =	swait.ge [sflag:s23], $0x2800  }
0x25: {  	[sflag:s23] =	ssyncset.done $0x0  }
0x26: {  	s16 =	rddreg [dreg:$0xa];
	[sflag:s23] =	ssyncadd.s32 $0xFFFFD800  }
0x27: {  	[tilespmem:s22], [sflag:$0x7] =	stream.linear.gather [hbm4b:s16+s3], $0x2800, $0x38;
	[tilespmem:$0x1BA80] =	vst v63  }
0x28: {  	_ =	swait.ge [sflag:s23], $0x2800  }
0x29: {  	[sflag:s23] =	ssyncset.done $0x0  }
0x2a: {  	s17 =	rddreg [dreg:$0xb];
	[sflag:s23] =	ssyncadd.s32 $0xFFFFD800  }
0x2b: {  	[spmem:s17] =	stream.linear.scatter [tilespmem:s22], [sflag:$0x7], $0x2800, $0x38;
	[tilespmem:$0x1BA80] =	vst v63  }
0x2c: {  	_ =	swait.ge [sflag:s23], $0x2800  }
0x2d: {  	[sflag:s23] =	ssyncset.done $0x0  }
0x2e: {  	s18 =	rddreg [dreg:$0xc];
	[sflag:s23] =	ssyncadd.s32 $0xFFFFD800  }
0x2f: {  	[tilespmem:s22], [sflag:$0x7] =	stream.linear.gather [hbm4b:s18+s3], $0x2800, $0x38;
	[tilespmem:$0x1BA80] =	vst v63  }
0x30: {  	_ =	swait.ge [sflag:s23], $0x2800  }
0x31: {  	[sflag:s23] =	ssyncset.done $0x0  }
0x32: {  	s19 =	rddreg [dreg:$0xd];
	[sflag:s23] =	ssyncadd.s32 $0xFFFFD800  }
0x33: {  	[spmem:s19] =	stream.linear.scatter [tilespmem:s22], [sflag:$0x7], $0x2800, $0x38;
	[tilespmem:$0x1BA80] =	vst v63  }
0x34: {  	_ =	swait.ge [sflag:s23], $0x2800  }
0x35: {  	[sflag:s23] =	ssyncset.done $0x0  }
0x36: {  	s11 =	rddreg [dreg:$0xe];
	[sflag:s23] =	ssyncadd.s32 $0xFFFFD800  }
0x37: {  	[tilespmem:s22], [sflag:$0x7] =	stream.linear.gather [hbm4b:s11+s3], $0x2800, $0x38;
	[tilespmem:$0x1BA80] =	vst v63  }
0x38: {  	_ =	swait.ge [sflag:s23], $0x2800  }
0x39: {  	[sflag:s23] =	ssyncset.done $0x0  }
0x3a: {  	[sflag:s23] =	ssyncadd.s32 $0xFFFFD800  }
0x3b: {  	[spmem:s20] =	stream.linear.scatter [tilespmem:s22], [sflag:$0x7], $0x2800, $0x38;
	[tilespmem:$0x1BA80] =	vst v63  }
0x3c: {  	_ =	swait.ge [sflag:s23], $0x2800  }
0x3d: {  	[sflag:s23] =	ssyncset.done $0x0  }
0x3e: {  	s12 =	rddreg [dreg:$0x3];
	[sflag:s23] =	ssyncadd.s32 $0xFFFFD800  }
0x3f: {  	[tilespmem:s3], [sflag:$0x7] =	stream.linear.gather [hbm4b:s12+s3], $0x5000, $0x38;
	[tilespmem:$0x1BA80] =	vst v63  }
0x40: {  	_ =	swait.ge [sflag:s23], $0x5000  }
0x41: {  	[sflag:s23] =	ssyncset.done $0x0  }
0x42: {  	s11 =	simm.s32 $0x5000;
	s13 =	rddreg [dreg:$0x4];
	[sflag:s23] =	ssyncadd.s32 $0xFFFFB000  }
0x43: {  	[tilespmem:s11], [sflag:$0x7] =	stream.linear.gather [hbm4b:s13+s3], $0x5000, $0x38;
	[tilespmem:$0x1BA80] =	vst v63  }
0x44: {  	_ =	swait.ge [sflag:s23], $0x5000  }
0x45: {  	[sflag:s23] =	ssyncset.done $0x0  }
0x46: {  	s16 =	simm.s32 $0x11800;
	s15 =	rddreg [dreg:$0x5];
	[sflag:s23] =	ssyncadd.s32 $0xFFFFB000  }
0x47: {  	[tilespmem:s16], [sflag:$0x7] =	stream.linear.gather [hbm4b:s15+s3], $0x10, $0x38;
	[tilespmem:$0x1BA80] =	vst v63  }
0x48: {  	_ =	swait.ge [sflag:s23], $0x10  }
0x49: {  	[sflag:s23] =	ssyncset.done $0x0  }
0x4a: {  	[sflag:s23] =	ssyncadd.s32 $0xFFFFFFF0  }
0x4b: {  	[bflag:$0x0] =	sbarrier.arrive $0xFFFF  }
0x4c: {  	v0 =	vld [tilespmem:$0x11800];
	_ =	sdelay $0x4  }
0x4d: {  	(v2sf) =	vpush v0, $0x0;
	_ =	sdelay $0xb  }
0x4e: {  	[tilespmem:s22], [sflag:$0x1] =	stream.indirect.gather [hbm4b:s4+s28], $0x80, s3, s28, $0xb8;
	[tilespmem:$0x1BA80] =	vst v63  }
0x4f: {  	_ = 	snop  }
0x50: {  	[tilespmem:s29], [sflag:$0x2] =	stream.indirect.gather [hbm4b:s4+s28], $0x80, s28, s28, $0xb8;
	[tilespmem:$0x1BA80] =	vst v63  }
0x51: {  	s17 =	spop (v2sf)  }
0x52: {  	_ =	swait.ge [sflag:s26], $0x2800  }
0x53: {  	[sflag:s26] =	ssyncset.done $0x0  }
0x54: {  	s12 =	simm.s32 $0x5070;
	[sflag:s26] =	ssyncadd.s32 $0xFFFFD800  }
0x55: {  	v61 =	vld [tilespmem:s12+$0xFFFFFF90];
	_ =	sdelay $0x4  }
0x56: {  	[tilespmem:$0x11880] =	vst v61  }
0x57: {  	v0 =	vld [tilespmem:s12+$0xFFFFFFA0];
	_ =	sdelay $0x4  }
0x58: {  	[tilespmem:$0x11890] =	vst v0  }
0x59: {  	v0 =	vld [tilespmem:s12+$0xFFFFFFB0]  }
0x5a: {  	s18 =	sadd.s32 $0xEF, s17  }
0x5b: {  	s13 =	smulhi.u32 $0x88888889, s18;
	s15 =	sshra.s32 s18, $0x1F  }
0x5c: {  	s10 =	ssub.s32 $0xFFFFFF11, s17;
	s15 =	smul.u32 $0x88888889, s15  }
0x5d: {  	s13 =	sadd.s32 s10, s13  }
0x5e: {  	s13 =	sadd.s32 s15, s13;
	[tilespmem:$0x118A0] =	vst v0  }
0x5f: {  	s13 =	sadd.s32 s18, s13;
	v0 =	vld [tilespmem:s12+$0xFFFFFFC0]  }
0x60: {  	s19 =	sshrl.u32 s13, $0x1F;
	s13 =	sshra.s32 s13, $0x7  }
0x61: {  	s13 =	sadd.s32 s19, s13  }
0x62: {  	s15 =	smul.u32 $0xFFFFFF10, s13;
	_ =	sdelay $0x1  }
0x63: {  	p1 =	slt.s32 s18, $0x1;
	p2 =	sne.s32 s15, s10;
	[tilespmem:$0x118B0] =	vst v0  }
0x64: {  	p1 =	por !p1, !p2;
	v0 =	vld [tilespmem:s12+$0xFFFFFFD0]  }
0x65: {  	s10 =	simm.s32 $0x1;
	p1 =	por !p1, !p1  }
0x66: {  	s10 =	simm.s32 @!p1 $0x0  }
0x67: {  	s10 =	ssub.s32 s13, s10  }
0x68: {  	p2 =	por $0x1, $0x1;
	p1 =	sgt.s32 s10, $0x1  }
0x69: {  	s11 =	simm.s32 @!p2 $0x6;
	s10 =	simm.s32 @!p1 $0x1;
	[tilespmem:$0x118C0] =	vst v0  }
0x6a: {  	s10 =	smul.u32 $0x3, s10;
	_ =	swait.ge @!p2 [sflag:s11], $0x2800  }
0x6b: {  	[sflag:s11] =	ssyncset.done @!p2 $0x0  }
0x6c: {  	p1 =	sle.u32 s10, $0x2;
	[sflag:s11] =	ssyncadd.s32 @!p2 $0xFFFFD800  }
0x6d: {  	[spmem:s2] =	stream.indirect.scatter.add.f32 [tilespmem:s22], [sflag:$0x4], $0x80, s30, s28, $0xb8;
	[tilespmem:$0x1BA80] =	vst v63  }
0x6e: {  	s13 =	simm.s32 @!p1 $0x50;
	s15 =	simm.s32 @!p1 $0xF000;
	s11 =	simm.s32 $0xA0  }
0x6f: {  	[tilespmem:s15], [sflag:$0x3] =	stream.indirect.gather @!p1 [hbm4b:s4+s13], $0x80, s11, s13, $0xb8;
	[tilespmem:$0x1BA80] =	vst v63  }
0x70: {  	_ =	swait.ge [sflag:s8], $0x2800  }
0x71: {  	[sflag:s8] =	ssyncset.done $0x0  }
0x72: {  	[sflag:s8] =	ssyncadd.s32 $0xFFFFD800  }
0x73: {  	v62 =	vld [tilespmem:s12+$0xFFFFFFE0];
	_ =	sdelay $0x4  }
0x74: {  	[tilespmem:$0x11900] =	vst v62  }
0x75: {  	v0 =	vld [tilespmem:s12+$0xFFFFFFF0];
	_ =	sdelay $0x4  }
0x76: {  	[tilespmem:$0x11910] =	vst v0  }
0x77: {  	v0 =	vld [tilespmem:s12+$0x0];
	_ =	sdelay $0x4  }
0x78: {  	[tilespmem:$0x11920] =	vst v0  }
0x79: {  	v0 =	vld [tilespmem:s12+$0x10];
	_ =	sdelay $0x4  }
0x7a: {  	[tilespmem:$0x11930] =	vst v0  }
0x7b: {  	v0 =	vld [tilespmem:s12+$0x20];
	_ =	sdelay $0x4  }
0x7c: {  	[tilespmem:$0x11940] =	vst v0  }
0x7d: {  	_ =	swait.ge [sflag:s31], $0x2800  }
0x7e: {  	[sflag:s31] =	ssyncset.done $0x0  }
0x7f: {  	p1 =	sle.u32 s10, $0x3;
	[sflag:s31] =	ssyncadd.s32 $0xFFFFD800  }
0x80: {  	[spmem:s2] =	stream.indirect.scatter.add.f32 [tilespmem:s29], [sflag:$0x5], $0x80, s0, s28, $0xb8;
	[tilespmem:$0x1BA80] =	vst v63  }
0x81: {  	s13 =	simm.s32 @!p1 $0x50;
	s15 =	simm.s32 @!p1 $0xA000;
	s16 =	simm.s32 @!p1 $0xF0  }
0x82: {  	[tilespmem:s15], [sflag:$0x1] =	stream.indirect.gather @!p1 [hbm4b:s4+s13], $0x80, s16, s13, $0xb8;
	[tilespmem:$0x1BA80] =	vst v63  }
0x83: {  	_ =	swait.ge [sflag:s1], $0x2800  }
0x84: {  	[sflag:s1] =	ssyncset.done $0x0  }
0x85: {  	[sflag:s1] =	ssyncadd.s32 $0xFFFFD800  }
0x86: {  	v63 =	vld [tilespmem:s12+$0x30];
	_ =	sdelay $0x4  }
0x87: {  	[tilespmem:$0x11980] =	vst v63  }
0x88: {  	v0 =	vld [tilespmem:s12+$0x40];
	_ =	sdelay $0x4  }
0x89: {  	[tilespmem:$0x11990] =	vst v0  }
0x8a: {  	v0 =	vld [tilespmem:s12+$0x50];
	_ =	sdelay $0x4  }
0x8b: {  	[tilespmem:$0x119A0] =	vst v0  }
0x8c: {  	v0 =	vld [tilespmem:s12+$0x60];
	_ =	sdelay $0x4  }
0x8d: {  	[tilespmem:$0x119B0] =	vst v0  }
0x8e: {  	v0 =	vld [tilespmem:s12+$0x70];
	_ =	sdelay $0x1  }
0x8f: {  	p1 =	sne.s32 s10, $0x3  }
.Ltmp0:
0x90: {  	_ = 	snop;
	(pc) =	sbr.rel @!p1 .LBB2_3-.Ltmp0, $4  }
0x91: {  	_ = 	snop  }
0x92: {  	[tilespmem:$0x119C0] =	vst v0  }
0x93: {  	p2 =	sle.u32 s10, $0x4;
	s13 =	simm.s32 $0x5160;
	_ =	swait.ge [sflag:s24], $0x2800  }
0x94: {  	s15 =	simm.s32 $0x190;
	s12 =	simm.s32 $0x3;
	[sflag:s24] =	ssyncset.done $0x0  }
.LBB2_2:
0x95: {  	[sflag:s24] =	ssyncadd.s32 $0xFFFFD800;
	s11 =	sadd.s32 @!p2 $0xA0, s11;
	s17 =	simm.s32 @!p2 $0xC800  }
0x96: {  	[spmem:s2] =	stream.indirect.scatter.add.f32 [tilespmem:s5], [sflag:$0x6], $0x80, s25, s28, $0xb8;
	[tilespmem:$0x1BA80] =	vst v63  }
0x97: {  	s18 =	simm.s32 @!p2 $0x50;
	s16 =	smov.u32 s12;
	s12 =	sadd.s32 $0x3, s12  }
0x98: {  	[tilespmem:s17], [sflag:$0x2] =	stream.indirect.gather @!p2 [hbm4b:s4+s18], $0x80, s11, s18, $0xb8;
	[tilespmem:$0x1BA80] =	vst v63  }
0x99: {  	p1 =	sne.s32 s10, s12;
	s11 =	smov.u32 s15;
	_ =	swait.ge [sflag:s26], $0x2800  }
0x9a: {  	[sflag:s26] =	ssyncset.done $0x0  }
0x9b: {  	[sflag:s26] =	ssyncadd.s32 $0xFFFFD800  }
0x9c: {  	v0 =	vld [tilespmem:s13+$0xFFFFFF90];
	_ =	sdelay $0x4  }
0x9d: {  	[tilespmem:$0x11880] =	vst v0  }
0x9e: {  	v0 =	vld [tilespmem:s13+$0xFFFFFFA0];
	_ =	sdelay $0x4  }
0x9f: {  	[tilespmem:$0x11890] =	vst v0  }
0xa0: {  	v0 =	vld [tilespmem:s13+$0xFFFFFFB0];
	_ =	sdelay $0x4  }
0xa1: {  	[tilespmem:$0x118A0] =	vst v0  }
0xa2: {  	v0 =	vld [tilespmem:s13+$0xFFFFFFC0];
	_ =	sdelay $0x4  }
0xa3: {  	[tilespmem:$0x118B0] =	vst v0  }
0xa4: {  	v0 =	vld [tilespmem:s13+$0xFFFFFFD0]  }
0xa5: {  	p2 =	seq.s32 s16, $0x0  }
0xa6: {  	s17 =	simm.s32 @!p2 $0x6;
	_ =	sdelay $0x2  }
0xa7: {  	s18 =	sadd.s32 $0x2, s16;
	[tilespmem:$0x118C0] =	vst v0  }
0xa8: {  	p3 =	sge.u32 s18, s10;
	_ =	swait.ge @!p2 [sflag:s17], $0x2800  }
0xa9: {  	[sflag:s17] =	ssyncset.done @!p2 $0x0  }
0xaa: {  	[sflag:s17] =	ssyncadd.s32 @!p2 $0xFFFFD800  }
0xab: {  	[spmem:s2] =	stream.indirect.scatter.add.f32 [tilespmem:s22], [sflag:$0x4], $0x80, s30, s28, $0xb8;
	[tilespmem:$0x1BA80] =	vst v63  }
0xac: {  	s18 =	simm.s32 @!p3 $0xF000;
	s17 =	simm.s32 @!p3 $0x50  }
0xad: {  	[tilespmem:s18], [sflag:$0x3] =	stream.indirect.gather @!p3 [hbm4b:s4+s17], $0x80, s15, s17, $0xb8;
	[tilespmem:$0x1BA80] =	vst v63  }
0xae: {  	_ =	swait.ge [sflag:s8], $0x2800  }
0xaf: {  	[sflag:s8] =	ssyncset.done $0x0  }
0xb0: {  	[sflag:s8] =	ssyncadd.s32 $0xFFFFD800  }
0xb1: {  	v0 =	vld [tilespmem:s13+$0xFFFFFFE0];
	_ =	sdelay $0x4  }
0xb2: {  	[tilespmem:$0x11900] =	vst v0  }
0xb3: {  	v0 =	vld [tilespmem:s13+$0xFFFFFFF0];
	_ =	sdelay $0x4  }
0xb4: {  	[tilespmem:$0x11910] =	vst v0  }
0xb5: {  	v0 =	vld [tilespmem:s13+$0x0];
	_ =	sdelay $0x4  }
0xb6: {  	[tilespmem:$0x11920] =	vst v0  }
0xb7: {  	v0 =	vld [tilespmem:s13+$0x10];
	_ =	sdelay $0x4  }
0xb8: {  	[tilespmem:$0x11930] =	vst v0  }
0xb9: {  	v0 =	vld [tilespmem:s13+$0x20];
	_ =	sdelay $0x4  }
0xba: {  	[tilespmem:$0x11940] =	vst v0  }
0xbb: {  	p2 =	sge.u32 s12, s10;
	_ =	swait.ge [sflag:s31], $0x2800  }
0xbc: {  	s17 =	simm.s32 @!p2 $0x50;
	s18 =	simm.s32 @!p2 $0xA000;
	[sflag:s31] =	ssyncset.done $0x0  }
0xbd: {  	[sflag:s31] =	ssyncadd.s32 $0xFFFFD800  }
0xbe: {  	[spmem:s2] =	stream.indirect.scatter.add.f32 [tilespmem:s29], [sflag:$0x5], $0x80, s0, s28, $0xb8;
	[tilespmem:$0x1BA80] =	vst v63  }
0xbf: {  	s19 =	sadd.s32 @!p2 $0x50, s15  }
0xc0: {  	[tilespmem:s18], [sflag:$0x1] =	stream.indirect.gather @!p2 [hbm4b:s4+s17], $0x80, s19, s17, $0xb8;
	[tilespmem:$0x1BA80] =	vst v63  }
0xc1: {  	_ =	swait.ge [sflag:s1], $0x2800  }
0xc2: {  	[sflag:s1] =	ssyncset.done $0x0  }
0xc3: {  	[sflag:s1] =	ssyncadd.s32 $0xFFFFD800  }
0xc4: {  	v0 =	vld [tilespmem:s13+$0x30];
	_ =	sdelay $0x4  }
0xc5: {  	[tilespmem:$0x11980] =	vst v0  }
0xc6: {  	v0 =	vld [tilespmem:s13+$0x40];
	_ =	sdelay $0x4  }
0xc7: {  	[tilespmem:$0x11990] =	vst v0  }
0xc8: {  	v0 =	vld [tilespmem:s13+$0x50];
	_ =	sdelay $0x4  }
0xc9: {  	[tilespmem:$0x119A0] =	vst v0  }
0xca: {  	v0 =	vld [tilespmem:s13+$0x60];
	_ =	sdelay $0x4  }
0xcb: {  	[tilespmem:$0x119B0] =	vst v0  }
0xcc: {  	v0 =	vld [tilespmem:s13+$0x70];
	_ =	sdelay $0x2  }
.Ltmp1:
0xcd: {  	(pc) =	sbr.rel @p1 .LBB2_2-.Ltmp1, $4  }
0xce: {  	_ = 	snop  }
0xcf: {  	[tilespmem:$0x119C0] =	vst v0  }
0xd0: {  	s16 =	sadd.s32 $0x4, s16;
	s13 =	sadd.s32 $0xF0, s13;
	_ =	swait.ge [sflag:s24], $0x2800  }
0xd1: {  	s15 =	sadd.s32 $0xF0, s15;
	p2 =	sge.u32 s16, s10;
	[sflag:s24] =	ssyncset.done $0x0  }
.LBB2_3:
0xd2: {  	[sflag:s24] =	ssyncadd.s32 $0xFFFFD800  }
0xd3: {  	[spmem:s2] =	stream.indirect.scatter.add.f32 [tilespmem:s5], [sflag:$0x6], $0x80, s25, s28, $0xb8;
	[tilespmem:$0x1BA80] =	vst v63  }
0xd4: {  	s10 =	sadd.s32 @!p2 $0xA0, s11;
	s11 =	simm.s32 @!p2 $0xC800;
	s12 =	simm.s32 @!p2 $0x50  }
0xd5: {  	[tilespmem:s11], [sflag:$0x2] =	stream.indirect.gather @!p2 [hbm4b:s4+s12], $0x80, s10, s12, $0xb8;
	[tilespmem:$0x1BA80] =	vst v63  }
0xd6: {  	_ =	swait.ge [sflag:s6], $0x2800  }
0xd7: {  	[sflag:s6] =	ssyncset.done $0x0  }
0xd8: {  	[sflag:s6] =	ssyncadd.s32 $0xFFFFD800  }
0xd9: {  	[bflag:$0x0] =	sbarrier.arrive $0xFFFF  }
0xda: {  	[tilespmem:s22], [sflag:$0x7] =	stream.linear.gather [spmem:s14], $0x2800, $0x38;
	[tilespmem:$0x1BA80] =	vst v63  }
0xdb: {  	p1 =	sne.s32 s9, $0x1;
	_ =	swait.ge [sflag:s23], $0x2800  }
.Ltmp2:
0xdc: {  	[sflag:s23] =	ssyncset.done $0x0;
	(pc) =	sbr.rel @!p1 .LBB2_5-.Ltmp2, $4  }
0xdd: {  	[sflag:s23] =	ssyncadd.s32 $0xFFFFD800  }
0xde: {  	[hbm4b:s21+s3] =	stream.linear.scatter [tilespmem:s22], [sflag:$0x7], $0x2800, $0x38;
	[tilespmem:$0x1BA80] =	vst v63  }
0xdf: {  	s10 =	sadd.s32 $0xFFFFFFFF, s9;
	_ =	swait.ge [sflag:s23], $0x2800  }
0xe0: {  	s11 =	smov.u32 s14;
	s12 =	smov.u32 s21;
	[sflag:s23] =	ssyncset.done $0x0  }
.LBB2_4:
0xe1: {  	[sflag:s23] =	ssyncadd.s32 $0xFFFFD800;
	s11 =	sadd.s32 $0x2800, s11;
	s12 =	sadd.s32 $0x500, s12  }
0xe2: {  	[tilespmem:s22], [sflag:$0x7] =	stream.linear.gather [spmem:s11], $0x2800, $0x38;
	[tilespmem:$0x1BA80] =	vst v63  }
0xe3: {  	p1 =	sne.s32 s10, $0x1;
	s10 =	sadd.s32 $0xFFFFFFFF, s10;
	_ =	swait.ge [sflag:s23], $0x2800  }
.Ltmp3:
0xe4: {  	[sflag:s23] =	ssyncset.done $0x0;
	(pc) =	sbr.rel @p1 .LBB2_4-.Ltmp3, $4  }
0xe5: {  	[sflag:s23] =	ssyncadd.s32 $0xFFFFD800  }
0xe6: {  	[hbm4b:s12+s3] =	stream.linear.scatter [tilespmem:s22], [sflag:$0x7], $0x2800, $0x38;
	[tilespmem:$0x1BA80] =	vst v63  }
0xe7: {  	_ =	swait.ge [sflag:s23], $0x2800  }
0xe8: {  	[sflag:s23] =	ssyncset.done $0x0  }
.LBB2_5:
0xe9: {  	[sflag:s23] =	ssyncadd.s32 $0xFFFFD800;
	s10 =	simm.s32 @!p0 $0xA000;
	s11 =	rddreg [dreg:$0x6]  }
0xea: {  	[tilespmem:s10], [sflag:$0x7] =	stream.linear.gather @!p0 [spmem:s11], $0x1400, $0x38;
	[tilespmem:$0x1BA80] =	vst v63  }
0xeb: {  	s11 =	simm.s32 @!p0 $0x7  }
0xec: {  	_ =	swait.ge @!p0 [sflag:s11], $0x1400  }
0xed: {  	[sflag:s11] =	ssyncset.done @!p0 $0x0  }
0xee: {  	s12 =	simm.s32 @!p0 $0x0;
	s13 =	rddreg [dreg:$0x7];
	[sflag:s11] =	ssyncadd.s32 @!p0 $0xFFFFEC00  }
0xef: {  	[hbm4b:s13+s12] =	stream.linear.scatter @!p0 [tilespmem:s10], [sflag:$0x7], $0x1400, $0x38;
	[tilespmem:$0x1BA80] =	vst v63  }
0xf0: {  	_ =	swait.ge @!p0 [sflag:s11], $0x1400  }
0xf1: {  	s7 =	sadd.s32 $0x1, s7;
	s19 =	rddreg [dreg:$0x8]  }
0xf2: {  	p1 =	sne.s32 s7, s19  }
.Ltmp4:
0xf3: {  	_ = 	snop;
	(pc) =	sbr.rel @p1 .LBB2_1-.Ltmp4, $3  }
0xf4: {  	_ =	sdelay $0x1  }
0xf5: {  	[sflag:s11] =	ssyncset.done @!p0 $0x0  }
0xf6: {  	[sflag:s11] =	ssyncadd.s32 @!p0 $0xFFFFEC00  }
0xf7: {  	_ =	sfence.sel $0x180000  }
0xf8: {  	[bflag:$0x0] =	sbarrier.arrive $0xFFFF  }
0xf9: {  	_ =	strace $0x9000004A  }
0xfa: {  	s0 =	stileid.u32;
	[bflag:$0x2] =	sbarrier.arrive $0xFFFF  }
0xfb: {  	p0 =	sne.s32 s0, $0x0;
	s0 =	rddreg [dreg:$0x2]  }
0xfc: {  	s0 =	sadd.s32 @!p0 $0x100000, s0  }
0xfd: {  	[sflag:s0] =	ssyncadd.tile.s32 @!p0 $0x1;
	_ =	shalt  }
.Lfunc_end2:
_tile_overlayer_lowered:
.L_overlay_start_2:
0xfe: {  	(tag) =	ssettag $0x2  }
0xff: {  	s0 =	rddreg [dreg:$0x0];
	s2 =	stileid.u32  }
0x100: {  	s1 =	rddreg [dreg:$0x1];
	p0 =	sne.s32 s2, $0x0  }
0x101: {  	s3 =	rddreg [dreg:$0x2];
	[bflag:$0x3] =	sbarrier.arrive $0xFFFF;
	s2 =	simm.s32 @!p0 $0x1C07  }
0x102: {  	[timem:s3], [sflag:s2] =	dma.local @!p0 [hbm:s0], s1  }
0x103: {  	s0 =	simm.s32 @!p0 $0x7  }
0x104: {  	_ =	swait.ge @!p0 [sflag:s0], s1  }
0x105: {  	s1 =	ssub.s32 @!p0 $0x0, s1;
	[sflag:s0] =	ssyncset.done @!p0 $0x0  }
0x106: {  	[sflag:s0] =	ssyncadd.s32 @!p0 s1  }
0x107: {  	[bflag:$0x3] =	sbarrier.arrive $0xFFFF  }
0x108: {  	_ =	shalt  }

// kernel: kernel.14.cloned.1.call-start
scs
__scs_entry_jumppad:
0x0: {  	(pc) =	sbr.rel $0x88, $3  }
0x1: {  	(tag) =	ssettag $0x0;
	lr =	simm.s32 $0x1  }
0x2: {  	[smem:$0x3F98] =	sst lr;
	_ =	strace $0xD0000000  }
0x3: {  	_ = 	snop  }
0x4: {  	_ = 	snop  }
0x5: {  	_ = 	snop  }
0x6: {  	_ = 	snop  }
0x7: {  	_ = 	snop  }
__scs_overlays_trampoline_lowered:
0x8: {  	[smem:$0x3FA7] =	sst s0  }
0x9: {  	[smem:$0x3FA8] =	sst s1  }
0xa: {  	[smem:$0x3FA9] =	sst s2  }
0xb: {  	[smem:$0x3FAA] =	sst s3  }
0xc: {  	[smem:$0x3FAB] =	sst s4  }
0xd: {  	[smem:$0x3FAC] =	sst s5  }
0xe: {  	[smem:$0x3FAD] =	sst s6  }
0xf: {  	[smem:$0x3FAE] =	sst s7  }
0x10: {  	[smem:$0x3FAF] =	sst s8  }
0x11: {  	[smem:$0x3FB0] =	sst s9;
	s0 =	simm.s32 @!p0 $0x0  }
0x12: {  	s1 =	sld [smem:$0x3F96];
	s0 =	simm.s32 @p0 $0x1  }
0x13: {  	[smem:$0x3FB1] =	sst s0;
	s0 =	simm.s32 @!p1 $0x0  }
0x14: {  	s2 =	sld [smem:$0x3F95];
	s0 =	simm.s32 @p1 $0x1  }
0x15: {  	[smem:$0x3FB2] =	sst s0;
	s0 =	simm.s32 @!p2 $0x0  }
0x16: {  	s3 =	sld [smem:$0x3FDB];
	s0 =	simm.s32 @p2 $0x1  }
0x17: {  	s4 =	simm.s32 $0x1BF5;
	[smem:$0x3FB4] =	sst s0  }
0x18: {  	s0 =	sld [smem:$0x3F97];
	_ =	swait.ge [sflag:s4], $0x0  }
0x19: {  	s7 =	sld [smem:$0x3F98]  }
0x1a: {  	s8 =	sadd.s32 $0xFFFFE003, lr  }
0x1b: {  	s9 =	sadd.s32 $0xFFFFFEF7, lr;
	s5 =	simm.s32 $0xFFFFFFFF;
	p2 =	slt.u32 s8, $0xFFFFF086  }
0x1c: {  	p1 =	slt.u32 s9, $0xF7A;
	s5 =	simm.s32 @!p2 $0x0  }
0x1d: {  	s5 =	simm.s32 @p1 $0x1;
	p0 =	seq.s32 s7, s2  }
0x1e: {  	s7 =	smul.u32 @!p0 $0xF7A, s2;
	p2 =	seq.s32 @!p0 s5, $0x0  }
0x1f: {  	s9 =	smul.u32 $0xF7A, s1;
	s8 =	simm.s32 @!p0 $0x1BF5;
	p2 =	por !p2, p0  }
0x20: {  	[sflag:s8] =	ssyncset.s32 @!p0 $0xFFFFF086;
	s6 =	sadd.s32 @!p0 s3, s7;
	s7 =	simm.s32 @!p0 $0x108  }
0x21: {  	s3 =	sadd.s32 s3, s9;
	s6 =	sadd.s32 @!p0 $0x88, s6;
	s7 =	simm.s32 @p2 $0x1082  }
0x22: {  	[simem:s7], [sflag:s8] =	dma.local @!p0 [hbm:s6], $0xF7A  }
0x23: {  	s9 =	sor.u32 $0xD0000000, s2;
	s6 =	simm.s32 $0x108;
	_ =	swait.ge @!p0 [sflag:s8], $0x0  }
0x24: {  	s3 =	sadd.s32 $0x88, s3;
	s6 =	simm.s32 @!p1 $0x1082;
	[sflag:s4] =	ssyncset.s32 $0xFFFFF086  }
0x25: {  	[simem:s6], [sflag:s4] =	dma.local [hbm:s3], $0xF7A  }
0x26: {  	[smem:$0x3F98] =	sst s1;
	(tag) =	ssettag s2;
	_ =	strace s9  }
0x27: {  	s1 =	sld [smem:$0x3FA8]  }
0x28: {  	s2 =	sld [smem:$0x3FA9]  }
0x29: {  	s4 =	sld [smem:$0x3FAB]  }
0x2a: {  	p0 =	seq.s32 s5, $0x0;
	s5 =	sld [smem:$0x3FAC]  }
0x2b: {  	s6 =	sld [smem:$0x3FAD]  }
0x2c: {  	s7 =	sld [smem:$0x3FAE]  }
0x2d: {  	s3 =	simm.s32 $0x108;
	s8 =	sld [smem:$0x3FAF]  }
0x2e: {  	s3 =	simm.s32 @!p0 $0x1082;
	s9 =	sld [smem:$0x3FB0]  }
0x2f: {  	lr =	sadd.s32 s0, s3;
	s0 =	sld [smem:$0x3FA7]  }
0x30: {  	s3 =	sld [smem:$0x3FAA]  }
0x31: {  	[smem:$0x3FB3] =	sst s10  }
0x32: {  	s10 =	sld [smem:$0x3FB1];
	_ =	sdelay $0x3  }
0x33: {  	p0 =	seq.s32 s10, $0x1;
	s10 =	sld [smem:$0x3FB3];
	_ =	sdelay $0x3  }
0x34: {  	[smem:$0x3FB3] =	sst s10  }
0x35: {  	s10 =	sld [smem:$0x3FB2];
	_ =	sdelay $0x3  }
0x36: {  	p1 =	seq.s32 s10, $0x1;
	s10 =	sld [smem:$0x3FB3];
	_ =	sdelay $0x3  }
0x37: {  	[smem:$0x3FB3] =	sst s10  }
0x38: {  	s10 =	sld [smem:$0x3FB4]  }
0x39: {  	_ = 	snop;
	(pc) =	sbr.ind lr, $3  }
0x3a: {  	_ = 	snop  }
0x3b: {  	_ = 	snop  }
0x3c: {  	p2 =	seq.s32 s10, $0x1;
	s10 =	sld [smem:$0x3FB3]  }
0x3d: {  	_ =	shalt  }
0x3e: {  	_ =	shalt  }
0x3f: {  	_ =	shalt  }
0x40: {  	_ =	shalt  }
0x41: {  	_ =	shalt  }
0x42: {  	_ =	shalt  }
0x43: {  	_ =	shalt  }
0x44: {  	_ =	shalt  }
0x45: {  	_ =	shalt  }
0x46: {  	_ =	shalt  }
0x47: {  	_ =	shalt  }
0x48: {  	_ =	shalt  }
0x49: {  	_ =	shalt  }
0x4a: {  	_ =	shalt  }
0x4b: {  	_ =	shalt  }
0x4c: {  	_ =	shalt  }
0x4d: {  	_ =	shalt  }
0x4e: {  	_ =	shalt  }
0x4f: {  	_ =	shalt  }
0x50: {  	_ =	shalt  }
0x51: {  	_ =	shalt  }
0x52: {  	_ =	shalt  }
0x53: {  	_ =	shalt  }
0x54: {  	_ =	shalt  }
0x55: {  	_ =	shalt  }
0x56: {  	_ =	shalt  }
0x57: {  	_ =	shalt  }
0x58: {  	_ =	shalt  }
0x59: {  	_ =	shalt  }
0x5a: {  	_ =	shalt  }
0x5b: {  	_ =	shalt  }
0x5c: {  	_ =	shalt  }
0x5d: {  	_ =	shalt  }
0x5e: {  	_ =	shalt  }
0x5f: {  	_ =	shalt  }
0x60: {  	_ =	shalt  }
0x61: {  	_ =	shalt  }
0x62: {  	_ =	shalt  }
0x63: {  	_ =	shalt  }
0x64: {  	_ =	shalt  }
0x65: {  	_ =	shalt  }
0x66: {  	_ =	shalt  }
0x67: {  	_ =	shalt  }
0x68: {  	_ =	shalt  }
0x69: {  	_ =	shalt  }
0x6a: {  	_ =	shalt  }
0x6b: {  	_ =	shalt  }
0x6c: {  	_ =	shalt  }
0x6d: {  	_ =	shalt  }
0x6e: {  	_ =	shalt  }
0x6f: {  	_ =	shalt  }
0x70: {  	_ =	shalt  }
0x71: {  	_ =	shalt  }
0x72: {  	_ =	shalt  }
0x73: {  	_ =	shalt  }
0x74: {  	_ =	shalt  }
0x75: {  	_ =	shalt  }
0x76: {  	_ =	shalt  }
0x77: {  	_ =	shalt  }
0x78: {  	_ =	shalt  }
0x79: {  	_ =	shalt  }
0x7a: {  	_ =	shalt  }
0x7b: {  	_ =	shalt  }
0x7c: {  	_ =	shalt  }
0x7d: {  	_ =	shalt  }
0x7e: {  	_ =	shalt  }
0x7f: {  	_ =	shalt  }
0x80: {  	_ =	shalt  }
0x81: {  	_ =	shalt  }
0x82: {  	_ =	shalt  }
0x83: {  	_ =	shalt  }
0x84: {  	_ =	shalt  }
0x85: {  	_ =	shalt  }
0x86: {  	_ =	shalt  }
0x87: {  	_ =	shalt  }
.Lfunc_end0:
.L_simem_size_0:
called_computation.2_lowered:
.L_overlay_start_0:
0x88: {  	s2 =	sld [smem:$0x3FD9]  }
0x89: {  	s3 =	sld [smem:$0x3FFE];
	_ =	sdelay $0x1  }
0x8a: {  	s1 =	srdreg.scid  }
0x8b: {  	s0 =	sand.u32 $0x1, s1  }
0x8c: {  	s16 =	sshll.u32 s0, $0xA;
	s2 =	sadd.s32 s3, s2  }
0x8d: {  	s2 =	sadd.s32 s2, s16  }
0x8e: {  	[smem:$0x3FBF] =	sst s2  }
0x8f: {  	_ = 	snop  }
0x90: {  	(tm) =	ssettm $0x1  }
0x91: {  	s17 =	sld [smem:$0x3FFB];
	_ =	sdelay $0x3  }
0x92: {  	_ =	strace s17  }
0x93: {  	s2 =	sld [smem:$0x3FFC];
	_ =	sdelay $0x3  }
0x94: {  	_ =	strace s2  }
0x95: {  	s2 =	sld [smem:$0x3FFD];
	_ =	sdelay $0x3  }
0x96: {  	_ =	strace s2  }
0x97: {  	_ =	strace $0x8FFFFFFF  }
0x98: {  	s18 =	sld [smem:$0x3FDB];
	_ =	sdelay $0x1  }
0x99: {  	s19 =	simm.s32 $_scs_section_size  }
0x9a: {  	s4 =	simm.s32 $_size__tile_overlayer_lowered;
	s5 =	simm.s32 $_tile_overlayer_lowered  }
0x9b: {  	s22 =	simm.s32 $0x1BFF;
	s21 =	sshll.u32 s5, $0x1;
	s2 =	sadd.s32 s19, s18  }
0x9c: {  	s6 =	simm.s32 $0x0;
	s20 =	sshll.u32 s4, $0x1;
	s4 =	sadd.s32 s21, s2  }
0x9d: {  	[timem:s6], [sflag:s22] =	dma.local [hbm:s4], s20  }
0x9e: {  	_ =	swait.ge [sflag:s22], s20  }
0x9f: {  	s3 =	ssub.s32 $0x0, s20;
	[sflag:s22] =	ssyncset.done $0x0  }
0xa0: {  	[sflag:s22] =	ssyncadd.s32 s3;
	_ =	sdelay $0x1  }
0xa1: {  	s23 =	simm.s32 $0x1B8B  }
0xa2: {  	_ =	swait.ge [sflag:s23], $0x1  }
0xa3: {  	[sflag:s23] =	ssyncset.done $0x0  }
0xa4: {  	s25 =	simm.s32 $0x1B8E;
	s24 =	sld [smem:$0x3FFE];
	[sflag:s23] =	ssyncadd.s32 $0xFFFFFFFF  }
0xa5: {  	s26 =	simm.s32 $execute0_lowered;
	[smem:$0x3FD2] =	sst s25  }
0xa6: {  	s4 =	sshll.u32 s26, $0x1;
	_ =	strace $0x8000004C;
	[dreg:$0x1] =	wrdreg $0xFFFFFFFF  }
0xa7: {  	s28 =	simm.s32 $_size_execute0_lowered;
	s2 =	sadd.s32 s2, s4;
	[dreg:$0x0] =	wrdreg $0x0  }
0xa8: {  	s4 =	sshll.u32 s28, $0x1;
	[dreg:$0x2] =	wrdreg s2  }
0xa9: {  	[dreg:$0x3] =	wrdreg s4  }
0xaa: {  	[dreg:$0x4] =	wrdreg $0xC0  }
0xab: {  	_ =	task [dreg:s6], $0x5FFFF  }
0xac: {  	[dreg:$0x1] =	wrdreg $0xFFFFFFFF  }
0xad: {  	[dreg:$0x0] =	wrdreg $0x60  }
0xae: {  	[dreg:$0x2] =	wrdreg s24  }
0xaf: {  	[dreg:$0x3] =	wrdreg $0x11A800  }
0xb0: {  	[dreg:$0x4] =	wrdreg $0x9  }
0xb1: {  	_ =	task.clear_ibuf [dreg:s6], $0x5FFFF;
	_ =	strace $0x9000004C  }
0xb2: {  	s29 =	simm.s32 $0x9;
	_ =	strace $0x8000004E  }
0xb3: {  	_ =	swait.ge [sflag:s29], $0x1  }
0xb4: {  	[sflag:s29] =	ssyncadd.s32 $0xFFFFFFFF  }
0xb5: {  	_ =	strace $0x9000004E  }
0xb6: {  	_ =	sfence  }
0xb7: {  	s30 =	sld [smem:$0x0];
	_ =	sdelay $0x2  }
0xb8: {  	s31 =	sshll.u32 s1, $0xD;
	s1 =	sshrl.u32 s1, $0x2  }
0xb9: {  	s3 =	sand.u32 $0x4000, s31;
	s1 =	sadd.s32 s1, s30  }
0xba: {  	s0 =	sor.u32 s3, s0;
	s1 =	sshll.u32 s1, $0x11  }
0xbb: {  	s0 =	sor.u32 s1, s0  }
0xbc: {  	s0 =	sadd.s32 $0x8F2B, s0  }
0xbd: {  	[sflag:s0] =	ssyncadd.remote.s32 $0x1  }
0xbe: {  	_ =	sfence.sel $0xFFFF  }
0xbf: {  	[dreg:$0x0] =	wrdreg $0xFFFFFFFF;
	(pc) =	sbr.abs _section_cstart, $3  }
0xc0: {  	[dreg:$0x1] =	wrdreg $0xFFFFFFFF  }
0xc1: {  	_ =	task.clear_ibuf [dreg:s6], $0x2FFFF;
	_ =	strace $0x9FFFFFFF  }
0xc2: {  	(tm) =	ssettm $0x7FFFFFFF  }
0xc3: {  	_ =	shalt  }
tec
execute0_lowered:
.L_overlay_start_1:
0x0: {  	(tag) =	ssettag $0x1  }
0x1: {  	s1 =	rddreg [dreg:$0x0]  }
0x2: {  	s0 =	srdreg.scid;
	s2 =	rddreg [dreg:$0x1]  }
0x3: {  	s15 =	stileid.u32;
	s3 =	simm.s32 $0x0;
	s28 =	simm.s32 $0x50  }
0x4: {  	s29 =	simm.s32 $0xC800;
	s30 =	simm.s32 $0x11880;
	s31 =	simm.s32 $0x4  }
0x5: {  	s0 =	sand.u32 $0x1, s0;
	[smem:$0x7FF] =	sst s3;
	s10 =	smul.u32 $0x140, s15  }
0x6: {  	s7 =	sadd.s32 $0x2E00, s1;
	p0 =	seq.s32 s15, $0xF;
	s16 =	smul.u32 $0x1400, s15  }
0x7: {  	s4 =	sshll.u32 s0, $0x4;
	_ =	strace $0x8000004D;
	s13 =	smul.u32 $0x9C400, s0  }
0x8: {  	s8 =	ssub.s32 $0x2, s0;
	s0 =	smul.u32 $0x13880, s0;
	s5 =	sor.u32 s15, s4  }
0x9: {  	s4 =	sadd.s32 $0x3FC00, s1;
	s9 =	sshrl.u32 s8, $0x1;
	s18 =	sadd.s32 s7, s16  }
0xa: {  	s20 =	sadd.s32 $0x50, s10;
	s21 =	sadd.s32 $0xA0, s10;
	s10 =	sadd.s32 $0xF0, s10  }
0xb: {  	s6 =	smul.u32 $0xA00, s5;
	s5 =	sshll.u32 s5, $0x1;
	s11 =	ssub.s32 s8, s9  }
0xc: {  	s8 =	simm.s32 $0x2;
	s14 =	sshrl.u32 s13, $0x3;
	s9 =	simm.s32 $0x2  }
0xd: {  	s13 =	sadd.s32 $0x9B000, s2;
	[dreg:$0x9] =	wrdreg s18;
	s22 =	sshll.u32 s20, $0x4  }
0xe: {  	s23 =	sshll.u32 s21, $0x4;
	s25 =	sshll.u32 s21, $0x7;
	s26 =	sshll.u32 s10, $0x4  }
0xf: {  	s10 =	sshll.u32 s10, $0x7;
	s5 =	sadd.s32 s5, s1;
	s9 =	simm.s32 @!p0 $0x4  }
0x10: {  	[dreg:$0x6] =	wrdreg s13;
	s17 =	smax.u32 s11, $0x1;
	s24 =	sadd.s32 s7, s23  }
0x11: {  	s23 =	simm.s32 $0x7;
	p0 =	sne.s32 s15, $0xF;
	s6 =	sadd.s32 s6, s1  }
0x12: {  	s1 =	sadd.s32 $0x66E00, s1;
	s5 =	sadd.s32 $0x3FA00, s5;
	[dreg:$0x8] =	wrdreg s17  }
0x13: {  	[dreg:$0xc] =	wrdreg s24;
	s24 =	simm.s32 $0x5;
	s12 =	sadd.s32 $0x17A00, s6  }
0x14: {  	s6 =	sadd.s32 $0x2BA00, s6;
	[dreg:$0x5] =	wrdreg s5;
	s5 =	sadd.s32 s1, s14  }
0x15: {  	s0 =	sadd.s32 s0, s1;
	s1 =	simm.s32 $0x3;
	[dreg:$0x3] =	wrdreg s12  }
0x16: {  	[dreg:$0x4] =	wrdreg s6;
	s12 =	smul.u32 $0x28000, s15;
	s5 =	sadd.s32 $0x13600, s5  }
0x17: {  	s21 =	sadd.s32 s16, s0;
	s0 =	simm.s32 $0x11900;
	s6 =	simm.s32 $0x6  }
0x18: {  	[dreg:$0x7] =	wrdreg s5;
	s5 =	sshll.u32 s20, $0x7;
	s20 =	sadd.s32 s10, s2  }
0x19: {  	s19 =	sshrl.u32 s12, $0x2;
	s12 =	sadd.s32 s7, s22;
	s5 =	sadd.s32 s5, s2  }
0x1a: {  	s22 =	simm.s32 $0xA000;
	s14 =	sadd.s32 s19, s2;
	[dreg:$0xa] =	wrdreg s12  }
0x1b: {  	[dreg:$0xb] =	wrdreg s5;
	s5 =	sadd.s32 s25, s2;
	s25 =	simm.s32 $0x11980  }
0x1c: {  	[dreg:$0xd] =	wrdreg s5;
	s5 =	sadd.s32 s7, s26;
	s26 =	simm.s32 $0x1  }
0x1d: {  	s7 =	simm.s32 $0x0;
	[dreg:$0xe] =	wrdreg s5;
	s5 =	simm.s32 $0xF000  }
.LBB2_1:
0x1e: {  	s10 =	rddreg [dreg:$0x9]  }
0x1f: {  	[tilespmem:s22], [sflag:$0x7] =	stream.linear.gather [hbm4b:s10+s3], $0x2800, $0x38;
	[tilespmem:$0x1BA80] =	vst v63  }
0x20: {  	_ =	swait.ge [sflag:s23], $0x2800  }
0x21: {  	[sflag:s23] =	ssyncset.done $0x0  }
0x22: {  	[sflag:s23] =	ssyncadd.s32 $0xFFFFD800  }
0x23: {  	[spmem:s14] =	stream.linear.scatter [tilespmem:s22], [sflag:$0x7], $0x2800, $0x38;
	[tilespmem:$0x1BA80] =	vst v63  }
0x24: {  	_ =	swait.ge [sflag:s23], $0x2800  }
0x25: {  	[sflag:s23] =	ssyncset.done $0x0  }
0x26: {  	s16 =	rddreg [dreg:$0xa];
	[sflag:s23] =	ssyncadd.s32 $0xFFFFD800  }
0x27: {  	[tilespmem:s22], [sflag:$0x7] =	stream.linear.gather [hbm4b:s16+s3], $0x2800, $0x38;
	[tilespmem:$0x1BA80] =	vst v63  }
0x28: {  	_ =	swait.ge [sflag:s23], $0x2800  }
0x29: {  	[sflag:s23] =	ssyncset.done $0x0  }
0x2a: {  	s17 =	rddreg [dreg:$0xb];
	[sflag:s23] =	ssyncadd.s32 $0xFFFFD800  }
0x2b: {  	[spmem:s17] =	stream.linear.scatter [tilespmem:s22], [sflag:$0x7], $0x2800, $0x38;
	[tilespmem:$0x1BA80] =	vst v63  }
0x2c: {  	_ =	swait.ge [sflag:s23], $0x2800  }
0x2d: {  	[sflag:s23] =	ssyncset.done $0x0  }
0x2e: {  	s18 =	rddreg [dreg:$0xc];
	[sflag:s23] =	ssyncadd.s32 $0xFFFFD800  }
0x2f: {  	[tilespmem:s22], [sflag:$0x7] =	stream.linear.gather [hbm4b:s18+s3], $0x2800, $0x38;
	[tilespmem:$0x1BA80] =	vst v63  }
0x30: {  	_ =	swait.ge [sflag:s23], $0x2800  }
0x31: {  	[sflag:s23] =	ssyncset.done $0x0  }
0x32: {  	s19 =	rddreg [dreg:$0xd];
	[sflag:s23] =	ssyncadd.s32 $0xFFFFD800  }
0x33: {  	[spmem:s19] =	stream.linear.scatter [tilespmem:s22], [sflag:$0x7], $0x2800, $0x38;
	[tilespmem:$0x1BA80] =	vst v63  }
0x34: {  	_ =	swait.ge [sflag:s23], $0x2800  }
0x35: {  	[sflag:s23] =	ssyncset.done $0x0  }
0x36: {  	s11 =	rddreg [dreg:$0xe];
	[sflag:s23] =	ssyncadd.s32 $0xFFFFD800  }
0x37: {  	[tilespmem:s22], [sflag:$0x7] =	stream.linear.gather [hbm4b:s11+s3], $0x2800, $0x38;
	[tilespmem:$0x1BA80] =	vst v63  }
0x38: {  	_ =	swait.ge [sflag:s23], $0x2800  }
0x39: {  	[sflag:s23] =	ssyncset.done $0x0  }
0x3a: {  	[sflag:s23] =	ssyncadd.s32 $0xFFFFD800  }
0x3b: {  	[spmem:s20] =	stream.linear.scatter [tilespmem:s22], [sflag:$0x7], $0x2800, $0x38;
	[tilespmem:$0x1BA80] =	vst v63  }
0x3c: {  	_ =	swait.ge [sflag:s23], $0x2800  }
0x3d: {  	[sflag:s23] =	ssyncset.done $0x0  }
0x3e: {  	s12 =	rddreg [dreg:$0x3];
	[sflag:s23] =	ssyncadd.s32 $0xFFFFD800  }
0x3f: {  	[tilespmem:s3], [sflag:$0x7] =	stream.linear.gather [hbm4b:s12+s3], $0x5000, $0x38;
	[tilespmem:$0x1BA80] =	vst v63  }
0x40: {  	_ =	swait.ge [sflag:s23], $0x5000  }
0x41: {  	[sflag:s23] =	ssyncset.done $0x0  }
0x42: {  	s11 =	simm.s32 $0x5000;
	s13 =	rddreg [dreg:$0x4];
	[sflag:s23] =	ssyncadd.s32 $0xFFFFB000  }
0x43: {  	[tilespmem:s11], [sflag:$0x7] =	stream.linear.gather [hbm4b:s13+s3], $0x5000, $0x38;
	[tilespmem:$0x1BA80] =	vst v63  }
0x44: {  	_ =	swait.ge [sflag:s23], $0x5000  }
0x45: {  	[sflag:s23] =	ssyncset.done $0x0  }
0x46: {  	s16 =	simm.s32 $0x11800;
	s15 =	rddreg [dreg:$0x5];
	[sflag:s23] =	ssyncadd.s32 $0xFFFFB000  }
0x47: {  	[tilespmem:s16], [sflag:$0x7] =	stream.linear.gather [hbm4b:s15+s3], $0x10, $0x38;
	[tilespmem:$0x1BA80] =	vst v63  }
0x48: {  	_ =	swait.ge [sflag:s23], $0x10  }
0x49: {  	[sflag:s23] =	ssyncset.done $0x0  }
0x4a: {  	[sflag:s23] =	ssyncadd.s32 $0xFFFFFFF0  }
0x4b: {  	[bflag:$0x0] =	sbarrier.arrive $0xFFFF  }
0x4c: {  	v0 =	vld [tilespmem:$0x11800];
	_ =	sdelay $0x4  }
0x4d: {  	(v2sf) =	vpush v0, $0x0;
	_ =	sdelay $0xb  }
0x4e: {  	[tilespmem:s22], [sflag:$0x1] =	stream.indirect.gather [hbm4b:s4+s28], $0x80, s3, s28, $0xb8;
	[tilespmem:$0x1BA80] =	vst v63  }
0x4f: {  	_ = 	snop  }
0x50: {  	[tilespmem:s29], [sflag:$0x2] =	stream.indirect.gather [hbm4b:s4+s28], $0x80, s28, s28, $0xb8;
	[tilespmem:$0x1BA80] =	vst v63  }
0x51: {  	s17 =	spop (v2sf)  }
0x52: {  	_ =	swait.ge [sflag:s26], $0x2800  }
0x53: {  	[sflag:s26] =	ssyncset.done $0x0  }
0x54: {  	s12 =	simm.s32 $0x5070;
	[sflag:s26] =	ssyncadd.s32 $0xFFFFD800  }
0x55: {  	v61 =	vld [tilespmem:s12+$0xFFFFFF90];
	_ =	sdelay $0x4  }
0x56: {  	[tilespmem:$0x11880] =	vst v61  }
0x57: {  	v0 =	vld [tilespmem:s12+$0xFFFFFFA0];
	_ =	sdelay $0x4  }
0x58: {  	[tilespmem:$0x11890] =	vst v0  }
0x59: {  	v0 =	vld [tilespmem:s12+$0xFFFFFFB0]  }
0x5a: {  	s18 =	sadd.s32 $0xEF, s17  }
0x5b: {  	s13 =	smulhi.u32 $0x88888889, s18;
	s15 =	sshra.s32 s18, $0x1F  }
0x5c: {  	s10 =	ssub.s32 $0xFFFFFF11, s17;
	s15 =	smul.u32 $0x88888889, s15  }
0x5d: {  	s13 =	sadd.s32 s10, s13  }
0x5e: {  	s13 =	sadd.s32 s15, s13;
	[tilespmem:$0x118A0] =	vst v0  }
0x5f: {  	s13 =	sadd.s32 s18, s13;
	v0 =	vld [tilespmem:s12+$0xFFFFFFC0]  }
0x60: {  	s19 =	sshrl.u32 s13, $0x1F;
	s13 =	sshra.s32 s13, $0x7  }
0x61: {  	s13 =	sadd.s32 s19, s13  }
0x62: {  	s15 =	smul.u32 $0xFFFFFF10, s13;
	_ =	sdelay $0x1  }
0x63: {  	p1 =	slt.s32 s18, $0x1;
	p2 =	sne.s32 s15, s10;
	[tilespmem:$0x118B0] =	vst v0  }
0x64: {  	p1 =	por !p1, !p2;
	v0 =	vld [tilespmem:s12+$0xFFFFFFD0]  }
0x65: {  	s10 =	simm.s32 $0x1;
	p1 =	por !p1, !p1  }
0x66: {  	s10 =	simm.s32 @!p1 $0x0  }
0x67: {  	s10 =	ssub.s32 s13, s10  }
0x68: {  	p2 =	por $0x1, $0x1;
	p1 =	sgt.s32 s10, $0x1  }
0x69: {  	s11 =	simm.s32 @!p2 $0x6;
	s10 =	simm.s32 @!p1 $0x1;
	[tilespmem:$0x118C0] =	vst v0  }
0x6a: {  	s10 =	smul.u32 $0x3, s10;
	_ =	swait.ge @!p2 [sflag:s11], $0x2800  }
0x6b: {  	[sflag:s11] =	ssyncset.done @!p2 $0x0  }
0x6c: {  	p1 =	sle.u32 s10, $0x2;
	[sflag:s11] =	ssyncadd.s32 @!p2 $0xFFFFD800  }
0x6d: {  	[spmem:s2] =	stream.indirect.scatter.add.f32 [tilespmem:s22], [sflag:$0x4], $0x80, s30, s28, $0xb8;
	[tilespmem:$0x1BA80] =	vst v63  }
0x6e: {  	s13 =	simm.s32 @!p1 $0x50;
	s15 =	simm.s32 @!p1 $0xF000;
	s11 =	simm.s32 $0xA0  }
0x6f: {  	[tilespmem:s15], [sflag:$0x3] =	stream.indirect.gather @!p1 [hbm4b:s4+s13], $0x80, s11, s13, $0xb8;
	[tilespmem:$0x1BA80] =	vst v63  }
0x70: {  	_ =	swait.ge [sflag:s8], $0x2800  }
0x71: {  	[sflag:s8] =	ssyncset.done $0x0  }
0x72: {  	[sflag:s8] =	ssyncadd.s32 $0xFFFFD800  }
0x73: {  	v62 =	vld [tilespmem:s12+$0xFFFFFFE0];
	_ =	sdelay $0x4  }
0x74: {  	[tilespmem:$0x11900] =	vst v62  }
0x75: {  	v0 =	vld [tilespmem:s12+$0xFFFFFFF0];
	_ =	sdelay $0x4  }
0x76: {  	[tilespmem:$0x11910] =	vst v0  }
0x77: {  	v0 =	vld [tilespmem:s12+$0x0];
	_ =	sdelay $0x4  }
0x78: {  	[tilespmem:$0x11920] =	vst v0  }
0x79: {  	v0 =	vld [tilespmem:s12+$0x10];
	_ =	sdelay $0x4  }
0x7a: {  	[tilespmem:$0x11930] =	vst v0  }
0x7b: {  	v0 =	vld [tilespmem:s12+$0x20];
	_ =	sdelay $0x4  }
0x7c: {  	[tilespmem:$0x11940] =	vst v0  }
0x7d: {  	_ =	swait.ge [sflag:s31], $0x2800  }
0x7e: {  	[sflag:s31] =	ssyncset.done $0x0  }
0x7f: {  	p1 =	sle.u32 s10, $0x3;
	[sflag:s31] =	ssyncadd.s32 $0xFFFFD800  }
0x80: {  	[spmem:s2] =	stream.indirect.scatter.add.f32 [tilespmem:s29], [sflag:$0x5], $0x80, s0, s28, $0xb8;
	[tilespmem:$0x1BA80] =	vst v63  }
0x81: {  	s13 =	simm.s32 @!p1 $0x50;
	s15 =	simm.s32 @!p1 $0xA000;
	s16 =	simm.s32 @!p1 $0xF0  }
0x82: {  	[tilespmem:s15], [sflag:$0x1] =	stream.indirect.gather @!p1 [hbm4b:s4+s13], $0x80, s16, s13, $0xb8;
	[tilespmem:$0x1BA80] =	vst v63  }
0x83: {  	_ =	swait.ge [sflag:s1], $0x2800  }
0x84: {  	[sflag:s1] =	ssyncset.done $0x0  }
0x85: {  	[sflag:s1] =	ssyncadd.s32 $0xFFFFD800  }
0x86: {  	v63 =	vld [tilespmem:s12+$0x30];
	_ =	sdelay $0x4  }
0x87: {  	[tilespmem:$0x11980] =	vst v63  }
0x88: {  	v0 =	vld [tilespmem:s12+$0x40];
	_ =	sdelay $0x4  }
0x89: {  	[tilespmem:$0x11990] =	vst v0  }
0x8a: {  	v0 =	vld [tilespmem:s12+$0x50];
	_ =	sdelay $0x4  }
0x8b: {  	[tilespmem:$0x119A0] =	vst v0  }
0x8c: {  	v0 =	vld [tilespmem:s12+$0x60];
	_ =	sdelay $0x4  }
0x8d: {  	[tilespmem:$0x119B0] =	vst v0  }
0x8e: {  	v0 =	vld [tilespmem:s12+$0x70];
	_ =	sdelay $0x1  }
0x8f: {  	p1 =	sne.s32 s10, $0x3  }
.Ltmp0:
0x90: {  	_ = 	snop;
	(pc) =	sbr.rel @!p1 .LBB2_3-.Ltmp0, $4  }
0x91: {  	_ = 	snop  }
0x92: {  	[tilespmem:$0x119C0] =	vst v0  }
0x93: {  	p2 =	sle.u32 s10, $0x4;
	s13 =	simm.s32 $0x5160;
	_ =	swait.ge [sflag:s24], $0x2800  }
0x94: {  	s15 =	simm.s32 $0x190;
	s12 =	simm.s32 $0x3;
	[sflag:s24] =	ssyncset.done $0x0  }
.LBB2_2:
0x95: {  	[sflag:s24] =	ssyncadd.s32 $0xFFFFD800;
	s11 =	sadd.s32 @!p2 $0xA0, s11;
	s17 =	simm.s32 @!p2 $0xC800  }
0x96: {  	[spmem:s2] =	stream.indirect.scatter.add.f32 [tilespmem:s5], [sflag:$0x6], $0x80, s25, s28, $0xb8;
	[tilespmem:$0x1BA80] =	vst v63  }
0x97: {  	s18 =	simm.s32 @!p2 $0x50;
	s16 =	smov.u32 s12;
	s12 =	sadd.s32 $0x3, s12  }
0x98: {  	[tilespmem:s17], [sflag:$0x2] =	stream.indirect.gather @!p2 [hbm4b:s4+s18], $0x80, s11, s18, $0xb8;
	[tilespmem:$0x1BA80] =	vst v63  }
0x99: {  	p1 =	sne.s32 s10, s12;
	s11 =	smov.u32 s15;
	_ =	swait.ge [sflag:s26], $0x2800  }
0x9a: {  	[sflag:s26] =	ssyncset.done $0x0  }
0x9b: {  	[sflag:s26] =	ssyncadd.s32 $0xFFFFD800  }
0x9c: {  	v0 =	vld [tilespmem:s13+$0xFFFFFF90];
	_ =	sdelay $0x4  }
0x9d: {  	[tilespmem:$0x11880] =	vst v0  }
0x9e: {  	v0 =	vld [tilespmem:s13+$0xFFFFFFA0];
	_ =	sdelay $0x4  }
0x9f: {  	[tilespmem:$0x11890] =	vst v0  }
0xa0: {  	v0 =	vld [tilespmem:s13+$0xFFFFFFB0];
	_ =	sdelay $0x4  }
0xa1: {  	[tilespmem:$0x118A0] =	vst v0  }
0xa2: {  	v0 =	vld [tilespmem:s13+$0xFFFFFFC0];
	_ =	sdelay $0x4  }
0xa3: {  	[tilespmem:$0x118B0] =	vst v0  }
0xa4: {  	v0 =	vld [tilespmem:s13+$0xFFFFFFD0]  }
0xa5: {  	p2 =	seq.s32 s16, $0x0  }
0xa6: {  	s17 =	simm.s32 @!p2 $0x6;
	_ =	sdelay $0x2  }
0xa7: {  	s18 =	sadd.s32 $0x2, s16;
	[tilespmem:$0x118C0] =	vst v0  }
0xa8: {  	p3 =	sge.u32 s18, s10;
	_ =	swait.ge @!p2 [sflag:s17], $0x2800  }
0xa9: {  	[sflag:s17] =	ssyncset.done @!p2 $0x0  }
0xaa: {  	[sflag:s17] =	ssyncadd.s32 @!p2 $0xFFFFD800  }
0xab: {  	[spmem:s2] =	stream.indirect.scatter.add.f32 [tilespmem:s22], [sflag:$0x4], $0x80, s30, s28, $0xb8;
	[tilespmem:$0x1BA80] =	vst v63  }
0xac: {  	s18 =	simm.s32 @!p3 $0xF000;
	s17 =	simm.s32 @!p3 $0x50  }
0xad: {  	[tilespmem:s18], [sflag:$0x3] =	stream.indirect.gather @!p3 [hbm4b:s4+s17], $0x80, s15, s17, $0xb8;
	[tilespmem:$0x1BA80] =	vst v63  }
0xae: {  	_ =	swait.ge [sflag:s8], $0x2800  }
0xaf: {  	[sflag:s8] =	ssyncset.done $0x0  }
0xb0: {  	[sflag:s8] =	ssyncadd.s32 $0xFFFFD800  }
0xb1: {  	v0 =	vld [tilespmem:s13+$0xFFFFFFE0];
	_ =	sdelay $0x4  }
0xb2: {  	[tilespmem:$0x11900] =	vst v0  }
0xb3: {  	v0 =	vld [tilespmem:s13+$0xFFFFFFF0];
	_ =	sdelay $0x4  }
0xb4: {  	[tilespmem:$0x11910] =	vst v0  }
0xb5: {  	v0 =	vld [tilespmem:s13+$0x0];
	_ =	sdelay $0x4  }
0xb6: {  	[tilespmem:$0x11920] =	vst v0  }
0xb7: {  	v0 =	vld [tilespmem:s13+$0x10];
	_ =	sdelay $0x4  }
0xb8: {  	[tilespmem:$0x11930] =	vst v0  }
0xb9: {  	v0 =	vld [tilespmem:s13+$0x20];
	_ =	sdelay $0x4  }
0xba: {  	[tilespmem:$0x11940] =	vst v0  }
0xbb: {  	p2 =	sge.u32 s12, s10;
	_ =	swait.ge [sflag:s31], $0x2800  }
0xbc: {  	s17 =	simm.s32 @!p2 $0x50;
	s18 =	simm.s32 @!p2 $0xA000;
	[sflag:s31] =	ssyncset.done $0x0  }
0xbd: {  	[sflag:s31] =	ssyncadd.s32 $0xFFFFD800  }
0xbe: {  	[spmem:s2] =	stream.indirect.scatter.add.f32 [tilespmem:s29], [sflag:$0x5], $0x80, s0, s28, $0xb8;
	[tilespmem:$0x1BA80] =	vst v63  }
0xbf: {  	s19 =	sadd.s32 @!p2 $0x50, s15  }
0xc0: {  	[tilespmem:s18], [sflag:$0x1] =	stream.indirect.gather @!p2 [hbm4b:s4+s17], $0x80, s19, s17, $0xb8;
	[tilespmem:$0x1BA80] =	vst v63  }
0xc1: {  	_ =	swait.ge [sflag:s1], $0x2800  }
0xc2: {  	[sflag:s1] =	ssyncset.done $0x0  }
0xc3: {  	[sflag:s1] =	ssyncadd.s32 $0xFFFFD800  }
0xc4: {  	v0 =	vld [tilespmem:s13+$0x30];
	_ =	sdelay $0x4  }
0xc5: {  	[tilespmem:$0x11980] =	vst v0  }
0xc6: {  	v0 =	vld [tilespmem:s13+$0x40];
	_ =	sdelay $0x4  }
0xc7: {  	[tilespmem:$0x11990] =	vst v0  }
0xc8: {  	v0 =	vld [tilespmem:s13+$0x50];
	_ =	sdelay $0x4  }
0xc9: {  	[tilespmem:$0x119A0] =	vst v0  }
0xca: {  	v0 =	vld [tilespmem:s13+$0x60];
	_ =	sdelay $0x4  }
0xcb: {  	[tilespmem:$0x119B0] =	vst v0  }
0xcc: {  	v0 =	vld [tilespmem:s13+$0x70];
	_ =	sdelay $0x2  }
.Ltmp1:
0xcd: {  	(pc) =	sbr.rel @p1 .LBB2_2-.Ltmp1, $4  }
0xce: {  	_ = 	snop  }
0xcf: {  	[tilespmem:$0x119C0] =	vst v0  }
0xd0: {  	s16 =	sadd.s32 $0x4, s16;
	s13 =	sadd.s32 $0xF0, s13;
	_ =	swait.ge [sflag:s24], $0x2800  }
0xd1: {  	s15 =	sadd.s32 $0xF0, s15;
	p2 =	sge.u32 s16, s10;
	[sflag:s24] =	ssyncset.done $0x0  }
.LBB2_3:
0xd2: {  	[sflag:s24] =	ssyncadd.s32 $0xFFFFD800  }
0xd3: {  	[spmem:s2] =	stream.indirect.scatter.add.f32 [tilespmem:s5], [sflag:$0x6], $0x80, s25, s28, $0xb8;
	[tilespmem:$0x1BA80] =	vst v63  }
0xd4: {  	s10 =	sadd.s32 @!p2 $0xA0, s11;
	s11 =	simm.s32 @!p2 $0xC800;
	s12 =	simm.s32 @!p2 $0x50  }
0xd5: {  	[tilespmem:s11], [sflag:$0x2] =	stream.indirect.gather @!p2 [hbm4b:s4+s12], $0x80, s10, s12, $0xb8;
	[tilespmem:$0x1BA80] =	vst v63  }
0xd6: {  	_ =	swait.ge [sflag:s6], $0x2800  }
0xd7: {  	[sflag:s6] =	ssyncset.done $0x0  }
0xd8: {  	[sflag:s6] =	ssyncadd.s32 $0xFFFFD800  }
0xd9: {  	[bflag:$0x0] =	sbarrier.arrive $0xFFFF  }
0xda: {  	[tilespmem:s22], [sflag:$0x7] =	stream.linear.gather [spmem:s14], $0x2800, $0x38;
	[tilespmem:$0x1BA80] =	vst v63  }
0xdb: {  	p1 =	sne.s32 s9, $0x1;
	_ =	swait.ge [sflag:s23], $0x2800  }
.Ltmp2:
0xdc: {  	[sflag:s23] =	ssyncset.done $0x0;
	(pc) =	sbr.rel @!p1 .LBB2_5-.Ltmp2, $4  }
0xdd: {  	[sflag:s23] =	ssyncadd.s32 $0xFFFFD800  }
0xde: {  	[hbm4b:s21+s3] =	stream.linear.scatter [tilespmem:s22], [sflag:$0x7], $0x2800, $0x38;
	[tilespmem:$0x1BA80] =	vst v63  }
0xdf: {  	s10 =	sadd.s32 $0xFFFFFFFF, s9;
	_ =	swait.ge [sflag:s23], $0x2800  }
0xe0: {  	s11 =	smov.u32 s14;
	s12 =	smov.u32 s21;
	[sflag:s23] =	ssyncset.done $0x0  }
.LBB2_4:
0xe1: {  	[sflag:s23] =	ssyncadd.s32 $0xFFFFD800;
	s11 =	sadd.s32 $0x2800, s11;
	s12 =	sadd.s32 $0x500, s12  }
0xe2: {  	[tilespmem:s22], [sflag:$0x7] =	stream.linear.gather [spmem:s11], $0x2800, $0x38;
	[tilespmem:$0x1BA80] =	vst v63  }
0xe3: {  	p1 =	sne.s32 s10, $0x1;
	s10 =	sadd.s32 $0xFFFFFFFF, s10;
	_ =	swait.ge [sflag:s23], $0x2800  }
.Ltmp3:
0xe4: {  	[sflag:s23] =	ssyncset.done $0x0;
	(pc) =	sbr.rel @p1 .LBB2_4-.Ltmp3, $4  }
0xe5: {  	[sflag:s23] =	ssyncadd.s32 $0xFFFFD800  }
0xe6: {  	[hbm4b:s12+s3] =	stream.linear.scatter [tilespmem:s22], [sflag:$0x7], $0x2800, $0x38;
	[tilespmem:$0x1BA80] =	vst v63  }
0xe7: {  	_ =	swait.ge [sflag:s23], $0x2800  }
0xe8: {  	[sflag:s23] =	ssyncset.done $0x0  }
.LBB2_5:
0xe9: {  	[sflag:s23] =	ssyncadd.s32 $0xFFFFD800;
	s10 =	simm.s32 @!p0 $0xA000;
	s11 =	rddreg [dreg:$0x6]  }
0xea: {  	[tilespmem:s10], [sflag:$0x7] =	stream.linear.gather @!p0 [spmem:s11], $0x1400, $0x38;
	[tilespmem:$0x1BA80] =	vst v63  }
0xeb: {  	s11 =	simm.s32 @!p0 $0x7  }
0xec: {  	_ =	swait.ge @!p0 [sflag:s11], $0x1400  }
0xed: {  	[sflag:s11] =	ssyncset.done @!p0 $0x0  }
0xee: {  	s12 =	simm.s32 @!p0 $0x0;
	s13 =	rddreg [dreg:$0x7];
	[sflag:s11] =	ssyncadd.s32 @!p0 $0xFFFFEC00  }
0xef: {  	[hbm4b:s13+s12] =	stream.linear.scatter @!p0 [tilespmem:s10], [sflag:$0x7], $0x1400, $0x38;
	[tilespmem:$0x1BA80] =	vst v63  }
0xf0: {  	_ =	swait.ge @!p0 [sflag:s11], $0x1400  }
0xf1: {  	s7 =	sadd.s32 $0x1, s7;
	s19 =	rddreg [dreg:$0x8]  }
0xf2: {  	p1 =	sne.s32 s7, s19  }
.Ltmp4:
0xf3: {  	_ = 	snop;
	(pc) =	sbr.rel @p1 .LBB2_1-.Ltmp4, $3  }
0xf4: {  	_ =	sdelay $0x1  }
0xf5: {  	[sflag:s11] =	ssyncset.done @!p0 $0x0  }
0xf6: {  	[sflag:s11] =	ssyncadd.s32 @!p0 $0xFFFFEC00  }
0xf7: {  	_ =	sfence.sel $0x180000  }
0xf8: {  	[bflag:$0x0] =	sbarrier.arrive $0xFFFF  }
0xf9: {  	_ =	strace $0x9000004D  }
0xfa: {  	s0 =	stileid.u32;
	[bflag:$0x2] =	sbarrier.arrive $0xFFFF  }
0xfb: {  	p0 =	sne.s32 s0, $0x0;
	s0 =	rddreg [dreg:$0x2]  }
0xfc: {  	s0 =	sadd.s32 @!p0 $0x100000, s0  }
0xfd: {  	[sflag:s0] =	ssyncadd.tile.s32 @!p0 $0x1;
	_ =	shalt  }
.Lfunc_end2:
_tile_overlayer_lowered:
.L_overlay_start_2:
0xfe: {  	(tag) =	ssettag $0x2  }
0xff: {  	s0 =	rddreg [dreg:$0x0];
	s2 =	stileid.u32  }
0x100: {  	s1 =	rddreg [dreg:$0x1];
	p0 =	sne.s32 s2, $0x0  }
0x101: {  	s3 =	rddreg [dreg:$0x2];
	[bflag:$0x3] =	sbarrier.arrive $0xFFFF;
	s2 =	simm.s32 @!p0 $0x1C07  }
0x102: {  	[timem:s3], [sflag:s2] =	dma.local @!p0 [hbm:s0], s1  }
0x103: {  	s0 =	simm.s32 @!p0 $0x7  }
0x104: {  	_ =	swait.ge @!p0 [sflag:s0], s1  }
0x105: {  	s1 =	ssub.s32 @!p0 $0x0, s1;
	[sflag:s0] =	ssyncset.done @!p0 $0x0  }
0x106: {  	[sflag:s0] =	ssyncadd.s32 @!p0 s1  }
0x107: {  	[bflag:$0x3] =	sbarrier.arrive $0xFFFF  }
0x108: {  	_ =	shalt  }

// kernel: kernel.8.cloned.1.call-start
scs
__scs_entry_jumppad:
0x0: {  	(pc) =	sbr.rel $0x88, $3  }
0x1: {  	(tag) =	ssettag $0x0;
	lr =	simm.s32 $0x1  }
0x2: {  	[smem:$0x3F98] =	sst lr;
	_ =	strace $0xD0000000  }
0x3: {  	_ = 	snop  }
0x4: {  	_ = 	snop  }
0x5: {  	_ = 	snop  }
0x6: {  	_ = 	snop  }
0x7: {  	_ = 	snop  }
__scs_overlays_trampoline_lowered:
0x8: {  	[smem:$0x3FA7] =	sst s0  }
0x9: {  	[smem:$0x3FA8] =	sst s1  }
0xa: {  	[smem:$0x3FA9] =	sst s2  }
0xb: {  	[smem:$0x3FAA] =	sst s3  }
0xc: {  	[smem:$0x3FAB] =	sst s4  }
0xd: {  	[smem:$0x3FAC] =	sst s5  }
0xe: {  	[smem:$0x3FAD] =	sst s6  }
0xf: {  	[smem:$0x3FAE] =	sst s7  }
0x10: {  	[smem:$0x3FAF] =	sst s8  }
0x11: {  	[smem:$0x3FB0] =	sst s9;
	s0 =	simm.s32 @!p0 $0x0  }
0x12: {  	s1 =	sld [smem:$0x3F96];
	s0 =	simm.s32 @p0 $0x1  }
0x13: {  	[smem:$0x3FB1] =	sst s0;
	s0 =	simm.s32 @!p1 $0x0  }
0x14: {  	s2 =	sld [smem:$0x3F95];
	s0 =	simm.s32 @p1 $0x1  }
0x15: {  	[smem:$0x3FB2] =	sst s0;
	s0 =	simm.s32 @!p2 $0x0  }
0x16: {  	s3 =	sld [smem:$0x3FDB];
	s0 =	simm.s32 @p2 $0x1  }
0x17: {  	s4 =	simm.s32 $0x1BF5;
	[smem:$0x3FB4] =	sst s0  }
0x18: {  	s0 =	sld [smem:$0x3F97];
	_ =	swait.ge [sflag:s4], $0x0  }
0x19: {  	s7 =	sld [smem:$0x3F98]  }
0x1a: {  	s8 =	sadd.s32 $0xFFFFE003, lr  }
0x1b: {  	s9 =	sadd.s32 $0xFFFFFEF7, lr;
	s5 =	simm.s32 $0xFFFFFFFF;
	p2 =	slt.u32 s8, $0xFFFFF086  }
0x1c: {  	p1 =	slt.u32 s9, $0xF7A;
	s5 =	simm.s32 @!p2 $0x0  }
0x1d: {  	s5 =	simm.s32 @p1 $0x1;
	p0 =	seq.s32 s7, s2  }
0x1e: {  	s7 =	smul.u32 @!p0 $0xF7A, s2;
	p2 =	seq.s32 @!p0 s5, $0x0  }
0x1f: {  	s9 =	smul.u32 $0xF7A, s1;
	s8 =	simm.s32 @!p0 $0x1BF5;
	p2 =	por !p2, p0  }
0x20: {  	[sflag:s8] =	ssyncset.s32 @!p0 $0xFFFFF086;
	s6 =	sadd.s32 @!p0 s3, s7;
	s7 =	simm.s32 @!p0 $0x108  }
0x21: {  	s3 =	sadd.s32 s3, s9;
	s6 =	sadd.s32 @!p0 $0x88, s6;
	s7 =	simm.s32 @p2 $0x1082  }
0x22: {  	[simem:s7], [sflag:s8] =	dma.local @!p0 [hbm:s6], $0xF7A  }
0x23: {  	s9 =	sor.u32 $0xD0000000, s2;
	s6 =	simm.s32 $0x108;
	_ =	swait.ge @!p0 [sflag:s8], $0x0  }
0x24: {  	s3 =	sadd.s32 $0x88, s3;
	s6 =	simm.s32 @!p1 $0x1082;
	[sflag:s4] =	ssyncset.s32 $0xFFFFF086  }
0x25: {  	[simem:s6], [sflag:s4] =	dma.local [hbm:s3], $0xF7A  }
0x26: {  	[smem:$0x3F98] =	sst s1;
	(tag) =	ssettag s2;
	_ =	strace s9  }
0x27: {  	s1 =	sld [smem:$0x3FA8]  }
0x28: {  	s2 =	sld [smem:$0x3FA9]  }
0x29: {  	s4 =	sld [smem:$0x3FAB]  }
0x2a: {  	p0 =	seq.s32 s5, $0x0;
	s5 =	sld [smem:$0x3FAC]  }
0x2b: {  	s6 =	sld [smem:$0x3FAD]  }
0x2c: {  	s7 =	sld [smem:$0x3FAE]  }
0x2d: {  	s3 =	simm.s32 $0x108;
	s8 =	sld [smem:$0x3FAF]  }
0x2e: {  	s3 =	simm.s32 @!p0 $0x1082;
	s9 =	sld [smem:$0x3FB0]  }
0x2f: {  	lr =	sadd.s32 s0, s3;
	s0 =	sld [smem:$0x3FA7]  }
0x30: {  	s3 =	sld [smem:$0x3FAA]  }
0x31: {  	[smem:$0x3FB3] =	sst s10  }
0x32: {  	s10 =	sld [smem:$0x3FB1];
	_ =	sdelay $0x3  }
0x33: {  	p0 =	seq.s32 s10, $0x1;
	s10 =	sld [smem:$0x3FB3];
	_ =	sdelay $0x3  }
0x34: {  	[smem:$0x3FB3] =	sst s10  }
0x35: {  	s10 =	sld [smem:$0x3FB2];
	_ =	sdelay $0x3  }
0x36: {  	p1 =	seq.s32 s10, $0x1;
	s10 =	sld [smem:$0x3FB3];
	_ =	sdelay $0x3  }
0x37: {  	[smem:$0x3FB3] =	sst s10  }
0x38: {  	s10 =	sld [smem:$0x3FB4]  }
0x39: {  	_ = 	snop;
	(pc) =	sbr.ind lr, $3  }
0x3a: {  	_ = 	snop  }
0x3b: {  	_ = 	snop  }
0x3c: {  	p2 =	seq.s32 s10, $0x1;
	s10 =	sld [smem:$0x3FB3]  }
0x3d: {  	_ =	shalt  }
0x3e: {  	_ =	shalt  }
0x3f: {  	_ =	shalt  }
0x40: {  	_ =	shalt  }
0x41: {  	_ =	shalt  }
0x42: {  	_ =	shalt  }
0x43: {  	_ =	shalt  }
0x44: {  	_ =	shalt  }
0x45: {  	_ =	shalt  }
0x46: {  	_ =	shalt  }
0x47: {  	_ =	shalt  }
0x48: {  	_ =	shalt  }
0x49: {  	_ =	shalt  }
0x4a: {  	_ =	shalt  }
0x4b: {  	_ =	shalt  }
0x4c: {  	_ =	shalt  }
0x4d: {  	_ =	shalt  }
0x4e: {  	_ =	shalt  }
0x4f: {  	_ =	shalt  }
0x50: {  	_ =	shalt  }
0x51: {  	_ =	shalt  }
0x52: {  	_ =	shalt  }
0x53: {  	_ =	shalt  }
0x54: {  	_ =	shalt  }
0x55: {  	_ =	shalt  }
0x56: {  	_ =	shalt  }
0x57: {  	_ =	shalt  }
0x58: {  	_ =	shalt  }
0x59: {  	_ =	shalt  }
0x5a: {  	_ =	shalt  }
0x5b: {  	_ =	shalt  }
0x5c: {  	_ =	shalt  }
0x5d: {  	_ =	shalt  }
0x5e: {  	_ =	shalt  }
0x5f: {  	_ =	shalt  }
0x60: {  	_ =	shalt  }
0x61: {  	_ =	shalt  }
0x62: {  	_ =	shalt  }
0x63: {  	_ =	shalt  }
0x64: {  	_ =	shalt  }
0x65: {  	_ =	shalt  }
0x66: {  	_ =	shalt  }
0x67: {  	_ =	shalt  }
0x68: {  	_ =	shalt  }
0x69: {  	_ =	shalt  }
0x6a: {  	_ =	shalt  }
0x6b: {  	_ =	shalt  }
0x6c: {  	_ =	shalt  }
0x6d: {  	_ =	shalt  }
0x6e: {  	_ =	shalt  }
0x6f: {  	_ =	shalt  }
0x70: {  	_ =	shalt  }
0x71: {  	_ =	shalt  }
0x72: {  	_ =	shalt  }
0x73: {  	_ =	shalt  }
0x74: {  	_ =	shalt  }
0x75: {  	_ =	shalt  }
0x76: {  	_ =	shalt  }
0x77: {  	_ =	shalt  }
0x78: {  	_ =	shalt  }
0x79: {  	_ =	shalt  }
0x7a: {  	_ =	shalt  }
0x7b: {  	_ =	shalt  }
0x7c: {  	_ =	shalt  }
0x7d: {  	_ =	shalt  }
0x7e: {  	_ =	shalt  }
0x7f: {  	_ =	shalt  }
0x80: {  	_ =	shalt  }
0x81: {  	_ =	shalt  }
0x82: {  	_ =	shalt  }
0x83: {  	_ =	shalt  }
0x84: {  	_ =	shalt  }
0x85: {  	_ =	shalt  }
0x86: {  	_ =	shalt  }
0x87: {  	_ =	shalt  }
.Lfunc_end0:
.L_simem_size_0:
called_computation_lowered:
.L_overlay_start_0:
0x88: {  	s2 =	sld [smem:$0x3FD9]  }
0x89: {  	s3 =	sld [smem:$0x3FFE];
	_ =	sdelay $0x1  }
0x8a: {  	s1 =	srdreg.scid  }
0x8b: {  	s0 =	sand.u32 $0x1, s1  }
0x8c: {  	s17 =	sshll.u32 s0, $0xA;
	s2 =	sadd.s32 s3, s2  }
0x8d: {  	s2 =	sadd.s32 s2, s17  }
0x8e: {  	[smem:$0x3FBF] =	sst s2  }
0x8f: {  	_ = 	snop  }
0x90: {  	s2 =	sld [smem:$0x3FD0];
	(tm) =	ssettm $0x1  }
0x91: {  	s18 =	sld [smem:$0x3FFB];
	_ =	sdelay $0x3  }
0x92: {  	_ =	strace s18  }
0x93: {  	s3 =	sld [smem:$0x3FFC];
	_ =	sdelay $0x3  }
0x94: {  	_ =	strace s3  }
0x95: {  	s3 =	sld [smem:$0x3FFD];
	_ =	sdelay $0x3  }
0x96: {  	_ =	strace s3  }
0x97: {  	_ =	strace $0x8FFFFFFF  }
0x98: {  	s19 =	sld [smem:$0x3FDB];
	_ =	sdelay $0x1  }
0x99: {  	s4 =	simm.s32 $_scs_section_size  }
0x9a: {  	s5 =	simm.s32 $_size__tile_overlayer_lowered;
	s6 =	simm.s32 $_tile_overlayer_lowered  }
0x9b: {  	s22 =	simm.s32 $0x1BFF;
	s21 =	sshll.u32 s6, $0x1;
	s3 =	sadd.s32 s4, s19  }
0x9c: {  	s7 =	simm.s32 $0x0;
	s20 =	sshll.u32 s5, $0x1;
	s5 =	sadd.s32 s21, s3  }
0x9d: {  	[timem:s7], [sflag:s22] =	dma.local [hbm:s5], s20  }
0x9e: {  	_ =	swait.ge [sflag:s22], s20  }
0x9f: {  	s4 =	ssub.s32 $0x0, s20;
	[sflag:s22] =	ssyncset.done $0x0  }
0xa0: {  	[sflag:s22] =	ssyncadd.s32 s4;
	_ =	sdelay $0x1  }
0xa1: {  	s23 =	simm.s32 $0x1B8B  }
0xa2: {  	_ =	swait.ge [sflag:s23], $0x1  }
0xa3: {  	[sflag:s23] =	ssyncset.done $0x0  }
0xa4: {  	s25 =	simm.s32 $0x1B8E;
	s24 =	sld [smem:$0x3FFE];
	[sflag:s23] =	ssyncadd.s32 $0xFFFFFFFF  }
0xa5: {  	s26 =	simm.s32 $execute0_lowered;
	[smem:$0x3FD2] =	sst s25  }
0xa6: {  	s5 =	sshll.u32 s26, $0x1;
	_ =	strace $0x80000046;
	[dreg:$0x1] =	wrdreg $0xFFFFFFFF  }
0xa7: {  	s28 =	simm.s32 $_size_execute0_lowered;
	s3 =	sadd.s32 s3, s5;
	[dreg:$0x0] =	wrdreg $0x0  }
0xa8: {  	s5 =	sshll.u32 s28, $0x1;
	[dreg:$0x2] =	wrdreg s3  }
0xa9: {  	[dreg:$0x3] =	wrdreg s5  }
0xaa: {  	[dreg:$0x4] =	wrdreg $0xC0  }
0xab: {  	_ =	task [dreg:s7], $0x5FFFF  }
0xac: {  	[dreg:$0x1] =	wrdreg $0xFFFFFFFF  }
0xad: {  	[dreg:$0x0] =	wrdreg $0x60  }
0xae: {  	[dreg:$0x2] =	wrdreg s24  }
0xaf: {  	[dreg:$0x3] =	wrdreg s2  }
0xb0: {  	[dreg:$0x4] =	wrdreg $0x143000  }
0xb1: {  	[dreg:$0x5] =	wrdreg $0x9  }
0xb2: {  	_ =	task.clear_ibuf [dreg:s7], $0x6FFFF;
	_ =	strace $0x90000046  }
0xb3: {  	s29 =	simm.s32 $0x9;
	_ =	strace $0x80000048  }
0xb4: {  	_ =	swait.ge [sflag:s29], $0x1  }
0xb5: {  	[sflag:s29] =	ssyncadd.s32 $0xFFFFFFFF  }
0xb6: {  	_ =	strace $0x90000048  }
0xb7: {  	_ =	sfence  }
0xb8: {  	s30 =	sld [smem:$0x0];
	_ =	sdelay $0x2  }
0xb9: {  	s31 =	sshll.u32 s1, $0xD;
	s1 =	sshrl.u32 s1, $0x2  }
0xba: {  	s3 =	sand.u32 $0x4000, s31;
	s1 =	sadd.s32 s1, s30  }
0xbb: {  	s0 =	sor.u32 s3, s0;
	s1 =	sshll.u32 s1, $0x11  }
0xbc: {  	s0 =	sor.u32 s1, s0  }
0xbd: {  	s0 =	sadd.s32 $0x8F2B, s0  }
0xbe: {  	[sflag:s0] =	ssyncadd.remote.s32 $0x1  }
0xbf: {  	_ =	sfence.sel $0xFFFF  }
0xc0: {  	[dreg:$0x0] =	wrdreg $0xFFFFFFFF;
	(pc) =	sbr.abs _section_cstart, $3  }
0xc1: {  	[dreg:$0x1] =	wrdreg $0xFFFFFFFF  }
0xc2: {  	_ =	task.clear_ibuf [dreg:s7], $0x2FFFF;
	_ =	strace $0x9FFFFFFF  }
0xc3: {  	(tm) =	ssettm $0x7FFFFFFF  }
tec
execute0_lowered:
.L_overlay_start_1:
0x0: {  	(tag) =	ssettag $0x1  }
0x1: {  	s1 =	srdreg.scid;
	s5 =	rddreg [dreg:$0x0]  }
0x2: {  	s0 =	stileid.u32;
	s2 =	rddreg [dreg:$0x1]  }
0x3: {  	s3 =	rddreg [dreg:$0x2];
	s4 =	simm.s32 $0x0;
	s6 =	smul.u32 $0x9C4, s0  }
0x4: {  	s19 =	simm.s32 $0xED00;
	s9 =	sand.u32 $0x1, s1;
	s7 =	smul.u32 $0x3E8, s0  }
0x5: {  	s20 =	simm.s32 $0x9D00;
	s21 =	simm.s32 $0x13D80;
	s12 =	smul.u32 $0x2710, s9  }
0x6: {  	[smem:$0x7FF] =	sst s4;
	p0 =	sgt.u32 s0, $0x9;
	s17 =	smul.u32 $0x1388, s9  }
0x7: {  	s1 =	sshll.u32 s9, $0x4;
	s29 =	ssub.s32 $0x2, s9;
	s30 =	smul.u32 $0x9C40, s9  }
0x8: {  	s8 =	sor.u32 s0, s1;
	s1 =	rddreg [dreg:$0x3];
	s11 =	sshrl.u32 s7, $0x3  }
0x9: {  	_ =	strace $0x80000047;
	s13 =	sadd.s32 s6, s5;
	s14 =	sshrl.u32 s29, $0x1  }
0xa: {  	s6 =	sadd.s32 s7, s3;
	s10 =	smul.u32 $0xA00, s8;
	s26 =	sadd.s32 s11, s5  }
0xb: {  	s28 =	sadd.s32 s7, s12;
	s8 =	sshll.u32 s8, $0x1;
	s14 =	ssub.s32 s29, s14  }
0xc: {  	s7 =	sadd.s32 $0xCC00, s13;
	s18 =	sadd.s32 $0x1388, s17;
	s31 =	sshrl.u32 s30, $0x2  }
0xd: {  	v1 =	vmov s17;
	s17 =	simm.s32 $0x50;
	s11 =	sshrl.u32 s28, $0x3;
	s15 =	sadd.s32 s8, s5  }
0xe: {  	s8 =	sadd.s32 $0x2E00, s13;
	s13 =	smax.u32 s14, $0x1;
	s22 =	sadd.s32 $0x4EA0, s31  }
0xf: {  	v0 =	vlaneseq.u32;
	s14 =	simm.s32 $0x13D00;
	v2 =	vmov s18;
	s18 =	simm.s32 $0x13E00;
	s10 =	sadd.s32 s10, s5  }
0x10: {  	v4 =	vmul.u32 $0x2, v0;
	s16 =	sadd.s32 s11, s5;
	s5 =	sadd.s32 $0x16A00, s26;
	s11 =	sadd.s32 $0x3FA00, s15;
	v5 =	vmov s22  }
0x11: {  	s15 =	simm.s32 $0x1;
	s22 =	simm.s32 $0x0;
	s9 =	sadd.s32 $0x17A00, s10  }
0x12: {  	v3 =	vimm.s32 $0x0;
	v4 =	vadd.s32 $0x1388, v4;
	s10 =	sadd.s32 $0x2BA00, s10;
	s12 =	sadd.s32 $0x17000, s16;
	s16 =	simm.s32 $0x4E80  }
.LBB2_1:
0x13: {  	s23 =	simm.s32 @!p0 $0x0;
	s24 =	simm.s32 @!p0 $0x13F00  }
0x14: {  	[tilespmem:s24], [sflag:$0x1] =	stream.linear.gather @!p0 [hbm4b:s5+s23], $0x3E8, $0x38;
	[tilespmem:$0x14578] =	vst v63  }
0x15: {  	s23 =	simm.s32 @!p0 $0x1  }
0x16: {  	_ =	swait.ge @!p0 [sflag:s23], $0x3E8  }
0x17: {  	[sflag:s23] =	ssyncset.done @!p0 $0x0  }
0x18: {  	[sflag:s23] =	ssyncadd.s32 @!p0 $0xFFFFFC18  }
0x19: {  	[spmem:s6] =	stream.linear.scatter @!p0 [tilespmem:s24], [sflag:$0x1], $0x3E8, $0x38;
	[tilespmem:$0x14578] =	vst v63  }
0x1a: {  	_ =	swait.ge @!p0 [sflag:s23], $0x3E8  }
0x1b: {  	[sflag:s23] =	ssyncset.done @!p0 $0x0  }
0x1c: {  	[sflag:s23] =	ssyncadd.s32 @!p0 $0xFFFFFC18  }
0x1d: {  	[tilespmem:s14], [sflag:$0x1] =	stream.linear.gather [hbm4b:s2+s4], $0x80, $0x38;
	[tilespmem:$0x14578] =	vst v63  }
0x1e: {  	_ =	swait.ge [sflag:s15], $0x80  }
0x1f: {  	[sflag:s15] =	ssyncset.done $0x0  }
0x20: {  	[sflag:s15] =	ssyncadd.s32 $0xFFFFFF80  }
0x21: {  	[tilespmem:s4], [sflag:$0x1] =	stream.linear.gather [hbm4b:s7+s4], $0x4E20, $0x38;
	[tilespmem:$0x14578] =	vst v63  }
0x22: {  	_ =	swait.ge [sflag:s15], $0x4E20  }
0x23: {  	[sflag:s15] =	ssyncset.done $0x0  }
0x24: {  	[sflag:s15] =	ssyncadd.s32 $0xFFFFB1E0  }
0x25: {  	[tilespmem:s16], [sflag:$0x1] =	stream.linear.gather [hbm4b:s8+s4], $0x4E20, $0x38;
	[tilespmem:$0x14578] =	vst v63  }
0x26: {  	_ =	swait.ge [sflag:s15], $0x4E20  }
0x27: {  	[sflag:s15] =	ssyncset.done $0x0  }
0x28: {  	[sflag:s15] =	ssyncadd.s32 $0xFFFFB1E0  }
0x29: {  	s31 =	simm.s32 $0x0;
	[bflag:$0x0] =	sbarrier.arrive $0xFFFF  }
0x2a: {  	v6 =	vld.idx.msk [tilespmem:v5+s31+$0xFFFFFFE0 ss:$0x1], $0xffff;
	_ =	sdelay $0x4  }
0x2b: {  	[tilespmem:$0x13E00] =	vst v6  }
0x2c: {  	v6 =	vld.idx.msk [tilespmem:v5+s31+$0xFFFFFFF0 ss:$0x1], $0xffff;
	_ =	sdelay $0x4  }
0x2d: {  	[tilespmem:$0x13E10] =	vst v6  }
0x2e: {  	v6 =	vld.idx.msk [tilespmem:v5+s31+$0x0 ss:$0x1], $0xffff;
	_ =	sdelay $0x4  }
0x2f: {  	[tilespmem:$0x13E20] =	vst v6  }
0x30: {  	v6 =	vld.idx.msk [tilespmem:v5+s31+$0x10 ss:$0x1], $0xffff;
	_ =	sdelay $0x4  }
0x31: {  	[tilespmem:$0x13E30] =	vst v6  }
0x32: {  	v6 =	vld.idx.msk [tilespmem:v5+s31+$0x20 ss:$0x1], $0xffff;
	_ =	sdelay $0x4  }
0x33: {  	[tilespmem:$0x13E40] =	vst v6  }
0x34: {  	[spmem:s3] =	stream.indirect.scatter.add.f32 [tilespmem:s14], [sflag:$0x1], $0x1, s18, s17, $0xb8;
	[tilespmem:$0x14578] =	vst v63  }
0x35: {  	_ =	swait.ge [sflag:s15], $0x50  }
0x36: {  	s24 =	simm.s32 $0x280;
	s23 =	simm.s32 $0x140;
	[sflag:s15] =	ssyncset.done $0x0  }
.LBB2_2:
0x37: {  	s25 =	sshra.s32 s23, $0x2  }
0x38: {  	[sflag:s15] =	ssyncadd.s32 $0xFFFFFFB0;
	s23 =	smov.u32 s24;
	s26 =	sadd.s32 $0x140, s24  }
0x39: {  	p1 =	sne.s32 s24, $0x9B00;
	v6 =	vld.idx.msk [tilespmem:v5+s25+$0xFFFFFFE0 ss:$0x1], $0xffff;
	_ =	sdelay $0x5  }
0x3a: {  	[tilespmem:$0x13E00] =	vst v6  }
0x3b: {  	v6 =	vld.idx.msk [tilespmem:v5+s25+$0xFFFFFFF0 ss:$0x1], $0xffff;
	_ =	sdelay $0x5  }
0x3c: {  	[tilespmem:$0x13E10] =	vst v6  }
0x3d: {  	v6 =	vld.idx.msk [tilespmem:v5+s25+$0x0 ss:$0x1], $0xffff;
	_ =	sdelay $0x5  }
0x3e: {  	[tilespmem:$0x13E20] =	vst v6  }
0x3f: {  	v6 =	vld.idx.msk [tilespmem:v5+s25+$0x10 ss:$0x1], $0xffff;
	_ =	sdelay $0x5  }
0x40: {  	[tilespmem:$0x13E30] =	vst v6  }
0x41: {  	v6 =	vld.idx.msk [tilespmem:v5+s25+$0x20 ss:$0x1], $0xffff;
	_ =	sdelay $0x4  }
.Ltmp0:
0x42: {  	(pc) =	sbr.rel @p1 .LBB2_2-.Ltmp0, $4  }
0x43: {  	[tilespmem:$0x13E40] =	vst v6  }
0x44: {  	[spmem:s3] =	stream.indirect.scatter.add.f32 [tilespmem:s14], [sflag:$0x1], $0x1, s18, s17, $0xb8;
	[tilespmem:$0x14578] =	vst v63  }
0x45: {  	_ =	swait.ge [sflag:s15], $0x50  }
0x46: {  	s24 =	smov.u32 s26;
	[sflag:s15] =	ssyncset.done $0x0  }
0x47: {  	_ =	sdelay $0x2  }
0x48: {  	s23 =	sshra.s32 s23, $0x2;
	[sflag:s15] =	ssyncadd.s32 $0xFFFFFFB0  }
0x49: {  	v6 =	vld.idx.msk [tilespmem:v5+s23+$0xFFFFFFE0 ss:$0x1], $0xffff;
	_ =	sdelay $0x4  }
0x4a: {  	[tilespmem:$0x13E00] =	vst v6  }
0x4b: {  	v6 =	vld.idx.msk [tilespmem:v5+s23+$0xFFFFFFF0 ss:$0x1], $0xffff;
	_ =	sdelay $0x4  }
0x4c: {  	[tilespmem:$0x13E10] =	vst v6  }
0x4d: {  	v6 =	vld.idx.msk [tilespmem:v5+s23+$0x0 ss:$0x1], $0xffff;
	_ =	sdelay $0x4  }
0x4e: {  	[tilespmem:$0x13E20] =	vst v6  }
0x4f: {  	v6 =	vld.idx.msk [tilespmem:v5+s23+$0x10 ss:$0x1], $0xffff;
	_ =	sdelay $0x4  }
0x50: {  	[tilespmem:$0x13E30] =	vst v6  }
0x51: {  	v6 =	vld.idx.msk [tilespmem:v5+s23+$0x20 ss:$0x1], $0xffff;
	_ =	sdelay $0x4  }
0x52: {  	[tilespmem:$0x13E40] =	vst v6  }
0x53: {  	[spmem:s3] =	stream.indirect.scatter.add.f32 [tilespmem:s14], [sflag:$0x1], $0x1, s18, s17, $0xb8;
	[tilespmem:$0x14578] =	vst v63  }
0x54: {  	_ =	swait.ge [sflag:s15], $0x50  }
0x55: {  	[sflag:s15] =	ssyncset.done $0x0  }
0x56: {  	s24 =	simm.s32 $0x0;
	[sflag:s15] =	ssyncadd.s32 $0xFFFFFFB0  }
0x57: {  	v6 =	vld [tilespmem:s24+$0x4E80];
	_ =	sdelay $0x4  }
0x58: {  	vm0 =	vge.s32 v6, v1;
	vm1 =	vlt.s32 v6, v2  }
0x59: {  	vm0 =	vmand vm0, vm1  }
0x5a: {  	v7 =	vsel vm0, $0x1, v3  }
0x5b: {  	(xrf0) =	vadd.scan.msk.s32 $0xffff, v7;
	_ =	sdelay $0x1  }
0x5c: {  	s23 =	simm.s32 $0x0  }
0x5d: {  	v7 =	vmov s23  }
0x5e: {  	v7 =	vadd.s32 $0xFFFFFFFF, v7  }
0x5f: {  	v7 =	vbroadcast v7, $0x0  }
0x60: {  	v8, _, _ =	vpop (xrf0)  }
0x61: {  	v7 =	vadd.s32 v8, v7;
	(v2sf) =	vpush v8, $0xF;
	_ =	sdelay $0x3  }
0x62: {  	v6 =	vsub.s32 v6, v1  }
0x63: {  	[tilespmem:v7+s19+$0x0] =	vst.idx.msk vm0, v6  }
0x64: {  	v6 =	vld [tilespmem:s24+$0x0];
	_ =	sdelay $0x4  }
0x65: {  	s25 =	simm.s32 $0x80;
	s24 =	simm.s32 $0x10;
	[tilespmem:v7+s20+$0x0] =	vst.idx.msk vm0, v6  }
.LBB2_4:
0x66: {  	p1 =	sne.s32 s25, $0x13840;
	v6 =	vld [tilespmem:s24+$0x4E80];
	_ =	sdelay $0x2  }
0x67: {  	s26 =	spop (v2sf)  }
0x68: {  	s23 =	sadd.s32 s23, s26  }
0x69: {  	vm0 =	vge.s32 v6, v1;
	vm1 =	vlt.s32 v6, v2;
	v7 =	vmov s23  }
0x6a: {  	v6 =	vsub.s32 v6, v1;
	vm0 =	vmand vm0, vm1;
	v7 =	vadd.s32 $0xFFFFFFFF, v7  }
0x6b: {  	v8 =	vsel vm0, $0x1, v3;
	v7 =	vbroadcast v7, $0x0  }
0x6c: {  	(xrf0) =	vadd.scan.msk.s32 $0xffff, v8;
	_ =	sdelay $0x5  }
0x6d: {  	v8, _, _ =	vpop (xrf0)  }
0x6e: {  	v7 =	vadd.s32 v8, v7;
	(v2sf) =	vpush v8, $0xF;
	_ =	sdelay $0x4  }
0x6f: {  	[tilespmem:v7+s19+$0x0] =	vst.idx.msk vm0, v6  }
0x70: {  	v6 =	vld [tilespmem:s24+$0x0]  }
.Ltmp1:
0x71: {  	(pc) =	sbr.rel @p1 .LBB2_4-.Ltmp1, $2  }
0x72: {  	_ =	sdelay $0x2  }
0x73: {  	s24 =	sshra.s32 s25, $0x2;
	s25 =	sadd.s32 $0x40, s25;
	[tilespmem:v7+s20+$0x0] =	vst.idx.msk vm0, v6  }
0x74: {  	v6 =	vld [tilespmem:s24+$0x4E80];
	_ =	sdelay $0x4  }
0x75: {  	vm0 =	vge.s32 v6, v1;
	vm1 =	vlt.s32 v6, v2  }
0x76: {  	vm0 =	vmand vm0, vm1  }
0x77: {  	v7 =	vsel vm0, $0x1, v3  }
0x78: {  	(xrf0) =	vadd.scan.msk.s32 $0xffff, v7;
	_ =	sdelay $0x5  }
0x79: {  	v7, _, _ =	vpop (xrf0)  }
0x7a: {  	(v2sf) =	vpush v7, $0xF;
	_ =	sdelay $0x3  }
0x7b: {  	s25 =	spop (v2sf)  }
0x7c: {  	s23 =	sadd.s32 s23, s25  }
0x7d: {  	v8 =	vmov s23  }
0x7e: {  	v8 =	vadd.s32 $0xFFFFFFFF, v8  }
0x7f: {  	v8 =	vbroadcast v8, $0x0;
	_ =	sdelay $0x1  }
0x80: {  	v7 =	vadd.s32 v7, v8;
	_ =	sdelay $0x3  }
0x81: {  	v6 =	vsub.s32 v6, v1  }
0x82: {  	[tilespmem:v7+s19+$0x0] =	vst.idx.msk vm0, v6;
	s30 =	spop (v2sf)  }
0x83: {  	v6 =	vld [tilespmem:s24+$0x0];
	s23 =	sadd.s32 s23, s30  }
0x84: {  	v55 =	vadd.s32 s23, v0  }
0x85: {  	s31 =	sadd.s32 $0x10, s23  }
0x86: {  	v9 =	vadd.s32 s31, v0  }
0x87: {  	s25 =	sadd.s32 $0x20, s23  }
0x88: {  	[tilespmem:v7+s20+$0x0] =	vst.idx.msk vm0, v6;
	v6 =	vadd.s32 s25, v0  }
0x89: {  	s26 =	sadd.s32 $0x30, s23;
	[tilespmem:v55+s19+$0x0] =	vst.idx.msk $0xffff, v4  }
0x8a: {  	v7 =	vadd.s32 s26, v0;
	[tilespmem:v55+s20+$0x0] =	vst.idx.msk $0xffff, v3  }
0x8b: {  	s28 =	sadd.s32 $0x40, s23;
	[tilespmem:v9+s19+$0x0] =	vst.idx.msk $0xffff, v4  }
0x8c: {  	v56 =	vadd.s32 s28, v0;
	[tilespmem:v9+s20+$0x0] =	vst.idx.msk $0xffff, v3  }
0x8d: {  	s29 =	sadd.s32 $0x50, s23;
	[tilespmem:v6+s19+$0x0] =	vst.idx.msk $0xffff, v4  }
0x8e: {  	[tilespmem:v6+s20+$0x0] =	vst.idx.msk $0xffff, v3;
	v6 =	vadd.s32 s29, v0  }
0x8f: {  	s30 =	sadd.s32 $0x60, s23;
	[tilespmem:v7+s19+$0x0] =	vst.idx.msk $0xffff, v4  }
0x90: {  	[tilespmem:v7+s20+$0x0] =	vst.idx.msk $0xffff, v3;
	v7 =	vadd.s32 s30, v0  }
0x91: {  	s31 =	sadd.s32 $0x70, s23;
	[tilespmem:v56+s19+$0x0] =	vst.idx.msk $0xffff, v4  }
0x92: {  	v57 =	vadd.s32 s31, v0;
	[tilespmem:v56+s20+$0x0] =	vst.idx.msk $0xffff, v3  }
0x93: {  	s25 =	sadd.s32 $0x80, s23;
	[tilespmem:v6+s19+$0x0] =	vst.idx.msk $0xffff, v4  }
0x94: {  	[tilespmem:v6+s20+$0x0] =	vst.idx.msk $0xffff, v3;
	v6 =	vadd.s32 s25, v0  }
0x95: {  	s26 =	sadd.s32 $0x90, s23;
	[tilespmem:v7+s19+$0x0] =	vst.idx.msk $0xffff, v4  }
0x96: {  	[tilespmem:v7+s20+$0x0] =	vst.idx.msk $0xffff, v3;
	v7 =	vadd.s32 s26, v0  }
0x97: {  	s28 =	sadd.s32 $0xA0, s23;
	[tilespmem:v57+s19+$0x0] =	vst.idx.msk $0xffff, v4  }
0x98: {  	v58 =	vadd.s32 s28, v0;
	[tilespmem:v57+s20+$0x0] =	vst.idx.msk $0xffff, v3  }
0x99: {  	s29 =	sadd.s32 $0xB0, s23;
	[tilespmem:v6+s19+$0x0] =	vst.idx.msk $0xffff, v4  }
0x9a: {  	[tilespmem:v6+s20+$0x0] =	vst.idx.msk $0xffff, v3;
	v6 =	vadd.s32 s29, v0  }
0x9b: {  	s30 =	sadd.s32 $0xC0, s23;
	[tilespmem:v7+s19+$0x0] =	vst.idx.msk $0xffff, v4  }
0x9c: {  	[tilespmem:v7+s20+$0x0] =	vst.idx.msk $0xffff, v3;
	v7 =	vadd.s32 s30, v0  }
0x9d: {  	s31 =	sadd.s32 $0xD0, s23;
	[tilespmem:v58+s19+$0x0] =	vst.idx.msk $0xffff, v4  }
0x9e: {  	v59 =	vadd.s32 s31, v0;
	[tilespmem:v58+s20+$0x0] =	vst.idx.msk $0xffff, v3  }
0x9f: {  	s25 =	sadd.s32 $0xE0, s23;
	[tilespmem:v6+s19+$0x0] =	vst.idx.msk $0xffff, v4  }
0xa0: {  	[tilespmem:v6+s20+$0x0] =	vst.idx.msk $0xffff, v3;
	v6 =	vadd.s32 s25, v0  }
0xa1: {  	s26 =	sadd.s32 $0xF0, s23;
	[tilespmem:v7+s19+$0x0] =	vst.idx.msk $0xffff, v4  }
0xa2: {  	[tilespmem:v7+s20+$0x0] =	vst.idx.msk $0xffff, v3;
	v7 =	vadd.s32 s26, v0  }
0xa3: {  	s28 =	sadd.s32 $0x100, s23;
	[tilespmem:v59+s19+$0x0] =	vst.idx.msk $0xffff, v4  }
0xa4: {  	v60 =	vadd.s32 s28, v0;
	[tilespmem:v59+s20+$0x0] =	vst.idx.msk $0xffff, v3  }
0xa5: {  	s29 =	sadd.s32 $0x110, s23;
	[tilespmem:v6+s19+$0x0] =	vst.idx.msk $0xffff, v4  }
0xa6: {  	[tilespmem:v6+s20+$0x0] =	vst.idx.msk $0xffff, v3;
	v6 =	vadd.s32 s29, v0  }
0xa7: {  	s30 =	sadd.s32 $0x120, s23;
	[tilespmem:v7+s19+$0x0] =	vst.idx.msk $0xffff, v4  }
0xa8: {  	[tilespmem:v7+s20+$0x0] =	vst.idx.msk $0xffff, v3;
	v7 =	vadd.s32 s30, v0  }
0xa9: {  	s31 =	sadd.s32 $0x130, s23;
	[tilespmem:v60+s19+$0x0] =	vst.idx.msk $0xffff, v4  }
0xaa: {  	v61 =	vadd.s32 s31, v0;
	[tilespmem:v60+s20+$0x0] =	vst.idx.msk $0xffff, v3  }
0xab: {  	s25 =	sadd.s32 $0x140, s23;
	[tilespmem:v6+s19+$0x0] =	vst.idx.msk $0xffff, v4  }
0xac: {  	[tilespmem:v6+s20+$0x0] =	vst.idx.msk $0xffff, v3;
	v6 =	vadd.s32 s25, v0  }
0xad: {  	s26 =	sadd.s32 $0x150, s23;
	[tilespmem:v7+s19+$0x0] =	vst.idx.msk $0xffff, v4  }
0xae: {  	[tilespmem:v7+s20+$0x0] =	vst.idx.msk $0xffff, v3;
	v7 =	vadd.s32 s26, v0  }
0xaf: {  	s28 =	sadd.s32 $0x160, s23;
	[tilespmem:v61+s19+$0x0] =	vst.idx.msk $0xffff, v4  }
0xb0: {  	v62 =	vadd.s32 s28, v0;
	[tilespmem:v61+s20+$0x0] =	vst.idx.msk $0xffff, v3  }
0xb1: {  	s29 =	sadd.s32 $0x170, s23;
	[tilespmem:v6+s19+$0x0] =	vst.idx.msk $0xffff, v4  }
0xb2: {  	[tilespmem:v6+s20+$0x0] =	vst.idx.msk $0xffff, v3;
	v6 =	vadd.s32 s29, v0  }
0xb3: {  	s30 =	sadd.s32 $0x180, s23;
	[tilespmem:v7+s19+$0x0] =	vst.idx.msk $0xffff, v4  }
0xb4: {  	[tilespmem:v7+s20+$0x0] =	vst.idx.msk $0xffff, v3;
	v7 =	vadd.s32 s30, v0  }
0xb5: {  	s31 =	sadd.s32 $0x190, s23;
	[tilespmem:v62+s19+$0x0] =	vst.idx.msk $0xffff, v4  }
0xb6: {  	v63 =	vadd.s32 s31, v0;
	[tilespmem:v62+s20+$0x0] =	vst.idx.msk $0xffff, v3  }
0xb7: {  	[tilespmem:v6+s19+$0x0] =	vst.idx.msk $0xffff, v4  }
0xb8: {  	[tilespmem:v6+s20+$0x0] =	vst.idx.msk $0xffff, v3  }
0xb9: {  	[tilespmem:v7+s19+$0x0] =	vst.idx.msk $0xffff, v4  }
0xba: {  	[tilespmem:v7+s20+$0x0] =	vst.idx.msk $0xffff, v3  }
0xbb: {  	[tilespmem:v63+s19+$0x0] =	vst.idx.msk $0xffff, v4  }
0xbc: {  	[tilespmem:v63+s20+$0x0] =	vst.idx.msk $0xffff, v3  }
0xbd: {  	[hbm4b:s9+s4] =	stream.linear.scatter [tilespmem:s20], [sflag:$0x1], $0x5000, $0x38;
	[tilespmem:$0x14578] =	vst v63  }
0xbe: {  	_ =	swait.ge [sflag:s15], $0x5000  }
0xbf: {  	[sflag:s15] =	ssyncset.done $0x0  }
0xc0: {  	[sflag:s15] =	ssyncadd.s32 $0xFFFFB000  }
0xc1: {  	[hbm4b:s10+s4] =	stream.linear.scatter [tilespmem:s19], [sflag:$0x1], $0x5000, $0x38;
	[tilespmem:$0x14578] =	vst v63  }
0xc2: {  	_ =	swait.ge [sflag:s15], $0x5000  }
0xc3: {  	[sflag:s15] =	ssyncset.done $0x0  }
0xc4: {  	v6 =	vmov s23;
	[sflag:s15] =	ssyncadd.s32 $0xFFFFB000  }
0xc5: {  	[tilespmem:$0x13D80] =	vst v6  }
0xc6: {  	[hbm4b:s11+s4] =	stream.linear.scatter [tilespmem:s21], [sflag:$0x1], $0x10, $0x38;
	[tilespmem:$0x14578] =	vst v63  }
0xc7: {  	_ =	swait.ge [sflag:s15], $0x10  }
0xc8: {  	[sflag:s15] =	ssyncset.done $0x0  }
0xc9: {  	[sflag:s15] =	ssyncadd.s32 $0xFFFFFFF0  }
0xca: {  	s24 =	simm.s32 @!p0 $0x1;
	s23 =	simm.s32 @!p0 $0x13F00;
	[bflag:$0x0] =	sbarrier.arrive $0xFFFF  }
0xcb: {  	[tilespmem:s23], [sflag:$0x1] =	stream.linear.gather @!p0 [spmem:s6], $0x3E8, $0x38;
	[tilespmem:$0x14578] =	vst v63  }
0xcc: {  	s22 =	sadd.s32 $0x1, s22;
	_ =	swait.ge @!p0 [sflag:s24], $0x3E8  }
0xcd: {  	p1 =	sne.s32 s22, s13;
	[sflag:s24] =	ssyncset.done @!p0 $0x0  }
.Ltmp2:
0xce: {  	s25 =	simm.s32 @!p0 $0x0;
	[sflag:s24] =	ssyncadd.s32 @!p0 $0xFFFFFC18;
	(pc) =	sbr.rel @p1 .LBB2_1-.Ltmp2, $4  }
0xcf: {  	[hbm4b:s12+s25] =	stream.linear.scatter @!p0 [tilespmem:s23], [sflag:$0x1], $0x3E8, $0x38;
	[tilespmem:$0x14578] =	vst v63  }
0xd0: {  	_ =	swait.ge @!p0 [sflag:s24], $0x3E8  }
0xd1: {  	[sflag:s24] =	ssyncset.done @!p0 $0x0  }
0xd2: {  	[sflag:s24] =	ssyncadd.s32 @!p0 $0xFFFFFC18  }
0xd3: {  	_ =	sfence.sel $0x180000  }
0xd4: {  	[bflag:$0x0] =	sbarrier.arrive $0xFFFF  }
0xd5: {  	p0 =	sne.s32 s0, $0x0;
	_ =	strace $0x90000047  }
0xd6: {  	s0 =	sadd.s32 @!p0 $0x100000, s1;
	[bflag:$0x2] =	sbarrier.arrive $0xFFFF  }
0xd7: {  	[sflag:s0] =	ssyncadd.tile.s32 @!p0 $0x1;
	_ =	shalt  }
.Lfunc_end2:
_tile_overlayer_lowered:
.L_overlay_start_2:
0xd8: {  	(tag) =	ssettag $0x2  }
0xd9: {  	s0 =	rddreg [dreg:$0x0];
	s2 =	stileid.u32  }
0xda: {  	s1 =	rddreg [dreg:$0x1];
	p0 =	sne.s32 s2, $0x0  }
0xdb: {  	s3 =	rddreg [dreg:$0x2];
	[bflag:$0x3] =	sbarrier.arrive $0xFFFF;
	s2 =	simm.s32 @!p0 $0x1C01  }
0xdc: {  	[timem:s3], [sflag:s2] =	dma.local @!p0 [hbm:s0], s1  }
0xdd: {  	s0 =	simm.s32 @!p0 $0x1  }
0xde: {  	_ =	swait.ge @!p0 [sflag:s0], s1  }
0xdf: {  	s1 =	ssub.s32 @!p0 $0x0, s1;
	[sflag:s0] =	ssyncset.done @!p0 $0x0  }
0xe0: {  	[sflag:s0] =	ssyncadd.s32 @!p0 s1  }
0xe1: {  	[bflag:$0x3] =	sbarrier.arrive $0xFFFF  }
0xe2: {  	_ =	shalt  }

</sc_bundles>
